<compile_context>
chip_gen: v7x
topology: tpu7x:2x2x1
jax: 0.10.2.dev20260603
libtpu: 0.0.44.dev20260713+nightly
codegen_flags: <defaults>
</compile_context>

<pallas_src>
import jax
import jax.numpy as jnp
from jax import lax
from jax.experimental import pallas as pl
from jax.experimental.pallas import tpu as pltpu
from jax.experimental.pallas import tpu_sc as plsc

N = 10000
E = 160000
F_IN = 256
HID = 256
CLS = 64

NPAD = 10112
TSLC = NPAD // 16
K = 128
EPAD = 32 * 40 * K
ROWS = EPAD // K
RB = 8
BLK = NPAD // RB


def _mesh():
  return plsc.VectorSubcoreMesh(
      core_axis_name="c", subcore_axis_name="s", num_cores=2, num_subcores=16)


def _deg_body(dst_hbm, out_hbm, idx_v, ones_v, zb_v, wout_v, hist_sh):
  c = lax.axis_index("c")
  s = lax.axis_index("s")
  wid = c * 16 + s
  ones16 = jnp.ones((16,), jnp.float32)
  zeros16 = jnp.zeros((16,), jnp.float32)
  for i in range(8):
    ones_v[pl.ds(i * 16, 16)] = ones16
    zb_v[pl.ds(i * 16, 16)] = zeros16
  for i in range(5):
    pltpu.sync_copy(zb_v, hist_sh.at[pl.ds(s * 640 + i * 128, 128)])
  plsc.subcore_barrier()

  @pl.loop(0, 40)
  def _(j):
    row = wid * 40 + j
    pltpu.sync_copy(dst_hbm.at[row], idx_v)
    pltpu.sync_copy(ones_v, hist_sh.at[idx_v], add=True)

  plsc.subcore_barrier()
  pltpu.sync_copy(hist_sh.at[pl.ds(s * TSLC, TSLC)], wout_v)
  pltpu.sync_copy(wout_v, out_hbm.at[pl.ds(c * NPAD + s * TSLC, TSLC)])


def _deg_call(dst2d):
  return pl.kernel(
      _deg_body,
      out_type=jax.ShapeDtypeStruct((2 * NPAD,), jnp.float32),
      mesh=_mesh(),
      scratch_types=[
          pltpu.VMEM((K,), jnp.int32),
          pltpu.VMEM((K,), jnp.float32),
          pltpu.VMEM((K,), jnp.float32),
          pltpu.VMEM((TSLC,), jnp.float32),
          pltpu.VMEM_SHARED((10240,), jnp.float32),
      ],
  )(dst2d)


def _agg_body(tab_hbm, eidx_hbm, out_hbm, idx_v, rows_v, acc_sh, gsems, ssems,
              *, nb, kk, rr, row0_fn, base_fn, init_fn):
  c = lax.axis_index("c")
  s = lax.axis_index("s")
  base = base_fn(c)
  row0 = row0_fn(c, s)

  def fire_gather(j, b):
    pltpu.sync_copy(eidx_hbm.at[row0 + j], idx_v.at[b])
    if base is not None:
      for i in range(kk // 16):
        idx_v[b, 0, pl.ds(i * 16, 16)] = idx_v[b, 0, pl.ds(i * 16, 16)] + base
    pltpu.async_copy(tab_hbm.at[idx_v.at[b, 0]], rows_v.at[b], gsems[b])

  def wait_gather(b):
    pltpu.make_async_copy(tab_hbm.at[idx_v.at[b, 0]], rows_v.at[b],
                          gsems[b]).wait()

  def fire_scatter(b):
    pltpu.async_copy(rows_v.at[b], acc_sh.at[idx_v.at[b, 1]], ssems[b],
                     add=True)

  def wait_scatter(b):
    pltpu.make_async_copy(rows_v.at[b], acc_sh.at[idx_v.at[b, 1]],
                          ssems[b]).wait()

  for m in range(rr - 2):
    fire_gather(m, m)
  init_fn(c, s, acc_sh)
  plsc.subcore_barrier()
  for j in (0, 1):
    fire_gather(rr - 2 + j, rr - 2 + j)
    wait_gather(j)
    fire_scatter(j)

  main_iters = ((nb - rr) // rr) * rr

  @pl.loop(2, 2 + main_iters, step=rr)
  def _(j0):
    for t in range(rr):
      b = (2 + t) % rr
      bg = t % rr
      wait_scatter(bg)
      fire_gather(j0 + t + rr - 2, bg)
      wait_gather(b)
      fire_scatter(b)

  for j in range(2 + main_iters, nb - rr + 2):
    wait_scatter((j - 2) % rr)
    fire_gather(j + rr - 2, (j - 2) % rr)
    wait_gather(j % rr)
    fire_scatter(j % rr)

  for j in range(nb - rr + 2, nb):
    wait_scatter((j - 2) % rr)
    wait_gather(j % rr)
    fire_scatter(j % rr)
  wait_scatter((nb - 2) % rr)
  wait_scatter((nb - 1) % rr)

  plsc.subcore_barrier()
  pltpu.sync_copy(acc_sh.at[pl.ds(s * TSLC, TSLC), :],
                  out_hbm.at[c, pl.ds(s * TSLC, TSLC), :])


def _agg_scratch(kk, rr, width):
  return [
      pltpu.VMEM((rr, 2, kk), jnp.int32),
      pltpu.VMEM((rr, kk, width), jnp.float32),
      pltpu.VMEM_SHARED((NPAD, width), jnp.float32),
  ] + [pltpu.SemaphoreType.DMA] * (2 * rr)


K1 = 64
NB1 = EPAD // 16 // K1


def _a1_body(yf_hbm, eidx_hbm, out_hbm, idx_v, rows_v, acc_sh,
             g0, g1, g2, g3, g4, s0, s1, s2, s3, s4):
  def init(c, s, acc_sh):
    pltpu.sync_copy(yf_hbm.at[pl.ds(c * NPAD + s * TSLC, TSLC), :],
                    acc_sh.at[pl.ds(s * TSLC, TSLC), :])

  _agg_body(yf_hbm, eidx_hbm, out_hbm, idx_v, rows_v, acc_sh,
            (g0, g1, g2, g3, g4), (s0, s1, s2, s3, s4),
            nb=NB1, kk=K1, rr=5, row0_fn=lambda c, s: s * NB1,
            base_fn=lambda c: c * NPAD, init_fn=init)


def _a1_call(yf, eidx):
  return pl.kernel(
      _a1_body,
      out_type=jax.ShapeDtypeStruct((2, NPAD, 128), jnp.float32),
      mesh=_mesh(),
      scratch_types=_agg_scratch(K1, 5, 128),
  )(yf, eidx)


def _a2_body(y2_hbm, eidx_hbm, zero_hbm, out_hbm, idx_v, rows_v, acc_sh,
             g0, g1, g2, g3, g4, g5, s0, s1, s2, s3, s4, s5):
  def init(c, s, acc_sh):
    @pl.when(c == 0)
    def _():
      pltpu.sync_copy(y2_hbm.at[pl.ds(s * TSLC, TSLC), :],
                      acc_sh.at[pl.ds(s * TSLC, TSLC), :])

    @pl.when(c == 1)
    def _():
      pltpu.sync_copy(zero_hbm.at[pl.ds(s * TSLC, TSLC), :],
                      acc_sh.at[pl.ds(s * TSLC, TSLC), :])

  _agg_body(y2_hbm, eidx_hbm, out_hbm, idx_v, rows_v, acc_sh,
            (g0, g1, g2, g3, g4, g5), (s0, s1, s2, s3, s4, s5),
            nb=40, kk=K, rr=6, row0_fn=lambda c, s: (c * 16 + s) * 40,
            base_fn=lambda c: None, init_fn=init)


def _a2_call(y2, eidx, zeros):
  return pl.kernel(
      _a2_body,
      out_type=jax.ShapeDtypeStruct((2, NPAD, CLS), jnp.float32),
      mesh=_mesh(),
      scratch_types=_agg_scratch(K, 6, CLS),
      compiler_params=pltpu.CompilerParams(use_tc_tiling_on_sc=False),
  )(y2, eidx, zeros)


def _m0_body(x_ref, w_ref, xw_ref):
  xw_ref[...] = lax.dot_general(x_ref[...], w_ref[...], (((1,), (0,)), ((), ())),
                                preferred_element_type=jnp.float32)


def _m0_call(x, W1):
  return pl.pallas_call(
      _m0_body,
      grid=(RB,),
      in_specs=[
          pl.BlockSpec((BLK, F_IN), lambda i: (i, 0)),
          pl.BlockSpec((F_IN, HID), lambda i: (0, 0)),
      ],
      out_specs=pl.BlockSpec((BLK, HID), lambda i: (i, 0)),
      out_shape=jax.ShapeDtypeStruct((NPAD, HID), jnp.float32),
  )(x, W1)


def _m1_body(xw_ref, degT_ref, y_ref, dis_ref):
  deg = degT_ref[:, 0:1] + degT_ref[:, 1:2] + 1.0
  dis = lax.rsqrt(deg)
  y = xw_ref[...] * dis
  y_ref[0] = y[:, :128]
  y_ref[1] = y[:, 128:]
  dis_ref[...] = dis


def _m1_call(xw, degT):
  return pl.pallas_call(
      _m1_body,
      grid=(RB,),
      in_specs=[
          pl.BlockSpec((BLK, HID), lambda i: (i, 0)),
          pl.BlockSpec((BLK, 2), lambda i: (i, 0)),
      ],
      out_specs=[
          pl.BlockSpec((2, BLK, 128), lambda i: (0, i, 0)),
          pl.BlockSpec((BLK, 1), lambda i: (i, 0)),
      ],
      out_shape=[
          jax.ShapeDtypeStruct((2, NPAD, 128), jnp.float32),
          jax.ShapeDtypeStruct((NPAD, 1), jnp.float32),
      ],
  )(xw, degT)


def _m2_body(z_ref, dis_ref, b1_ref, w2_ref, y2_ref):
  cat = jnp.concatenate([z_ref[0], z_ref[1]], axis=1)
  dis = dis_ref[...]
  h = jnp.maximum(cat * dis + b1_ref[...], 0.0)
  y2 = lax.dot_general(h, w2_ref[...], (((1,), (0,)), ((), ())),
                       preferred_element_type=jnp.float32)
  y2_ref[...] = y2 * dis


def _m2_call(z1, dis, b1r, W2):
  return pl.pallas_call(
      _m2_body,
      grid=(RB,),
      in_specs=[
          pl.BlockSpec((2, BLK, 128), lambda i: (0, i, 0)),
          pl.BlockSpec((BLK, 1), lambda i: (i, 0)),
          pl.BlockSpec((1, HID), lambda i: (0, 0)),
          pl.BlockSpec((HID, CLS), lambda i: (0, 0)),
      ],
      out_specs=pl.BlockSpec((BLK, CLS), lambda i: (i, 0)),
      out_shape=jax.ShapeDtypeStruct((NPAD, CLS), jnp.float32),
  )(z1, dis, b1r, W2)


def _m3_body(p_ref, dis_ref, b2_ref, o_ref):
  z = p_ref[0] + p_ref[1]
  o = z * dis_ref[...] + b2_ref[...]
  m = jnp.max(o, axis=1, keepdims=True)
  e = jnp.exp(o - m)
  lse = jnp.log(jnp.sum(e, axis=1, keepdims=True)) + m
  o_ref[...] = o - lse


def _m3_call(parts, dis, b2r):
  return pl.pallas_call(
      _m3_body,
      grid=(RB,),
      in_specs=[
          pl.BlockSpec((2, BLK, CLS), lambda i: (0, i, 0)),
          pl.BlockSpec((BLK, 1), lambda i: (i, 0)),
          pl.BlockSpec((1, CLS), lambda i: (0, 0)),
      ],
      out_specs=pl.BlockSpec((BLK, CLS), lambda i: (i, 0)),
      out_shape=jax.ShapeDtypeStruct((N, CLS), jnp.float32),
  )(parts, dis, b2r)


def kernel(x, edge_index, W1, b1, W2, b2):
  src = edge_index[0]
  dst = edge_index[1]
  padi = (jnp.arange(EPAD - E, dtype=jnp.int32) % (NPAD - N)) + N
  src2d = jnp.concatenate([src, padi]).reshape(ROWS, K)
  dst2d = jnp.concatenate([dst, padi]).reshape(ROWS, K)
  eidx = jnp.stack([src2d, dst2d], axis=1)
  src2d1 = jnp.concatenate([src, padi]).reshape(EPAD // K1, K1)
  dst2d1 = jnp.concatenate([dst, padi]).reshape(EPAD // K1, K1)
  eidx1 = jnp.stack([src2d1, dst2d1], axis=1)

  degs = _deg_call(dst2d).reshape(2, NPAD)
  xw = _m0_call(x, W1)
  degT = degs.T
  y1, dis = _m1_call(xw, degT)
  z1 = _a1_call(y1.reshape(2 * NPAD, 128), eidx1)
  y2 = _m2_call(z1, dis, b1.reshape(1, HID), W2)
  zeros = jnp.zeros((NPAD, CLS), jnp.float32)
  parts = _a2_call(y2, eidx, zeros)
  return _m3_call(parts, dis, b2.reshape(1, CLS))

# --- scband reference (transcript-rebuilt; emitter-appended) ---
"""Pipeline reference for scband-nc-1-49624052138627 (READ-ONLY COPY).

The authoritative reference and input builder live on the scoring server;
editing this copy changes nothing except your own understanding.
"""

import jax, jax.numpy as jnp
import numpy as np

N = 10000
E = 160000
F_IN = 256
HID = 256
CLS = 64


def setup_inputs(seed: int = 0) -> dict:
    key = jax.random.key(seed)
    k1, k2, k3, k4, k5, k6 = jax.random.split(key, 6)
    x = jax.random.normal(k1, (N, F_IN), dtype=jnp.float32)
    edge_index = jax.random.randint(k2, (2, E), 0, N, dtype=jnp.int32)
    # GCNConv learned parameters (glorot-ish init) + bias
    W1 = jax.random.normal(k3, (F_IN, HID), dtype=jnp.float32) * (1.0 / np.sqrt(F_IN))
    b1 = jnp.zeros((HID,), dtype=jnp.float32)
    W2 = jax.random.normal(k4, (HID, CLS), dtype=jnp.float32) * (1.0 / np.sqrt(HID))
    b2 = jnp.zeros((CLS,), dtype=jnp.float32)
    return {"x": x, "edge_index": edge_index, "W1": W1, "b1": b1, "W2": W2, "b2": b2}


def _gcn_conv(x, edge_index, W, b):
    # PyG GCNConv: add self-loops, symmetric normalization D^{-1/2}(A+I)D^{-1/2} X W + b
    src = edge_index[0]
    dst = edge_index[1]
    loop = jnp.arange(N, dtype=src.dtype)
    src = jnp.concatenate([src, loop])
    dst = jnp.concatenate([dst, loop])
    xw = x @ W
    ones = jnp.ones_like(dst, dtype=x.dtype)
    deg = jnp.zeros((N,), dtype=x.dtype).at[dst].add(ones)
    deg_inv_sqrt = jnp.where(deg > 0, jax.lax.rsqrt(jnp.maximum(deg, 1e-12)), 0.0)
    norm = deg_inv_sqrt[src] * deg_inv_sqrt[dst]
    msg = xw[src] * norm[:, None]
    out = jnp.zeros((N, W.shape[1]), dtype=x.dtype).at[dst].add(msg)
    return out + b


def reference(x, edge_index, W1, b1, W2, b2):
    h = _gcn_conv(x, edge_index, W1, b1)
    h = jax.nn.relu(h)
    # F.dropout(training=self.training): identity in eval mode (deterministic reference)
    h = _gcn_conv(h, edge_index, W2, b2)
    return jax.nn.log_softmax(h, axis=1)

if __name__ == "__main__":
    import jax
    _d = setup_inputs()
    print(jax.jit(kernel)(*tuple(_d.values())))

</pallas_src>

<mosaic_0001>
#map = affine_map<(d0, d1) -> (0, 0)>
#map1 = affine_map<(d0, d1) -> (0)>
module attributes {stable_mosaic.version = 14 : i64} {
  func.func @_deg_body(%arg0: i32, %arg1: i32, %arg2: memref<1280x128xi32, #tpu.memory_space<hbm>>, %arg3: memref<20224xf32, #tpu.memory_space<hbm>>, %arg4: memref<128xi32, #tpu.memory_space<vmem>>, %arg5: memref<128xf32, #tpu.memory_space<vmem>>, %arg6: memref<128xf32, #tpu.memory_space<vmem>>, %arg7: memref<632xf32, #tpu.memory_space<vmem>>, %arg8: memref<10240xf32, #tpu.memory_space<vmem_shared>>) attributes {dimension_semantics = [#tpu.dimension_semantics<core_parallel>, #tpu.dimension_semantics<subcore_parallel>], iteration_bounds = array<i64: 2, 16>, scalar_prefetch = 0 : i64, scratch_operands = 5 : i64, tpu.core_type = #tpu.core_type<sc_vector_subcore>, window_params = [{transform_indices = #map}, {transform_indices = #map1}]} {
    %mul3A = arith.constant 16 : i32
    %mul3A_0 = arith.muli %arg0, %mul3A : i32
    %add3A = arith.addi %mul3A_0, %arg1 : i32
    %broadcast_in_dim3A = arith.constant 1.000000e+00 : f32
    %broadcast_in_dim3A_1 = vector.broadcast %broadcast_in_dim3A : f32 to vector<16xf32>
    %broadcast_in_dim3A_2 = arith.constant 0.000000e+00 : f32
    %broadcast_in_dim3A_3 = vector.broadcast %broadcast_in_dim3A_2 : f32 to vector<16xf32>
    %swap3A = arith.constant 0 : index
    %swap3A_4 = tpu.vector_load %arg5[%swap3A] {strides = array<i32>} : memref<128xf32, #tpu.memory_space<vmem>>, vector<16xf32>,
    %swap3A_5 = vector.shape_cast %swap3A_4 : vector<16xf32> to vector<16xf32>
    %swap3A_6 = vector.shape_cast %broadcast_in_dim3A_1 : vector<16xf32> to vector<16xf32>
    tpu.vector_store %arg5[%swap3A], %swap3A_6 {strides = array<i32>} : memref<128xf32, #tpu.memory_space<vmem>>, vector<16xf32>,
    %swap3A_7 = arith.constant 0 : index
    %swap3A_8 = tpu.vector_load %arg6[%swap3A_7] {strides = array<i32>} : memref<128xf32, #tpu.memory_space<vmem>>, vector<16xf32>,
    %swap3A_9 = vector.shape_cast %swap3A_8 : vector<16xf32> to vector<16xf32>
    %swap3A_10 = vector.shape_cast %broadcast_in_dim3A_3 : vector<16xf32> to vector<16xf32>
    tpu.vector_store %arg6[%swap3A_7], %swap3A_10 {strides = array<i32>} : memref<128xf32, #tpu.memory_space<vmem>>, vector<16xf32>,
    %swap3A_11 = arith.constant 16 : index
    %swap3A_12 = tpu.vector_load %arg5[%swap3A_11] {strides = array<i32>} : memref<128xf32, #tpu.memory_space<vmem>>, vector<16xf32>,
    %swap3A_13 = vector.shape_cast %swap3A_12 : vector<16xf32> to vector<16xf32>
    %swap3A_14 = vector.shape_cast %broadcast_in_dim3A_1 : vector<16xf32> to vector<16xf32>
    tpu.vector_store %arg5[%swap3A_11], %swap3A_14 {strides = array<i32>} : memref<128xf32, #tpu.memory_space<vmem>>, vector<16xf32>,
    %swap3A_15 = arith.constant 16 : index
    %swap3A_16 = tpu.vector_load %arg6[%swap3A_15] {strides = array<i32>} : memref<128xf32, #tpu.memory_space<vmem>>, vector<16xf32>,
    %swap3A_17 = vector.shape_cast %swap3A_16 : vector<16xf32> to vector<16xf32>
    %swap3A_18 = vector.shape_cast %broadcast_in_dim3A_3 : vector<16xf32> to vector<16xf32>
    tpu.vector_store %arg6[%swap3A_15], %swap3A_18 {strides = array<i32>} : memref<128xf32, #tpu.memory_space<vmem>>, vector<16xf32>,
    %swap3A_19 = arith.constant 32 : index
    %swap3A_20 = tpu.vector_load %arg5[%swap3A_19] {strides = array<i32>} : memref<128xf32, #tpu.memory_space<vmem>>, vector<16xf32>,
    %swap3A_21 = vector.shape_cast %swap3A_20 : vector<16xf32> to vector<16xf32>
    %swap3A_22 = vector.shape_cast %broadcast_in_dim3A_1 : vector<16xf32> to vector<16xf32>
    tpu.vector_store %arg5[%swap3A_19], %swap3A_22 {strides = array<i32>} : memref<128xf32, #tpu.memory_space<vmem>>, vector<16xf32>,
    %swap3A_23 = arith.constant 32 : index
    %swap3A_24 = tpu.vector_load %arg6[%swap3A_23] {strides = array<i32>} : memref<128xf32, #tpu.memory_space<vmem>>, vector<16xf32>,
    %swap3A_25 = vector.shape_cast %swap3A_24 : vector<16xf32> to vector<16xf32>
    %swap3A_26 = vector.shape_cast %broadcast_in_dim3A_3 : vector<16xf32> to vector<16xf32>
    tpu.vector_store %arg6[%swap3A_23], %swap3A_26 {strides = array<i32>} : memref<128xf32, #tpu.memory_space<vmem>>, vector<16xf32>,
    %swap3A_27 = arith.constant 48 : index
    %swap3A_28 = tpu.vector_load %arg5[%swap3A_27] {strides = array<i32>} : memref<128xf32, #tpu.memory_space<vmem>>, vector<16xf32>,
    %swap3A_29 = vector.shape_cast %swap3A_28 : vector<16xf32> to vector<16xf32>
    %swap3A_30 = vector.shape_cast %broadcast_in_dim3A_1 : vector<16xf32> to vector<16xf32>
    tpu.vector_store %arg5[%swap3A_27], %swap3A_30 {strides = array<i32>} : memref<128xf32, #tpu.memory_space<vmem>>, vector<16xf32>,
    %swap3A_31 = arith.constant 48 : index
    %swap3A_32 = tpu.vector_load %arg6[%swap3A_31] {strides = array<i32>} : memref<128xf32, #tpu.memory_space<vmem>>, vector<16xf32>,
    %swap3A_33 = vector.shape_cast %swap3A_32 : vector<16xf32> to vector<16xf32>
    %swap3A_34 = vector.shape_cast %broadcast_in_dim3A_3 : vector<16xf32> to vector<16xf32>
    tpu.vector_store %arg6[%swap3A_31], %swap3A_34 {strides = array<i32>} : memref<128xf32, #tpu.memory_space<vmem>>, vector<16xf32>,
    %swap3A_35 = arith.constant 64 : index
    %swap3A_36 = tpu.vector_load %arg5[%swap3A_35] {strides = array<i32>} : memref<128xf32, #tpu.memory_space<vmem>>, vector<16xf32>,
    %swap3A_37 = vector.shape_cast %swap3A_36 : vector<16xf32> to vector<16xf32>
    %swap3A_38 = vector.shape_cast %broadcast_in_dim3A_1 : vector<16xf32> to vector<16xf32>
    tpu.vector_store %arg5[%swap3A_35], %swap3A_38 {strides = array<i32>} : memref<128xf32, #tpu.memory_space<vmem>>, vector<16xf32>,
    %swap3A_39 = arith.constant 64 : index
    %swap3A_40 = tpu.vector_load %arg6[%swap3A_39] {strides = array<i32>} : memref<128xf32, #tpu.memory_space<vmem>>, vector<16xf32>,
    %swap3A_41 = vector.shape_cast %swap3A_40 : vector<16xf32> to vector<16xf32>
    %swap3A_42 = vector.shape_cast %broadcast_in_dim3A_3 : vector<16xf32> to vector<16xf32>
    tpu.vector_store %arg6[%swap3A_39], %swap3A_42 {strides = array<i32>} : memref<128xf32, #tpu.memory_space<vmem>>, vector<16xf32>,
    %swap3A_43 = arith.constant 80 : index
    %swap3A_44 = tpu.vector_load %arg5[%swap3A_43] {strides = array<i32>} : memref<128xf32, #tpu.memory_space<vmem>>, vector<16xf32>,
    %swap3A_45 = vector.shape_cast %swap3A_44 : vector<16xf32> to vector<16xf32>
    %swap3A_46 = vector.shape_cast %broadcast_in_dim3A_1 : vector<16xf32> to vector<16xf32>
    tpu.vector_store %arg5[%swap3A_43], %swap3A_46 {strides = array<i32>} : memref<128xf32, #tpu.memory_space<vmem>>, vector<16xf32>,
    %swap3A_47 = arith.constant 80 : index
    %swap3A_48 = tpu.vector_load %arg6[%swap3A_47] {strides = array<i32>} : memref<128xf32, #tpu.memory_space<vmem>>, vector<16xf32>,
    %swap3A_49 = vector.shape_cast %swap3A_48 : vector<16xf32> to vector<16xf32>
    %swap3A_50 = vector.shape_cast %broadcast_in_dim3A_3 : vector<16xf32> to vector<16xf32>
    tpu.vector_store %arg6[%swap3A_47], %swap3A_50 {strides = array<i32>} : memref<128xf32, #tpu.memory_space<vmem>>, vector<16xf32>,
    %swap3A_51 = arith.constant 96 : index
    %swap3A_52 = tpu.vector_load %arg5[%swap3A_51] {strides = array<i32>} : memref<128xf32, #tpu.memory_space<vmem>>, vector<16xf32>,
    %swap3A_53 = vector.shape_cast %swap3A_52 : vector<16xf32> to vector<16xf32>
    %swap3A_54 = vector.shape_cast %broadcast_in_dim3A_1 : vector<16xf32> to vector<16xf32>
    tpu.vector_store %arg5[%swap3A_51], %swap3A_54 {strides = array<i32>} : memref<128xf32, #tpu.memory_space<vmem>>, vector<16xf32>,
    %swap3A_55 = arith.constant 96 : index
    %swap3A_56 = tpu.vector_load %arg6[%swap3A_55] {strides = array<i32>} : memref<128xf32, #tpu.memory_space<vmem>>, vector<16xf32>,
    %swap3A_57 = vector.shape_cast %swap3A_56 : vector<16xf32> to vector<16xf32>
    %swap3A_58 = vector.shape_cast %broadcast_in_dim3A_3 : vector<16xf32> to vector<16xf32>
    tpu.vector_store %arg6[%swap3A_55], %swap3A_58 {strides = array<i32>} : memref<128xf32, #tpu.memory_space<vmem>>, vector<16xf32>,
    %swap3A_59 = arith.constant 112 : index
    %swap3A_60 = tpu.vector_load %arg5[%swap3A_59] {strides = array<i32>} : memref<128xf32, #tpu.memory_space<vmem>>, vector<16xf32>,
    %swap3A_61 = vector.shape_cast %swap3A_60 : vector<16xf32> to vector<16xf32>
    %swap3A_62 = vector.shape_cast %broadcast_in_dim3A_1 : vector<16xf32> to vector<16xf32>
    tpu.vector_store %arg5[%swap3A_59], %swap3A_62 {strides = array<i32>} : memref<128xf32, #tpu.memory_space<vmem>>, vector<16xf32>,
    %swap3A_63 = arith.constant 112 : index
    %swap3A_64 = tpu.vector_load %arg6[%swap3A_63] {strides = array<i32>} : memref<128xf32, #tpu.memory_space<vmem>>, vector<16xf32>,
    %swap3A_65 = vector.shape_cast %swap3A_64 : vector<16xf32> to vector<16xf32>
    %swap3A_66 = vector.shape_cast %broadcast_in_dim3A_3 : vector<16xf32> to vector<16xf32>
    tpu.vector_store %arg6[%swap3A_63], %swap3A_66 {strides = array<i32>} : memref<128xf32, #tpu.memory_space<vmem>>, vector<16xf32>,
    %mul3A_67 = arith.constant 640 : i32
    %mul3A_68 = arith.muli %arg1, %mul3A_67 : i32
    %add3A_69 = arith.constant 0 : i32
    %add3A_70 = arith.addi %mul3A_68, %add3A_69 : i32
    "tpu.region"() ({
      %run_scoped3A = tpu.sem_alloc : memref<!tpu.dma_semaphore, #tpu.memory_space<semaphore_mem>>
      %dma_start3A = tpu.memref_slice %arg8[%add3A_70] : memref<10240xf32, #tpu.memory_space<vmem_shared>> -> memref<128xf32, #tpu.memory_space<vmem_shared>>
      %dma_start3A_99 = tpu.memref_slice %arg8[%add3A_70] : memref<10240xf32, #tpu.memory_space<vmem_shared>> -> memref<128xf32, #tpu.memory_space<vmem_shared>>
      tpu.enqueue_dma source(%arg6 : memref<128xf32, #tpu.memory_space<vmem>>) target(%dma_start3A_99 : memref<128xf32, #tpu.memory_space<vmem_shared>>) target_semaphore(%run_scoped3A : memref<!tpu.dma_semaphore, #tpu.memory_space<semaphore_mem>>)
      %dma_wait3A = tpu.memref_slice %arg8[%add3A_70] : memref<10240xf32, #tpu.memory_space<vmem_shared>> -> memref<128xf32, #tpu.memory_space<vmem_shared>>
      %dma_wait3A_100 = tpu.memref_slice %arg8[%add3A_70] : memref<10240xf32, #tpu.memory_space<vmem_shared>> -> memref<128xf32, #tpu.memory_space<vmem_shared>>
      tpu.wait_dma2 semaphore(%run_scoped3A : memref<!tpu.dma_semaphore, #tpu.memory_space<semaphore_mem>>) src(%arg6 : memref<128xf32, #tpu.memory_space<vmem>>) dst(%dma_wait3A_100 : memref<128xf32, #tpu.memory_space<vmem_shared>>)
      tpu.yield
    }) : () -> ()
    %mul3A_71 = arith.constant 640 : i32
    %mul3A_72 = arith.muli %arg1, %mul3A_71 : i32
    %add3A_73 = arith.constant 128 : i32
    %add3A_74 = arith.addi %mul3A_72, %add3A_73 : i32
    "tpu.region"() ({
      %run_scoped3A = tpu.sem_alloc : memref<!tpu.dma_semaphore, #tpu.memory_space<semaphore_mem>>
      %dma_start3A = tpu.memref_slice %arg8[%add3A_74] : memref<10240xf32, #tpu.memory_space<vmem_shared>> -> memref<128xf32, #tpu.memory_space<vmem_shared>>
      %dma_start3A_99 = tpu.memref_slice %arg8[%add3A_74] : memref<10240xf32, #tpu.memory_space<vmem_shared>> -> memref<128xf32, #tpu.memory_space<vmem_shared>>
      tpu.enqueue_dma source(%arg6 : memref<128xf32, #tpu.memory_space<vmem>>) target(%dma_start3A_99 : memref<128xf32, #tpu.memory_space<vmem_shared>>) target_semaphore(%run_scoped3A : memref<!tpu.dma_semaphore, #tpu.memory_space<semaphore_mem>>)
      %dma_wait3A = tpu.memref_slice %arg8[%add3A_74] : memref<10240xf32, #tpu.memory_space<vmem_shared>> -> memref<128xf32, #tpu.memory_space<vmem_shared>>
      %dma_wait3A_100 = tpu.memref_slice %arg8[%add3A_74] : memref<10240xf32, #tpu.memory_space<vmem_shared>> -> memref<128xf32, #tpu.memory_space<vmem_shared>>
      tpu.wait_dma2 semaphore(%run_scoped3A : memref<!tpu.dma_semaphore, #tpu.memory_space<semaphore_mem>>) src(%arg6 : memref<128xf32, #tpu.memory_space<vmem>>) dst(%dma_wait3A_100 : memref<128xf32, #tpu.memory_space<vmem_shared>>)
      tpu.yield
    }) : () -> ()
    %mul3A_75 = arith.constant 640 : i32
    %mul3A_76 = arith.muli %arg1, %mul3A_75 : i32
    %add3A_77 = arith.constant 256 : i32
    %add3A_78 = arith.addi %mul3A_76, %add3A_77 : i32
    "tpu.region"() ({
      %run_scoped3A = tpu.sem_alloc : memref<!tpu.dma_semaphore, #tpu.memory_space<semaphore_mem>>
      %dma_start3A = tpu.memref_slice %arg8[%add3A_78] : memref<10240xf32, #tpu.memory_space<vmem_shared>> -> memref<128xf32, #tpu.memory_space<vmem_shared>>
      %dma_start3A_99 = tpu.memref_slice %arg8[%add3A_78] : memref<10240xf32, #tpu.memory_space<vmem_shared>> -> memref<128xf32, #tpu.memory_space<vmem_shared>>
      tpu.enqueue_dma source(%arg6 : memref<128xf32, #tpu.memory_space<vmem>>) target(%dma_start3A_99 : memref<128xf32, #tpu.memory_space<vmem_shared>>) target_semaphore(%run_scoped3A : memref<!tpu.dma_semaphore, #tpu.memory_space<semaphore_mem>>)
      %dma_wait3A = tpu.memref_slice %arg8[%add3A_78] : memref<10240xf32, #tpu.memory_space<vmem_shared>> -> memref<128xf32, #tpu.memory_space<vmem_shared>>
      %dma_wait3A_100 = tpu.memref_slice %arg8[%add3A_78] : memref<10240xf32, #tpu.memory_space<vmem_shared>> -> memref<128xf32, #tpu.memory_space<vmem_shared>>
      tpu.wait_dma2 semaphore(%run_scoped3A : memref<!tpu.dma_semaphore, #tpu.memory_space<semaphore_mem>>) src(%arg6 : memref<128xf32, #tpu.memory_space<vmem>>) dst(%dma_wait3A_100 : memref<128xf32, #tpu.memory_space<vmem_shared>>)
      tpu.yield
    }) : () -> ()
    %mul3A_79 = arith.constant 640 : i32
    %mul3A_80 = arith.muli %arg1, %mul3A_79 : i32
    %add3A_81 = arith.constant 384 : i32
    %add3A_82 = arith.addi %mul3A_80, %add3A_81 : i32
    "tpu.region"() ({
      %run_scoped3A = tpu.sem_alloc : memref<!tpu.dma_semaphore, #tpu.memory_space<semaphore_mem>>
      %dma_start3A = tpu.memref_slice %arg8[%add3A_82] : memref<10240xf32, #tpu.memory_space<vmem_shared>> -> memref<128xf32, #tpu.memory_space<vmem_shared>>
      %dma_start3A_99 = tpu.memref_slice %arg8[%add3A_82] : memref<10240xf32, #tpu.memory_space<vmem_shared>> -> memref<128xf32, #tpu.memory_space<vmem_shared>>
      tpu.enqueue_dma source(%arg6 : memref<128xf32, #tpu.memory_space<vmem>>) target(%dma_start3A_99 : memref<128xf32, #tpu.memory_space<vmem_shared>>) target_semaphore(%run_scoped3A : memref<!tpu.dma_semaphore, #tpu.memory_space<semaphore_mem>>)
      %dma_wait3A = tpu.memref_slice %arg8[%add3A_82] : memref<10240xf32, #tpu.memory_space<vmem_shared>> -> memref<128xf32, #tpu.memory_space<vmem_shared>>
      %dma_wait3A_100 = tpu.memref_slice %arg8[%add3A_82] : memref<10240xf32, #tpu.memory_space<vmem_shared>> -> memref<128xf32, #tpu.memory_space<vmem_shared>>
      tpu.wait_dma2 semaphore(%run_scoped3A : memref<!tpu.dma_semaphore, #tpu.memory_space<semaphore_mem>>) src(%arg6 : memref<128xf32, #tpu.memory_space<vmem>>) dst(%dma_wait3A_100 : memref<128xf32, #tpu.memory_space<vmem_shared>>)
      tpu.yield
    }) : () -> ()
    %mul3A_83 = arith.constant 640 : i32
    %mul3A_84 = arith.muli %arg1, %mul3A_83 : i32
    %add3A_85 = arith.constant 512 : i32
    %add3A_86 = arith.addi %mul3A_84, %add3A_85 : i32
    "tpu.region"() ({
      %run_scoped3A = tpu.sem_alloc : memref<!tpu.dma_semaphore, #tpu.memory_space<semaphore_mem>>
      %dma_start3A = tpu.memref_slice %arg8[%add3A_86] : memref<10240xf32, #tpu.memory_space<vmem_shared>> -> memref<128xf32, #tpu.memory_space<vmem_shared>>
      %dma_start3A_99 = tpu.memref_slice %arg8[%add3A_86] : memref<10240xf32, #tpu.memory_space<vmem_shared>> -> memref<128xf32, #tpu.memory_space<vmem_shared>>
      tpu.enqueue_dma source(%arg6 : memref<128xf32, #tpu.memory_space<vmem>>) target(%dma_start3A_99 : memref<128xf32, #tpu.memory_space<vmem_shared>>) target_semaphore(%run_scoped3A : memref<!tpu.dma_semaphore, #tpu.memory_space<semaphore_mem>>)
      %dma_wait3A = tpu.memref_slice %arg8[%add3A_86] : memref<10240xf32, #tpu.memory_space<vmem_shared>> -> memref<128xf32, #tpu.memory_space<vmem_shared>>
      %dma_wait3A_100 = tpu.memref_slice %arg8[%add3A_86] : memref<10240xf32, #tpu.memory_space<vmem_shared>> -> memref<128xf32, #tpu.memory_space<vmem_shared>>
      tpu.wait_dma2 semaphore(%run_scoped3A : memref<!tpu.dma_semaphore, #tpu.memory_space<semaphore_mem>>) src(%arg6 : memref<128xf32, #tpu.memory_space<vmem>>) dst(%dma_wait3A_100 : memref<128xf32, #tpu.memory_space<vmem_shared>>)
      tpu.yield
    }) : () -> ()
    %barrier3A = arith.constant 0 : index
    tpu.barrier barrier_id(%barrier3A)
    %scan3A = arith.constant 0 : i32
    %scan3A_87 = arith.constant 40 : i32
    %scan3A_88 = arith.addi %scan3A, %scan3A_87 : i32
    %scan3A_89 = arith.constant 1 : i32
    scf.for %scan3A_99 = %scan3A to %scan3A_88 step %scan3A_89  : i32 {
      %mul3A_100 = arith.constant 1 : i32
      %mul3A_101 = arith.muli %scan3A_99, %mul3A_100 : i32
      %add3A_102 = arith.constant 0 : i32
      %add3A_103 = arith.addi %add3A_102, %mul3A_101 : i32
      %mul3A_104 = arith.constant 40 : i32
      %mul3A_105 = arith.muli %add3A, %mul3A_104 : i32
      %add3A_106 = arith.addi %mul3A_105, %add3A_103 : i32
      "tpu.region"() ({
        %run_scoped3A = tpu.sem_alloc : memref<!tpu.dma_semaphore, #tpu.memory_space<semaphore_mem>>
        %dma_start3A = arith.constant 0 : i32
        %dma_start3A_107 = tpu.memref_slice %arg2[%add3A_106, %dma_start3A] : memref<1280x128xi32, #tpu.memory_space<hbm>> -> memref<1x128xi32, #tpu.memory_space<hbm>>
        %dma_start3A_108 = tpu.memref_squeeze %dma_start3A_107 : memref<1x128xi32, #tpu.memory_space<hbm>> -> memref<128xi32, #tpu.memory_space<hbm>>
        %dma_start3A_109 = arith.constant 0 : i32
        %dma_start3A_110 = tpu.memref_slice %arg2[%add3A_106, %dma_start3A_109] : memref<1280x128xi32, #tpu.memory_space<hbm>> -> memref<1x128xi32, #tpu.memory_space<hbm>>
        %dma_start3A_111 = tpu.memref_squeeze %dma_start3A_110 : memref<1x128xi32, #tpu.memory_space<hbm>> -> memref<128xi32, #tpu.memory_space<hbm>>
        tpu.enqueue_dma source(%dma_start3A_111 : memref<128xi32, #tpu.memory_space<hbm>>) target(%arg4 : memref<128xi32, #tpu.memory_space<vmem>>) target_semaphore(%run_scoped3A : memref<!tpu.dma_semaphore, #tpu.memory_space<semaphore_mem>>)
        %dma_wait3A = arith.constant 0 : i32
        %dma_wait3A_112 = tpu.memref_slice %arg2[%add3A_106, %dma_wait3A] : memref<1280x128xi32, #tpu.memory_space<hbm>> -> memref<1x128xi32, #tpu.memory_space<hbm>>
        %dma_wait3A_113 = tpu.memref_squeeze %dma_wait3A_112 : memref<1x128xi32, #tpu.memory_space<hbm>> -> memref<128xi32, #tpu.memory_space<hbm>>
        %dma_wait3A_114 = arith.constant 0 : i32
        %dma_wait3A_115 = tpu.memref_slice %arg2[%add3A_106, %dma_wait3A_114] : memref<1280x128xi32, #tpu.memory_space<hbm>> -> memref<1x128xi32, #tpu.memory_space<hbm>>
        %dma_wait3A_116 = tpu.memref_squeeze %dma_wait3A_115 : memref<1x128xi32, #tpu.memory_space<hbm>> -> memref<128xi32, #tpu.memory_space<hbm>>
        tpu.wait_dma2 semaphore(%run_scoped3A : memref<!tpu.dma_semaphore, #tpu.memory_space<semaphore_mem>>) src(%dma_wait3A_116 : memref<128xi32, #tpu.memory_space<hbm>>) dst(%arg4 : memref<128xi32, #tpu.memory_space<vmem>>)
        tpu.yield
      }) : () -> ()
      "tpu.region"() ({
        %run_scoped3A = tpu.sem_alloc : memref<!tpu.dma_semaphore, #tpu.memory_space<semaphore_mem>>
        %dma_start3A = arith.constant 0 : i32
        %dma_start3A_107 = tpu.memref_slice %arg8[%dma_start3A] : memref<10240xf32, #tpu.memory_space<vmem_shared>> -> memref<10240xf32, #tpu.memory_space<vmem_shared>>
        tpu.enqueue_indirect_dma source(%arg5 : memref<128xf32, #tpu.memory_space<vmem>>) target(%dma_start3A_107 : memref<10240xf32, #tpu.memory_space<vmem_shared>>) offsets(%arg4 : memref<128xi32, #tpu.memory_space<vmem>>) semaphore(%run_scoped3A : memref<!tpu.dma_semaphore, #tpu.memory_space<semaphore_mem>>) {add = true}
        %dma_wait3A = arith.constant 0 : i32
        %dma_wait3A_108 = tpu.memref_slice %arg8[%dma_wait3A] : memref<10240xf32, #tpu.memory_space<vmem_shared>> -> memref<10240xf32, #tpu.memory_space<vmem_shared>>
        tpu.wait_indirect_dma semaphore(%run_scoped3A : memref<!tpu.dma_semaphore, #tpu.memory_space<semaphore_mem>>) src(%arg5 : memref<128xf32, #tpu.memory_space<vmem>>) dst(%dma_wait3A_108 : memref<10240xf32, #tpu.memory_space<vmem_shared>>)
        tpu.yield
      }) : () -> ()
    }
    %scan3A_90 = arith.constant 40 : i32
    %barrier3A_91 = arith.constant 0 : index
    tpu.barrier barrier_id(%barrier3A_91)
    %mul3A_92 = arith.constant 632 : i32
    %mul3A_93 = arith.muli %arg1, %mul3A_92 : i32
    "tpu.region"() ({
      %run_scoped3A = tpu.sem_alloc : memref<!tpu.dma_semaphore, #tpu.memory_space<semaphore_mem>>
      %dma_start3A = tpu.memref_slice %arg8[%mul3A_93] : memref<10240xf32, #tpu.memory_space<vmem_shared>> -> memref<632xf32, #tpu.memory_space<vmem_shared>>
      %dma_start3A_99 = tpu.memref_slice %arg8[%mul3A_93] : memref<10240xf32, #tpu.memory_space<vmem_shared>> -> memref<632xf32, #tpu.memory_space<vmem_shared>>
      tpu.enqueue_dma source(%dma_start3A_99 : memref<632xf32, #tpu.memory_space<vmem_shared>>) target(%arg7 : memref<632xf32, #tpu.memory_space<vmem>>) target_semaphore(%run_scoped3A : memref<!tpu.dma_semaphore, #tpu.memory_space<semaphore_mem>>)
      %dma_wait3A = tpu.memref_slice %arg8[%mul3A_93] : memref<10240xf32, #tpu.memory_space<vmem_shared>> -> memref<632xf32, #tpu.memory_space<vmem_shared>>
      %dma_wait3A_100 = tpu.memref_slice %arg8[%mul3A_93] : memref<10240xf32, #tpu.memory_space<vmem_shared>> -> memref<632xf32, #tpu.memory_space<vmem_shared>>
      tpu.wait_dma2 semaphore(%run_scoped3A : memref<!tpu.dma_semaphore, #tpu.memory_space<semaphore_mem>>) src(%dma_wait3A_100 : memref<632xf32, #tpu.memory_space<vmem_shared>>) dst(%arg7 : memref<632xf32, #tpu.memory_space<vmem>>)
      tpu.yield
    }) : () -> ()
    %mul3A_94 = arith.constant 10112 : i32
    %mul3A_95 = arith.muli %arg0, %mul3A_94 : i32
    %mul3A_96 = arith.constant 632 : i32
    %mul3A_97 = arith.muli %arg1, %mul3A_96 : i32
    %add3A_98 = arith.addi %mul3A_95, %mul3A_97 : i32
    "tpu.region"() ({
      %run_scoped3A = tpu.sem_alloc : memref<!tpu.dma_semaphore, #tpu.memory_space<semaphore_mem>>
      %dma_start3A = tpu.memref_slice %arg3[%add3A_98] : memref<20224xf32, #tpu.memory_space<hbm>> -> memref<632xf32, #tpu.memory_space<hbm>>
      %dma_start3A_99 = tpu.memref_slice %arg3[%add3A_98] : memref<20224xf32, #tpu.memory_space<hbm>> -> memref<632xf32, #tpu.memory_space<hbm>>
      tpu.enqueue_dma source(%arg7 : memref<632xf32, #tpu.memory_space<vmem>>) target(%dma_start3A_99 : memref<632xf32, #tpu.memory_space<hbm>>) target_semaphore(%run_scoped3A : memref<!tpu.dma_semaphore, #tpu.memory_space<semaphore_mem>>)
      %dma_wait3A = tpu.memref_slice %arg3[%add3A_98] : memref<20224xf32, #tpu.memory_space<hbm>> -> memref<632xf32, #tpu.memory_space<hbm>>
      %dma_wait3A_100 = tpu.memref_slice %arg3[%add3A_98] : memref<20224xf32, #tpu.memory_space<hbm>> -> memref<632xf32, #tpu.memory_space<hbm>>
      tpu.wait_dma2 semaphore(%run_scoped3A : memref<!tpu.dma_semaphore, #tpu.memory_space<semaphore_mem>>) src(%arg7 : memref<632xf32, #tpu.memory_space<vmem>>) dst(%dma_wait3A_100 : memref<632xf32, #tpu.memory_space<hbm>>)
      tpu.yield
    }) : () -> ()
    return
  }
}

#map = affine_map<(d0, d1) -> (0, 0)>
#map1 = affine_map<(d0, d1) -> (0, 0, 0)>
module attributes {stable_mosaic.version = 14 : i64} {
  func.func @_a1_body(%arg0: i32, %arg1: i32, %arg2: memref<20224x128xf32, #tpu.memory_space<hbm>>, %arg3: memref<2560x2x64xi32, #tpu.memory_space<hbm>>, %arg4: memref<2x10112x128xf32, #tpu.memory_space<hbm>>, %arg5: memref<5x2x64xi32, #tpu.memory_space<vmem>>, %arg6: memref<5x64x128xf32, #tpu.memory_space<vmem>>, %arg7: memref<10112x128xf32, #tpu.memory_space<vmem_shared>>, %arg8: memref<!tpu.dma_semaphore, #tpu.memory_space<semaphore_mem>>, %arg9: memref<!tpu.dma_semaphore, #tpu.memory_space<semaphore_mem>>, %arg10: memref<!tpu.dma_semaphore, #tpu.memory_space<semaphore_mem>>, %arg11: memref<!tpu.dma_semaphore, #tpu.memory_space<semaphore_mem>>, %arg12: memref<!tpu.dma_semaphore, #tpu.memory_space<semaphore_mem>>, %arg13: memref<!tpu.dma_semaphore, #tpu.memory_space<semaphore_mem>>, %arg14: memref<!tpu.dma_semaphore, #tpu.memory_space<semaphore_mem>>, %arg15: memref<!tpu.dma_semaphore, #tpu.memory_space<semaphore_mem>>, %arg16: memref<!tpu.dma_semaphore, #tpu.memory_space<semaphore_mem>>, %arg17: memref<!tpu.dma_semaphore, #tpu.memory_space<semaphore_mem>>) attributes {dimension_semantics = [#tpu.dimension_semantics<core_parallel>, #tpu.dimension_semantics<subcore_parallel>], iteration_bounds = array<i64: 2, 16>, scalar_prefetch = 0 : i64, scratch_operands = 13 : i64, tpu.core_type = #tpu.core_type<sc_vector_subcore>, window_params = [{transform_indices = #map}, {transform_indices = #map1}, {transform_indices = #map1}]} {
    %mul3A = arith.constant 10112 : i32
    %mul3A_0 = arith.muli %arg0, %mul3A : i32
    %mul3A_1 = arith.constant 160 : i32
    %mul3A_2 = arith.muli %arg1, %mul3A_1 : i32
    %add3A = arith.constant 0 : i32
    %add3A_3 = arith.addi %mul3A_2, %add3A : i32
    %run_scoped3A = arith.constant 0 : i32
    "tpu.region"() ({
      %run_scoped3A_628 = tpu.sem_alloc : memref<!tpu.dma_semaphore, #tpu.memory_space<semaphore_mem>>
      %dma_start3A_629 = arith.constant 0 : i32
      %dma_start3A_630 = arith.constant 0 : i32
      %dma_start3A_631 = tpu.memref_slice %arg5[%run_scoped3A, %dma_start3A_629, %dma_start3A_630] : memref<5x2x64xi32, #tpu.memory_space<vmem>> -> memref<1x2x64xi32, #tpu.memory_space<vmem>>
      %dma_start3A_632 = tpu.memref_squeeze %dma_start3A_631 : memref<1x2x64xi32, #tpu.memory_space<vmem>> -> memref<2x64xi32, #tpu.memory_space<vmem>>
      %dma_start3A_633 = arith.constant 0 : i32
      %dma_start3A_634 = arith.constant 0 : i32
      %dma_start3A_635 = tpu.memref_slice %arg3[%add3A_3, %dma_start3A_633, %dma_start3A_634] : memref<2560x2x64xi32, #tpu.memory_space<hbm>> -> memref<1x2x64xi32, #tpu.memory_space<hbm>>
      %dma_start3A_636 = tpu.memref_squeeze %dma_start3A_635 : memref<1x2x64xi32, #tpu.memory_space<hbm>> -> memref<2x64xi32, #tpu.memory_space<hbm>>
      %dma_start3A_637 = arith.constant 0 : i32
      %dma_start3A_638 = arith.constant 0 : i32
      %dma_start3A_639 = tpu.memref_slice %arg5[%run_scoped3A, %dma_start3A_637, %dma_start3A_638] : memref<5x2x64xi32, #tpu.memory_space<vmem>> -> memref<1x2x64xi32, #tpu.memory_space<vmem>>
      %dma_start3A_640 = tpu.memref_squeeze %dma_start3A_639 : memref<1x2x64xi32, #tpu.memory_space<vmem>> -> memref<2x64xi32, #tpu.memory_space<vmem>>
      %dma_start3A_641 = arith.constant 0 : i32
      %dma_start3A_642 = arith.constant 0 : i32
      %dma_start3A_643 = tpu.memref_slice %arg3[%add3A_3, %dma_start3A_641, %dma_start3A_642] : memref<2560x2x64xi32, #tpu.memory_space<hbm>> -> memref<1x2x64xi32, #tpu.memory_space<hbm>>
      %dma_start3A_644 = tpu.memref_squeeze %dma_start3A_643 : memref<1x2x64xi32, #tpu.memory_space<hbm>> -> memref<2x64xi32, #tpu.memory_space<hbm>>
      tpu.enqueue_dma source(%dma_start3A_644 : memref<2x64xi32, #tpu.memory_space<hbm>>) target(%dma_start3A_640 : memref<2x64xi32, #tpu.memory_space<vmem>>) target_semaphore(%run_scoped3A_628 : memref<!tpu.dma_semaphore, #tpu.memory_space<semaphore_mem>>)
      %dma_wait3A_645 = arith.constant 0 : i32
      %dma_wait3A_646 = arith.constant 0 : i32
      %dma_wait3A_647 = tpu.memref_slice %arg5[%run_scoped3A, %dma_wait3A_645, %dma_wait3A_646] : memref<5x2x64xi32, #tpu.memory_space<vmem>> -> memref<1x2x64xi32, #tpu.memory_space<vmem>>
      %dma_wait3A_648 = tpu.memref_squeeze %dma_wait3A_647 : memref<1x2x64xi32, #tpu.memory_space<vmem>> -> memref<2x64xi32, #tpu.memory_space<vmem>>
      %dma_wait3A_649 = arith.constant 0 : i32
      %dma_wait3A_650 = arith.constant 0 : i32
      %dma_wait3A_651 = tpu.memref_slice %arg3[%add3A_3, %dma_wait3A_649, %dma_wait3A_650] : memref<2560x2x64xi32, #tpu.memory_space<hbm>> -> memref<1x2x64xi32, #tpu.memory_space<hbm>>
      %dma_wait3A_652 = tpu.memref_squeeze %dma_wait3A_651 : memref<1x2x64xi32, #tpu.memory_space<hbm>> -> memref<2x64xi32, #tpu.memory_space<hbm>>
      %dma_wait3A_653 = arith.constant 0 : i32
      %dma_wait3A_654 = arith.constant 0 : i32
      %dma_wait3A_655 = tpu.memref_slice %arg5[%run_scoped3A, %dma_wait3A_653, %dma_wait3A_654] : memref<5x2x64xi32, #tpu.memory_space<vmem>> -> memref<1x2x64xi32, #tpu.memory_space<vmem>>
      %dma_wait3A_656 = tpu.memref_squeeze %dma_wait3A_655 : memref<1x2x64xi32, #tpu.memory_space<vmem>> -> memref<2x64xi32, #tpu.memory_space<vmem>>
      %dma_wait3A_657 = arith.constant 0 : i32
      %dma_wait3A_658 = arith.constant 0 : i32
      %dma_wait3A_659 = tpu.memref_slice %arg3[%add3A_3, %dma_wait3A_657, %dma_wait3A_658] : memref<2560x2x64xi32, #tpu.memory_space<hbm>> -> memref<1x2x64xi32, #tpu.memory_space<hbm>>
      %dma_wait3A_660 = tpu.memref_squeeze %dma_wait3A_659 : memref<1x2x64xi32, #tpu.memory_space<hbm>> -> memref<2x64xi32, #tpu.memory_space<hbm>>
      tpu.wait_dma2 semaphore(%run_scoped3A_628 : memref<!tpu.dma_semaphore, #tpu.memory_space<semaphore_mem>>) src(%dma_wait3A_660 : memref<2x64xi32, #tpu.memory_space<hbm>>) dst(%dma_wait3A_656 : memref<2x64xi32, #tpu.memory_space<vmem>>)
      tpu.yield
    }) : () -> ()
    %get3A = arith.constant 0 : i32
    %get3A_4 = arith.constant 0 : i32
    %get3A_5 = arith.index_cast %get3A : i32 to index
    %get3A_6 = arith.index_cast %get3A_4 : i32 to index
    %get3A_7 = arith.constant 0 : index
    %get3A_8 = tpu.vector_load %arg5[%get3A_5, %get3A_6, %get3A_7] {strides = array<i32>} : memref<5x2x64xi32, #tpu.memory_space<vmem>>, vector<1x1x16xi32>,
    %get3A_9 = vector.shape_cast %get3A_8 : vector<1x1x16xi32> to vector<16xi32>
    %add3A_10 = vector.broadcast %mul3A_0 : i32 to vector<16xi32>
    %add3A_11 = arith.addi %get3A_9, %add3A_10 : vector<16xi32>
    %swap3A = arith.constant 0 : i32
    %swap3A_12 = arith.constant 0 : i32
    %swap3A_13 = arith.index_cast %swap3A : i32 to index
    %swap3A_14 = arith.index_cast %swap3A_12 : i32 to index
    %swap3A_15 = arith.constant 0 : index
    %swap3A_16 = tpu.vector_load %arg5[%swap3A_13, %swap3A_14, %swap3A_15] {strides = array<i32>} : memref<5x2x64xi32, #tpu.memory_space<vmem>>, vector<1x1x16xi32>,
    %swap3A_17 = vector.shape_cast %swap3A_16 : vector<1x1x16xi32> to vector<16xi32>
    %swap3A_18 = vector.shape_cast %add3A_11 : vector<16xi32> to vector<1x1x16xi32>
    tpu.vector_store %arg5[%swap3A_13, %swap3A_14, %swap3A_15], %swap3A_18 {strides = array<i32>} : memref<5x2x64xi32, #tpu.memory_space<vmem>>, vector<1x1x16xi32>,
    %get3A_19 = arith.constant 0 : i32
    %get3A_20 = arith.constant 0 : i32
    %get3A_21 = arith.index_cast %get3A_19 : i32 to index
    %get3A_22 = arith.index_cast %get3A_20 : i32 to index
    %get3A_23 = arith.constant 16 : index
    %get3A_24 = tpu.vector_load %arg5[%get3A_21, %get3A_22, %get3A_23] {strides = array<i32>} : memref<5x2x64xi32, #tpu.memory_space<vmem>>, vector<1x1x16xi32>,
    %get3A_25 = vector.shape_cast %get3A_24 : vector<1x1x16xi32> to vector<16xi32>
    %add3A_26 = vector.broadcast %mul3A_0 : i32 to vector<16xi32>
    %add3A_27 = arith.addi %get3A_25, %add3A_26 : vector<16xi32>
    %swap3A_28 = arith.constant 0 : i32
    %swap3A_29 = arith.constant 0 : i32
    %swap3A_30 = arith.index_cast %swap3A_28 : i32 to index
    %swap3A_31 = arith.index_cast %swap3A_29 : i32 to index
    %swap3A_32 = arith.constant 16 : index
    %swap3A_33 = tpu.vector_load %arg5[%swap3A_30, %swap3A_31, %swap3A_32] {strides = array<i32>} : memref<5x2x64xi32, #tpu.memory_space<vmem>>, vector<1x1x16xi32>,
    %swap3A_34 = vector.shape_cast %swap3A_33 : vector<1x1x16xi32> to vector<16xi32>
    %swap3A_35 = vector.shape_cast %add3A_27 : vector<16xi32> to vector<1x1x16xi32>
    tpu.vector_store %arg5[%swap3A_30, %swap3A_31, %swap3A_32], %swap3A_35 {strides = array<i32>} : memref<5x2x64xi32, #tpu.memory_space<vmem>>, vector<1x1x16xi32>,
    %get3A_36 = arith.constant 0 : i32
    %get3A_37 = arith.constant 0 : i32
    %get3A_38 = arith.index_cast %get3A_36 : i32 to index
    %get3A_39 = arith.index_cast %get3A_37 : i32 to index
    %get3A_40 = arith.constant 32 : index
    %get3A_41 = tpu.vector_load %arg5[%get3A_38, %get3A_39, %get3A_40] {strides = array<i32>} : memref<5x2x64xi32, #tpu.memory_space<vmem>>, vector<1x1x16xi32>,
    %get3A_42 = vector.shape_cast %get3A_41 : vector<1x1x16xi32> to vector<16xi32>
    %add3A_43 = vector.broadcast %mul3A_0 : i32 to vector<16xi32>
    %add3A_44 = arith.addi %get3A_42, %add3A_43 : vector<16xi32>
    %swap3A_45 = arith.constant 0 : i32
    %swap3A_46 = arith.constant 0 : i32
    %swap3A_47 = arith.index_cast %swap3A_45 : i32 to index
    %swap3A_48 = arith.index_cast %swap3A_46 : i32 to index
    %swap3A_49 = arith.constant 32 : index
    %swap3A_50 = tpu.vector_load %arg5[%swap3A_47, %swap3A_48, %swap3A_49] {strides = array<i32>} : memref<5x2x64xi32, #tpu.memory_space<vmem>>, vector<1x1x16xi32>,
    %swap3A_51 = vector.shape_cast %swap3A_50 : vector<1x1x16xi32> to vector<16xi32>
    %swap3A_52 = vector.shape_cast %add3A_44 : vector<16xi32> to vector<1x1x16xi32>
    tpu.vector_store %arg5[%swap3A_47, %swap3A_48, %swap3A_49], %swap3A_52 {strides = array<i32>} : memref<5x2x64xi32, #tpu.memory_space<vmem>>, vector<1x1x16xi32>,
    %get3A_53 = arith.constant 0 : i32
    %get3A_54 = arith.constant 0 : i32
    %get3A_55 = arith.index_cast %get3A_53 : i32 to index
    %get3A_56 = arith.index_cast %get3A_54 : i32 to index
    %get3A_57 = arith.constant 48 : index
    %get3A_58 = tpu.vector_load %arg5[%get3A_55, %get3A_56, %get3A_57] {strides = array<i32>} : memref<5x2x64xi32, #tpu.memory_space<vmem>>, vector<1x1x16xi32>,
    %get3A_59 = vector.shape_cast %get3A_58 : vector<1x1x16xi32> to vector<16xi32>
    %add3A_60 = vector.broadcast %mul3A_0 : i32 to vector<16xi32>
    %add3A_61 = arith.addi %get3A_59, %add3A_60 : vector<16xi32>
    %swap3A_62 = arith.constant 0 : i32
    %swap3A_63 = arith.constant 0 : i32
    %swap3A_64 = arith.index_cast %swap3A_62 : i32 to index
    %swap3A_65 = arith.index_cast %swap3A_63 : i32 to index
    %swap3A_66 = arith.constant 48 : index
    %swap3A_67 = tpu.vector_load %arg5[%swap3A_64, %swap3A_65, %swap3A_66] {strides = array<i32>} : memref<5x2x64xi32, #tpu.memory_space<vmem>>, vector<1x1x16xi32>,
    %swap3A_68 = vector.shape_cast %swap3A_67 : vector<1x1x16xi32> to vector<16xi32>
    %swap3A_69 = vector.shape_cast %add3A_61 : vector<16xi32> to vector<1x1x16xi32>
    tpu.vector_store %arg5[%swap3A_64, %swap3A_65, %swap3A_66], %swap3A_69 {strides = array<i32>} : memref<5x2x64xi32, #tpu.memory_space<vmem>>, vector<1x1x16xi32>,
    %dma_start3A = arith.constant 0 : i32
    %dma_start3A_70 = arith.constant 0 : i32
    %dma_start3A_71 = arith.constant 0 : i32
    %dma_start3A_72 = arith.constant 0 : i32
    %dma_start3A_73 = arith.constant 0 : i32
    %dma_start3A_74 = tpu.memref_slice %arg6[%dma_start3A_71, %dma_start3A_72, %dma_start3A_73] : memref<5x64x128xf32, #tpu.memory_space<vmem>> -> memref<1x64x128xf32, #tpu.memory_space<vmem>>
    %dma_start3A_75 = tpu.memref_squeeze %dma_start3A_74 : memref<1x64x128xf32, #tpu.memory_space<vmem>> -> memref<64x128xf32, #tpu.memory_space<vmem>>
    %dma_start3A_76 = arith.constant 0 : i32
    %dma_start3A_77 = tpu.memref_slice %arg5[%dma_start3A, %dma_start3A_70, %dma_start3A_76] : memref<5x2x64xi32, #tpu.memory_space<vmem>> -> memref<1x1x64xi32, #tpu.memory_space<vmem>>
    %dma_start3A_78 = tpu.memref_squeeze %dma_start3A_77 : memref<1x1x64xi32, #tpu.memory_space<vmem>> -> memref<64xi32, #tpu.memory_space<vmem>>
    %dma_start3A_79 = arith.constant 0 : i32
    %dma_start3A_80 = arith.constant 0 : i32
    %dma_start3A_81 = tpu.memref_slice %arg2[%dma_start3A_79, %dma_start3A_80] : memref<20224x128xf32, #tpu.memory_space<hbm>> -> memref<20224x128xf32, #tpu.memory_space<hbm>>
    tpu.enqueue_indirect_dma source(%dma_start3A_81 : memref<20224x128xf32, #tpu.memory_space<hbm>>) target(%dma_start3A_75 : memref<64x128xf32, #tpu.memory_space<vmem>>) offsets(%dma_start3A_78 : memref<64xi32, #tpu.memory_space<vmem>>) semaphore(%arg8 : memref<!tpu.dma_semaphore, #tpu.memory_space<semaphore_mem>>)
    %add3A_82 = arith.constant 1 : i32
    %add3A_83 = arith.addi %mul3A_2, %add3A_82 : i32
    %run_scoped3A_84 = arith.constant 1 : i32
    "tpu.region"() ({
      %run_scoped3A_628 = tpu.sem_alloc : memref<!tpu.dma_semaphore, #tpu.memory_space<semaphore_mem>>
      %dma_start3A_629 = arith.constant 0 : i32
      %dma_start3A_630 = arith.constant 0 : i32
      %dma_start3A_631 = tpu.memref_slice %arg5[%run_scoped3A_84, %dma_start3A_629, %dma_start3A_630] : memref<5x2x64xi32, #tpu.memory_space<vmem>> -> memref<1x2x64xi32, #tpu.memory_space<vmem>>
      %dma_start3A_632 = tpu.memref_squeeze %dma_start3A_631 : memref<1x2x64xi32, #tpu.memory_space<vmem>> -> memref<2x64xi32, #tpu.memory_space<vmem>>
      %dma_start3A_633 = arith.constant 0 : i32
      %dma_start3A_634 = arith.constant 0 : i32
      %dma_start3A_635 = tpu.memref_slice %arg3[%add3A_83, %dma_start3A_633, %dma_start3A_634] : memref<2560x2x64xi32, #tpu.memory_space<hbm>> -> memref<1x2x64xi32, #tpu.memory_space<hbm>>
      %dma_start3A_636 = tpu.memref_squeeze %dma_start3A_635 : memref<1x2x64xi32, #tpu.memory_space<hbm>> -> memref<2x64xi32, #tpu.memory_space<hbm>>
      %dma_start3A_637 = arith.constant 0 : i32
      %dma_start3A_638 = arith.constant 0 : i32
      %dma_start3A_639 = tpu.memref_slice %arg5[%run_scoped3A_84, %dma_start3A_637, %dma_start3A_638] : memref<5x2x64xi32, #tpu.memory_space<vmem>> -> memref<1x2x64xi32, #tpu.memory_space<vmem>>
      %dma_start3A_640 = tpu.memref_squeeze %dma_start3A_639 : memref<1x2x64xi32, #tpu.memory_space<vmem>> -> memref<2x64xi32, #tpu.memory_space<vmem>>
      %dma_start3A_641 = arith.constant 0 : i32
      %dma_start3A_642 = arith.constant 0 : i32
      %dma_start3A_643 = tpu.memref_slice %arg3[%add3A_83, %dma_start3A_641, %dma_start3A_642] : memref<2560x2x64xi32, #tpu.memory_space<hbm>> -> memref<1x2x64xi32, #tpu.memory_space<hbm>>
      %dma_start3A_644 = tpu.memref_squeeze %dma_start3A_643 : memref<1x2x64xi32, #tpu.memory_space<hbm>> -> memref<2x64xi32, #tpu.memory_space<hbm>>
      tpu.enqueue_dma source(%dma_start3A_644 : memref<2x64xi32, #tpu.memory_space<hbm>>) target(%dma_start3A_640 : memref<2x64xi32, #tpu.memory_space<vmem>>) target_semaphore(%run_scoped3A_628 : memref<!tpu.dma_semaphore, #tpu.memory_space<semaphore_mem>>)
      %dma_wait3A_645 = arith.constant 0 : i32
      %dma_wait3A_646 = arith.constant 0 : i32
      %dma_wait3A_647 = tpu.memref_slice %arg5[%run_scoped3A_84, %dma_wait3A_645, %dma_wait3A_646] : memref<5x2x64xi32, #tpu.memory_space<vmem>> -> memref<1x2x64xi32, #tpu.memory_space<vmem>>
      %dma_wait3A_648 = tpu.memref_squeeze %dma_wait3A_647 : memref<1x2x64xi32, #tpu.memory_space<vmem>> -> memref<2x64xi32, #tpu.memory_space<vmem>>
      %dma_wait3A_649 = arith.constant 0 : i32
      %dma_wait3A_650 = arith.constant 0 : i32
      %dma_wait3A_651 = tpu.memref_slice %arg3[%add3A_83, %dma_wait3A_649, %dma_wait3A_650] : memref<2560x2x64xi32, #tpu.memory_space<hbm>> -> memref<1x2x64xi32, #tpu.memory_space<hbm>>
      %dma_wait3A_652 = tpu.memref_squeeze %dma_wait3A_651 : memref<1x2x64xi32, #tpu.memory_space<hbm>> -> memref<2x64xi32, #tpu.memory_space<hbm>>
      %dma_wait3A_653 = arith.constant 0 : i32
      %dma_wait3A_654 = arith.constant 0 : i32
      %dma_wait3A_655 = tpu.memref_slice %arg5[%run_scoped3A_84, %dma_wait3A_653, %dma_wait3A_654] : memref<5x2x64xi32, #tpu.memory_space<vmem>> -> memref<1x2x64xi32, #tpu.memory_space<vmem>>
      %dma_wait3A_656 = tpu.memref_squeeze %dma_wait3A_655 : memref<1x2x64xi32, #tpu.memory_space<vmem>> -> memref<2x64xi32, #tpu.memory_space<vmem>>
      %dma_wait3A_657 = arith.constant 0 : i32
      %dma_wait3A_658 = arith.constant 0 : i32
      %dma_wait3A_659 = tpu.memref_slice %arg3[%add3A_83, %dma_wait3A_657, %dma_wait3A_658] : memref<2560x2x64xi32, #tpu.memory_space<hbm>> -> memref<1x2x64xi32, #tpu.memory_space<hbm>>
      %dma_wait3A_660 = tpu.memref_squeeze %dma_wait3A_659 : memref<1x2x64xi32, #tpu.memory_space<hbm>> -> memref<2x64xi32, #tpu.memory_space<hbm>>
      tpu.wait_dma2 semaphore(%run_scoped3A_628 : memref<!tpu.dma_semaphore, #tpu.memory_space<semaphore_mem>>) src(%dma_wait3A_660 : memref<2x64xi32, #tpu.memory_space<hbm>>) dst(%dma_wait3A_656 : memref<2x64xi32, #tpu.memory_space<vmem>>)
      tpu.yield
    }) : () -> ()
    %get3A_85 = arith.constant 1 : i32
    %get3A_86 = arith.constant 0 : i32
    %get3A_87 = arith.index_cast %get3A_85 : i32 to index
    %get3A_88 = arith.index_cast %get3A_86 : i32 to index
    %get3A_89 = arith.constant 0 : index
    %get3A_90 = tpu.vector_load %arg5[%get3A_87, %get3A_88, %get3A_89] {strides = array<i32>} : memref<5x2x64xi32, #tpu.memory_space<vmem>>, vector<1x1x16xi32>,
    %get3A_91 = vector.shape_cast %get3A_90 : vector<1x1x16xi32> to vector<16xi32>
    %add3A_92 = vector.broadcast %mul3A_0 : i32 to vector<16xi32>
    %add3A_93 = arith.addi %get3A_91, %add3A_92 : vector<16xi32>
    %swap3A_94 = arith.constant 1 : i32
    %swap3A_95 = arith.constant 0 : i32
    %swap3A_96 = arith.index_cast %swap3A_94 : i32 to index
    %swap3A_97 = arith.index_cast %swap3A_95 : i32 to index
    %swap3A_98 = arith.constant 0 : index
    %swap3A_99 = tpu.vector_load %arg5[%swap3A_96, %swap3A_97, %swap3A_98] {strides = array<i32>} : memref<5x2x64xi32, #tpu.memory_space<vmem>>, vector<1x1x16xi32>,
    %swap3A_100 = vector.shape_cast %swap3A_99 : vector<1x1x16xi32> to vector<16xi32>
    %swap3A_101 = vector.shape_cast %add3A_93 : vector<16xi32> to vector<1x1x16xi32>
    tpu.vector_store %arg5[%swap3A_96, %swap3A_97, %swap3A_98], %swap3A_101 {strides = array<i32>} : memref<5x2x64xi32, #tpu.memory_space<vmem>>, vector<1x1x16xi32>,
    %get3A_102 = arith.constant 1 : i32
    %get3A_103 = arith.constant 0 : i32
    %get3A_104 = arith.index_cast %get3A_102 : i32 to index
    %get3A_105 = arith.index_cast %get3A_103 : i32 to index
    %get3A_106 = arith.constant 16 : index
    %get3A_107 = tpu.vector_load %arg5[%get3A_104, %get3A_105, %get3A_106] {strides = array<i32>} : memref<5x2x64xi32, #tpu.memory_space<vmem>>, vector<1x1x16xi32>,
    %get3A_108 = vector.shape_cast %get3A_107 : vector<1x1x16xi32> to vector<16xi32>
    %add3A_109 = vector.broadcast %mul3A_0 : i32 to vector<16xi32>
    %add3A_110 = arith.addi %get3A_108, %add3A_109 : vector<16xi32>
    %swap3A_111 = arith.constant 1 : i32
    %swap3A_112 = arith.constant 0 : i32
    %swap3A_113 = arith.index_cast %swap3A_111 : i32 to index
    %swap3A_114 = arith.index_cast %swap3A_112 : i32 to index
    %swap3A_115 = arith.constant 16 : index
    %swap3A_116 = tpu.vector_load %arg5[%swap3A_113, %swap3A_114, %swap3A_115] {strides = array<i32>} : memref<5x2x64xi32, #tpu.memory_space<vmem>>, vector<1x1x16xi32>,
    %swap3A_117 = vector.shape_cast %swap3A_116 : vector<1x1x16xi32> to vector<16xi32>
    %swap3A_118 = vector.shape_cast %add3A_110 : vector<16xi32> to vector<1x1x16xi32>
    tpu.vector_store %arg5[%swap3A_113, %swap3A_114, %swap3A_115], %swap3A_118 {strides = array<i32>} : memref<5x2x64xi32, #tpu.memory_space<vmem>>, vector<1x1x16xi32>,
    %get3A_119 = arith.constant 1 : i32
    %get3A_120 = arith.constant 0 : i32
    %get3A_121 = arith.index_cast %get3A_119 : i32 to index
    %get3A_122 = arith.index_cast %get3A_120 : i32 to index
    %get3A_123 = arith.constant 32 : index
    %get3A_124 = tpu.vector_load %arg5[%get3A_121, %get3A_122, %get3A_123] {strides = array<i32>} : memref<5x2x64xi32, #tpu.memory_space<vmem>>, vector<1x1x16xi32>,
    %get3A_125 = vector.shape_cast %get3A_124 : vector<1x1x16xi32> to vector<16xi32>
    %add3A_126 = vector.broadcast %mul3A_0 : i32 to vector<16xi32>
    %add3A_127 = arith.addi %get3A_125, %add3A_126 : vector<16xi32>
    %swap3A_128 = arith.constant 1 : i32
    %swap3A_129 = arith.constant 0 : i32
    %swap3A_130 = arith.index_cast %swap3A_128 : i32 to index
    %swap3A_131 = arith.index_cast %swap3A_129 : i32 to index
    %swap3A_132 = arith.constant 32 : index
    %swap3A_133 = tpu.vector_load %arg5[%swap3A_130, %swap3A_131, %swap3A_132] {strides = array<i32>} : memref<5x2x64xi32, #tpu.memory_space<vmem>>, vector<1x1x16xi32>,
    %swap3A_134 = vector.shape_cast %swap3A_133 : vector<1x1x16xi32> to vector<16xi32>
    %swap3A_135 = vector.shape_cast %add3A_127 : vector<16xi32> to vector<1x1x16xi32>
    tpu.vector_store %arg5[%swap3A_130, %swap3A_131, %swap3A_132], %swap3A_135 {strides = array<i32>} : memref<5x2x64xi32, #tpu.memory_space<vmem>>, vector<1x1x16xi32>,
    %get3A_136 = arith.constant 1 : i32
    %get3A_137 = arith.constant 0 : i32
    %get3A_138 = arith.index_cast %get3A_136 : i32 to index
    %get3A_139 = arith.index_cast %get3A_137 : i32 to index
    %get3A_140 = arith.constant 48 : index
    %get3A_141 = tpu.vector_load %arg5[%get3A_138, %get3A_139, %get3A_140] {strides = array<i32>} : memref<5x2x64xi32, #tpu.memory_space<vmem>>, vector<1x1x16xi32>,
    %get3A_142 = vector.shape_cast %get3A_141 : vector<1x1x16xi32> to vector<16xi32>
    %add3A_143 = vector.broadcast %mul3A_0 : i32 to vector<16xi32>
    %add3A_144 = arith.addi %get3A_142, %add3A_143 : vector<16xi32>
    %swap3A_145 = arith.constant 1 : i32
    %swap3A_146 = arith.constant 0 : i32
    %swap3A_147 = arith.index_cast %swap3A_145 : i32 to index
    %swap3A_148 = arith.index_cast %swap3A_146 : i32 to index
    %swap3A_149 = arith.constant 48 : index
    %swap3A_150 = tpu.vector_load %arg5[%swap3A_147, %swap3A_148, %swap3A_149] {strides = array<i32>} : memref<5x2x64xi32, #tpu.memory_space<vmem>>, vector<1x1x16xi32>,
    %swap3A_151 = vector.shape_cast %swap3A_150 : vector<1x1x16xi32> to vector<16xi32>
    %swap3A_152 = vector.shape_cast %add3A_144 : vector<16xi32> to vector<1x1x16xi32>
    tpu.vector_store %arg5[%swap3A_147, %swap3A_148, %swap3A_149], %swap3A_152 {strides = array<i32>} : memref<5x2x64xi32, #tpu.memory_space<vmem>>, vector<1x1x16xi32>,
    %dma_start3A_153 = arith.constant 1 : i32
    %dma_start3A_154 = arith.constant 0 : i32
    %dma_start3A_155 = arith.constant 1 : i32
    %dma_start3A_156 = arith.constant 0 : i32
    %dma_start3A_157 = arith.constant 0 : i32
    %dma_start3A_158 = tpu.memref_slice %arg6[%dma_start3A_155, %dma_start3A_156, %dma_start3A_157] : memref<5x64x128xf32, #tpu.memory_space<vmem>> -> memref<1x64x128xf32, #tpu.memory_space<vmem>>
    %dma_start3A_159 = tpu.memref_squeeze %dma_start3A_158 : memref<1x64x128xf32, #tpu.memory_space<vmem>> -> memref<64x128xf32, #tpu.memory_space<vmem>>
    %dma_start3A_160 = arith.constant 0 : i32
    %dma_start3A_161 = tpu.memref_slice %arg5[%dma_start3A_153, %dma_start3A_154, %dma_start3A_160] : memref<5x2x64xi32, #tpu.memory_space<vmem>> -> memref<1x1x64xi32, #tpu.memory_space<vmem>>
    %dma_start3A_162 = tpu.memref_squeeze %dma_start3A_161 : memref<1x1x64xi32, #tpu.memory_space<vmem>> -> memref<64xi32, #tpu.memory_space<vmem>>
    %dma_start3A_163 = arith.constant 0 : i32
    %dma_start3A_164 = arith.constant 0 : i32
    %dma_start3A_165 = tpu.memref_slice %arg2[%dma_start3A_163, %dma_start3A_164] : memref<20224x128xf32, #tpu.memory_space<hbm>> -> memref<20224x128xf32, #tpu.memory_space<hbm>>
    tpu.enqueue_indirect_dma source(%dma_start3A_165 : memref<20224x128xf32, #tpu.memory_space<hbm>>) target(%dma_start3A_159 : memref<64x128xf32, #tpu.memory_space<vmem>>) offsets(%dma_start3A_162 : memref<64xi32, #tpu.memory_space<vmem>>) semaphore(%arg9 : memref<!tpu.dma_semaphore, #tpu.memory_space<semaphore_mem>>)
    %add3A_166 = arith.constant 2 : i32
    %add3A_167 = arith.addi %mul3A_2, %add3A_166 : i32
    %run_scoped3A_168 = arith.constant 2 : i32
    "tpu.region"() ({
      %run_scoped3A_628 = tpu.sem_alloc : memref<!tpu.dma_semaphore, #tpu.memory_space<semaphore_mem>>
      %dma_start3A_629 = arith.constant 0 : i32
      %dma_start3A_630 = arith.constant 0 : i32
      %dma_start3A_631 = tpu.memref_slice %arg5[%run_scoped3A_168, %dma_start3A_629, %dma_start3A_630] : memref<5x2x64xi32, #tpu.memory_space<vmem>> -> memref<1x2x64xi32, #tpu.memory_space<vmem>>
      %dma_start3A_632 = tpu.memref_squeeze %dma_start3A_631 : memref<1x2x64xi32, #tpu.memory_space<vmem>> -> memref<2x64xi32, #tpu.memory_space<vmem>>
      %dma_start3A_633 = arith.constant 0 : i32
      %dma_start3A_634 = arith.constant 0 : i32
      %dma_start3A_635 = tpu.memref_slice %arg3[%add3A_167, %dma_start3A_633, %dma_start3A_634] : memref<2560x2x64xi32, #tpu.memory_space<hbm>> -> memref<1x2x64xi32, #tpu.memory_space<hbm>>
      %dma_start3A_636 = tpu.memref_squeeze %dma_start3A_635 : memref<1x2x64xi32, #tpu.memory_space<hbm>> -> memref<2x64xi32, #tpu.memory_space<hbm>>
      %dma_start3A_637 = arith.constant 0 : i32
      %dma_start3A_638 = arith.constant 0 : i32
      %dma_start3A_639 = tpu.memref_slice %arg5[%run_scoped3A_168, %dma_start3A_637, %dma_start3A_638] : memref<5x2x64xi32, #tpu.memory_space<vmem>> -> memref<1x2x64xi32, #tpu.memory_space<vmem>>
      %dma_start3A_640 = tpu.memref_squeeze %dma_start3A_639 : memref<1x2x64xi32, #tpu.memory_space<vmem>> -> memref<2x64xi32, #tpu.memory_space<vmem>>
      %dma_start3A_641 = arith.constant 0 : i32
      %dma_start3A_642 = arith.constant 0 : i32
      %dma_start3A_643 = tpu.memref_slice %arg3[%add3A_167, %dma_start3A_641, %dma_start3A_642] : memref<2560x2x64xi32, #tpu.memory_space<hbm>> -> memref<1x2x64xi32, #tpu.memory_space<hbm>>
      %dma_start3A_644 = tpu.memref_squeeze %dma_start3A_643 : memref<1x2x64xi32, #tpu.memory_space<hbm>> -> memref<2x64xi32, #tpu.memory_space<hbm>>
      tpu.enqueue_dma source(%dma_start3A_644 : memref<2x64xi32, #tpu.memory_space<hbm>>) target(%dma_start3A_640 : memref<2x64xi32, #tpu.memory_space<vmem>>) target_semaphore(%run_scoped3A_628 : memref<!tpu.dma_semaphore, #tpu.memory_space<semaphore_mem>>)
      %dma_wait3A_645 = arith.constant 0 : i32
      %dma_wait3A_646 = arith.constant 0 : i32
      %dma_wait3A_647 = tpu.memref_slice %arg5[%run_scoped3A_168, %dma_wait3A_645, %dma_wait3A_646] : memref<5x2x64xi32, #tpu.memory_space<vmem>> -> memref<1x2x64xi32, #tpu.memory_space<vmem>>
      %dma_wait3A_648 = tpu.memref_squeeze %dma_wait3A_647 : memref<1x2x64xi32, #tpu.memory_space<vmem>> -> memref<2x64xi32, #tpu.memory_space<vmem>>
      %dma_wait3A_649 = arith.constant 0 : i32
      %dma_wait3A_650 = arith.constant 0 : i32
      %dma_wait3A_651 = tpu.memref_slice %arg3[%add3A_167, %dma_wait3A_649, %dma_wait3A_650] : memref<2560x2x64xi32, #tpu.memory_space<hbm>> -> memref<1x2x64xi32, #tpu.memory_space<hbm>>
      %dma_wait3A_652 = tpu.memref_squeeze %dma_wait3A_651 : memref<1x2x64xi32, #tpu.memory_space<hbm>> -> memref<2x64xi32, #tpu.memory_space<hbm>>
      %dma_wait3A_653 = arith.constant 0 : i32
      %dma_wait3A_654 = arith.constant 0 : i32
      %dma_wait3A_655 = tpu.memref_slice %arg5[%run_scoped3A_168, %dma_wait3A_653, %dma_wait3A_654] : memref<5x2x64xi32, #tpu.memory_space<vmem>> -> memref<1x2x64xi32, #tpu.memory_space<vmem>>
      %dma_wait3A_656 = tpu.memref_squeeze %dma_wait3A_655 : memref<1x2x64xi32, #tpu.memory_space<vmem>> -> memref<2x64xi32, #tpu.memory_space<vmem>>
      %dma_wait3A_657 = arith.constant 0 : i32
      %dma_wait3A_658 = arith.constant 0 : i32
      %dma_wait3A_659 = tpu.memref_slice %arg3[%add3A_167, %dma_wait3A_657, %dma_wait3A_658] : memref<2560x2x64xi32, #tpu.memory_space<hbm>> -> memref<1x2x64xi32, #tpu.memory_space<hbm>>
      %dma_wait3A_660 = tpu.memref_squeeze %dma_wait3A_659 : memref<1x2x64xi32, #tpu.memory_space<hbm>> -> memref<2x64xi32, #tpu.memory_space<hbm>>
      tpu.wait_dma2 semaphore(%run_scoped3A_628 : memref<!tpu.dma_semaphore, #tpu.memory_space<semaphore_mem>>) src(%dma_wait3A_660 : memref<2x64xi32, #tpu.memory_space<hbm>>) dst(%dma_wait3A_656 : memref<2x64xi32, #tpu.memory_space<vmem>>)
      tpu.yield
    }) : () -> ()
    %get3A_169 = arith.constant 2 : i32
    %get3A_170 = arith.constant 0 : i32
    %get3A_171 = arith.index_cast %get3A_169 : i32 to index
    %get3A_172 = arith.index_cast %get3A_170 : i32 to index
    %get3A_173 = arith.constant 0 : index
    %get3A_174 = tpu.vector_load %arg5[%get3A_171, %get3A_172, %get3A_173] {strides = array<i32>} : memref<5x2x64xi32, #tpu.memory_space<vmem>>, vector<1x1x16xi32>,
    %get3A_175 = vector.shape_cast %get3A_174 : vector<1x1x16xi32> to vector<16xi32>
    %add3A_176 = vector.broadcast %mul3A_0 : i32 to vector<16xi32>
    %add3A_177 = arith.addi %get3A_175, %add3A_176 : vector<16xi32>
    %swap3A_178 = arith.constant 2 : i32
    %swap3A_179 = arith.constant 0 : i32
    %swap3A_180 = arith.index_cast %swap3A_178 : i32 to index
    %swap3A_181 = arith.index_cast %swap3A_179 : i32 to index
    %swap3A_182 = arith.constant 0 : index
    %swap3A_183 = tpu.vector_load %arg5[%swap3A_180, %swap3A_181, %swap3A_182] {strides = array<i32>} : memref<5x2x64xi32, #tpu.memory_space<vmem>>, vector<1x1x16xi32>,
    %swap3A_184 = vector.shape_cast %swap3A_183 : vector<1x1x16xi32> to vector<16xi32>
    %swap3A_185 = vector.shape_cast %add3A_177 : vector<16xi32> to vector<1x1x16xi32>
    tpu.vector_store %arg5[%swap3A_180, %swap3A_181, %swap3A_182], %swap3A_185 {strides = array<i32>} : memref<5x2x64xi32, #tpu.memory_space<vmem>>, vector<1x1x16xi32>,
    %get3A_186 = arith.constant 2 : i32
    %get3A_187 = arith.constant 0 : i32
    %get3A_188 = arith.index_cast %get3A_186 : i32 to index
    %get3A_189 = arith.index_cast %get3A_187 : i32 to index
    %get3A_190 = arith.constant 16 : index
    %get3A_191 = tpu.vector_load %arg5[%get3A_188, %get3A_189, %get3A_190] {strides = array<i32>} : memref<5x2x64xi32, #tpu.memory_space<vmem>>, vector<1x1x16xi32>,
    %get3A_192 = vector.shape_cast %get3A_191 : vector<1x1x16xi32> to vector<16xi32>
    %add3A_193 = vector.broadcast %mul3A_0 : i32 to vector<16xi32>
    %add3A_194 = arith.addi %get3A_192, %add3A_193 : vector<16xi32>
    %swap3A_195 = arith.constant 2 : i32
    %swap3A_196 = arith.constant 0 : i32
    %swap3A_197 = arith.index_cast %swap3A_195 : i32 to index
    %swap3A_198 = arith.index_cast %swap3A_196 : i32 to index
    %swap3A_199 = arith.constant 16 : index
    %swap3A_200 = tpu.vector_load %arg5[%swap3A_197, %swap3A_198, %swap3A_199] {strides = array<i32>} : memref<5x2x64xi32, #tpu.memory_space<vmem>>, vector<1x1x16xi32>,
    %swap3A_201 = vector.shape_cast %swap3A_200 : vector<1x1x16xi32> to vector<16xi32>
    %swap3A_202 = vector.shape_cast %add3A_194 : vector<16xi32> to vector<1x1x16xi32>
    tpu.vector_store %arg5[%swap3A_197, %swap3A_198, %swap3A_199], %swap3A_202 {strides = array<i32>} : memref<5x2x64xi32, #tpu.memory_space<vmem>>, vector<1x1x16xi32>,
    %get3A_203 = arith.constant 2 : i32
    %get3A_204 = arith.constant 0 : i32
    %get3A_205 = arith.index_cast %get3A_203 : i32 to index
    %get3A_206 = arith.index_cast %get3A_204 : i32 to index
    %get3A_207 = arith.constant 32 : index
    %get3A_208 = tpu.vector_load %arg5[%get3A_205, %get3A_206, %get3A_207] {strides = array<i32>} : memref<5x2x64xi32, #tpu.memory_space<vmem>>, vector<1x1x16xi32>,
    %get3A_209 = vector.shape_cast %get3A_208 : vector<1x1x16xi32> to vector<16xi32>
    %add3A_210 = vector.broadcast %mul3A_0 : i32 to vector<16xi32>
    %add3A_211 = arith.addi %get3A_209, %add3A_210 : vector<16xi32>
    %swap3A_212 = arith.constant 2 : i32
    %swap3A_213 = arith.constant 0 : i32
    %swap3A_214 = arith.index_cast %swap3A_212 : i32 to index
    %swap3A_215 = arith.index_cast %swap3A_213 : i32 to index
    %swap3A_216 = arith.constant 32 : index
    %swap3A_217 = tpu.vector_load %arg5[%swap3A_214, %swap3A_215, %swap3A_216] {strides = array<i32>} : memref<5x2x64xi32, #tpu.memory_space<vmem>>, vector<1x1x16xi32>,
    %swap3A_218 = vector.shape_cast %swap3A_217 : vector<1x1x16xi32> to vector<16xi32>
    %swap3A_219 = vector.shape_cast %add3A_211 : vector<16xi32> to vector<1x1x16xi32>
    tpu.vector_store %arg5[%swap3A_214, %swap3A_215, %swap3A_216], %swap3A_219 {strides = array<i32>} : memref<5x2x64xi32, #tpu.memory_space<vmem>>, vector<1x1x16xi32>,
    %get3A_220 = arith.constant 2 : i32
    %get3A_221 = arith.constant 0 : i32
    %get3A_222 = arith.index_cast %get3A_220 : i32 to index
    %get3A_223 = arith.index_cast %get3A_221 : i32 to index
    %get3A_224 = arith.constant 48 : index
    %get3A_225 = tpu.vector_load %arg5[%get3A_222, %get3A_223, %get3A_224] {strides = array<i32>} : memref<5x2x64xi32, #tpu.memory_space<vmem>>, vector<1x1x16xi32>,
    %get3A_226 = vector.shape_cast %get3A_225 : vector<1x1x16xi32> to vector<16xi32>
    %add3A_227 = vector.broadcast %mul3A_0 : i32 to vector<16xi32>
    %add3A_228 = arith.addi %get3A_226, %add3A_227 : vector<16xi32>
    %swap3A_229 = arith.constant 2 : i32
    %swap3A_230 = arith.constant 0 : i32
    %swap3A_231 = arith.index_cast %swap3A_229 : i32 to index
    %swap3A_232 = arith.index_cast %swap3A_230 : i32 to index
    %swap3A_233 = arith.constant 48 : index
    %swap3A_234 = tpu.vector_load %arg5[%swap3A_231, %swap3A_232, %swap3A_233] {strides = array<i32>} : memref<5x2x64xi32, #tpu.memory_space<vmem>>, vector<1x1x16xi32>,
    %swap3A_235 = vector.shape_cast %swap3A_234 : vector<1x1x16xi32> to vector<16xi32>
    %swap3A_236 = vector.shape_cast %add3A_228 : vector<16xi32> to vector<1x1x16xi32>
    tpu.vector_store %arg5[%swap3A_231, %swap3A_232, %swap3A_233], %swap3A_236 {strides = array<i32>} : memref<5x2x64xi32, #tpu.memory_space<vmem>>, vector<1x1x16xi32>,
    %dma_start3A_237 = arith.constant 2 : i32
    %dma_start3A_238 = arith.constant 0 : i32
    %dma_start3A_239 = arith.constant 2 : i32
    %dma_start3A_240 = arith.constant 0 : i32
    %dma_start3A_241 = arith.constant 0 : i32
    %dma_start3A_242 = tpu.memref_slice %arg6[%dma_start3A_239, %dma_start3A_240, %dma_start3A_241] : memref<5x64x128xf32, #tpu.memory_space<vmem>> -> memref<1x64x128xf32, #tpu.memory_space<vmem>>
    %dma_start3A_243 = tpu.memref_squeeze %dma_start3A_242 : memref<1x64x128xf32, #tpu.memory_space<vmem>> -> memref<64x128xf32, #tpu.memory_space<vmem>>
    %dma_start3A_244 = arith.constant 0 : i32
    %dma_start3A_245 = tpu.memref_slice %arg5[%dma_start3A_237, %dma_start3A_238, %dma_start3A_244] : memref<5x2x64xi32, #tpu.memory_space<vmem>> -> memref<1x1x64xi32, #tpu.memory_space<vmem>>
    %dma_start3A_246 = tpu.memref_squeeze %dma_start3A_245 : memref<1x1x64xi32, #tpu.memory_space<vmem>> -> memref<64xi32, #tpu.memory_space<vmem>>
    %dma_start3A_247 = arith.constant 0 : i32
    %dma_start3A_248 = arith.constant 0 : i32
    %dma_start3A_249 = tpu.memref_slice %arg2[%dma_start3A_247, %dma_start3A_248] : memref<20224x128xf32, #tpu.memory_space<hbm>> -> memref<20224x128xf32, #tpu.memory_space<hbm>>
    tpu.enqueue_indirect_dma source(%dma_start3A_249 : memref<20224x128xf32, #tpu.memory_space<hbm>>) target(%dma_start3A_243 : memref<64x128xf32, #tpu.memory_space<vmem>>) offsets(%dma_start3A_246 : memref<64xi32, #tpu.memory_space<vmem>>) semaphore(%arg10 : memref<!tpu.dma_semaphore, #tpu.memory_space<semaphore_mem>>)
    %mul3A_250 = arith.constant 10112 : i32
    %mul3A_251 = arith.muli %arg0, %mul3A_250 : i32
    %mul3A_252 = arith.constant 632 : i32
    %mul3A_253 = arith.muli %arg1, %mul3A_252 : i32
    %add3A_254 = arith.addi %mul3A_251, %mul3A_253 : i32
    %mul3A_255 = arith.constant 632 : i32
    %mul3A_256 = arith.muli %arg1, %mul3A_255 : i32
    "tpu.region"() ({
      %run_scoped3A_628 = tpu.sem_alloc : memref<!tpu.dma_semaphore, #tpu.memory_space<semaphore_mem>>
      %dma_start3A_629 = arith.constant 0 : i32
      %dma_start3A_630 = tpu.memref_slice %arg7[%mul3A_256, %dma_start3A_629] : memref<10112x128xf32, #tpu.memory_space<vmem_shared>> -> memref<632x128xf32, #tpu.memory_space<vmem_shared>>
      %dma_start3A_631 = arith.constant 0 : i32
      %dma_start3A_632 = tpu.memref_slice %arg2[%add3A_254, %dma_start3A_631] : memref<20224x128xf32, #tpu.memory_space<hbm>> -> memref<632x128xf32, #tpu.memory_space<hbm>>
      tpu.enqueue_dma source(%dma_start3A_632 : memref<632x128xf32, #tpu.memory_space<hbm>>) target(%dma_start3A_630 : memref<632x128xf32, #tpu.memory_space<vmem_shared>>) target_semaphore(%run_scoped3A_628 : memref<!tpu.dma_semaphore, #tpu.memory_space<semaphore_mem>>)
      %dma_wait3A_633 = arith.constant 0 : i32
      %dma_wait3A_634 = tpu.memref_slice %arg7[%mul3A_256, %dma_wait3A_633] : memref<10112x128xf32, #tpu.memory_space<vmem_shared>> -> memref<632x128xf32, #tpu.memory_space<vmem_shared>>
      %dma_wait3A_635 = arith.constant 0 : i32
      %dma_wait3A_636 = tpu.memref_slice %arg2[%add3A_254, %dma_wait3A_635] : memref<20224x128xf32, #tpu.memory_space<hbm>> -> memref<632x128xf32, #tpu.memory_space<hbm>>
      tpu.wait_dma2 semaphore(%run_scoped3A_628 : memref<!tpu.dma_semaphore, #tpu.memory_space<semaphore_mem>>) src(%dma_wait3A_636 : memref<632x128xf32, #tpu.memory_space<hbm>>) dst(%dma_wait3A_634 : memref<632x128xf32, #tpu.memory_space<vmem_shared>>)
      tpu.yield
    }) : () -> ()
    %barrier3A = arith.constant 0 : index
    tpu.barrier barrier_id(%barrier3A)
    %add3A_257 = arith.constant 3 : i32
    %add3A_258 = arith.addi %mul3A_2, %add3A_257 : i32
    %run_scoped3A_259 = arith.constant 3 : i32
    "tpu.region"() ({
      %run_scoped3A_628 = tpu.sem_alloc : memref<!tpu.dma_semaphore, #tpu.memory_space<semaphore_mem>>
      %dma_start3A_629 = arith.constant 0 : i32
      %dma_start3A_630 = arith.constant 0 : i32
      %dma_start3A_631 = tpu.memref_slice %arg5[%run_scoped3A_259, %dma_start3A_629, %dma_start3A_630] : memref<5x2x64xi32, #tpu.memory_space<vmem>> -> memref<1x2x64xi32, #tpu.memory_space<vmem>>
      %dma_start3A_632 = tpu.memref_squeeze %dma_start3A_631 : memref<1x2x64xi32, #tpu.memory_space<vmem>> -> memref<2x64xi32, #tpu.memory_space<vmem>>
      %dma_start3A_633 = arith.constant 0 : i32
      %dma_start3A_634 = arith.constant 0 : i32
      %dma_start3A_635 = tpu.memref_slice %arg3[%add3A_258, %dma_start3A_633, %dma_start3A_634] : memref<2560x2x64xi32, #tpu.memory_space<hbm>> -> memref<1x2x64xi32, #tpu.memory_space<hbm>>
      %dma_start3A_636 = tpu.memref_squeeze %dma_start3A_635 : memref<1x2x64xi32, #tpu.memory_space<hbm>> -> memref<2x64xi32, #tpu.memory_space<hbm>>
      %dma_start3A_637 = arith.constant 0 : i32
      %dma_start3A_638 = arith.constant 0 : i32
      %dma_start3A_639 = tpu.memref_slice %arg5[%run_scoped3A_259, %dma_start3A_637, %dma_start3A_638] : memref<5x2x64xi32, #tpu.memory_space<vmem>> -> memref<1x2x64xi32, #tpu.memory_space<vmem>>
      %dma_start3A_640 = tpu.memref_squeeze %dma_start3A_639 : memref<1x2x64xi32, #tpu.memory_space<vmem>> -> memref<2x64xi32, #tpu.memory_space<vmem>>
      %dma_start3A_641 = arith.constant 0 : i32
      %dma_start3A_642 = arith.constant 0 : i32
      %dma_start3A_643 = tpu.memref_slice %arg3[%add3A_258, %dma_start3A_641, %dma_start3A_642] : memref<2560x2x64xi32, #tpu.memory_space<hbm>> -> memref<1x2x64xi32, #tpu.memory_space<hbm>>
      %dma_start3A_644 = tpu.memref_squeeze %dma_start3A_643 : memref<1x2x64xi32, #tpu.memory_space<hbm>> -> memref<2x64xi32, #tpu.memory_space<hbm>>
      tpu.enqueue_dma source(%dma_start3A_644 : memref<2x64xi32, #tpu.memory_space<hbm>>) target(%dma_start3A_640 : memref<2x64xi32, #tpu.memory_space<vmem>>) target_semaphore(%run_scoped3A_628 : memref<!tpu.dma_semaphore, #tpu.memory_space<semaphore_mem>>)
      %dma_wait3A_645 = arith.constant 0 : i32
      %dma_wait3A_646 = arith.constant 0 : i32
      %dma_wait3A_647 = tpu.memref_slice %arg5[%run_scoped3A_259, %dma_wait3A_645, %dma_wait3A_646] : memref<5x2x64xi32, #tpu.memory_space<vmem>> -> memref<1x2x64xi32, #tpu.memory_space<vmem>>
      %dma_wait3A_648 = tpu.memref_squeeze %dma_wait3A_647 : memref<1x2x64xi32, #tpu.memory_space<vmem>> -> memref<2x64xi32, #tpu.memory_space<vmem>>
      %dma_wait3A_649 = arith.constant 0 : i32
      %dma_wait3A_650 = arith.constant 0 : i32
      %dma_wait3A_651 = tpu.memref_slice %arg3[%add3A_258, %dma_wait3A_649, %dma_wait3A_650] : memref<2560x2x64xi32, #tpu.memory_space<hbm>> -> memref<1x2x64xi32, #tpu.memory_space<hbm>>
      %dma_wait3A_652 = tpu.memref_squeeze %dma_wait3A_651 : memref<1x2x64xi32, #tpu.memory_space<hbm>> -> memref<2x64xi32, #tpu.memory_space<hbm>>
      %dma_wait3A_653 = arith.constant 0 : i32
      %dma_wait3A_654 = arith.constant 0 : i32
      %dma_wait3A_655 = tpu.memref_slice %arg5[%run_scoped3A_259, %dma_wait3A_653, %dma_wait3A_654] : memref<5x2x64xi32, #tpu.memory_space<vmem>> -> memref<1x2x64xi32, #tpu.memory_space<vmem>>
      %dma_wait3A_656 = tpu.memref_squeeze %dma_wait3A_655 : memref<1x2x64xi32, #tpu.memory_space<vmem>> -> memref<2x64xi32, #tpu.memory_space<vmem>>
      %dma_wait3A_657 = arith.constant 0 : i32
      %dma_wait3A_658 = arith.constant 0 : i32
      %dma_wait3A_659 = tpu.memref_slice %arg3[%add3A_258, %dma_wait3A_657, %dma_wait3A_658] : memref<2560x2x64xi32, #tpu.memory_space<hbm>> -> memref<1x2x64xi32, #tpu.memory_space<hbm>>
      %dma_wait3A_660 = tpu.memref_squeeze %dma_wait3A_659 : memref<1x2x64xi32, #tpu.memory_space<hbm>> -> memref<2x64xi32, #tpu.memory_space<hbm>>
      tpu.wait_dma2 semaphore(%run_scoped3A_628 : memref<!tpu.dma_semaphore, #tpu.memory_space<semaphore_mem>>) src(%dma_wait3A_660 : memref<2x64xi32, #tpu.memory_space<hbm>>) dst(%dma_wait3A_656 : memref<2x64xi32, #tpu.memory_space<vmem>>)
      tpu.yield
    }) : () -> ()
    %get3A_260 = arith.constant 3 : i32
    %get3A_261 = arith.constant 0 : i32
    %get3A_262 = arith.index_cast %get3A_260 : i32 to index
    %get3A_263 = arith.index_cast %get3A_261 : i32 to index
    %get3A_264 = arith.constant 0 : index
    %get3A_265 = tpu.vector_load %arg5[%get3A_262, %get3A_263, %get3A_264] {strides = array<i32>} : memref<5x2x64xi32, #tpu.memory_space<vmem>>, vector<1x1x16xi32>,
    %get3A_266 = vector.shape_cast %get3A_265 : vector<1x1x16xi32> to vector<16xi32>
    %add3A_267 = vector.broadcast %mul3A_0 : i32 to vector<16xi32>
    %add3A_268 = arith.addi %get3A_266, %add3A_267 : vector<16xi32>
    %swap3A_269 = arith.constant 3 : i32
    %swap3A_270 = arith.constant 0 : i32
    %swap3A_271 = arith.index_cast %swap3A_269 : i32 to index
    %swap3A_272 = arith.index_cast %swap3A_270 : i32 to index
    %swap3A_273 = arith.constant 0 : index
    %swap3A_274 = tpu.vector_load %arg5[%swap3A_271, %swap3A_272, %swap3A_273] {strides = array<i32>} : memref<5x2x64xi32, #tpu.memory_space<vmem>>, vector<1x1x16xi32>,
    %swap3A_275 = vector.shape_cast %swap3A_274 : vector<1x1x16xi32> to vector<16xi32>
    %swap3A_276 = vector.shape_cast %add3A_268 : vector<16xi32> to vector<1x1x16xi32>
    tpu.vector_store %arg5[%swap3A_271, %swap3A_272, %swap3A_273], %swap3A_276 {strides = array<i32>} : memref<5x2x64xi32, #tpu.memory_space<vmem>>, vector<1x1x16xi32>,
    %get3A_277 = arith.constant 3 : i32
    %get3A_278 = arith.constant 0 : i32
    %get3A_279 = arith.index_cast %get3A_277 : i32 to index
    %get3A_280 = arith.index_cast %get3A_278 : i32 to index
    %get3A_281 = arith.constant 16 : index
    %get3A_282 = tpu.vector_load %arg5[%get3A_279, %get3A_280, %get3A_281] {strides = array<i32>} : memref<5x2x64xi32, #tpu.memory_space<vmem>>, vector<1x1x16xi32>,
    %get3A_283 = vector.shape_cast %get3A_282 : vector<1x1x16xi32> to vector<16xi32>
    %add3A_284 = vector.broadcast %mul3A_0 : i32 to vector<16xi32>
    %add3A_285 = arith.addi %get3A_283, %add3A_284 : vector<16xi32>
    %swap3A_286 = arith.constant 3 : i32
    %swap3A_287 = arith.constant 0 : i32
    %swap3A_288 = arith.index_cast %swap3A_286 : i32 to index
    %swap3A_289 = arith.index_cast %swap3A_287 : i32 to index
    %swap3A_290 = arith.constant 16 : index
    %swap3A_291 = tpu.vector_load %arg5[%swap3A_288, %swap3A_289, %swap3A_290] {strides = array<i32>} : memref<5x2x64xi32, #tpu.memory_space<vmem>>, vector<1x1x16xi32>,
    %swap3A_292 = vector.shape_cast %swap3A_291 : vector<1x1x16xi32> to vector<16xi32>
    %swap3A_293 = vector.shape_cast %add3A_285 : vector<16xi32> to vector<1x1x16xi32>
    tpu.vector_store %arg5[%swap3A_288, %swap3A_289, %swap3A_290], %swap3A_293 {strides = array<i32>} : memref<5x2x64xi32, #tpu.memory_space<vmem>>, vector<1x1x16xi32>,
    %get3A_294 = arith.constant 3 : i32
    %get3A_295 = arith.constant 0 : i32
    %get3A_296 = arith.index_cast %get3A_294 : i32 to index
    %get3A_297 = arith.index_cast %get3A_295 : i32 to index
    %get3A_298 = arith.constant 32 : index
    %get3A_299 = tpu.vector_load %arg5[%get3A_296, %get3A_297, %get3A_298] {strides = array<i32>} : memref<5x2x64xi32, #tpu.memory_space<vmem>>, vector<1x1x16xi32>,
    %get3A_300 = vector.shape_cast %get3A_299 : vector<1x1x16xi32> to vector<16xi32>
    %add3A_301 = vector.broadcast %mul3A_0 : i32 to vector<16xi32>
    %add3A_302 = arith.addi %get3A_300, %add3A_301 : vector<16xi32>
    %swap3A_303 = arith.constant 3 : i32
    %swap3A_304 = arith.constant 0 : i32
    %swap3A_305 = arith.index_cast %swap3A_303 : i32 to index
    %swap3A_306 = arith.index_cast %swap3A_304 : i32 to index
    %swap3A_307 = arith.constant 32 : index
    %swap3A_308 = tpu.vector_load %arg5[%swap3A_305, %swap3A_306, %swap3A_307] {strides = array<i32>} : memref<5x2x64xi32, #tpu.memory_space<vmem>>, vector<1x1x16xi32>,
    %swap3A_309 = vector.shape_cast %swap3A_308 : vector<1x1x16xi32> to vector<16xi32>
    %swap3A_310 = vector.shape_cast %add3A_302 : vector<16xi32> to vector<1x1x16xi32>
    tpu.vector_store %arg5[%swap3A_305, %swap3A_306, %swap3A_307], %swap3A_310 {strides = array<i32>} : memref<5x2x64xi32, #tpu.memory_space<vmem>>, vector<1x1x16xi32>,
    %get3A_311 = arith.constant 3 : i32
    %get3A_312 = arith.constant 0 : i32
    %get3A_313 = arith.index_cast %get3A_311 : i32 to index
    %get3A_314 = arith.index_cast %get3A_312 : i32 to index
    %get3A_315 = arith.constant 48 : index
    %get3A_316 = tpu.vector_load %arg5[%get3A_313, %get3A_314, %get3A_315] {strides = array<i32>} : memref<5x2x64xi32, #tpu.memory_space<vmem>>, vector<1x1x16xi32>,
    %get3A_317 = vector.shape_cast %get3A_316 : vector<1x1x16xi32> to vector<16xi32>
    %add3A_318 = vector.broadcast %mul3A_0 : i32 to vector<16xi32>
    %add3A_319 = arith.addi %get3A_317, %add3A_318 : vector<16xi32>
    %swap3A_320 = arith.constant 3 : i32
    %swap3A_321 = arith.constant 0 : i32
    %swap3A_322 = arith.index_cast %swap3A_320 : i32 to index
    %swap3A_323 = arith.index_cast %swap3A_321 : i32 to index
    %swap3A_324 = arith.constant 48 : index
    %swap3A_325 = tpu.vector_load %arg5[%swap3A_322, %swap3A_323, %swap3A_324] {strides = array<i32>} : memref<5x2x64xi32, #tpu.memory_space<vmem>>, vector<1x1x16xi32>,
    %swap3A_326 = vector.shape_cast %swap3A_325 : vector<1x1x16xi32> to vector<16xi32>
    %swap3A_327 = vector.shape_cast %add3A_319 : vector<16xi32> to vector<1x1x16xi32>
    tpu.vector_store %arg5[%swap3A_322, %swap3A_323, %swap3A_324], %swap3A_327 {strides = array<i32>} : memref<5x2x64xi32, #tpu.memory_space<vmem>>, vector<1x1x16xi32>,
    %dma_start3A_328 = arith.constant 3 : i32
    %dma_start3A_329 = arith.constant 0 : i32
    %dma_start3A_330 = arith.constant 3 : i32
    %dma_start3A_331 = arith.constant 0 : i32
    %dma_start3A_332 = arith.constant 0 : i32
    %dma_start3A_333 = tpu.memref_slice %arg6[%dma_start3A_330, %dma_start3A_331, %dma_start3A_332] : memref<5x64x128xf32, #tpu.memory_space<vmem>> -> memref<1x64x128xf32, #tpu.memory_space<vmem>>
    %dma_start3A_334 = tpu.memref_squeeze %dma_start3A_333 : memref<1x64x128xf32, #tpu.memory_space<vmem>> -> memref<64x128xf32, #tpu.memory_space<vmem>>
    %dma_start3A_335 = arith.constant 0 : i32
    %dma_start3A_336 = tpu.memref_slice %arg5[%dma_start3A_328, %dma_start3A_329, %dma_start3A_335] : memref<5x2x64xi32, #tpu.memory_space<vmem>> -> memref<1x1x64xi32, #tpu.memory_space<vmem>>
    %dma_start3A_337 = tpu.memref_squeeze %dma_start3A_336 : memref<1x1x64xi32, #tpu.memory_space<vmem>> -> memref<64xi32, #tpu.memory_space<vmem>>
    %dma_start3A_338 = arith.constant 0 : i32
    %dma_start3A_339 = arith.constant 0 : i32
    %dma_start3A_340 = tpu.memref_slice %arg2[%dma_start3A_338, %dma_start3A_339] : memref<20224x128xf32, #tpu.memory_space<hbm>> -> memref<20224x128xf32, #tpu.memory_space<hbm>>
    tpu.enqueue_indirect_dma source(%dma_start3A_340 : memref<20224x128xf32, #tpu.memory_space<hbm>>) target(%dma_start3A_334 : memref<64x128xf32, #tpu.memory_space<vmem>>) offsets(%dma_start3A_337 : memref<64xi32, #tpu.memory_space<vmem>>) semaphore(%arg11 : memref<!tpu.dma_semaphore, #tpu.memory_space<semaphore_mem>>)
    %dma_wait3A = arith.constant 0 : i32
    %dma_wait3A_341 = arith.constant 0 : i32
    %dma_wait3A_342 = arith.constant 0 : i32
    %dma_wait3A_343 = arith.constant 0 : i32
    %dma_wait3A_344 = arith.constant 0 : i32
    %dma_wait3A_345 = tpu.memref_slice %arg6[%dma_wait3A_342, %dma_wait3A_343, %dma_wait3A_344] : memref<5x64x128xf32, #tpu.memory_space<vmem>> -> memref<1x64x128xf32, #tpu.memory_space<vmem>>
    %dma_wait3A_346 = tpu.memref_squeeze %dma_wait3A_345 : memref<1x64x128xf32, #tpu.memory_space<vmem>> -> memref<64x128xf32, #tpu.memory_space<vmem>>
    %dma_wait3A_347 = arith.constant 0 : i32
    %dma_wait3A_348 = tpu.memref_slice %arg5[%dma_wait3A, %dma_wait3A_341, %dma_wait3A_347] : memref<5x2x64xi32, #tpu.memory_space<vmem>> -> memref<1x1x64xi32, #tpu.memory_space<vmem>>
    %dma_wait3A_349 = tpu.memref_squeeze %dma_wait3A_348 : memref<1x1x64xi32, #tpu.memory_space<vmem>> -> memref<64xi32, #tpu.memory_space<vmem>>
    %dma_wait3A_350 = arith.constant 0 : i32
    %dma_wait3A_351 = arith.constant 0 : i32
    %dma_wait3A_352 = tpu.memref_slice %arg2[%dma_wait3A_350, %dma_wait3A_351] : memref<20224x128xf32, #tpu.memory_space<hbm>> -> memref<20224x128xf32, #tpu.memory_space<hbm>>
    tpu.wait_indirect_dma semaphore(%arg8 : memref<!tpu.dma_semaphore, #tpu.memory_space<semaphore_mem>>) src(%dma_wait3A_352 : memref<20224x128xf32, #tpu.memory_space<hbm>>) dst(%dma_wait3A_346 : memref<64x128xf32, #tpu.memory_space<vmem>>)
    %dma_start3A_353 = arith.constant 0 : i32
    %dma_start3A_354 = arith.constant 0 : i32
    %dma_start3A_355 = arith.constant 1 : i32
    %dma_start3A_356 = arith.constant 0 : i32
    %dma_start3A_357 = arith.constant 0 : i32
    %dma_start3A_358 = tpu.memref_slice %arg6[%dma_start3A_353, %dma_start3A_356, %dma_start3A_357] : memref<5x64x128xf32, #tpu.memory_space<vmem>> -> memref<1x64x128xf32, #tpu.memory_space<vmem>>
    %dma_start3A_359 = tpu.memref_squeeze %dma_start3A_358 : memref<1x64x128xf32, #tpu.memory_space<vmem>> -> memref<64x128xf32, #tpu.memory_space<vmem>>
    %dma_start3A_360 = arith.constant 0 : i32
    %dma_start3A_361 = tpu.memref_slice %arg5[%dma_start3A_354, %dma_start3A_355, %dma_start3A_360] : memref<5x2x64xi32, #tpu.memory_space<vmem>> -> memref<1x1x64xi32, #tpu.memory_space<vmem>>
    %dma_start3A_362 = tpu.memref_squeeze %dma_start3A_361 : memref<1x1x64xi32, #tpu.memory_space<vmem>> -> memref<64xi32, #tpu.memory_space<vmem>>
    %dma_start3A_363 = arith.constant 0 : i32
    %dma_start3A_364 = arith.constant 0 : i32
    %dma_start3A_365 = tpu.memref_slice %arg7[%dma_start3A_363, %dma_start3A_364] : memref<10112x128xf32, #tpu.memory_space<vmem_shared>> -> memref<10112x128xf32, #tpu.memory_space<vmem_shared>>
    tpu.enqueue_indirect_dma source(%dma_start3A_359 : memref<64x128xf32, #tpu.memory_space<vmem>>) target(%dma_start3A_365 : memref<10112x128xf32, #tpu.memory_space<vmem_shared>>) offsets(%dma_start3A_362 : memref<64xi32, #tpu.memory_space<vmem>>) semaphore(%arg13 : memref<!tpu.dma_semaphore, #tpu.memory_space<semaphore_mem>>) {add = true}
    %add3A_366 = arith.constant 4 : i32
    %add3A_367 = arith.addi %mul3A_2, %add3A_366 : i32
    %run_scoped3A_368 = arith.constant 4 : i32
    "tpu.region"() ({
      %run_scoped3A_628 = tpu.sem_alloc : memref<!tpu.dma_semaphore, #tpu.memory_space<semaphore_mem>>
      %dma_start3A_629 = arith.constant 0 : i32
      %dma_start3A_630 = arith.constant 0 : i32
      %dma_start3A_631 = tpu.memref_slice %arg5[%run_scoped3A_368, %dma_start3A_629, %dma_start3A_630] : memref<5x2x64xi32, #tpu.memory_space<vmem>> -> memref<1x2x64xi32, #tpu.memory_space<vmem>>
      %dma_start3A_632 = tpu.memref_squeeze %dma_start3A_631 : memref<1x2x64xi32, #tpu.memory_space<vmem>> -> memref<2x64xi32, #tpu.memory_space<vmem>>
      %dma_start3A_633 = arith.constant 0 : i32
      %dma_start3A_634 = arith.constant 0 : i32
      %dma_start3A_635 = tpu.memref_slice %arg3[%add3A_367, %dma_start3A_633, %dma_start3A_634] : memref<2560x2x64xi32, #tpu.memory_space<hbm>> -> memref<1x2x64xi32, #tpu.memory_space<hbm>>
      %dma_start3A_636 = tpu.memref_squeeze %dma_start3A_635 : memref<1x2x64xi32, #tpu.memory_space<hbm>> -> memref<2x64xi32, #tpu.memory_space<hbm>>
      %dma_start3A_637 = arith.constant 0 : i32
      %dma_start3A_638 = arith.constant 0 : i32
      %dma_start3A_639 = tpu.memref_slice %arg5[%run_scoped3A_368, %dma_start3A_637, %dma_start3A_638] : memref<5x2x64xi32, #tpu.memory_space<vmem>> -> memref<1x2x64xi32, #tpu.memory_space<vmem>>
      %dma_start3A_640 = tpu.memref_squeeze %dma_start3A_639 : memref<1x2x64xi32, #tpu.memory_space<vmem>> -> memref<2x64xi32, #tpu.memory_space<vmem>>
      %dma_start3A_641 = arith.constant 0 : i32
      %dma_start3A_642 = arith.constant 0 : i32
      %dma_start3A_643 = tpu.memref_slice %arg3[%add3A_367, %dma_start3A_641, %dma_start3A_642] : memref<2560x2x64xi32, #tpu.memory_space<hbm>> -> memref<1x2x64xi32, #tpu.memory_space<hbm>>
      %dma_start3A_644 = tpu.memref_squeeze %dma_start3A_643 : memref<1x2x64xi32, #tpu.memory_space<hbm>> -> memref<2x64xi32, #tpu.memory_space<hbm>>
      tpu.enqueue_dma source(%dma_start3A_644 : memref<2x64xi32, #tpu.memory_space<hbm>>) target(%dma_start3A_640 : memref<2x64xi32, #tpu.memory_space<vmem>>) target_semaphore(%run_scoped3A_628 : memref<!tpu.dma_semaphore, #tpu.memory_space<semaphore_mem>>)
      %dma_wait3A_645 = arith.constant 0 : i32
      %dma_wait3A_646 = arith.constant 0 : i32
      %dma_wait3A_647 = tpu.memref_slice %arg5[%run_scoped3A_368, %dma_wait3A_645, %dma_wait3A_646] : memref<5x2x64xi32, #tpu.memory_space<vmem>> -> memref<1x2x64xi32, #tpu.memory_space<vmem>>
      %dma_wait3A_648 = tpu.memref_squeeze %dma_wait3A_647 : memref<1x2x64xi32, #tpu.memory_space<vmem>> -> memref<2x64xi32, #tpu.memory_space<vmem>>
      %dma_wait3A_649 = arith.constant 0 : i32
      %dma_wait3A_650 = arith.constant 0 : i32
      %dma_wait3A_651 = tpu.memref_slice %arg3[%add3A_367, %dma_wait3A_649, %dma_wait3A_650] : memref<2560x2x64xi32, #tpu.memory_space<hbm>> -> memref<1x2x64xi32, #tpu.memory_space<hbm>>
      %dma_wait3A_652 = tpu.memref_squeeze %dma_wait3A_651 : memref<1x2x64xi32, #tpu.memory_space<hbm>> -> memref<2x64xi32, #tpu.memory_space<hbm>>
      %dma_wait3A_653 = arith.constant 0 : i32
      %dma_wait3A_654 = arith.constant 0 : i32
      %dma_wait3A_655 = tpu.memref_slice %arg5[%run_scoped3A_368, %dma_wait3A_653, %dma_wait3A_654] : memref<5x2x64xi32, #tpu.memory_space<vmem>> -> memref<1x2x64xi32, #tpu.memory_space<vmem>>
      %dma_wait3A_656 = tpu.memref_squeeze %dma_wait3A_655 : memref<1x2x64xi32, #tpu.memory_space<vmem>> -> memref<2x64xi32, #tpu.memory_space<vmem>>
      %dma_wait3A_657 = arith.constant 0 : i32
      %dma_wait3A_658 = arith.constant 0 : i32
      %dma_wait3A_659 = tpu.memref_slice %arg3[%add3A_367, %dma_wait3A_657, %dma_wait3A_658] : memref<2560x2x64xi32, #tpu.memory_space<hbm>> -> memref<1x2x64xi32, #tpu.memory_space<hbm>>
      %dma_wait3A_660 = tpu.memref_squeeze %dma_wait3A_659 : memref<1x2x64xi32, #tpu.memory_space<hbm>> -> memref<2x64xi32, #tpu.memory_space<hbm>>
      tpu.wait_dma2 semaphore(%run_scoped3A_628 : memref<!tpu.dma_semaphore, #tpu.memory_space<semaphore_mem>>) src(%dma_wait3A_660 : memref<2x64xi32, #tpu.memory_space<hbm>>) dst(%dma_wait3A_656 : memref<2x64xi32, #tpu.memory_space<vmem>>)
      tpu.yield
    }) : () -> ()
    %get3A_369 = arith.constant 4 : i32
    %get3A_370 = arith.constant 0 : i32
    %get3A_371 = arith.index_cast %get3A_369 : i32 to index
    %get3A_372 = arith.index_cast %get3A_370 : i32 to index
    %get3A_373 = arith.constant 0 : index
    %get3A_374 = tpu.vector_load %arg5[%get3A_371, %get3A_372, %get3A_373] {strides = array<i32>} : memref<5x2x64xi32, #tpu.memory_space<vmem>>, vector<1x1x16xi32>,
    %get3A_375 = vector.shape_cast %get3A_374 : vector<1x1x16xi32> to vector<16xi32>
    %add3A_376 = vector.broadcast %mul3A_0 : i32 to vector<16xi32>
    %add3A_377 = arith.addi %get3A_375, %add3A_376 : vector<16xi32>
    %swap3A_378 = arith.constant 4 : i32
    %swap3A_379 = arith.constant 0 : i32
    %swap3A_380 = arith.index_cast %swap3A_378 : i32 to index
    %swap3A_381 = arith.index_cast %swap3A_379 : i32 to index
    %swap3A_382 = arith.constant 0 : index
    %swap3A_383 = tpu.vector_load %arg5[%swap3A_380, %swap3A_381, %swap3A_382] {strides = array<i32>} : memref<5x2x64xi32, #tpu.memory_space<vmem>>, vector<1x1x16xi32>,
    %swap3A_384 = vector.shape_cast %swap3A_383 : vector<1x1x16xi32> to vector<16xi32>
    %swap3A_385 = vector.shape_cast %add3A_377 : vector<16xi32> to vector<1x1x16xi32>
    tpu.vector_store %arg5[%swap3A_380, %swap3A_381, %swap3A_382], %swap3A_385 {strides = array<i32>} : memref<5x2x64xi32, #tpu.memory_space<vmem>>, vector<1x1x16xi32>,
    %get3A_386 = arith.constant 4 : i32
    %get3A_387 = arith.constant 0 : i32
    %get3A_388 = arith.index_cast %get3A_386 : i32 to index
    %get3A_389 = arith.index_cast %get3A_387 : i32 to index
    %get3A_390 = arith.constant 16 : index
    %get3A_391 = tpu.vector_load %arg5[%get3A_388, %get3A_389, %get3A_390] {strides = array<i32>} : memref<5x2x64xi32, #tpu.memory_space<vmem>>, vector<1x1x16xi32>,
    %get3A_392 = vector.shape_cast %get3A_391 : vector<1x1x16xi32> to vector<16xi32>
    %add3A_393 = vector.broadcast %mul3A_0 : i32 to vector<16xi32>
    %add3A_394 = arith.addi %get3A_392, %add3A_393 : vector<16xi32>
    %swap3A_395 = arith.constant 4 : i32
    %swap3A_396 = arith.constant 0 : i32
    %swap3A_397 = arith.index_cast %swap3A_395 : i32 to index
    %swap3A_398 = arith.index_cast %swap3A_396 : i32 to index
    %swap3A_399 = arith.constant 16 : index
    %swap3A_400 = tpu.vector_load %arg5[%swap3A_397, %swap3A_398, %swap3A_399] {strides = array<i32>} : memref<5x2x64xi32, #tpu.memory_space<vmem>>, vector<1x1x16xi32>,
    %swap3A_401 = vector.shape_cast %swap3A_400 : vector<1x1x16xi32> to vector<16xi32>
    %swap3A_402 = vector.shape_cast %add3A_394 : vector<16xi32> to vector<1x1x16xi32>
    tpu.vector_store %arg5[%swap3A_397, %swap3A_398, %swap3A_399], %swap3A_402 {strides = array<i32>} : memref<5x2x64xi32, #tpu.memory_space<vmem>>, vector<1x1x16xi32>,
    %get3A_403 = arith.constant 4 : i32
    %get3A_404 = arith.constant 0 : i32
    %get3A_405 = arith.index_cast %get3A_403 : i32 to index
    %get3A_406 = arith.index_cast %get3A_404 : i32 to index
    %get3A_407 = arith.constant 32 : index
    %get3A_408 = tpu.vector_load %arg5[%get3A_405, %get3A_406, %get3A_407] {strides = array<i32>} : memref<5x2x64xi32, #tpu.memory_space<vmem>>, vector<1x1x16xi32>,
    %get3A_409 = vector.shape_cast %get3A_408 : vector<1x1x16xi32> to vector<16xi32>
    %add3A_410 = vector.broadcast %mul3A_0 : i32 to vector<16xi32>
    %add3A_411 = arith.addi %get3A_409, %add3A_410 : vector<16xi32>
    %swap3A_412 = arith.constant 4 : i32
    %swap3A_413 = arith.constant 0 : i32
    %swap3A_414 = arith.index_cast %swap3A_412 : i32 to index
    %swap3A_415 = arith.index_cast %swap3A_413 : i32 to index
    %swap3A_416 = arith.constant 32 : index
    %swap3A_417 = tpu.vector_load %arg5[%swap3A_414, %swap3A_415, %swap3A_416] {strides = array<i32>} : memref<5x2x64xi32, #tpu.memory_space<vmem>>, vector<1x1x16xi32>,
    %swap3A_418 = vector.shape_cast %swap3A_417 : vector<1x1x16xi32> to vector<16xi32>
    %swap3A_419 = vector.shape_cast %add3A_411 : vector<16xi32> to vector<1x1x16xi32>
    tpu.vector_store %arg5[%swap3A_414, %swap3A_415, %swap3A_416], %swap3A_419 {strides = array<i32>} : memref<5x2x64xi32, #tpu.memory_space<vmem>>, vector<1x1x16xi32>,
    %get3A_420 = arith.constant 4 : i32
    %get3A_421 = arith.constant 0 : i32
    %get3A_422 = arith.index_cast %get3A_420 : i32 to index
    %get3A_423 = arith.index_cast %get3A_421 : i32 to index
    %get3A_424 = arith.constant 48 : index
    %get3A_425 = tpu.vector_load %arg5[%get3A_422, %get3A_423, %get3A_424] {strides = array<i32>} : memref<5x2x64xi32, #tpu.memory_space<vmem>>, vector<1x1x16xi32>,
    %get3A_426 = vector.shape_cast %get3A_425 : vector<1x1x16xi32> to vector<16xi32>
    %add3A_427 = vector.broadcast %mul3A_0 : i32 to vector<16xi32>
    %add3A_428 = arith.addi %get3A_426, %add3A_427 : vector<16xi32>
    %swap3A_429 = arith.constant 4 : i32
    %swap3A_430 = arith.constant 0 : i32
    %swap3A_431 = arith.index_cast %swap3A_429 : i32 to index
    %swap3A_432 = arith.index_cast %swap3A_430 : i32 to index
    %swap3A_433 = arith.constant 48 : index
    %swap3A_434 = tpu.vector_load %arg5[%swap3A_431, %swap3A_432, %swap3A_433] {strides = array<i32>} : memref<5x2x64xi32, #tpu.memory_space<vmem>>, vector<1x1x16xi32>,
    %swap3A_435 = vector.shape_cast %swap3A_434 : vector<1x1x16xi32> to vector<16xi32>
    %swap3A_436 = vector.shape_cast %add3A_428 : vector<16xi32> to vector<1x1x16xi32>
    tpu.vector_store %arg5[%swap3A_431, %swap3A_432, %swap3A_433], %swap3A_436 {strides = array<i32>} : memref<5x2x64xi32, #tpu.memory_space<vmem>>, vector<1x1x16xi32>,
    %dma_start3A_437 = arith.constant 4 : i32
    %dma_start3A_438 = arith.constant 0 : i32
    %dma_start3A_439 = arith.constant 4 : i32
    %dma_start3A_440 = arith.constant 0 : i32
    %dma_start3A_441 = arith.constant 0 : i32
    %dma_start3A_442 = tpu.memref_slice %arg6[%dma_start3A_439, %dma_start3A_440, %dma_start3A_441] : memref<5x64x128xf32, #tpu.memory_space<vmem>> -> memref<1x64x128xf32, #tpu.memory_space<vmem>>
    %dma_start3A_443 = tpu.memref_squeeze %dma_start3A_442 : memref<1x64x128xf32, #tpu.memory_space<vmem>> -> memref<64x128xf32, #tpu.memory_space<vmem>>
    %dma_start3A_444 = arith.constant 0 : i32
    %dma_start3A_445 = tpu.memref_slice %arg5[%dma_start3A_437, %dma_start3A_438, %dma_start3A_444] : memref<5x2x64xi32, #tpu.memory_space<vmem>> -> memref<1x1x64xi32, #tpu.memory_space<vmem>>
    %dma_start3A_446 = tpu.memref_squeeze %dma_start3A_445 : memref<1x1x64xi32, #tpu.memory_space<vmem>> -> memref<64xi32, #tpu.memory_space<vmem>>
    %dma_start3A_447 = arith.constant 0 : i32
    %dma_start3A_448 = arith.constant 0 : i32
    %dma_start3A_449 = tpu.memref_slice %arg2[%dma_start3A_447, %dma_start3A_448] : memref<20224x128xf32, #tpu.memory_space<hbm>> -> memref<20224x128xf32, #tpu.memory_space<hbm>>
    tpu.enqueue_indirect_dma source(%dma_start3A_449 : memref<20224x128xf32, #tpu.memory_space<hbm>>) target(%dma_start3A_443 : memref<64x128xf32, #tpu.memory_space<vmem>>) offsets(%dma_start3A_446 : memref<64xi32, #tpu.memory_space<vmem>>) semaphore(%arg12 : memref<!tpu.dma_semaphore, #tpu.memory_space<semaphore_mem>>)
    %dma_wait3A_450 = arith.constant 1 : i32
    %dma_wait3A_451 = arith.constant 0 : i32
    %dma_wait3A_452 = arith.constant 1 : i32
    %dma_wait3A_453 = arith.constant 0 : i32
    %dma_wait3A_454 = arith.constant 0 : i32
    %dma_wait3A_455 = tpu.memref_slice %arg6[%dma_wait3A_452, %dma_wait3A_453, %dma_wait3A_454] : memref<5x64x128xf32, #tpu.memory_space<vmem>> -> memref<1x64x128xf32, #tpu.memory_space<vmem>>
    %dma_wait3A_456 = tpu.memref_squeeze %dma_wait3A_455 : memref<1x64x128xf32, #tpu.memory_space<vmem>> -> memref<64x128xf32, #tpu.memory_space<vmem>>
    %dma_wait3A_457 = arith.constant 0 : i32
    %dma_wait3A_458 = tpu.memref_slice %arg5[%dma_wait3A_450, %dma_wait3A_451, %dma_wait3A_457] : memref<5x2x64xi32, #tpu.memory_space<vmem>> -> memref<1x1x64xi32, #tpu.memory_space<vmem>>
    %dma_wait3A_459 = tpu.memref_squeeze %dma_wait3A_458 : memref<1x1x64xi32, #tpu.memory_space<vmem>> -> memref<64xi32, #tpu.memory_space<vmem>>
    %dma_wait3A_460 = arith.constant 0 : i32
    %dma_wait3A_461 = arith.constant 0 : i32
    %dma_wait3A_462 = tpu.memref_slice %arg2[%dma_wait3A_460, %dma_wait3A_461] : memref<20224x128xf32, #tpu.memory_space<hbm>> -> memref<20224x128xf32, #tpu.memory_space<hbm>>
    tpu.wait_indirect_dma semaphore(%arg9 : memref<!tpu.dma_semaphore, #tpu.memory_space<semaphore_mem>>) src(%dma_wait3A_462 : memref<20224x128xf32, #tpu.memory_space<hbm>>) dst(%dma_wait3A_456 : memref<64x128xf32, #tpu.memory_space<vmem>>)
    %dma_start3A_463 = arith.constant 1 : i32
    %dma_start3A_464 = arith.constant 1 : i32
    %dma_start3A_465 = arith.constant 1 : i32
    %dma_start3A_466 = arith.constant 0 : i32
    %dma_start3A_467 = arith.constant 0 : i32
    %dma_start3A_468 = tpu.memref_slice %arg6[%dma_start3A_463, %dma_start3A_466, %dma_start3A_467] : memref<5x64x128xf32, #tpu.memory_space<vmem>> -> memref<1x64x128xf32, #tpu.memory_space<vmem>>
    %dma_start3A_469 = tpu.memref_squeeze %dma_start3A_468 : memref<1x64x128xf32, #tpu.memory_space<vmem>> -> memref<64x128xf32, #tpu.memory_space<vmem>>
    %dma_start3A_470 = arith.constant 0 : i32
    %dma_start3A_471 = tpu.memref_slice %arg5[%dma_start3A_464, %dma_start3A_465, %dma_start3A_470] : memref<5x2x64xi32, #tpu.memory_space<vmem>> -> memref<1x1x64xi32, #tpu.memory_space<vmem>>
    %dma_start3A_472 = tpu.memref_squeeze %dma_start3A_471 : memref<1x1x64xi32, #tpu.memory_space<vmem>> -> memref<64xi32, #tpu.memory_space<vmem>>
    %dma_start3A_473 = arith.constant 0 : i32
    %dma_start3A_474 = arith.constant 0 : i32
    %dma_start3A_475 = tpu.memref_slice %arg7[%dma_start3A_473, %dma_start3A_474] : memref<10112x128xf32, #tpu.memory_space<vmem_shared>> -> memref<10112x128xf32, #tpu.memory_space<vmem_shared>>
    tpu.enqueue_indirect_dma source(%dma_start3A_469 : memref<64x128xf32, #tpu.memory_space<vmem>>) target(%dma_start3A_475 : memref<10112x128xf32, #tpu.memory_space<vmem_shared>>) offsets(%dma_start3A_472 : memref<64xi32, #tpu.memory_space<vmem>>) semaphore(%arg14 : memref<!tpu.dma_semaphore, #tpu.memory_space<semaphore_mem>>) {add = true}
    %scan3A = arith.constant 0 : i32
    %scan3A_476 = arith.constant 31 : i32
    %scan3A_477 = arith.addi %scan3A, %scan3A_476 : i32
    %scan3A_478 = arith.constant 1 : i32
    scf.for %scan3A_628 = %scan3A to %scan3A_477 step %scan3A_478  : i32 {
      %mul3A_629 = arith.constant 5 : i32
      %mul3A_630 = arith.muli %scan3A_628, %mul3A_629 : i32
      %add3A_631 = arith.constant 2 : i32
      %add3A_632 = arith.addi %add3A_631, %mul3A_630 : i32
      %dma_wait3A_633 = arith.constant 0 : i32
      %dma_wait3A_634 = arith.constant 0 : i32
      %dma_wait3A_635 = arith.constant 1 : i32
      %dma_wait3A_636 = arith.constant 0 : i32
      %dma_wait3A_637 = arith.constant 0 : i32
      %dma_wait3A_638 = tpu.memref_slice %arg6[%dma_wait3A_633, %dma_wait3A_636, %dma_wait3A_637] : memref<5x64x128xf32, #tpu.memory_space<vmem>> -> memref<1x64x128xf32, #tpu.memory_space<vmem>>
      %dma_wait3A_639 = tpu.memref_squeeze %dma_wait3A_638 : memref<1x64x128xf32, #tpu.memory_space<vmem>> -> memref<64x128xf32, #tpu.memory_space<vmem>>
      %dma_wait3A_640 = arith.constant 0 : i32
      %dma_wait3A_641 = tpu.memref_slice %arg5[%dma_wait3A_634, %dma_wait3A_635, %dma_wait3A_640] : memref<5x2x64xi32, #tpu.memory_space<vmem>> -> memref<1x1x64xi32, #tpu.memory_space<vmem>>
      %dma_wait3A_642 = tpu.memref_squeeze %dma_wait3A_641 : memref<1x1x64xi32, #tpu.memory_space<vmem>> -> memref<64xi32, #tpu.memory_space<vmem>>
      %dma_wait3A_643 = arith.constant 0 : i32
      %dma_wait3A_644 = arith.constant 0 : i32
      %dma_wait3A_645 = tpu.memref_slice %arg7[%dma_wait3A_643, %dma_wait3A_644] : memref<10112x128xf32, #tpu.memory_space<vmem_shared>> -> memref<10112x128xf32, #tpu.memory_space<vmem_shared>>
      tpu.wait_indirect_dma semaphore(%arg13 : memref<!tpu.dma_semaphore, #tpu.memory_space<semaphore_mem>>) src(%dma_wait3A_639 : memref<64x128xf32, #tpu.memory_space<vmem>>) dst(%dma_wait3A_645 : memref<10112x128xf32, #tpu.memory_space<vmem_shared>>)
      %add3A_646 = arith.constant 0 : i32
      %add3A_647 = arith.addi %add3A_632, %add3A_646 : i32
      %add3A_648 = arith.constant 5 : i32
      %add3A_649 = arith.addi %add3A_647, %add3A_648 : i32
      %sub3A = arith.constant 2 : i32
      %sub3A_650 = arith.subi %add3A_649, %sub3A : i32
      %add3A_651 = arith.addi %mul3A_2, %sub3A_650 : i32
      %run_scoped3A_652 = arith.constant 0 : i32
      "tpu.region"() ({
        %run_scoped3A_1272 = tpu.sem_alloc : memref<!tpu.dma_semaphore, #tpu.memory_space<semaphore_mem>>
        %dma_start3A_1273 = arith.constant 0 : i32
        %dma_start3A_1274 = arith.constant 0 : i32
        %dma_start3A_1275 = tpu.memref_slice %arg5[%run_scoped3A_652, %dma_start3A_1273, %dma_start3A_1274] : memref<5x2x64xi32, #tpu.memory_space<vmem>> -> memref<1x2x64xi32, #tpu.memory_space<vmem>>
        %dma_start3A_1276 = tpu.memref_squeeze %dma_start3A_1275 : memref<1x2x64xi32, #tpu.memory_space<vmem>> -> memref<2x64xi32, #tpu.memory_space<vmem>>
        %dma_start3A_1277 = arith.constant 0 : i32
        %dma_start3A_1278 = arith.constant 0 : i32
        %dma_start3A_1279 = tpu.memref_slice %arg3[%add3A_651, %dma_start3A_1277, %dma_start3A_1278] : memref<2560x2x64xi32, #tpu.memory_space<hbm>> -> memref<1x2x64xi32, #tpu.memory_space<hbm>>
        %dma_start3A_1280 = tpu.memref_squeeze %dma_start3A_1279 : memref<1x2x64xi32, #tpu.memory_space<hbm>> -> memref<2x64xi32, #tpu.memory_space<hbm>>
        %dma_start3A_1281 = arith.constant 0 : i32
        %dma_start3A_1282 = arith.constant 0 : i32
        %dma_start3A_1283 = tpu.memref_slice %arg5[%run_scoped3A_652, %dma_start3A_1281, %dma_start3A_1282] : memref<5x2x64xi32, #tpu.memory_space<vmem>> -> memref<1x2x64xi32, #tpu.memory_space<vmem>>
        %dma_start3A_1284 = tpu.memref_squeeze %dma_start3A_1283 : memref<1x2x64xi32, #tpu.memory_space<vmem>> -> memref<2x64xi32, #tpu.memory_space<vmem>>
        %dma_start3A_1285 = arith.constant 0 : i32
        %dma_start3A_1286 = arith.constant 0 : i32
        %dma_start3A_1287 = tpu.memref_slice %arg3[%add3A_651, %dma_start3A_1285, %dma_start3A_1286] : memref<2560x2x64xi32, #tpu.memory_space<hbm>> -> memref<1x2x64xi32, #tpu.memory_space<hbm>>
        %dma_start3A_1288 = tpu.memref_squeeze %dma_start3A_1287 : memref<1x2x64xi32, #tpu.memory_space<hbm>> -> memref<2x64xi32, #tpu.memory_space<hbm>>
        tpu.enqueue_dma source(%dma_start3A_1288 : memref<2x64xi32, #tpu.memory_space<hbm>>) target(%dma_start3A_1284 : memref<2x64xi32, #tpu.memory_space<vmem>>) target_semaphore(%run_scoped3A_1272 : memref<!tpu.dma_semaphore, #tpu.memory_space<semaphore_mem>>)
        %dma_wait3A_1289 = arith.constant 0 : i32
        %dma_wait3A_1290 = arith.constant 0 : i32
        %dma_wait3A_1291 = tpu.memref_slice %arg5[%run_scoped3A_652, %dma_wait3A_1289, %dma_wait3A_1290] : memref<5x2x64xi32, #tpu.memory_space<vmem>> -> memref<1x2x64xi32, #tpu.memory_space<vmem>>
        %dma_wait3A_1292 = tpu.memref_squeeze %dma_wait3A_1291 : memref<1x2x64xi32, #tpu.memory_space<vmem>> -> memref<2x64xi32, #tpu.memory_space<vmem>>
        %dma_wait3A_1293 = arith.constant 0 : i32
        %dma_wait3A_1294 = arith.constant 0 : i32
        %dma_wait3A_1295 = tpu.memref_slice %arg3[%add3A_651, %dma_wait3A_1293, %dma_wait3A_1294] : memref<2560x2x64xi32, #tpu.memory_space<hbm>> -> memref<1x2x64xi32, #tpu.memory_space<hbm>>
        %dma_wait3A_1296 = tpu.memref_squeeze %dma_wait3A_1295 : memref<1x2x64xi32, #tpu.memory_space<hbm>> -> memref<2x64xi32, #tpu.memory_space<hbm>>
        %dma_wait3A_1297 = arith.constant 0 : i32
        %dma_wait3A_1298 = arith.constant 0 : i32
        %dma_wait3A_1299 = tpu.memref_slice %arg5[%run_scoped3A_652, %dma_wait3A_1297, %dma_wait3A_1298] : memref<5x2x64xi32, #tpu.memory_space<vmem>> -> memref<1x2x64xi32, #tpu.memory_space<vmem>>
        %dma_wait3A_1300 = tpu.memref_squeeze %dma_wait3A_1299 : memref<1x2x64xi32, #tpu.memory_space<vmem>> -> memref<2x64xi32, #tpu.memory_space<vmem>>
        %dma_wait3A_1301 = arith.constant 0 : i32
        %dma_wait3A_1302 = arith.constant 0 : i32
        %dma_wait3A_1303 = tpu.memref_slice %arg3[%add3A_651, %dma_wait3A_1301, %dma_wait3A_1302] : memref<2560x2x64xi32, #tpu.memory_space<hbm>> -> memref<1x2x64xi32, #tpu.memory_space<hbm>>
        %dma_wait3A_1304 = tpu.memref_squeeze %dma_wait3A_1303 : memref<1x2x64xi32, #tpu.memory_space<hbm>> -> memref<2x64xi32, #tpu.memory_space<hbm>>
        tpu.wait_dma2 semaphore(%run_scoped3A_1272 : memref<!tpu.dma_semaphore, #tpu.memory_space<semaphore_mem>>) src(%dma_wait3A_1304 : memref<2x64xi32, #tpu.memory_space<hbm>>) dst(%dma_wait3A_1300 : memref<2x64xi32, #tpu.memory_space<vmem>>)
        tpu.yield
      }) : () -> ()
      %get3A_653 = arith.constant 0 : i32
      %get3A_654 = arith.constant 0 : i32
      %get3A_655 = arith.index_cast %get3A_653 : i32 to index
      %get3A_656 = arith.index_cast %get3A_654 : i32 to index
      %get3A_657 = arith.constant 0 : index
      %get3A_658 = tpu.vector_load %arg5[%get3A_655, %get3A_656, %get3A_657] {strides = array<i32>} : memref<5x2x64xi32, #tpu.memory_space<vmem>>, vector<1x1x16xi32>,
      %get3A_659 = vector.shape_cast %get3A_658 : vector<1x1x16xi32> to vector<16xi32>
      %add3A_660 = vector.broadcast %mul3A_0 : i32 to vector<16xi32>
      %add3A_661 = arith.addi %get3A_659, %add3A_660 : vector<16xi32>
      %swap3A_662 = arith.constant 0 : i32
      %swap3A_663 = arith.constant 0 : i32
      %swap3A_664 = arith.index_cast %swap3A_662 : i32 to index
      %swap3A_665 = arith.index_cast %swap3A_663 : i32 to index
      %swap3A_666 = arith.constant 0 : index
      %swap3A_667 = tpu.vector_load %arg5[%swap3A_664, %swap3A_665, %swap3A_666] {strides = array<i32>} : memref<5x2x64xi32, #tpu.memory_space<vmem>>, vector<1x1x16xi32>,
      %swap3A_668 = vector.shape_cast %swap3A_667 : vector<1x1x16xi32> to vector<16xi32>
      %swap3A_669 = vector.shape_cast %add3A_661 : vector<16xi32> to vector<1x1x16xi32>
      tpu.vector_store %arg5[%swap3A_664, %swap3A_665, %swap3A_666], %swap3A_669 {strides = array<i32>} : memref<5x2x64xi32, #tpu.memory_space<vmem>>, vector<1x1x16xi32>,
      %get3A_670 = arith.constant 0 : i32
      %get3A_671 = arith.constant 0 : i32
      %get3A_672 = arith.index_cast %get3A_670 : i32 to index
      %get3A_673 = arith.index_cast %get3A_671 : i32 to index
      %get3A_674 = arith.constant 16 : index
      %get3A_675 = tpu.vector_load %arg5[%get3A_672, %get3A_673, %get3A_674] {strides = array<i32>} : memref<5x2x64xi32, #tpu.memory_space<vmem>>, vector<1x1x16xi32>,
      %get3A_676 = vector.shape_cast %get3A_675 : vector<1x1x16xi32> to vector<16xi32>
      %add3A_677 = vector.broadcast %mul3A_0 : i32 to vector<16xi32>
      %add3A_678 = arith.addi %get3A_676, %add3A_677 : vector<16xi32>
      %swap3A_679 = arith.constant 0 : i32
      %swap3A_680 = arith.constant 0 : i32
      %swap3A_681 = arith.index_cast %swap3A_679 : i32 to index
      %swap3A_682 = arith.index_cast %swap3A_680 : i32 to index
      %swap3A_683 = arith.constant 16 : index
      %swap3A_684 = tpu.vector_load %arg5[%swap3A_681, %swap3A_682, %swap3A_683] {strides = array<i32>} : memref<5x2x64xi32, #tpu.memory_space<vmem>>, vector<1x1x16xi32>,
      %swap3A_685 = vector.shape_cast %swap3A_684 : vector<1x1x16xi32> to vector<16xi32>
      %swap3A_686 = vector.shape_cast %add3A_678 : vector<16xi32> to vector<1x1x16xi32>
      tpu.vector_store %arg5[%swap3A_681, %swap3A_682, %swap3A_683], %swap3A_686 {strides = array<i32>} : memref<5x2x64xi32, #tpu.memory_space<vmem>>, vector<1x1x16xi32>,
      %get3A_687 = arith.constant 0 : i32
      %get3A_688 = arith.constant 0 : i32
      %get3A_689 = arith.index_cast %get3A_687 : i32 to index
      %get3A_690 = arith.index_cast %get3A_688 : i32 to index
      %get3A_691 = arith.constant 32 : index
      %get3A_692 = tpu.vector_load %arg5[%get3A_689, %get3A_690, %get3A_691] {strides = array<i32>} : memref<5x2x64xi32, #tpu.memory_space<vmem>>, vector<1x1x16xi32>,
      %get3A_693 = vector.shape_cast %get3A_692 : vector<1x1x16xi32> to vector<16xi32>
      %add3A_694 = vector.broadcast %mul3A_0 : i32 to vector<16xi32>
      %add3A_695 = arith.addi %get3A_693, %add3A_694 : vector<16xi32>
      %swap3A_696 = arith.constant 0 : i32
      %swap3A_697 = arith.constant 0 : i32
      %swap3A_698 = arith.index_cast %swap3A_696 : i32 to index
      %swap3A_699 = arith.index_cast %swap3A_697 : i32 to index
      %swap3A_700 = arith.constant 32 : index
      %swap3A_701 = tpu.vector_load %arg5[%swap3A_698, %swap3A_699, %swap3A_700] {strides = array<i32>} : memref<5x2x64xi32, #tpu.memory_space<vmem>>, vector<1x1x16xi32>,
      %swap3A_702 = vector.shape_cast %swap3A_701 : vector<1x1x16xi32> to vector<16xi32>
      %swap3A_703 = vector.shape_cast %add3A_695 : vector<16xi32> to vector<1x1x16xi32>
      tpu.vector_store %arg5[%swap3A_698, %swap3A_699, %swap3A_700], %swap3A_703 {strides = array<i32>} : memref<5x2x64xi32, #tpu.memory_space<vmem>>, vector<1x1x16xi32>,
      %get3A_704 = arith.constant 0 : i32
      %get3A_705 = arith.constant 0 : i32
      %get3A_706 = arith.index_cast %get3A_704 : i32 to index
      %get3A_707 = arith.index_cast %get3A_705 : i32 to index
      %get3A_708 = arith.constant 48 : index
      %get3A_709 = tpu.vector_load %arg5[%get3A_706, %get3A_707, %get3A_708] {strides = array<i32>} : memref<5x2x64xi32, #tpu.memory_space<vmem>>, vector<1x1x16xi32>,
      %get3A_710 = vector.shape_cast %get3A_709 : vector<1x1x16xi32> to vector<16xi32>
      %add3A_711 = vector.broadcast %mul3A_0 : i32 to vector<16xi32>
      %add3A_712 = arith.addi %get3A_710, %add3A_711 : vector<16xi32>
      %swap3A_713 = arith.constant 0 : i32
      %swap3A_714 = arith.constant 0 : i32
      %swap3A_715 = arith.index_cast %swap3A_713 : i32 to index
      %swap3A_716 = arith.index_cast %swap3A_714 : i32 to index
      %swap3A_717 = arith.constant 48 : index
      %swap3A_718 = tpu.vector_load %arg5[%swap3A_715, %swap3A_716, %swap3A_717] {strides = array<i32>} : memref<5x2x64xi32, #tpu.memory_space<vmem>>, vector<1x1x16xi32>,
      %swap3A_719 = vector.shape_cast %swap3A_718 : vector<1x1x16xi32> to vector<16xi32>
      %swap3A_720 = vector.shape_cast %add3A_712 : vector<16xi32> to vector<1x1x16xi32>
      tpu.vector_store %arg5[%swap3A_715, %swap3A_716, %swap3A_717], %swap3A_720 {strides = array<i32>} : memref<5x2x64xi32, #tpu.memory_space<vmem>>, vector<1x1x16xi32>,
      %dma_start3A_721 = arith.constant 0 : i32
      %dma_start3A_722 = arith.constant 0 : i32
      %dma_start3A_723 = arith.constant 0 : i32
      %dma_start3A_724 = arith.constant 0 : i32
      %dma_start3A_725 = arith.constant 0 : i32
      %dma_start3A_726 = tpu.memref_slice %arg6[%dma_start3A_723, %dma_start3A_724, %dma_start3A_725] : memref<5x64x128xf32, #tpu.memory_space<vmem>> -> memref<1x64x128xf32, #tpu.memory_space<vmem>>
      %dma_start3A_727 = tpu.memref_squeeze %dma_start3A_726 : memref<1x64x128xf32, #tpu.memory_space<vmem>> -> memref<64x128xf32, #tpu.memory_space<vmem>>
      %dma_start3A_728 = arith.constant 0 : i32
      %dma_start3A_729 = tpu.memref_slice %arg5[%dma_start3A_721, %dma_start3A_722, %dma_start3A_728] : memref<5x2x64xi32, #tpu.memory_space<vmem>> -> memref<1x1x64xi32, #tpu.memory_space<vmem>>
      %dma_start3A_730 = tpu.memref_squeeze %dma_start3A_729 : memref<1x1x64xi32, #tpu.memory_space<vmem>> -> memref<64xi32, #tpu.memory_space<vmem>>
      %dma_start3A_731 = arith.constant 0 : i32
      %dma_start3A_732 = arith.constant 0 : i32
      %dma_start3A_733 = tpu.memref_slice %arg2[%dma_start3A_731, %dma_start3A_732] : memref<20224x128xf32, #tpu.memory_space<hbm>> -> memref<20224x128xf32, #tpu.memory_space<hbm>>
      tpu.enqueue_indirect_dma source(%dma_start3A_733 : memref<20224x128xf32, #tpu.memory_space<hbm>>) target(%dma_start3A_727 : memref<64x128xf32, #tpu.memory_space<vmem>>) offsets(%dma_start3A_730 : memref<64xi32, #tpu.memory_space<vmem>>) semaphore(%arg8 : memref<!tpu.dma_semaphore, #tpu.memory_space<semaphore_mem>>)
      %dma_wait3A_734 = arith.constant 2 : i32
      %dma_wait3A_735 = arith.constant 0 : i32
      %dma_wait3A_736 = arith.constant 2 : i32
      %dma_wait3A_737 = arith.constant 0 : i32
      %dma_wait3A_738 = arith.constant 0 : i32
      %dma_wait3A_739 = tpu.memref_slice %arg6[%dma_wait3A_736, %dma_wait3A_737, %dma_wait3A_738] : memref<5x64x128xf32, #tpu.memory_space<vmem>> -> memref<1x64x128xf32, #tpu.memory_space<vmem>>
      %dma_wait3A_740 = tpu.memref_squeeze %dma_wait3A_739 : memref<1x64x128xf32, #tpu.memory_space<vmem>> -> memref<64x128xf32, #tpu.memory_space<vmem>>
      %dma_wait3A_741 = arith.constant 0 : i32
      %dma_wait3A_742 = tpu.memref_slice %arg5[%dma_wait3A_734, %dma_wait3A_735, %dma_wait3A_741] : memref<5x2x64xi32, #tpu.memory_space<vmem>> -> memref<1x1x64xi32, #tpu.memory_space<vmem>>
      %dma_wait3A_743 = tpu.memref_squeeze %dma_wait3A_742 : memref<1x1x64xi32, #tpu.memory_space<vmem>> -> memref<64xi32, #tpu.memory_space<vmem>>
      %dma_wait3A_744 = arith.constant 0 : i32
      %dma_wait3A_745 = arith.constant 0 : i32
      %dma_wait3A_746 = tpu.memref_slice %arg2[%dma_wait3A_744, %dma_wait3A_745] : memref<20224x128xf32, #tpu.memory_space<hbm>> -> memref<20224x128xf32, #tpu.memory_space<hbm>>
      tpu.wait_indirect_dma semaphore(%arg10 : memref<!tpu.dma_semaphore, #tpu.memory_space<semaphore_mem>>) src(%dma_wait3A_746 : memref<20224x128xf32, #tpu.memory_space<hbm>>) dst(%dma_wait3A_740 : memref<64x128xf32, #tpu.memory_space<vmem>>)
      %dma_start3A_747 = arith.constant 2 : i32
      %dma_start3A_748 = arith.constant 2 : i32
      %dma_start3A_749 = arith.constant 1 : i32
      %dma_start3A_750 = arith.constant 0 : i32
      %dma_start3A_751 = arith.constant 0 : i32
      %dma_start3A_752 = tpu.memref_slice %arg6[%dma_start3A_747, %dma_start3A_750, %dma_start3A_751] : memref<5x64x128xf32, #tpu.memory_space<vmem>> -> memref<1x64x128xf32, #tpu.memory_space<vmem>>
      %dma_start3A_753 = tpu.memref_squeeze %dma_start3A_752 : memref<1x64x128xf32, #tpu.memory_space<vmem>> -> memref<64x128xf32, #tpu.memory_space<vmem>>
      %dma_start3A_754 = arith.constant 0 : i32
      %dma_start3A_755 = tpu.memref_slice %arg5[%dma_start3A_748, %dma_start3A_749, %dma_start3A_754] : memref<5x2x64xi32, #tpu.memory_space<vmem>> -> memref<1x1x64xi32, #tpu.memory_space<vmem>>
      %dma_start3A_756 = tpu.memref_squeeze %dma_start3A_755 : memref<1x1x64xi32, #tpu.memory_space<vmem>> -> memref<64xi32, #tpu.memory_space<vmem>>
      %dma_start3A_757 = arith.constant 0 : i32
      %dma_start3A_758 = arith.constant 0 : i32
      %dma_start3A_759 = tpu.memref_slice %arg7[%dma_start3A_757, %dma_start3A_758] : memref<10112x128xf32, #tpu.memory_space<vmem_shared>> -> memref<10112x128xf32, #tpu.memory_space<vmem_shared>>
      tpu.enqueue_indirect_dma source(%dma_start3A_753 : memref<64x128xf32, #tpu.memory_space<vmem>>) target(%dma_start3A_759 : memref<10112x128xf32, #tpu.memory_space<vmem_shared>>) offsets(%dma_start3A_756 : memref<64xi32, #tpu.memory_space<vmem>>) semaphore(%arg15 : memref<!tpu.dma_semaphore, #tpu.memory_space<semaphore_mem>>) {add = true}
      %dma_wait3A_760 = arith.constant 1 : i32
      %dma_wait3A_761 = arith.constant 1 : i32
      %dma_wait3A_762 = arith.constant 1 : i32
      %dma_wait3A_763 = arith.constant 0 : i32
      %dma_wait3A_764 = arith.constant 0 : i32
      %dma_wait3A_765 = tpu.memref_slice %arg6[%dma_wait3A_760, %dma_wait3A_763, %dma_wait3A_764] : memref<5x64x128xf32, #tpu.memory_space<vmem>> -> memref<1x64x128xf32, #tpu.memory_space<vmem>>
      %dma_wait3A_766 = tpu.memref_squeeze %dma_wait3A_765 : memref<1x64x128xf32, #tpu.memory_space<vmem>> -> memref<64x128xf32, #tpu.memory_space<vmem>>
      %dma_wait3A_767 = arith.constant 0 : i32
      %dma_wait3A_768 = tpu.memref_slice %arg5[%dma_wait3A_761, %dma_wait3A_762, %dma_wait3A_767] : memref<5x2x64xi32, #tpu.memory_space<vmem>> -> memref<1x1x64xi32, #tpu.memory_space<vmem>>
      %dma_wait3A_769 = tpu.memref_squeeze %dma_wait3A_768 : memref<1x1x64xi32, #tpu.memory_space<vmem>> -> memref<64xi32, #tpu.memory_space<vmem>>
      %dma_wait3A_770 = arith.constant 0 : i32
      %dma_wait3A_771 = arith.constant 0 : i32
      %dma_wait3A_772 = tpu.memref_slice %arg7[%dma_wait3A_770, %dma_wait3A_771] : memref<10112x128xf32, #tpu.memory_space<vmem_shared>> -> memref<10112x128xf32, #tpu.memory_space<vmem_shared>>
      tpu.wait_indirect_dma semaphore(%arg14 : memref<!tpu.dma_semaphore, #tpu.memory_space<semaphore_mem>>) src(%dma_wait3A_766 : memref<64x128xf32, #tpu.memory_space<vmem>>) dst(%dma_wait3A_772 : memref<10112x128xf32, #tpu.memory_space<vmem_shared>>)
      %add3A_773 = arith.constant 1 : i32
      %add3A_774 = arith.addi %add3A_632, %add3A_773 : i32
      %add3A_775 = arith.constant 5 : i32
      %add3A_776 = arith.addi %add3A_774, %add3A_775 : i32
      %sub3A_777 = arith.constant 2 : i32
      %sub3A_778 = arith.subi %add3A_776, %sub3A_777 : i32
      %add3A_779 = arith.addi %mul3A_2, %sub3A_778 : i32
      %run_scoped3A_780 = arith.constant 1 : i32
      "tpu.region"() ({
        %run_scoped3A_1272 = tpu.sem_alloc : memref<!tpu.dma_semaphore, #tpu.memory_space<semaphore_mem>>
        %dma_start3A_1273 = arith.constant 0 : i32
        %dma_start3A_1274 = arith.constant 0 : i32
        %dma_start3A_1275 = tpu.memref_slice %arg5[%run_scoped3A_780, %dma_start3A_1273, %dma_start3A_1274] : memref<5x2x64xi32, #tpu.memory_space<vmem>> -> memref<1x2x64xi32, #tpu.memory_space<vmem>>
        %dma_start3A_1276 = tpu.memref_squeeze %dma_start3A_1275 : memref<1x2x64xi32, #tpu.memory_space<vmem>> -> memref<2x64xi32, #tpu.memory_space<vmem>>
        %dma_start3A_1277 = arith.constant 0 : i32
        %dma_start3A_1278 = arith.constant 0 : i32
        %dma_start3A_1279 = tpu.memref_slice %arg3[%add3A_779, %dma_start3A_1277, %dma_start3A_1278] : memref<2560x2x64xi32, #tpu.memory_space<hbm>> -> memref<1x2x64xi32, #tpu.memory_space<hbm>>
        %dma_start3A_1280 = tpu.memref_squeeze %dma_start3A_1279 : memref<1x2x64xi32, #tpu.memory_space<hbm>> -> memref<2x64xi32, #tpu.memory_space<hbm>>
        %dma_start3A_1281 = arith.constant 0 : i32
        %dma_start3A_1282 = arith.constant 0 : i32
        %dma_start3A_1283 = tpu.memref_slice %arg5[%run_scoped3A_780, %dma_start3A_1281, %dma_start3A_1282] : memref<5x2x64xi32, #tpu.memory_space<vmem>> -> memref<1x2x64xi32, #tpu.memory_space<vmem>>
        %dma_start3A_1284 = tpu.memref_squeeze %dma_start3A_1283 : memref<1x2x64xi32, #tpu.memory_space<vmem>> -> memref<2x64xi32, #tpu.memory_space<vmem>>
        %dma_start3A_1285 = arith.constant 0 : i32
        %dma_start3A_1286 = arith.constant 0 : i32
        %dma_start3A_1287 = tpu.memref_slice %arg3[%add3A_779, %dma_start3A_1285, %dma_start3A_1286] : memref<2560x2x64xi32, #tpu.memory_space<hbm>> -> memref<1x2x64xi32, #tpu.memory_space<hbm>>
        %dma_start3A_1288 = tpu.memref_squeeze %dma_start3A_1287 : memref<1x2x64xi32, #tpu.memory_space<hbm>> -> memref<2x64xi32, #tpu.memory_space<hbm>>
        tpu.enqueue_dma source(%dma_start3A_1288 : memref<2x64xi32, #tpu.memory_space<hbm>>) target(%dma_start3A_1284 : memref<2x64xi32, #tpu.memory_space<vmem>>) target_semaphore(%run_scoped3A_1272 : memref<!tpu.dma_semaphore, #tpu.memory_space<semaphore_mem>>)
        %dma_wait3A_1289 = arith.constant 0 : i32
        %dma_wait3A_1290 = arith.constant 0 : i32
        %dma_wait3A_1291 = tpu.memref_slice %arg5[%run_scoped3A_780, %dma_wait3A_1289, %dma_wait3A_1290] : memref<5x2x64xi32, #tpu.memory_space<vmem>> -> memref<1x2x64xi32, #tpu.memory_space<vmem>>
        %dma_wait3A_1292 = tpu.memref_squeeze %dma_wait3A_1291 : memref<1x2x64xi32, #tpu.memory_space<vmem>> -> memref<2x64xi32, #tpu.memory_space<vmem>>
        %dma_wait3A_1293 = arith.constant 0 : i32
        %dma_wait3A_1294 = arith.constant 0 : i32
        %dma_wait3A_1295 = tpu.memref_slice %arg3[%add3A_779, %dma_wait3A_1293, %dma_wait3A_1294] : memref<2560x2x64xi32, #tpu.memory_space<hbm>> -> memref<1x2x64xi32, #tpu.memory_space<hbm>>
        %dma_wait3A_1296 = tpu.memref_squeeze %dma_wait3A_1295 : memref<1x2x64xi32, #tpu.memory_space<hbm>> -> memref<2x64xi32, #tpu.memory_space<hbm>>
        %dma_wait3A_1297 = arith.constant 0 : i32
        %dma_wait3A_1298 = arith.constant 0 : i32
        %dma_wait3A_1299 = tpu.memref_slice %arg5[%run_scoped3A_780, %dma_wait3A_1297, %dma_wait3A_1298] : memref<5x2x64xi32, #tpu.memory_space<vmem>> -> memref<1x2x64xi32, #tpu.memory_space<vmem>>
        %dma_wait3A_1300 = tpu.memref_squeeze %dma_wait3A_1299 : memref<1x2x64xi32, #tpu.memory_space<vmem>> -> memref<2x64xi32, #tpu.memory_space<vmem>>
        %dma_wait3A_1301 = arith.constant 0 : i32
        %dma_wait3A_1302 = arith.constant 0 : i32
        %dma_wait3A_1303 = tpu.memref_slice %arg3[%add3A_779, %dma_wait3A_1301, %dma_wait3A_1302] : memref<2560x2x64xi32, #tpu.memory_space<hbm>> -> memref<1x2x64xi32, #tpu.memory_space<hbm>>
        %dma_wait3A_1304 = tpu.memref_squeeze %dma_wait3A_1303 : memref<1x2x64xi32, #tpu.memory_space<hbm>> -> memref<2x64xi32, #tpu.memory_space<hbm>>
        tpu.wait_dma2 semaphore(%run_scoped3A_1272 : memref<!tpu.dma_semaphore, #tpu.memory_space<semaphore_mem>>) src(%dma_wait3A_1304 : memref<2x64xi32, #tpu.memory_space<hbm>>) dst(%dma_wait3A_1300 : memref<2x64xi32, #tpu.memory_space<vmem>>)
        tpu.yield
      }) : () -> ()
      %get3A_781 = arith.constant 1 : i32
      %get3A_782 = arith.constant 0 : i32
      %get3A_783 = arith.index_cast %get3A_781 : i32 to index
      %get3A_784 = arith.index_cast %get3A_782 : i32 to index
      %get3A_785 = arith.constant 0 : index
      %get3A_786 = tpu.vector_load %arg5[%get3A_783, %get3A_784, %get3A_785] {strides = array<i32>} : memref<5x2x64xi32, #tpu.memory_space<vmem>>, vector<1x1x16xi32>,
      %get3A_787 = vector.shape_cast %get3A_786 : vector<1x1x16xi32> to vector<16xi32>
      %add3A_788 = vector.broadcast %mul3A_0 : i32 to vector<16xi32>
      %add3A_789 = arith.addi %get3A_787, %add3A_788 : vector<16xi32>
      %swap3A_790 = arith.constant 1 : i32
      %swap3A_791 = arith.constant 0 : i32
      %swap3A_792 = arith.index_cast %swap3A_790 : i32 to index
      %swap3A_793 = arith.index_cast %swap3A_791 : i32 to index
      %swap3A_794 = arith.constant 0 : index
      %swap3A_795 = tpu.vector_load %arg5[%swap3A_792, %swap3A_793, %swap3A_794] {strides = array<i32>} : memref<5x2x64xi32, #tpu.memory_space<vmem>>, vector<1x1x16xi32>,
      %swap3A_796 = vector.shape_cast %swap3A_795 : vector<1x1x16xi32> to vector<16xi32>
      %swap3A_797 = vector.shape_cast %add3A_789 : vector<16xi32> to vector<1x1x16xi32>
      tpu.vector_store %arg5[%swap3A_792, %swap3A_793, %swap3A_794], %swap3A_797 {strides = array<i32>} : memref<5x2x64xi32, #tpu.memory_space<vmem>>, vector<1x1x16xi32>,
      %get3A_798 = arith.constant 1 : i32
      %get3A_799 = arith.constant 0 : i32
      %get3A_800 = arith.index_cast %get3A_798 : i32 to index
      %get3A_801 = arith.index_cast %get3A_799 : i32 to index
      %get3A_802 = arith.constant 16 : index
      %get3A_803 = tpu.vector_load %arg5[%get3A_800, %get3A_801, %get3A_802] {strides = array<i32>} : memref<5x2x64xi32, #tpu.memory_space<vmem>>, vector<1x1x16xi32>,
      %get3A_804 = vector.shape_cast %get3A_803 : vector<1x1x16xi32> to vector<16xi32>
      %add3A_805 = vector.broadcast %mul3A_0 : i32 to vector<16xi32>
      %add3A_806 = arith.addi %get3A_804, %add3A_805 : vector<16xi32>
      %swap3A_807 = arith.constant 1 : i32
      %swap3A_808 = arith.constant 0 : i32
      %swap3A_809 = arith.index_cast %swap3A_807 : i32 to index
      %swap3A_810 = arith.index_cast %swap3A_808 : i32 to index
      %swap3A_811 = arith.constant 16 : index
      %swap3A_812 = tpu.vector_load %arg5[%swap3A_809, %swap3A_810, %swap3A_811] {strides = array<i32>} : memref<5x2x64xi32, #tpu.memory_space<vmem>>, vector<1x1x16xi32>,
      %swap3A_813 = vector.shape_cast %swap3A_812 : vector<1x1x16xi32> to vector<16xi32>
      %swap3A_814 = vector.shape_cast %add3A_806 : vector<16xi32> to vector<1x1x16xi32>
      tpu.vector_store %arg5[%swap3A_809, %swap3A_810, %swap3A_811], %swap3A_814 {strides = array<i32>} : memref<5x2x64xi32, #tpu.memory_space<vmem>>, vector<1x1x16xi32>,
      %get3A_815 = arith.constant 1 : i32
      %get3A_816 = arith.constant 0 : i32
      %get3A_817 = arith.index_cast %get3A_815 : i32 to index
      %get3A_818 = arith.index_cast %get3A_816 : i32 to index
      %get3A_819 = arith.constant 32 : index
      %get3A_820 = tpu.vector_load %arg5[%get3A_817, %get3A_818, %get3A_819] {strides = array<i32>} : memref<5x2x64xi32, #tpu.memory_space<vmem>>, vector<1x1x16xi32>,
      %get3A_821 = vector.shape_cast %get3A_820 : vector<1x1x16xi32> to vector<16xi32>
      %add3A_822 = vector.broadcast %mul3A_0 : i32 to vector<16xi32>
      %add3A_823 = arith.addi %get3A_821, %add3A_822 : vector<16xi32>
      %swap3A_824 = arith.constant 1 : i32
      %swap3A_825 = arith.constant 0 : i32
      %swap3A_826 = arith.index_cast %swap3A_824 : i32 to index
      %swap3A_827 = arith.index_cast %swap3A_825 : i32 to index
      %swap3A_828 = arith.constant 32 : index
      %swap3A_829 = tpu.vector_load %arg5[%swap3A_826, %swap3A_827, %swap3A_828] {strides = array<i32>} : memref<5x2x64xi32, #tpu.memory_space<vmem>>, vector<1x1x16xi32>,
      %swap3A_830 = vector.shape_cast %swap3A_829 : vector<1x1x16xi32> to vector<16xi32>
      %swap3A_831 = vector.shape_cast %add3A_823 : vector<16xi32> to vector<1x1x16xi32>
      tpu.vector_store %arg5[%swap3A_826, %swap3A_827, %swap3A_828], %swap3A_831 {strides = array<i32>} : memref<5x2x64xi32, #tpu.memory_space<vmem>>, vector<1x1x16xi32>,
      %get3A_832 = arith.constant 1 : i32
      %get3A_833 = arith.constant 0 : i32
      %get3A_834 = arith.index_cast %get3A_832 : i32 to index
      %get3A_835 = arith.index_cast %get3A_833 : i32 to index
      %get3A_836 = arith.constant 48 : index
      %get3A_837 = tpu.vector_load %arg5[%get3A_834, %get3A_835, %get3A_836] {strides = array<i32>} : memref<5x2x64xi32, #tpu.memory_space<vmem>>, vector<1x1x16xi32>,
      %get3A_838 = vector.shape_cast %get3A_837 : vector<1x1x16xi32> to vector<16xi32>
      %add3A_839 = vector.broadcast %mul3A_0 : i32 to vector<16xi32>
      %add3A_840 = arith.addi %get3A_838, %add3A_839 : vector<16xi32>
      %swap3A_841 = arith.constant 1 : i32
      %swap3A_842 = arith.constant 0 : i32
      %swap3A_843 = arith.index_cast %swap3A_841 : i32 to index
      %swap3A_844 = arith.index_cast %swap3A_842 : i32 to index
      %swap3A_845 = arith.constant 48 : index
      %swap3A_846 = tpu.vector_load %arg5[%swap3A_843, %swap3A_844, %swap3A_845] {strides = array<i32>} : memref<5x2x64xi32, #tpu.memory_space<vmem>>, vector<1x1x16xi32>,
      %swap3A_847 = vector.shape_cast %swap3A_846 : vector<1x1x16xi32> to vector<16xi32>
      %swap3A_848 = vector.shape_cast %add3A_840 : vector<16xi32> to vector<1x1x16xi32>
      tpu.vector_store %arg5[%swap3A_843, %swap3A_844, %swap3A_845], %swap3A_848 {strides = array<i32>} : memref<5x2x64xi32, #tpu.memory_space<vmem>>, vector<1x1x16xi32>,
      %dma_start3A_849 = arith.constant 1 : i32
      %dma_start3A_850 = arith.constant 0 : i32
      %dma_start3A_851 = arith.constant 1 : i32
      %dma_start3A_852 = arith.constant 0 : i32
      %dma_start3A_853 = arith.constant 0 : i32
      %dma_start3A_854 = tpu.memref_slice %arg6[%dma_start3A_851, %dma_start3A_852, %dma_start3A_853] : memref<5x64x128xf32, #tpu.memory_space<vmem>> -> memref<1x64x128xf32, #tpu.memory_space<vmem>>
      %dma_start3A_855 = tpu.memref_squeeze %dma_start3A_854 : memref<1x64x128xf32, #tpu.memory_space<vmem>> -> memref<64x128xf32, #tpu.memory_space<vmem>>
      %dma_start3A_856 = arith.constant 0 : i32
      %dma_start3A_857 = tpu.memref_slice %arg5[%dma_start3A_849, %dma_start3A_850, %dma_start3A_856] : memref<5x2x64xi32, #tpu.memory_space<vmem>> -> memref<1x1x64xi32, #tpu.memory_space<vmem>>
      %dma_start3A_858 = tpu.memref_squeeze %dma_start3A_857 : memref<1x1x64xi32, #tpu.memory_space<vmem>> -> memref<64xi32, #tpu.memory_space<vmem>>
      %dma_start3A_859 = arith.constant 0 : i32
      %dma_start3A_860 = arith.constant 0 : i32
      %dma_start3A_861 = tpu.memref_slice %arg2[%dma_start3A_859, %dma_start3A_860] : memref<20224x128xf32, #tpu.memory_space<hbm>> -> memref<20224x128xf32, #tpu.memory_space<hbm>>
      tpu.enqueue_indirect_dma source(%dma_start3A_861 : memref<20224x128xf32, #tpu.memory_space<hbm>>) target(%dma_start3A_855 : memref<64x128xf32, #tpu.memory_space<vmem>>) offsets(%dma_start3A_858 : memref<64xi32, #tpu.memory_space<vmem>>) semaphore(%arg9 : memref<!tpu.dma_semaphore, #tpu.memory_space<semaphore_mem>>)
      %dma_wait3A_862 = arith.constant 3 : i32
      %dma_wait3A_863 = arith.constant 0 : i32
      %dma_wait3A_864 = arith.constant 3 : i32
      %dma_wait3A_865 = arith.constant 0 : i32
      %dma_wait3A_866 = arith.constant 0 : i32
      %dma_wait3A_867 = tpu.memref_slice %arg6[%dma_wait3A_864, %dma_wait3A_865, %dma_wait3A_866] : memref<5x64x128xf32, #tpu.memory_space<vmem>> -> memref<1x64x128xf32, #tpu.memory_space<vmem>>
      %dma_wait3A_868 = tpu.memref_squeeze %dma_wait3A_867 : memref<1x64x128xf32, #tpu.memory_space<vmem>> -> memref<64x128xf32, #tpu.memory_space<vmem>>
      %dma_wait3A_869 = arith.constant 0 : i32
      %dma_wait3A_870 = tpu.memref_slice %arg5[%dma_wait3A_862, %dma_wait3A_863, %dma_wait3A_869] : memref<5x2x64xi32, #tpu.memory_space<vmem>> -> memref<1x1x64xi32, #tpu.memory_space<vmem>>
      %dma_wait3A_871 = tpu.memref_squeeze %dma_wait3A_870 : memref<1x1x64xi32, #tpu.memory_space<vmem>> -> memref<64xi32, #tpu.memory_space<vmem>>
      %dma_wait3A_872 = arith.constant 0 : i32
      %dma_wait3A_873 = arith.constant 0 : i32
      %dma_wait3A_874 = tpu.memref_slice %arg2[%dma_wait3A_872, %dma_wait3A_873] : memref<20224x128xf32, #tpu.memory_space<hbm>> -> memref<20224x128xf32, #tpu.memory_space<hbm>>
      tpu.wait_indirect_dma semaphore(%arg11 : memref<!tpu.dma_semaphore, #tpu.memory_space<semaphore_mem>>) src(%dma_wait3A_874 : memref<20224x128xf32, #tpu.memory_space<hbm>>) dst(%dma_wait3A_868 : memref<64x128xf32, #tpu.memory_space<vmem>>)
      %dma_start3A_875 = arith.constant 3 : i32
      %dma_start3A_876 = arith.constant 3 : i32
      %dma_start3A_877 = arith.constant 1 : i32
      %dma_start3A_878 = arith.constant 0 : i32
      %dma_start3A_879 = arith.constant 0 : i32
      %dma_start3A_880 = tpu.memref_slice %arg6[%dma_start3A_875, %dma_start3A_878, %dma_start3A_879] : memref<5x64x128xf32, #tpu.memory_space<vmem>> -> memref<1x64x128xf32, #tpu.memory_space<vmem>>
      %dma_start3A_881 = tpu.memref_squeeze %dma_start3A_880 : memref<1x64x128xf32, #tpu.memory_space<vmem>> -> memref<64x128xf32, #tpu.memory_space<vmem>>
      %dma_start3A_882 = arith.constant 0 : i32
      %dma_start3A_883 = tpu.memref_slice %arg5[%dma_start3A_876, %dma_start3A_877, %dma_start3A_882] : memref<5x2x64xi32, #tpu.memory_space<vmem>> -> memref<1x1x64xi32, #tpu.memory_space<vmem>>
      %dma_start3A_884 = tpu.memref_squeeze %dma_start3A_883 : memref<1x1x64xi32, #tpu.memory_space<vmem>> -> memref<64xi32, #tpu.memory_space<vmem>>
      %dma_start3A_885 = arith.constant 0 : i32
      %dma_start3A_886 = arith.constant 0 : i32
      %dma_start3A_887 = tpu.memref_slice %arg7[%dma_start3A_885, %dma_start3A_886] : memref<10112x128xf32, #tpu.memory_space<vmem_shared>> -> memref<10112x128xf32, #tpu.memory_space<vmem_shared>>
      tpu.enqueue_indirect_dma source(%dma_start3A_881 : memref<64x128xf32, #tpu.memory_space<vmem>>) target(%dma_start3A_887 : memref<10112x128xf32, #tpu.memory_space<vmem_shared>>) offsets(%dma_start3A_884 : memref<64xi32, #tpu.memory_space<vmem>>) semaphore(%arg16 : memref<!tpu.dma_semaphore, #tpu.memory_space<semaphore_mem>>) {add = true}
      %dma_wait3A_888 = arith.constant 2 : i32
      %dma_wait3A_889 = arith.constant 2 : i32
      %dma_wait3A_890 = arith.constant 1 : i32
      %dma_wait3A_891 = arith.constant 0 : i32
      %dma_wait3A_892 = arith.constant 0 : i32
      %dma_wait3A_893 = tpu.memref_slice %arg6[%dma_wait3A_888, %dma_wait3A_891, %dma_wait3A_892] : memref<5x64x128xf32, #tpu.memory_space<vmem>> -> memref<1x64x128xf32, #tpu.memory_space<vmem>>
      %dma_wait3A_894 = tpu.memref_squeeze %dma_wait3A_893 : memref<1x64x128xf32, #tpu.memory_space<vmem>> -> memref<64x128xf32, #tpu.memory_space<vmem>>
      %dma_wait3A_895 = arith.constant 0 : i32
      %dma_wait3A_896 = tpu.memref_slice %arg5[%dma_wait3A_889, %dma_wait3A_890, %dma_wait3A_895] : memref<5x2x64xi32, #tpu.memory_space<vmem>> -> memref<1x1x64xi32, #tpu.memory_space<vmem>>
      %dma_wait3A_897 = tpu.memref_squeeze %dma_wait3A_896 : memref<1x1x64xi32, #tpu.memory_space<vmem>> -> memref<64xi32, #tpu.memory_space<vmem>>
      %dma_wait3A_898 = arith.constant 0 : i32
      %dma_wait3A_899 = arith.constant 0 : i32
      %dma_wait3A_900 = tpu.memref_slice %arg7[%dma_wait3A_898, %dma_wait3A_899] : memref<10112x128xf32, #tpu.memory_space<vmem_shared>> -> memref<10112x128xf32, #tpu.memory_space<vmem_shared>>
      tpu.wait_indirect_dma semaphore(%arg15 : memref<!tpu.dma_semaphore, #tpu.memory_space<semaphore_mem>>) src(%dma_wait3A_894 : memref<64x128xf32, #tpu.memory_space<vmem>>) dst(%dma_wait3A_900 : memref<10112x128xf32, #tpu.memory_space<vmem_shared>>)
      %add3A_901 = arith.constant 2 : i32
      %add3A_902 = arith.addi %add3A_632, %add3A_901 : i32
      %add3A_903 = arith.constant 5 : i32
      %add3A_904 = arith.addi %add3A_902, %add3A_903 : i32
      %sub3A_905 = arith.constant 2 : i32
      %sub3A_906 = arith.subi %add3A_904, %sub3A_905 : i32
      %add3A_907 = arith.addi %mul3A_2, %sub3A_906 : i32
      %run_scoped3A_908 = arith.constant 2 : i32
      "tpu.region"() ({
        %run_scoped3A_1272 = tpu.sem_alloc : memref<!tpu.dma_semaphore, #tpu.memory_space<semaphore_mem>>
        %dma_start3A_1273 = arith.constant 0 : i32
        %dma_start3A_1274 = arith.constant 0 : i32
        %dma_start3A_1275 = tpu.memref_slice %arg5[%run_scoped3A_908, %dma_start3A_1273, %dma_start3A_1274] : memref<5x2x64xi32, #tpu.memory_space<vmem>> -> memref<1x2x64xi32, #tpu.memory_space<vmem>>
        %dma_start3A_1276 = tpu.memref_squeeze %dma_start3A_1275 : memref<1x2x64xi32, #tpu.memory_space<vmem>> -> memref<2x64xi32, #tpu.memory_space<vmem>>
        %dma_start3A_1277 = arith.constant 0 : i32
        %dma_start3A_1278 = arith.constant 0 : i32
        %dma_start3A_1279 = tpu.memref_slice %arg3[%add3A_907, %dma_start3A_1277, %dma_start3A_1278] : memref<2560x2x64xi32, #tpu.memory_space<hbm>> -> memref<1x2x64xi32, #tpu.memory_space<hbm>>
        %dma_start3A_1280 = tpu.memref_squeeze %dma_start3A_1279 : memref<1x2x64xi32, #tpu.memory_space<hbm>> -> memref<2x64xi32, #tpu.memory_space<hbm>>
        %dma_start3A_1281 = arith.constant 0 : i32
        %dma_start3A_1282 = arith.constant 0 : i32
        %dma_start3A_1283 = tpu.memref_slice %arg5[%run_scoped3A_908, %dma_start3A_1281, %dma_start3A_1282] : memref<5x2x64xi32, #tpu.memory_space<vmem>> -> memref<1x2x64xi32, #tpu.memory_space<vmem>>
        %dma_start3A_1284 = tpu.memref_squeeze %dma_start3A_1283 : memref<1x2x64xi32, #tpu.memory_space<vmem>> -> memref<2x64xi32, #tpu.memory_space<vmem>>
        %dma_start3A_1285 = arith.constant 0 : i32
        %dma_start3A_1286 = arith.constant 0 : i32
        %dma_start3A_1287 = tpu.memref_slice %arg3[%add3A_907, %dma_start3A_1285, %dma_start3A_1286] : memref<2560x2x64xi32, #tpu.memory_space<hbm>> -> memref<1x2x64xi32, #tpu.memory_space<hbm>>
        %dma_start3A_1288 = tpu.memref_squeeze %dma_start3A_1287 : memref<1x2x64xi32, #tpu.memory_space<hbm>> -> memref<2x64xi32, #tpu.memory_space<hbm>>
        tpu.enqueue_dma source(%dma_start3A_1288 : memref<2x64xi32, #tpu.memory_space<hbm>>) target(%dma_start3A_1284 : memref<2x64xi32, #tpu.memory_space<vmem>>) target_semaphore(%run_scoped3A_1272 : memref<!tpu.dma_semaphore, #tpu.memory_space<semaphore_mem>>)
        %dma_wait3A_1289 = arith.constant 0 : i32
        %dma_wait3A_1290 = arith.constant 0 : i32
        %dma_wait3A_1291 = tpu.memref_slice %arg5[%run_scoped3A_908, %dma_wait3A_1289, %dma_wait3A_1290] : memref<5x2x64xi32, #tpu.memory_space<vmem>> -> memref<1x2x64xi32, #tpu.memory_space<vmem>>
        %dma_wait3A_1292 = tpu.memref_squeeze %dma_wait3A_1291 : memref<1x2x64xi32, #tpu.memory_space<vmem>> -> memref<2x64xi32, #tpu.memory_space<vmem>>
        %dma_wait3A_1293 = arith.constant 0 : i32
        %dma_wait3A_1294 = arith.constant 0 : i32
        %dma_wait3A_1295 = tpu.memref_slice %arg3[%add3A_907, %dma_wait3A_1293, %dma_wait3A_1294] : memref<2560x2x64xi32, #tpu.memory_space<hbm>> -> memref<1x2x64xi32, #tpu.memory_space<hbm>>
        %dma_wait3A_1296 = tpu.memref_squeeze %dma_wait3A_1295 : memref<1x2x64xi32, #tpu.memory_space<hbm>> -> memref<2x64xi32, #tpu.memory_space<hbm>>
        %dma_wait3A_1297 = arith.constant 0 : i32
        %dma_wait3A_1298 = arith.constant 0 : i32
        %dma_wait3A_1299 = tpu.memref_slice %arg5[%run_scoped3A_908, %dma_wait3A_1297, %dma_wait3A_1298] : memref<5x2x64xi32, #tpu.memory_space<vmem>> -> memref<1x2x64xi32, #tpu.memory_space<vmem>>
        %dma_wait3A_1300 = tpu.memref_squeeze %dma_wait3A_1299 : memref<1x2x64xi32, #tpu.memory_space<vmem>> -> memref<2x64xi32, #tpu.memory_space<vmem>>
        %dma_wait3A_1301 = arith.constant 0 : i32
        %dma_wait3A_1302 = arith.constant 0 : i32
        %dma_wait3A_1303 = tpu.memref_slice %arg3[%add3A_907, %dma_wait3A_1301, %dma_wait3A_1302] : memref<2560x2x64xi32, #tpu.memory_space<hbm>> -> memref<1x2x64xi32, #tpu.memory_space<hbm>>
        %dma_wait3A_1304 = tpu.memref_squeeze %dma_wait3A_1303 : memref<1x2x64xi32, #tpu.memory_space<hbm>> -> memref<2x64xi32, #tpu.memory_space<hbm>>
        tpu.wait_dma2 semaphore(%run_scoped3A_1272 : memref<!tpu.dma_semaphore, #tpu.memory_space<semaphore_mem>>) src(%dma_wait3A_1304 : memref<2x64xi32, #tpu.memory_space<hbm>>) dst(%dma_wait3A_1300 : memref<2x64xi32, #tpu.memory_space<vmem>>)
        tpu.yield
      }) : () -> ()
      %get3A_909 = arith.constant 2 : i32
      %get3A_910 = arith.constant 0 : i32
      %get3A_911 = arith.index_cast %get3A_909 : i32 to index
      %get3A_912 = arith.index_cast %get3A_910 : i32 to index
      %get3A_913 = arith.constant 0 : index
      %get3A_914 = tpu.vector_load %arg5[%get3A_911, %get3A_912, %get3A_913] {strides = array<i32>} : memref<5x2x64xi32, #tpu.memory_space<vmem>>, vector<1x1x16xi32>,
      %get3A_915 = vector.shape_cast %get3A_914 : vector<1x1x16xi32> to vector<16xi32>
      %add3A_916 = vector.broadcast %mul3A_0 : i32 to vector<16xi32>
      %add3A_917 = arith.addi %get3A_915, %add3A_916 : vector<16xi32>
      %swap3A_918 = arith.constant 2 : i32
      %swap3A_919 = arith.constant 0 : i32
      %swap3A_920 = arith.index_cast %swap3A_918 : i32 to index
      %swap3A_921 = arith.index_cast %swap3A_919 : i32 to index
      %swap3A_922 = arith.constant 0 : index
      %swap3A_923 = tpu.vector_load %arg5[%swap3A_920, %swap3A_921, %swap3A_922] {strides = array<i32>} : memref<5x2x64xi32, #tpu.memory_space<vmem>>, vector<1x1x16xi32>,
      %swap3A_924 = vector.shape_cast %swap3A_923 : vector<1x1x16xi32> to vector<16xi32>
      %swap3A_925 = vector.shape_cast %add3A_917 : vector<16xi32> to vector<1x1x16xi32>
      tpu.vector_store %arg5[%swap3A_920, %swap3A_921, %swap3A_922], %swap3A_925 {strides = array<i32>} : memref<5x2x64xi32, #tpu.memory_space<vmem>>, vector<1x1x16xi32>,
      %get3A_926 = arith.constant 2 : i32
      %get3A_927 = arith.constant 0 : i32
      %get3A_928 = arith.index_cast %get3A_926 : i32 to index
      %get3A_929 = arith.index_cast %get3A_927 : i32 to index
      %get3A_930 = arith.constant 16 : index
      %get3A_931 = tpu.vector_load %arg5[%get3A_928, %get3A_929, %get3A_930] {strides = array<i32>} : memref<5x2x64xi32, #tpu.memory_space<vmem>>, vector<1x1x16xi32>,
      %get3A_932 = vector.shape_cast %get3A_931 : vector<1x1x16xi32> to vector<16xi32>
      %add3A_933 = vector.broadcast %mul3A_0 : i32 to vector<16xi32>
      %add3A_934 = arith.addi %get3A_932, %add3A_933 : vector<16xi32>
      %swap3A_935 = arith.constant 2 : i32
      %swap3A_936 = arith.constant 0 : i32
      %swap3A_937 = arith.index_cast %swap3A_935 : i32 to index
      %swap3A_938 = arith.index_cast %swap3A_936 : i32 to index
      %swap3A_939 = arith.constant 16 : index
      %swap3A_940 = tpu.vector_load %arg5[%swap3A_937, %swap3A_938, %swap3A_939] {strides = array<i32>} : memref<5x2x64xi32, #tpu.memory_space<vmem>>, vector<1x1x16xi32>,
      %swap3A_941 = vector.shape_cast %swap3A_940 : vector<1x1x16xi32> to vector<16xi32>
      %swap3A_942 = vector.shape_cast %add3A_934 : vector<16xi32> to vector<1x1x16xi32>
      tpu.vector_store %arg5[%swap3A_937, %swap3A_938, %swap3A_939], %swap3A_942 {strides = array<i32>} : memref<5x2x64xi32, #tpu.memory_space<vmem>>, vector<1x1x16xi32>,
      %get3A_943 = arith.constant 2 : i32
      %get3A_944 = arith.constant 0 : i32
      %get3A_945 = arith.index_cast %get3A_943 : i32 to index
      %get3A_946 = arith.index_cast %get3A_944 : i32 to index
      %get3A_947 = arith.constant 32 : index
      %get3A_948 = tpu.vector_load %arg5[%get3A_945, %get3A_946, %get3A_947] {strides = array<i32>} : memref<5x2x64xi32, #tpu.memory_space<vmem>>, vector<1x1x16xi32>,
      %get3A_949 = vector.shape_cast %get3A_948 : vector<1x1x16xi32> to vector<16xi32>
      %add3A_950 = vector.broadcast %mul3A_0 : i32 to vector<16xi32>
      %add3A_951 = arith.addi %get3A_949, %add3A_950 : vector<16xi32>
      %swap3A_952 = arith.constant 2 : i32
      %swap3A_953 = arith.constant 0 : i32
      %swap3A_954 = arith.index_cast %swap3A_952 : i32 to index
      %swap3A_955 = arith.index_cast %swap3A_953 : i32 to index
      %swap3A_956 = arith.constant 32 : index
      %swap3A_957 = tpu.vector_load %arg5[%swap3A_954, %swap3A_955, %swap3A_956] {strides = array<i32>} : memref<5x2x64xi32, #tpu.memory_space<vmem>>, vector<1x1x16xi32>,
      %swap3A_958 = vector.shape_cast %swap3A_957 : vector<1x1x16xi32> to vector<16xi32>
      %swap3A_959 = vector.shape_cast %add3A_951 : vector<16xi32> to vector<1x1x16xi32>
      tpu.vector_store %arg5[%swap3A_954, %swap3A_955, %swap3A_956], %swap3A_959 {strides = array<i32>} : memref<5x2x64xi32, #tpu.memory_space<vmem>>, vector<1x1x16xi32>,
      %get3A_960 = arith.constant 2 : i32
      %get3A_961 = arith.constant 0 : i32
      %get3A_962 = arith.index_cast %get3A_960 : i32 to index
      %get3A_963 = arith.index_cast %get3A_961 : i32 to index
      %get3A_964 = arith.constant 48 : index
      %get3A_965 = tpu.vector_load %arg5[%get3A_962, %get3A_963, %get3A_964] {strides = array<i32>} : memref<5x2x64xi32, #tpu.memory_space<vmem>>, vector<1x1x16xi32>,
      %get3A_966 = vector.shape_cast %get3A_965 : vector<1x1x16xi32> to vector<16xi32>
      %add3A_967 = vector.broadcast %mul3A_0 : i32 to vector<16xi32>
      %add3A_968 = arith.addi %get3A_966, %add3A_967 : vector<16xi32>
      %swap3A_969 = arith.constant 2 : i32
      %swap3A_970 = arith.constant 0 : i32
      %swap3A_971 = arith.index_cast %swap3A_969 : i32 to index
      %swap3A_972 = arith.index_cast %swap3A_970 : i32 to index
      %swap3A_973 = arith.constant 48 : index
      %swap3A_974 = tpu.vector_load %arg5[%swap3A_971, %swap3A_972, %swap3A_973] {strides = array<i32>} : memref<5x2x64xi32, #tpu.memory_space<vmem>>, vector<1x1x16xi32>,
      %swap3A_975 = vector.shape_cast %swap3A_974 : vector<1x1x16xi32> to vector<16xi32>
      %swap3A_976 = vector.shape_cast %add3A_968 : vector<16xi32> to vector<1x1x16xi32>
      tpu.vector_store %arg5[%swap3A_971, %swap3A_972, %swap3A_973], %swap3A_976 {strides = array<i32>} : memref<5x2x64xi32, #tpu.memory_space<vmem>>, vector<1x1x16xi32>,
      %dma_start3A_977 = arith.constant 2 : i32
      %dma_start3A_978 = arith.constant 0 : i32
      %dma_start3A_979 = arith.constant 2 : i32
      %dma_start3A_980 = arith.constant 0 : i32
      %dma_start3A_981 = arith.constant 0 : i32
      %dma_start3A_982 = tpu.memref_slice %arg6[%dma_start3A_979, %dma_start3A_980, %dma_start3A_981] : memref<5x64x128xf32, #tpu.memory_space<vmem>> -> memref<1x64x128xf32, #tpu.memory_space<vmem>>
      %dma_start3A_983 = tpu.memref_squeeze %dma_start3A_982 : memref<1x64x128xf32, #tpu.memory_space<vmem>> -> memref<64x128xf32, #tpu.memory_space<vmem>>
      %dma_start3A_984 = arith.constant 0 : i32
      %dma_start3A_985 = tpu.memref_slice %arg5[%dma_start3A_977, %dma_start3A_978, %dma_start3A_984] : memref<5x2x64xi32, #tpu.memory_space<vmem>> -> memref<1x1x64xi32, #tpu.memory_space<vmem>>
      %dma_start3A_986 = tpu.memref_squeeze %dma_start3A_985 : memref<1x1x64xi32, #tpu.memory_space<vmem>> -> memref<64xi32, #tpu.memory_space<vmem>>
      %dma_start3A_987 = arith.constant 0 : i32
      %dma_start3A_988 = arith.constant 0 : i32
      %dma_start3A_989 = tpu.memref_slice %arg2[%dma_start3A_987, %dma_start3A_988] : memref<20224x128xf32, #tpu.memory_space<hbm>> -> memref<20224x128xf32, #tpu.memory_space<hbm>>
      tpu.enqueue_indirect_dma source(%dma_start3A_989 : memref<20224x128xf32, #tpu.memory_space<hbm>>) target(%dma_start3A_983 : memref<64x128xf32, #tpu.memory_space<vmem>>) offsets(%dma_start3A_986 : memref<64xi32, #tpu.memory_space<vmem>>) semaphore(%arg10 : memref<!tpu.dma_semaphore, #tpu.memory_space<semaphore_mem>>)
      %dma_wait3A_990 = arith.constant 4 : i32
      %dma_wait3A_991 = arith.constant 0 : i32
      %dma_wait3A_992 = arith.constant 4 : i32
      %dma_wait3A_993 = arith.constant 0 : i32
      %dma_wait3A_994 = arith.constant 0 : i32
      %dma_wait3A_995 = tpu.memref_slice %arg6[%dma_wait3A_992, %dma_wait3A_993, %dma_wait3A_994] : memref<5x64x128xf32, #tpu.memory_space<vmem>> -> memref<1x64x128xf32, #tpu.memory_space<vmem>>
      %dma_wait3A_996 = tpu.memref_squeeze %dma_wait3A_995 : memref<1x64x128xf32, #tpu.memory_space<vmem>> -> memref<64x128xf32, #tpu.memory_space<vmem>>
      %dma_wait3A_997 = arith.constant 0 : i32
      %dma_wait3A_998 = tpu.memref_slice %arg5[%dma_wait3A_990, %dma_wait3A_991, %dma_wait3A_997] : memref<5x2x64xi32, #tpu.memory_space<vmem>> -> memref<1x1x64xi32, #tpu.memory_space<vmem>>
      %dma_wait3A_999 = tpu.memref_squeeze %dma_wait3A_998 : memref<1x1x64xi32, #tpu.memory_space<vmem>> -> memref<64xi32, #tpu.memory_space<vmem>>
      %dma_wait3A_1000 = arith.constant 0 : i32
      %dma_wait3A_1001 = arith.constant 0 : i32
      %dma_wait3A_1002 = tpu.memref_slice %arg2[%dma_wait3A_1000, %dma_wait3A_1001] : memref<20224x128xf32, #tpu.memory_space<hbm>> -> memref<20224x128xf32, #tpu.memory_space<hbm>>
      tpu.wait_indirect_dma semaphore(%arg12 : memref<!tpu.dma_semaphore, #tpu.memory_space<semaphore_mem>>) src(%dma_wait3A_1002 : memref<20224x128xf32, #tpu.memory_space<hbm>>) dst(%dma_wait3A_996 : memref<64x128xf32, #tpu.memory_space<vmem>>)
      %dma_start3A_1003 = arith.constant 4 : i32
      %dma_start3A_1004 = arith.constant 4 : i32
      %dma_start3A_1005 = arith.constant 1 : i32
      %dma_start3A_1006 = arith.constant 0 : i32
      %dma_start3A_1007 = arith.constant 0 : i32
      %dma_start3A_1008 = tpu.memref_slice %arg6[%dma_start3A_1003, %dma_start3A_1006, %dma_start3A_1007] : memref<5x64x128xf32, #tpu.memory_space<vmem>> -> memref<1x64x128xf32, #tpu.memory_space<vmem>>
      %dma_start3A_1009 = tpu.memref_squeeze %dma_start3A_1008 : memref<1x64x128xf32, #tpu.memory_space<vmem>> -> memref<64x128xf32, #tpu.memory_space<vmem>>
      %dma_start3A_1010 = arith.constant 0 : i32
      %dma_start3A_1011 = tpu.memref_slice %arg5[%dma_start3A_1004, %dma_start3A_1005, %dma_start3A_1010] : memref<5x2x64xi32, #tpu.memory_space<vmem>> -> memref<1x1x64xi32, #tpu.memory_space<vmem>>
      %dma_start3A_1012 = tpu.memref_squeeze %dma_start3A_1011 : memref<1x1x64xi32, #tpu.memory_space<vmem>> -> memref<64xi32, #tpu.memory_space<vmem>>
      %dma_start3A_1013 = arith.constant 0 : i32
      %dma_start3A_1014 = arith.constant 0 : i32
      %dma_start3A_1015 = tpu.memref_slice %arg7[%dma_start3A_1013, %dma_start3A_1014] : memref<10112x128xf32, #tpu.memory_space<vmem_shared>> -> memref<10112x128xf32, #tpu.memory_space<vmem_shared>>
      tpu.enqueue_indirect_dma source(%dma_start3A_1009 : memref<64x128xf32, #tpu.memory_space<vmem>>) target(%dma_start3A_1015 : memref<10112x128xf32, #tpu.memory_space<vmem_shared>>) offsets(%dma_start3A_1012 : memref<64xi32, #tpu.memory_space<vmem>>) semaphore(%arg17 : memref<!tpu.dma_semaphore, #tpu.memory_space<semaphore_mem>>) {add = true}
      %dma_wait3A_1016 = arith.constant 3 : i32
      %dma_wait3A_1017 = arith.constant 3 : i32
      %dma_wait3A_1018 = arith.constant 1 : i32
      %dma_wait3A_1019 = arith.constant 0 : i32
      %dma_wait3A_1020 = arith.constant 0 : i32
      %dma_wait3A_1021 = tpu.memref_slice %arg6[%dma_wait3A_1016, %dma_wait3A_1019, %dma_wait3A_1020] : memref<5x64x128xf32, #tpu.memory_space<vmem>> -> memref<1x64x128xf32, #tpu.memory_space<vmem>>
      %dma_wait3A_1022 = tpu.memref_squeeze %dma_wait3A_1021 : memref<1x64x128xf32, #tpu.memory_space<vmem>> -> memref<64x128xf32, #tpu.memory_space<vmem>>
      %dma_wait3A_1023 = arith.constant 0 : i32
      %dma_wait3A_1024 = tpu.memref_slice %arg5[%dma_wait3A_1017, %dma_wait3A_1018, %dma_wait3A_1023] : memref<5x2x64xi32, #tpu.memory_space<vmem>> -> memref<1x1x64xi32, #tpu.memory_space<vmem>>
      %dma_wait3A_1025 = tpu.memref_squeeze %dma_wait3A_1024 : memref<1x1x64xi32, #tpu.memory_space<vmem>> -> memref<64xi32, #tpu.memory_space<vmem>>
      %dma_wait3A_1026 = arith.constant 0 : i32
      %dma_wait3A_1027 = arith.constant 0 : i32
      %dma_wait3A_1028 = tpu.memref_slice %arg7[%dma_wait3A_1026, %dma_wait3A_1027] : memref<10112x128xf32, #tpu.memory_space<vmem_shared>> -> memref<10112x128xf32, #tpu.memory_space<vmem_shared>>
      tpu.wait_indirect_dma semaphore(%arg16 : memref<!tpu.dma_semaphore, #tpu.memory_space<semaphore_mem>>) src(%dma_wait3A_1022 : memref<64x128xf32, #tpu.memory_space<vmem>>) dst(%dma_wait3A_1028 : memref<10112x128xf32, #tpu.memory_space<vmem_shared>>)
      %add3A_1029 = arith.constant 3 : i32
      %add3A_1030 = arith.addi %add3A_632, %add3A_1029 : i32
      %add3A_1031 = arith.constant 5 : i32
      %add3A_1032 = arith.addi %add3A_1030, %add3A_1031 : i32
      %sub3A_1033 = arith.constant 2 : i32
      %sub3A_1034 = arith.subi %add3A_1032, %sub3A_1033 : i32
      %add3A_1035 = arith.addi %mul3A_2, %sub3A_1034 : i32
      %run_scoped3A_1036 = arith.constant 3 : i32
      "tpu.region"() ({
        %run_scoped3A_1272 = tpu.sem_alloc : memref<!tpu.dma_semaphore, #tpu.memory_space<semaphore_mem>>
        %dma_start3A_1273 = arith.constant 0 : i32
        %dma_start3A_1274 = arith.constant 0 : i32
        %dma_start3A_1275 = tpu.memref_slice %arg5[%run_scoped3A_1036, %dma_start3A_1273, %dma_start3A_1274] : memref<5x2x64xi32, #tpu.memory_space<vmem>> -> memref<1x2x64xi32, #tpu.memory_space<vmem>>
        %dma_start3A_1276 = tpu.memref_squeeze %dma_start3A_1275 : memref<1x2x64xi32, #tpu.memory_space<vmem>> -> memref<2x64xi32, #tpu.memory_space<vmem>>
        %dma_start3A_1277 = arith.constant 0 : i32
        %dma_start3A_1278 = arith.constant 0 : i32
        %dma_start3A_1279 = tpu.memref_slice %arg3[%add3A_1035, %dma_start3A_1277, %dma_start3A_1278] : memref<2560x2x64xi32, #tpu.memory_space<hbm>> -> memref<1x2x64xi32, #tpu.memory_space<hbm>>
        %dma_start3A_1280 = tpu.memref_squeeze %dma_start3A_1279 : memref<1x2x64xi32, #tpu.memory_space<hbm>> -> memref<2x64xi32, #tpu.memory_space<hbm>>
        %dma_start3A_1281 = arith.constant 0 : i32
        %dma_start3A_1282 = arith.constant 0 : i32
        %dma_start3A_1283 = tpu.memref_slice %arg5[%run_scoped3A_1036, %dma_start3A_1281, %dma_start3A_1282] : memref<5x2x64xi32, #tpu.memory_space<vmem>> -> memref<1x2x64xi32, #tpu.memory_space<vmem>>
        %dma_start3A_1284 = tpu.memref_squeeze %dma_start3A_1283 : memref<1x2x64xi32, #tpu.memory_space<vmem>> -> memref<2x64xi32, #tpu.memory_space<vmem>>
        %dma_start3A_1285 = arith.constant 0 : i32
        %dma_start3A_1286 = arith.constant 0 : i32
        %dma_start3A_1287 = tpu.memref_slice %arg3[%add3A_1035, %dma_start3A_1285, %dma_start3A_1286] : memref<2560x2x64xi32, #tpu.memory_space<hbm>> -> memref<1x2x64xi32, #tpu.memory_space<hbm>>
        %dma_start3A_1288 = tpu.memref_squeeze %dma_start3A_1287 : memref<1x2x64xi32, #tpu.memory_space<hbm>> -> memref<2x64xi32, #tpu.memory_space<hbm>>
        tpu.enqueue_dma source(%dma_start3A_1288 : memref<2x64xi32, #tpu.memory_space<hbm>>) target(%dma_start3A_1284 : memref<2x64xi32, #tpu.memory_space<vmem>>) target_semaphore(%run_scoped3A_1272 : memref<!tpu.dma_semaphore, #tpu.memory_space<semaphore_mem>>)
        %dma_wait3A_1289 = arith.constant 0 : i32
        %dma_wait3A_1290 = arith.constant 0 : i32
        %dma_wait3A_1291 = tpu.memref_slice %arg5[%run_scoped3A_1036, %dma_wait3A_1289, %dma_wait3A_1290] : memref<5x2x64xi32, #tpu.memory_space<vmem>> -> memref<1x2x64xi32, #tpu.memory_space<vmem>>
        %dma_wait3A_1292 = tpu.memref_squeeze %dma_wait3A_1291 : memref<1x2x64xi32, #tpu.memory_space<vmem>> -> memref<2x64xi32, #tpu.memory_space<vmem>>
        %dma_wait3A_1293 = arith.constant 0 : i32
        %dma_wait3A_1294 = arith.constant 0 : i32
        %dma_wait3A_1295 = tpu.memref_slice %arg3[%add3A_1035, %dma_wait3A_1293, %dma_wait3A_1294] : memref<2560x2x64xi32, #tpu.memory_space<hbm>> -> memref<1x2x64xi32, #tpu.memory_space<hbm>>
        %dma_wait3A_1296 = tpu.memref_squeeze %dma_wait3A_1295 : memref<1x2x64xi32, #tpu.memory_space<hbm>> -> memref<2x64xi32, #tpu.memory_space<hbm>>
        %dma_wait3A_1297 = arith.constant 0 : i32
        %dma_wait3A_1298 = arith.constant 0 : i32
        %dma_wait3A_1299 = tpu.memref_slice %arg5[%run_scoped3A_1036, %dma_wait3A_1297, %dma_wait3A_1298] : memref<5x2x64xi32, #tpu.memory_space<vmem>> -> memref<1x2x64xi32, #tpu.memory_space<vmem>>
        %dma_wait3A_1300 = tpu.memref_squeeze %dma_wait3A_1299 : memref<1x2x64xi32, #tpu.memory_space<vmem>> -> memref<2x64xi32, #tpu.memory_space<vmem>>
        %dma_wait3A_1301 = arith.constant 0 : i32
        %dma_wait3A_1302 = arith.constant 0 : i32
        %dma_wait3A_1303 = tpu.memref_slice %arg3[%add3A_1035, %dma_wait3A_1301, %dma_wait3A_1302] : memref<2560x2x64xi32, #tpu.memory_space<hbm>> -> memref<1x2x64xi32, #tpu.memory_space<hbm>>
        %dma_wait3A_1304 = tpu.memref_squeeze %dma_wait3A_1303 : memref<1x2x64xi32, #tpu.memory_space<hbm>> -> memref<2x64xi32, #tpu.memory_space<hbm>>
        tpu.wait_dma2 semaphore(%run_scoped3A_1272 : memref<!tpu.dma_semaphore, #tpu.memory_space<semaphore_mem>>) src(%dma_wait3A_1304 : memref<2x64xi32, #tpu.memory_space<hbm>>) dst(%dma_wait3A_1300 : memref<2x64xi32, #tpu.memory_space<vmem>>)
        tpu.yield
      }) : () -> ()
      %get3A_1037 = arith.constant 3 : i32
      %get3A_1038 = arith.constant 0 : i32
      %get3A_1039 = arith.index_cast %get3A_1037 : i32 to index
      %get3A_1040 = arith.index_cast %get3A_1038 : i32 to index
      %get3A_1041 = arith.constant 0 : index
      %get3A_1042 = tpu.vector_load %arg5[%get3A_1039, %get3A_1040, %get3A_1041] {strides = array<i32>} : memref<5x2x64xi32, #tpu.memory_space<vmem>>, vector<1x1x16xi32>,
      %get3A_1043 = vector.shape_cast %get3A_1042 : vector<1x1x16xi32> to vector<16xi32>
      %add3A_1044 = vector.broadcast %mul3A_0 : i32 to vector<16xi32>
      %add3A_1045 = arith.addi %get3A_1043, %add3A_1044 : vector<16xi32>
      %swap3A_1046 = arith.constant 3 : i32
      %swap3A_1047 = arith.constant 0 : i32
      %swap3A_1048 = arith.index_cast %swap3A_1046 : i32 to index
      %swap3A_1049 = arith.index_cast %swap3A_1047 : i32 to index
      %swap3A_1050 = arith.constant 0 : index
      %swap3A_1051 = tpu.vector_load %arg5[%swap3A_1048, %swap3A_1049, %swap3A_1050] {strides = array<i32>} : memref<5x2x64xi32, #tpu.memory_space<vmem>>, vector<1x1x16xi32>,
      %swap3A_1052 = vector.shape_cast %swap3A_1051 : vector<1x1x16xi32> to vector<16xi32>
      %swap3A_1053 = vector.shape_cast %add3A_1045 : vector<16xi32> to vector<1x1x16xi32>
      tpu.vector_store %arg5[%swap3A_1048, %swap3A_1049, %swap3A_1050], %swap3A_1053 {strides = array<i32>} : memref<5x2x64xi32, #tpu.memory_space<vmem>>, vector<1x1x16xi32>,
      %get3A_1054 = arith.constant 3 : i32
      %get3A_1055 = arith.constant 0 : i32
      %get3A_1056 = arith.index_cast %get3A_1054 : i32 to index
      %get3A_1057 = arith.index_cast %get3A_1055 : i32 to index
      %get3A_1058 = arith.constant 16 : index
      %get3A_1059 = tpu.vector_load %arg5[%get3A_1056, %get3A_1057, %get3A_1058] {strides = array<i32>} : memref<5x2x64xi32, #tpu.memory_space<vmem>>, vector<1x1x16xi32>,
      %get3A_1060 = vector.shape_cast %get3A_1059 : vector<1x1x16xi32> to vector<16xi32>
      %add3A_1061 = vector.broadcast %mul3A_0 : i32 to vector<16xi32>
      %add3A_1062 = arith.addi %get3A_1060, %add3A_1061 : vector<16xi32>
      %swap3A_1063 = arith.constant 3 : i32
      %swap3A_1064 = arith.constant 0 : i32
      %swap3A_1065 = arith.index_cast %swap3A_1063 : i32 to index
      %swap3A_1066 = arith.index_cast %swap3A_1064 : i32 to index
      %swap3A_1067 = arith.constant 16 : index
      %swap3A_1068 = tpu.vector_load %arg5[%swap3A_1065, %swap3A_1066, %swap3A_1067] {strides = array<i32>} : memref<5x2x64xi32, #tpu.memory_space<vmem>>, vector<1x1x16xi32>,
      %swap3A_1069 = vector.shape_cast %swap3A_1068 : vector<1x1x16xi32> to vector<16xi32>
      %swap3A_1070 = vector.shape_cast %add3A_1062 : vector<16xi32> to vector<1x1x16xi32>
      tpu.vector_store %arg5[%swap3A_1065, %swap3A_1066, %swap3A_1067], %swap3A_1070 {strides = array<i32>} : memref<5x2x64xi32, #tpu.memory_space<vmem>>, vector<1x1x16xi32>,
      %get3A_1071 = arith.constant 3 : i32
      %get3A_1072 = arith.constant 0 : i32
      %get3A_1073 = arith.index_cast %get3A_1071 : i32 to index
      %get3A_1074 = arith.index_cast %get3A_1072 : i32 to index
      %get3A_1075 = arith.constant 32 : index
      %get3A_1076 = tpu.vector_load %arg5[%get3A_1073, %get3A_1074, %get3A_1075] {strides = array<i32>} : memref<5x2x64xi32, #tpu.memory_space<vmem>>, vector<1x1x16xi32>,
      %get3A_1077 = vector.shape_cast %get3A_1076 : vector<1x1x16xi32> to vector<16xi32>
      %add3A_1078 = vector.broadcast %mul3A_0 : i32 to vector<16xi32>
      %add3A_1079 = arith.addi %get3A_1077, %add3A_1078 : vector<16xi32>
      %swap3A_1080 = arith.constant 3 : i32
      %swap3A_1081 = arith.constant 0 : i32
      %swap3A_1082 = arith.index_cast %swap3A_1080 : i32 to index
      %swap3A_1083 = arith.index_cast %swap3A_1081 : i32 to index
      %swap3A_1084 = arith.constant 32 : index
      %swap3A_1085 = tpu.vector_load %arg5[%swap3A_1082, %swap3A_1083, %swap3A_1084] {strides = array<i32>} : memref<5x2x64xi32, #tpu.memory_space<vmem>>, vector<1x1x16xi32>,
      %swap3A_1086 = vector.shape_cast %swap3A_1085 : vector<1x1x16xi32> to vector<16xi32>
      %swap3A_1087 = vector.shape_cast %add3A_1079 : vector<16xi32> to vector<1x1x16xi32>
      tpu.vector_store %arg5[%swap3A_1082, %swap3A_1083, %swap3A_1084], %swap3A_1087 {strides = array<i32>} : memref<5x2x64xi32, #tpu.memory_space<vmem>>, vector<1x1x16xi32>,
      %get3A_1088 = arith.constant 3 : i32
      %get3A_1089 = arith.constant 0 : i32
      %get3A_1090 = arith.index_cast %get3A_1088 : i32 to index
      %get3A_1091 = arith.index_cast %get3A_1089 : i32 to index
      %get3A_1092 = arith.constant 48 : index
      %get3A_1093 = tpu.vector_load %arg5[%get3A_1090, %get3A_1091, %get3A_1092] {strides = array<i32>} : memref<5x2x64xi32, #tpu.memory_space<vmem>>, vector<1x1x16xi32>,
      %get3A_1094 = vector.shape_cast %get3A_1093 : vector<1x1x16xi32> to vector<16xi32>
      %add3A_1095 = vector.broadcast %mul3A_0 : i32 to vector<16xi32>
      %add3A_1096 = arith.addi %get3A_1094, %add3A_1095 : vector<16xi32>
      %swap3A_1097 = arith.constant 3 : i32
      %swap3A_1098 = arith.constant 0 : i32
      %swap3A_1099 = arith.index_cast %swap3A_1097 : i32 to index
      %swap3A_1100 = arith.index_cast %swap3A_1098 : i32 to index
      %swap3A_1101 = arith.constant 48 : index
      %swap3A_1102 = tpu.vector_load %arg5[%swap3A_1099, %swap3A_1100, %swap3A_1101] {strides = array<i32>} : memref<5x2x64xi32, #tpu.memory_space<vmem>>, vector<1x1x16xi32>,
      %swap3A_1103 = vector.shape_cast %swap3A_1102 : vector<1x1x16xi32> to vector<16xi32>
      %swap3A_1104 = vector.shape_cast %add3A_1096 : vector<16xi32> to vector<1x1x16xi32>
      tpu.vector_store %arg5[%swap3A_1099, %swap3A_1100, %swap3A_1101], %swap3A_1104 {strides = array<i32>} : memref<5x2x64xi32, #tpu.memory_space<vmem>>, vector<1x1x16xi32>,
      %dma_start3A_1105 = arith.constant 3 : i32
      %dma_start3A_1106 = arith.constant 0 : i32
      %dma_start3A_1107 = arith.constant 3 : i32
      %dma_start3A_1108 = arith.constant 0 : i32
      %dma_start3A_1109 = arith.constant 0 : i32
      %dma_start3A_1110 = tpu.memref_slice %arg6[%dma_start3A_1107, %dma_start3A_1108, %dma_start3A_1109] : memref<5x64x128xf32, #tpu.memory_space<vmem>> -> memref<1x64x128xf32, #tpu.memory_space<vmem>>
      %dma_start3A_1111 = tpu.memref_squeeze %dma_start3A_1110 : memref<1x64x128xf32, #tpu.memory_space<vmem>> -> memref<64x128xf32, #tpu.memory_space<vmem>>
      %dma_start3A_1112 = arith.constant 0 : i32
      %dma_start3A_1113 = tpu.memref_slice %arg5[%dma_start3A_1105, %dma_start3A_1106, %dma_start3A_1112] : memref<5x2x64xi32, #tpu.memory_space<vmem>> -> memref<1x1x64xi32, #tpu.memory_space<vmem>>
      %dma_start3A_1114 = tpu.memref_squeeze %dma_start3A_1113 : memref<1x1x64xi32, #tpu.memory_space<vmem>> -> memref<64xi32, #tpu.memory_space<vmem>>
      %dma_start3A_1115 = arith.constant 0 : i32
      %dma_start3A_1116 = arith.constant 0 : i32
      %dma_start3A_1117 = tpu.memref_slice %arg2[%dma_start3A_1115, %dma_start3A_1116] : memref<20224x128xf32, #tpu.memory_space<hbm>> -> memref<20224x128xf32, #tpu.memory_space<hbm>>
      tpu.enqueue_indirect_dma source(%dma_start3A_1117 : memref<20224x128xf32, #tpu.memory_space<hbm>>) target(%dma_start3A_1111 : memref<64x128xf32, #tpu.memory_space<vmem>>) offsets(%dma_start3A_1114 : memref<64xi32, #tpu.memory_space<vmem>>) semaphore(%arg11 : memref<!tpu.dma_semaphore, #tpu.memory_space<semaphore_mem>>)
      %dma_wait3A_1118 = arith.constant 0 : i32
      %dma_wait3A_1119 = arith.constant 0 : i32
      %dma_wait3A_1120 = arith.constant 0 : i32
      %dma_wait3A_1121 = arith.constant 0 : i32
      %dma_wait3A_1122 = arith.constant 0 : i32
      %dma_wait3A_1123 = tpu.memref_slice %arg6[%dma_wait3A_1120, %dma_wait3A_1121, %dma_wait3A_1122] : memref<5x64x128xf32, #tpu.memory_space<vmem>> -> memref<1x64x128xf32, #tpu.memory_space<vmem>>
      %dma_wait3A_1124 = tpu.memref_squeeze %dma_wait3A_1123 : memref<1x64x128xf32, #tpu.memory_space<vmem>> -> memref<64x128xf32, #tpu.memory_space<vmem>>
      %dma_wait3A_1125 = arith.constant 0 : i32
      %dma_wait3A_1126 = tpu.memref_slice %arg5[%dma_wait3A_1118, %dma_wait3A_1119, %dma_wait3A_1125] : memref<5x2x64xi32, #tpu.memory_space<vmem>> -> memref<1x1x64xi32, #tpu.memory_space<vmem>>
      %dma_wait3A_1127 = tpu.memref_squeeze %dma_wait3A_1126 : memref<1x1x64xi32, #tpu.memory_space<vmem>> -> memref<64xi32, #tpu.memory_space<vmem>>
      %dma_wait3A_1128 = arith.constant 0 : i32
      %dma_wait3A_1129 = arith.constant 0 : i32
      %dma_wait3A_1130 = tpu.memref_slice %arg2[%dma_wait3A_1128, %dma_wait3A_1129] : memref<20224x128xf32, #tpu.memory_space<hbm>> -> memref<20224x128xf32, #tpu.memory_space<hbm>>
      tpu.wait_indirect_dma semaphore(%arg8 : memref<!tpu.dma_semaphore, #tpu.memory_space<semaphore_mem>>) src(%dma_wait3A_1130 : memref<20224x128xf32, #tpu.memory_space<hbm>>) dst(%dma_wait3A_1124 : memref<64x128xf32, #tpu.memory_space<vmem>>)
      %dma_start3A_1131 = arith.constant 0 : i32
      %dma_start3A_1132 = arith.constant 0 : i32
      %dma_start3A_1133 = arith.constant 1 : i32
      %dma_start3A_1134 = arith.constant 0 : i32
      %dma_start3A_1135 = arith.constant 0 : i32
      %dma_start3A_1136 = tpu.memref_slice %arg6[%dma_start3A_1131, %dma_start3A_1134, %dma_start3A_1135] : memref<5x64x128xf32, #tpu.memory_space<vmem>> -> memref<1x64x128xf32, #tpu.memory_space<vmem>>
      %dma_start3A_1137 = tpu.memref_squeeze %dma_start3A_1136 : memref<1x64x128xf32, #tpu.memory_space<vmem>> -> memref<64x128xf32, #tpu.memory_space<vmem>>
      %dma_start3A_1138 = arith.constant 0 : i32
      %dma_start3A_1139 = tpu.memref_slice %arg5[%dma_start3A_1132, %dma_start3A_1133, %dma_start3A_1138] : memref<5x2x64xi32, #tpu.memory_space<vmem>> -> memref<1x1x64xi32, #tpu.memory_space<vmem>>
      %dma_start3A_1140 = tpu.memref_squeeze %dma_start3A_1139 : memref<1x1x64xi32, #tpu.memory_space<vmem>> -> memref<64xi32, #tpu.memory_space<vmem>>
      %dma_start3A_1141 = arith.constant 0 : i32
      %dma_start3A_1142 = arith.constant 0 : i32
      %dma_start3A_1143 = tpu.memref_slice %arg7[%dma_start3A_1141, %dma_start3A_1142] : memref<10112x128xf32, #tpu.memory_space<vmem_shared>> -> memref<10112x128xf32, #tpu.memory_space<vmem_shared>>
      tpu.enqueue_indirect_dma source(%dma_start3A_1137 : memref<64x128xf32, #tpu.memory_space<vmem>>) target(%dma_start3A_1143 : memref<10112x128xf32, #tpu.memory_space<vmem_shared>>) offsets(%dma_start3A_1140 : memref<64xi32, #tpu.memory_space<vmem>>) semaphore(%arg13 : memref<!tpu.dma_semaphore, #tpu.memory_space<semaphore_mem>>) {add = true}
      %dma_wait3A_1144 = arith.constant 4 : i32
      %dma_wait3A_1145 = arith.constant 4 : i32
      %dma_wait3A_1146 = arith.constant 1 : i32
      %dma_wait3A_1147 = arith.constant 0 : i32
      %dma_wait3A_1148 = arith.constant 0 : i32
      %dma_wait3A_1149 = tpu.memref_slice %arg6[%dma_wait3A_1144, %dma_wait3A_1147, %dma_wait3A_1148] : memref<5x64x128xf32, #tpu.memory_space<vmem>> -> memref<1x64x128xf32, #tpu.memory_space<vmem>>
      %dma_wait3A_1150 = tpu.memref_squeeze %dma_wait3A_1149 : memref<1x64x128xf32, #tpu.memory_space<vmem>> -> memref<64x128xf32, #tpu.memory_space<vmem>>
      %dma_wait3A_1151 = arith.constant 0 : i32
      %dma_wait3A_1152 = tpu.memref_slice %arg5[%dma_wait3A_1145, %dma_wait3A_1146, %dma_wait3A_1151] : memref<5x2x64xi32, #tpu.memory_space<vmem>> -> memref<1x1x64xi32, #tpu.memory_space<vmem>>
      %dma_wait3A_1153 = tpu.memref_squeeze %dma_wait3A_1152 : memref<1x1x64xi32, #tpu.memory_space<vmem>> -> memref<64xi32, #tpu.memory_space<vmem>>
      %dma_wait3A_1154 = arith.constant 0 : i32
      %dma_wait3A_1155 = arith.constant 0 : i32
      %dma_wait3A_1156 = tpu.memref_slice %arg7[%dma_wait3A_1154, %dma_wait3A_1155] : memref<10112x128xf32, #tpu.memory_space<vmem_shared>> -> memref<10112x128xf32, #tpu.memory_space<vmem_shared>>
      tpu.wait_indirect_dma semaphore(%arg17 : memref<!tpu.dma_semaphore, #tpu.memory_space<semaphore_mem>>) src(%dma_wait3A_1150 : memref<64x128xf32, #tpu.memory_space<vmem>>) dst(%dma_wait3A_1156 : memref<10112x128xf32, #tpu.memory_space<vmem_shared>>)
      %add3A_1157 = arith.constant 4 : i32
      %add3A_1158 = arith.addi %add3A_632, %add3A_1157 : i32
      %add3A_1159 = arith.constant 5 : i32
      %add3A_1160 = arith.addi %add3A_1158, %add3A_1159 : i32
      %sub3A_1161 = arith.constant 2 : i32
      %sub3A_1162 = arith.subi %add3A_1160, %sub3A_1161 : i32
      %add3A_1163 = arith.addi %mul3A_2, %sub3A_1162 : i32
      %run_scoped3A_1164 = arith.constant 4 : i32
      "tpu.region"() ({
        %run_scoped3A_1272 = tpu.sem_alloc : memref<!tpu.dma_semaphore, #tpu.memory_space<semaphore_mem>>
        %dma_start3A_1273 = arith.constant 0 : i32
        %dma_start3A_1274 = arith.constant 0 : i32
        %dma_start3A_1275 = tpu.memref_slice %arg5[%run_scoped3A_1164, %dma_start3A_1273, %dma_start3A_1274] : memref<5x2x64xi32, #tpu.memory_space<vmem>> -> memref<1x2x64xi32, #tpu.memory_space<vmem>>
        %dma_start3A_1276 = tpu.memref_squeeze %dma_start3A_1275 : memref<1x2x64xi32, #tpu.memory_space<vmem>> -> memref<2x64xi32, #tpu.memory_space<vmem>>
        %dma_start3A_1277 = arith.constant 0 : i32
        %dma_start3A_1278 = arith.constant 0 : i32
        %dma_start3A_1279 = tpu.memref_slice %arg3[%add3A_1163, %dma_start3A_1277, %dma_start3A_1278] : memref<2560x2x64xi32, #tpu.memory_space<hbm>> -> memref<1x2x64xi32, #tpu.memory_space<hbm>>
        %dma_start3A_1280 = tpu.memref_squeeze %dma_start3A_1279 : memref<1x2x64xi32, #tpu.memory_space<hbm>> -> memref<2x64xi32, #tpu.memory_space<hbm>>
        %dma_start3A_1281 = arith.constant 0 : i32
        %dma_start3A_1282 = arith.constant 0 : i32
        %dma_start3A_1283 = tpu.memref_slice %arg5[%run_scoped3A_1164, %dma_start3A_1281, %dma_start3A_1282] : memref<5x2x64xi32, #tpu.memory_space<vmem>> -> memref<1x2x64xi32, #tpu.memory_space<vmem>>
        %dma_start3A_1284 = tpu.memref_squeeze %dma_start3A_1283 : memref<1x2x64xi32, #tpu.memory_space<vmem>> -> memref<2x64xi32, #tpu.memory_space<vmem>>
        %dma_start3A_1285 = arith.constant 0 : i32
        %dma_start3A_1286 = arith.constant 0 : i32
        %dma_start3A_1287 = tpu.memref_slice %arg3[%add3A_1163, %dma_start3A_1285, %dma_start3A_1286] : memref<2560x2x64xi32, #tpu.memory_space<hbm>> -> memref<1x2x64xi32, #tpu.memory_space<hbm>>
        %dma_start3A_1288 = tpu.memref_squeeze %dma_start3A_1287 : memref<1x2x64xi32, #tpu.memory_space<hbm>> -> memref<2x64xi32, #tpu.memory_space<hbm>>
        tpu.enqueue_dma source(%dma_start3A_1288 : memref<2x64xi32, #tpu.memory_space<hbm>>) target(%dma_start3A_1284 : memref<2x64xi32, #tpu.memory_space<vmem>>) target_semaphore(%run_scoped3A_1272 : memref<!tpu.dma_semaphore, #tpu.memory_space<semaphore_mem>>)
        %dma_wait3A_1289 = arith.constant 0 : i32
        %dma_wait3A_1290 = arith.constant 0 : i32
        %dma_wait3A_1291 = tpu.memref_slice %arg5[%run_scoped3A_1164, %dma_wait3A_1289, %dma_wait3A_1290] : memref<5x2x64xi32, #tpu.memory_space<vmem>> -> memref<1x2x64xi32, #tpu.memory_space<vmem>>
        %dma_wait3A_1292 = tpu.memref_squeeze %dma_wait3A_1291 : memref<1x2x64xi32, #tpu.memory_space<vmem>> -> memref<2x64xi32, #tpu.memory_space<vmem>>
        %dma_wait3A_1293 = arith.constant 0 : i32
        %dma_wait3A_1294 = arith.constant 0 : i32
        %dma_wait3A_1295 = tpu.memref_slice %arg3[%add3A_1163, %dma_wait3A_1293, %dma_wait3A_1294] : memref<2560x2x64xi32, #tpu.memory_space<hbm>> -> memref<1x2x64xi32, #tpu.memory_space<hbm>>
        %dma_wait3A_1296 = tpu.memref_squeeze %dma_wait3A_1295 : memref<1x2x64xi32, #tpu.memory_space<hbm>> -> memref<2x64xi32, #tpu.memory_space<hbm>>
        %dma_wait3A_1297 = arith.constant 0 : i32
        %dma_wait3A_1298 = arith.constant 0 : i32
        %dma_wait3A_1299 = tpu.memref_slice %arg5[%run_scoped3A_1164, %dma_wait3A_1297, %dma_wait3A_1298] : memref<5x2x64xi32, #tpu.memory_space<vmem>> -> memref<1x2x64xi32, #tpu.memory_space<vmem>>
        %dma_wait3A_1300 = tpu.memref_squeeze %dma_wait3A_1299 : memref<1x2x64xi32, #tpu.memory_space<vmem>> -> memref<2x64xi32, #tpu.memory_space<vmem>>
        %dma_wait3A_1301 = arith.constant 0 : i32
        %dma_wait3A_1302 = arith.constant 0 : i32
        %dma_wait3A_1303 = tpu.memref_slice %arg3[%add3A_1163, %dma_wait3A_1301, %dma_wait3A_1302] : memref<2560x2x64xi32, #tpu.memory_space<hbm>> -> memref<1x2x64xi32, #tpu.memory_space<hbm>>
        %dma_wait3A_1304 = tpu.memref_squeeze %dma_wait3A_1303 : memref<1x2x64xi32, #tpu.memory_space<hbm>> -> memref<2x64xi32, #tpu.memory_space<hbm>>
        tpu.wait_dma2 semaphore(%run_scoped3A_1272 : memref<!tpu.dma_semaphore, #tpu.memory_space<semaphore_mem>>) src(%dma_wait3A_1304 : memref<2x64xi32, #tpu.memory_space<hbm>>) dst(%dma_wait3A_1300 : memref<2x64xi32, #tpu.memory_space<vmem>>)
        tpu.yield
      }) : () -> ()
      %get3A_1165 = arith.constant 4 : i32
      %get3A_1166 = arith.constant 0 : i32
      %get3A_1167 = arith.index_cast %get3A_1165 : i32 to index
      %get3A_1168 = arith.index_cast %get3A_1166 : i32 to index
      %get3A_1169 = arith.constant 0 : index
      %get3A_1170 = tpu.vector_load %arg5[%get3A_1167, %get3A_1168, %get3A_1169] {strides = array<i32>} : memref<5x2x64xi32, #tpu.memory_space<vmem>>, vector<1x1x16xi32>,
      %get3A_1171 = vector.shape_cast %get3A_1170 : vector<1x1x16xi32> to vector<16xi32>
      %add3A_1172 = vector.broadcast %mul3A_0 : i32 to vector<16xi32>
      %add3A_1173 = arith.addi %get3A_1171, %add3A_1172 : vector<16xi32>
      %swap3A_1174 = arith.constant 4 : i32
      %swap3A_1175 = arith.constant 0 : i32
      %swap3A_1176 = arith.index_cast %swap3A_1174 : i32 to index
      %swap3A_1177 = arith.index_cast %swap3A_1175 : i32 to index
      %swap3A_1178 = arith.constant 0 : index
      %swap3A_1179 = tpu.vector_load %arg5[%swap3A_1176, %swap3A_1177, %swap3A_1178] {strides = array<i32>} : memref<5x2x64xi32, #tpu.memory_space<vmem>>, vector<1x1x16xi32>,
      %swap3A_1180 = vector.shape_cast %swap3A_1179 : vector<1x1x16xi32> to vector<16xi32>
      %swap3A_1181 = vector.shape_cast %add3A_1173 : vector<16xi32> to vector<1x1x16xi32>
      tpu.vector_store %arg5[%swap3A_1176, %swap3A_1177, %swap3A_1178], %swap3A_1181 {strides = array<i32>} : memref<5x2x64xi32, #tpu.memory_space<vmem>>, vector<1x1x16xi32>,
      %get3A_1182 = arith.constant 4 : i32
      %get3A_1183 = arith.constant 0 : i32
      %get3A_1184 = arith.index_cast %get3A_1182 : i32 to index
      %get3A_1185 = arith.index_cast %get3A_1183 : i32 to index
      %get3A_1186 = arith.constant 16 : index
      %get3A_1187 = tpu.vector_load %arg5[%get3A_1184, %get3A_1185, %get3A_1186] {strides = array<i32>} : memref<5x2x64xi32, #tpu.memory_space<vmem>>, vector<1x1x16xi32>,
      %get3A_1188 = vector.shape_cast %get3A_1187 : vector<1x1x16xi32> to vector<16xi32>
      %add3A_1189 = vector.broadcast %mul3A_0 : i32 to vector<16xi32>
      %add3A_1190 = arith.addi %get3A_1188, %add3A_1189 : vector<16xi32>
      %swap3A_1191 = arith.constant 4 : i32
      %swap3A_1192 = arith.constant 0 : i32
      %swap3A_1193 = arith.index_cast %swap3A_1191 : i32 to index
      %swap3A_1194 = arith.index_cast %swap3A_1192 : i32 to index
      %swap3A_1195 = arith.constant 16 : index
      %swap3A_1196 = tpu.vector_load %arg5[%swap3A_1193, %swap3A_1194, %swap3A_1195] {strides = array<i32>} : memref<5x2x64xi32, #tpu.memory_space<vmem>>, vector<1x1x16xi32>,
      %swap3A_1197 = vector.shape_cast %swap3A_1196 : vector<1x1x16xi32> to vector<16xi32>
      %swap3A_1198 = vector.shape_cast %add3A_1190 : vector<16xi32> to vector<1x1x16xi32>
      tpu.vector_store %arg5[%swap3A_1193, %swap3A_1194, %swap3A_1195], %swap3A_1198 {strides = array<i32>} : memref<5x2x64xi32, #tpu.memory_space<vmem>>, vector<1x1x16xi32>,
      %get3A_1199 = arith.constant 4 : i32
      %get3A_1200 = arith.constant 0 : i32
      %get3A_1201 = arith.index_cast %get3A_1199 : i32 to index
      %get3A_1202 = arith.index_cast %get3A_1200 : i32 to index
      %get3A_1203 = arith.constant 32 : index
      %get3A_1204 = tpu.vector_load %arg5[%get3A_1201, %get3A_1202, %get3A_1203] {strides = array<i32>} : memref<5x2x64xi32, #tpu.memory_space<vmem>>, vector<1x1x16xi32>,
      %get3A_1205 = vector.shape_cast %get3A_1204 : vector<1x1x16xi32> to vector<16xi32>
      %add3A_1206 = vector.broadcast %mul3A_0 : i32 to vector<16xi32>
      %add3A_1207 = arith.addi %get3A_1205, %add3A_1206 : vector<16xi32>
      %swap3A_1208 = arith.constant 4 : i32
      %swap3A_1209 = arith.constant 0 : i32
      %swap3A_1210 = arith.index_cast %swap3A_1208 : i32 to index
      %swap3A_1211 = arith.index_cast %swap3A_1209 : i32 to index
      %swap3A_1212 = arith.constant 32 : index
      %swap3A_1213 = tpu.vector_load %arg5[%swap3A_1210, %swap3A_1211, %swap3A_1212] {strides = array<i32>} : memref<5x2x64xi32, #tpu.memory_space<vmem>>, vector<1x1x16xi32>,
      %swap3A_1214 = vector.shape_cast %swap3A_1213 : vector<1x1x16xi32> to vector<16xi32>
      %swap3A_1215 = vector.shape_cast %add3A_1207 : vector<16xi32> to vector<1x1x16xi32>
      tpu.vector_store %arg5[%swap3A_1210, %swap3A_1211, %swap3A_1212], %swap3A_1215 {strides = array<i32>} : memref<5x2x64xi32, #tpu.memory_space<vmem>>, vector<1x1x16xi32>,
      %get3A_1216 = arith.constant 4 : i32
      %get3A_1217 = arith.constant 0 : i32
      %get3A_1218 = arith.index_cast %get3A_1216 : i32 to index
      %get3A_1219 = arith.index_cast %get3A_1217 : i32 to index
      %get3A_1220 = arith.constant 48 : index
      %get3A_1221 = tpu.vector_load %arg5[%get3A_1218, %get3A_1219, %get3A_1220] {strides = array<i32>} : memref<5x2x64xi32, #tpu.memory_space<vmem>>, vector<1x1x16xi32>,
      %get3A_1222 = vector.shape_cast %get3A_1221 : vector<1x1x16xi32> to vector<16xi32>
      %add3A_1223 = vector.broadcast %mul3A_0 : i32 to vector<16xi32>
      %add3A_1224 = arith.addi %get3A_1222, %add3A_1223 : vector<16xi32>
      %swap3A_1225 = arith.constant 4 : i32
      %swap3A_1226 = arith.constant 0 : i32
      %swap3A_1227 = arith.index_cast %swap3A_1225 : i32 to index
      %swap3A_1228 = arith.index_cast %swap3A_1226 : i32 to index
      %swap3A_1229 = arith.constant 48 : index
      %swap3A_1230 = tpu.vector_load %arg5[%swap3A_1227, %swap3A_1228, %swap3A_1229] {strides = array<i32>} : memref<5x2x64xi32, #tpu.memory_space<vmem>>, vector<1x1x16xi32>,
      %swap3A_1231 = vector.shape_cast %swap3A_1230 : vector<1x1x16xi32> to vector<16xi32>
      %swap3A_1232 = vector.shape_cast %add3A_1224 : vector<16xi32> to vector<1x1x16xi32>
      tpu.vector_store %arg5[%swap3A_1227, %swap3A_1228, %swap3A_1229], %swap3A_1232 {strides = array<i32>} : memref<5x2x64xi32, #tpu.memory_space<vmem>>, vector<1x1x16xi32>,
      %dma_start3A_1233 = arith.constant 4 : i32
      %dma_start3A_1234 = arith.constant 0 : i32
      %dma_start3A_1235 = arith.constant 4 : i32
      %dma_start3A_1236 = arith.constant 0 : i32
      %dma_start3A_1237 = arith.constant 0 : i32
      %dma_start3A_1238 = tpu.memref_slice %arg6[%dma_start3A_1235, %dma_start3A_1236, %dma_start3A_1237] : memref<5x64x128xf32, #tpu.memory_space<vmem>> -> memref<1x64x128xf32, #tpu.memory_space<vmem>>
      %dma_start3A_1239 = tpu.memref_squeeze %dma_start3A_1238 : memref<1x64x128xf32, #tpu.memory_space<vmem>> -> memref<64x128xf32, #tpu.memory_space<vmem>>
      %dma_start3A_1240 = arith.constant 0 : i32
      %dma_start3A_1241 = tpu.memref_slice %arg5[%dma_start3A_1233, %dma_start3A_1234, %dma_start3A_1240] : memref<5x2x64xi32, #tpu.memory_space<vmem>> -> memref<1x1x64xi32, #tpu.memory_space<vmem>>
      %dma_start3A_1242 = tpu.memref_squeeze %dma_start3A_1241 : memref<1x1x64xi32, #tpu.memory_space<vmem>> -> memref<64xi32, #tpu.memory_space<vmem>>
      %dma_start3A_1243 = arith.constant 0 : i32
      %dma_start3A_1244 = arith.constant 0 : i32
      %dma_start3A_1245 = tpu.memref_slice %arg2[%dma_start3A_1243, %dma_start3A_1244] : memref<20224x128xf32, #tpu.memory_space<hbm>> -> memref<20224x128xf32, #tpu.memory_space<hbm>>
      tpu.enqueue_indirect_dma source(%dma_start3A_1245 : memref<20224x128xf32, #tpu.memory_space<hbm>>) target(%dma_start3A_1239 : memref<64x128xf32, #tpu.memory_space<vmem>>) offsets(%dma_start3A_1242 : memref<64xi32, #tpu.memory_space<vmem>>) semaphore(%arg12 : memref<!tpu.dma_semaphore, #tpu.memory_space<semaphore_mem>>)
      %dma_wait3A_1246 = arith.constant 1 : i32
      %dma_wait3A_1247 = arith.constant 0 : i32
      %dma_wait3A_1248 = arith.constant 1 : i32
      %dma_wait3A_1249 = arith.constant 0 : i32
      %dma_wait3A_1250 = arith.constant 0 : i32
      %dma_wait3A_1251 = tpu.memref_slice %arg6[%dma_wait3A_1248, %dma_wait3A_1249, %dma_wait3A_1250] : memref<5x64x128xf32, #tpu.memory_space<vmem>> -> memref<1x64x128xf32, #tpu.memory_space<vmem>>
      %dma_wait3A_1252 = tpu.memref_squeeze %dma_wait3A_1251 : memref<1x64x128xf32, #tpu.memory_space<vmem>> -> memref<64x128xf32, #tpu.memory_space<vmem>>
      %dma_wait3A_1253 = arith.constant 0 : i32
      %dma_wait3A_1254 = tpu.memref_slice %arg5[%dma_wait3A_1246, %dma_wait3A_1247, %dma_wait3A_1253] : memref<5x2x64xi32, #tpu.memory_space<vmem>> -> memref<1x1x64xi32, #tpu.memory_space<vmem>>
      %dma_wait3A_1255 = tpu.memref_squeeze %dma_wait3A_1254 : memref<1x1x64xi32, #tpu.memory_space<vmem>> -> memref<64xi32, #tpu.memory_space<vmem>>
      %dma_wait3A_1256 = arith.constant 0 : i32
      %dma_wait3A_1257 = arith.constant 0 : i32
      %dma_wait3A_1258 = tpu.memref_slice %arg2[%dma_wait3A_1256, %dma_wait3A_1257] : memref<20224x128xf32, #tpu.memory_space<hbm>> -> memref<20224x128xf32, #tpu.memory_space<hbm>>
      tpu.wait_indirect_dma semaphore(%arg9 : memref<!tpu.dma_semaphore, #tpu.memory_space<semaphore_mem>>) src(%dma_wait3A_1258 : memref<20224x128xf32, #tpu.memory_space<hbm>>) dst(%dma_wait3A_1252 : memref<64x128xf32, #tpu.memory_space<vmem>>)
      %dma_start3A_1259 = arith.constant 1 : i32
      %dma_start3A_1260 = arith.constant 1 : i32
      %dma_start3A_1261 = arith.constant 1 : i32
      %dma_start3A_1262 = arith.constant 0 : i32
      %dma_start3A_1263 = arith.constant 0 : i32
      %dma_start3A_1264 = tpu.memref_slice %arg6[%dma_start3A_1259, %dma_start3A_1262, %dma_start3A_1263] : memref<5x64x128xf32, #tpu.memory_space<vmem>> -> memref<1x64x128xf32, #tpu.memory_space<vmem>>
      %dma_start3A_1265 = tpu.memref_squeeze %dma_start3A_1264 : memref<1x64x128xf32, #tpu.memory_space<vmem>> -> memref<64x128xf32, #tpu.memory_space<vmem>>
      %dma_start3A_1266 = arith.constant 0 : i32
      %dma_start3A_1267 = tpu.memref_slice %arg5[%dma_start3A_1260, %dma_start3A_1261, %dma_start3A_1266] : memref<5x2x64xi32, #tpu.memory_space<vmem>> -> memref<1x1x64xi32, #tpu.memory_space<vmem>>
      %dma_start3A_1268 = tpu.memref_squeeze %dma_start3A_1267 : memref<1x1x64xi32, #tpu.memory_space<vmem>> -> memref<64xi32, #tpu.memory_space<vmem>>
      %dma_start3A_1269 = arith.constant 0 : i32
      %dma_start3A_1270 = arith.constant 0 : i32
      %dma_start3A_1271 = tpu.memref_slice %arg7[%dma_start3A_1269, %dma_start3A_1270] : memref<10112x128xf32, #tpu.memory_space<vmem_shared>> -> memref<10112x128xf32, #tpu.memory_space<vmem_shared>>
      tpu.enqueue_indirect_dma source(%dma_start3A_1265 : memref<64x128xf32, #tpu.memory_space<vmem>>) target(%dma_start3A_1271 : memref<10112x128xf32, #tpu.memory_space<vmem_shared>>) offsets(%dma_start3A_1268 : memref<64xi32, #tpu.memory_space<vmem>>) semaphore(%arg14 : memref<!tpu.dma_semaphore, #tpu.memory_space<semaphore_mem>>) {add = true}
    }
    %scan3A_479 = arith.constant 31 : i32
    %dma_wait3A_480 = arith.constant 0 : i32
    %dma_wait3A_481 = arith.constant 0 : i32
    %dma_wait3A_482 = arith.constant 1 : i32
    %dma_wait3A_483 = arith.constant 0 : i32
    %dma_wait3A_484 = arith.constant 0 : i32
    %dma_wait3A_485 = tpu.memref_slice %arg6[%dma_wait3A_480, %dma_wait3A_483, %dma_wait3A_484] : memref<5x64x128xf32, #tpu.memory_space<vmem>> -> memref<1x64x128xf32, #tpu.memory_space<vmem>>
    %dma_wait3A_486 = tpu.memref_squeeze %dma_wait3A_485 : memref<1x64x128xf32, #tpu.memory_space<vmem>> -> memref<64x128xf32, #tpu.memory_space<vmem>>
    %dma_wait3A_487 = arith.constant 0 : i32
    %dma_wait3A_488 = tpu.memref_slice %arg5[%dma_wait3A_481, %dma_wait3A_482, %dma_wait3A_487] : memref<5x2x64xi32, #tpu.memory_space<vmem>> -> memref<1x1x64xi32, #tpu.memory_space<vmem>>
    %dma_wait3A_489 = tpu.memref_squeeze %dma_wait3A_488 : memref<1x1x64xi32, #tpu.memory_space<vmem>> -> memref<64xi32, #tpu.memory_space<vmem>>
    %dma_wait3A_490 = arith.constant 0 : i32
    %dma_wait3A_491 = arith.constant 0 : i32
    %dma_wait3A_492 = tpu.memref_slice %arg7[%dma_wait3A_490, %dma_wait3A_491] : memref<10112x128xf32, #tpu.memory_space<vmem_shared>> -> memref<10112x128xf32, #tpu.memory_space<vmem_shared>>
    tpu.wait_indirect_dma semaphore(%arg13 : memref<!tpu.dma_semaphore, #tpu.memory_space<semaphore_mem>>) src(%dma_wait3A_486 : memref<64x128xf32, #tpu.memory_space<vmem>>) dst(%dma_wait3A_492 : memref<10112x128xf32, #tpu.memory_space<vmem_shared>>)
    %dma_wait3A_493 = arith.constant 2 : i32
    %dma_wait3A_494 = arith.constant 0 : i32
    %dma_wait3A_495 = arith.constant 2 : i32
    %dma_wait3A_496 = arith.constant 0 : i32
    %dma_wait3A_497 = arith.constant 0 : i32
    %dma_wait3A_498 = tpu.memref_slice %arg6[%dma_wait3A_495, %dma_wait3A_496, %dma_wait3A_497] : memref<5x64x128xf32, #tpu.memory_space<vmem>> -> memref<1x64x128xf32, #tpu.memory_space<vmem>>
    %dma_wait3A_499 = tpu.memref_squeeze %dma_wait3A_498 : memref<1x64x128xf32, #tpu.memory_space<vmem>> -> memref<64x128xf32, #tpu.memory_space<vmem>>
    %dma_wait3A_500 = arith.constant 0 : i32
    %dma_wait3A_501 = tpu.memref_slice %arg5[%dma_wait3A_493, %dma_wait3A_494, %dma_wait3A_500] : memref<5x2x64xi32, #tpu.memory_space<vmem>> -> memref<1x1x64xi32, #tpu.memory_space<vmem>>
    %dma_wait3A_502 = tpu.memref_squeeze %dma_wait3A_501 : memref<1x1x64xi32, #tpu.memory_space<vmem>> -> memref<64xi32, #tpu.memory_space<vmem>>
    %dma_wait3A_503 = arith.constant 0 : i32
    %dma_wait3A_504 = arith.constant 0 : i32
    %dma_wait3A_505 = tpu.memref_slice %arg2[%dma_wait3A_503, %dma_wait3A_504] : memref<20224x128xf32, #tpu.memory_space<hbm>> -> memref<20224x128xf32, #tpu.memory_space<hbm>>
    tpu.wait_indirect_dma semaphore(%arg10 : memref<!tpu.dma_semaphore, #tpu.memory_space<semaphore_mem>>) src(%dma_wait3A_505 : memref<20224x128xf32, #tpu.memory_space<hbm>>) dst(%dma_wait3A_499 : memref<64x128xf32, #tpu.memory_space<vmem>>)
    %dma_start3A_506 = arith.constant 2 : i32
    %dma_start3A_507 = arith.constant 2 : i32
    %dma_start3A_508 = arith.constant 1 : i32
    %dma_start3A_509 = arith.constant 0 : i32
    %dma_start3A_510 = arith.constant 0 : i32
    %dma_start3A_511 = tpu.memref_slice %arg6[%dma_start3A_506, %dma_start3A_509, %dma_start3A_510] : memref<5x64x128xf32, #tpu.memory_space<vmem>> -> memref<1x64x128xf32, #tpu.memory_space<vmem>>
    %dma_start3A_512 = tpu.memref_squeeze %dma_start3A_511 : memref<1x64x128xf32, #tpu.memory_space<vmem>> -> memref<64x128xf32, #tpu.memory_space<vmem>>
    %dma_start3A_513 = arith.constant 0 : i32
    %dma_start3A_514 = tpu.memref_slice %arg5[%dma_start3A_507, %dma_start3A_508, %dma_start3A_513] : memref<5x2x64xi32, #tpu.memory_space<vmem>> -> memref<1x1x64xi32, #tpu.memory_space<vmem>>
    %dma_start3A_515 = tpu.memref_squeeze %dma_start3A_514 : memref<1x1x64xi32, #tpu.memory_space<vmem>> -> memref<64xi32, #tpu.memory_space<vmem>>
    %dma_start3A_516 = arith.constant 0 : i32
    %dma_start3A_517 = arith.constant 0 : i32
    %dma_start3A_518 = tpu.memref_slice %arg7[%dma_start3A_516, %dma_start3A_517] : memref<10112x128xf32, #tpu.memory_space<vmem_shared>> -> memref<10112x128xf32, #tpu.memory_space<vmem_shared>>
    tpu.enqueue_indirect_dma source(%dma_start3A_512 : memref<64x128xf32, #tpu.memory_space<vmem>>) target(%dma_start3A_518 : memref<10112x128xf32, #tpu.memory_space<vmem_shared>>) offsets(%dma_start3A_515 : memref<64xi32, #tpu.memory_space<vmem>>) semaphore(%arg15 : memref<!tpu.dma_semaphore, #tpu.memory_space<semaphore_mem>>) {add = true}
    %dma_wait3A_519 = arith.constant 1 : i32
    %dma_wait3A_520 = arith.constant 1 : i32
    %dma_wait3A_521 = arith.constant 1 : i32
    %dma_wait3A_522 = arith.constant 0 : i32
    %dma_wait3A_523 = arith.constant 0 : i32
    %dma_wait3A_524 = tpu.memref_slice %arg6[%dma_wait3A_519, %dma_wait3A_522, %dma_wait3A_523] : memref<5x64x128xf32, #tpu.memory_space<vmem>> -> memref<1x64x128xf32, #tpu.memory_space<vmem>>
    %dma_wait3A_525 = tpu.memref_squeeze %dma_wait3A_524 : memref<1x64x128xf32, #tpu.memory_space<vmem>> -> memref<64x128xf32, #tpu.memory_space<vmem>>
    %dma_wait3A_526 = arith.constant 0 : i32
    %dma_wait3A_527 = tpu.memref_slice %arg5[%dma_wait3A_520, %dma_wait3A_521, %dma_wait3A_526] : memref<5x2x64xi32, #tpu.memory_space<vmem>> -> memref<1x1x64xi32, #tpu.memory_space<vmem>>
    %dma_wait3A_528 = tpu.memref_squeeze %dma_wait3A_527 : memref<1x1x64xi32, #tpu.memory_space<vmem>> -> memref<64xi32, #tpu.memory_space<vmem>>
    %dma_wait3A_529 = arith.constant 0 : i32
    %dma_wait3A_530 = arith.constant 0 : i32
    %dma_wait3A_531 = tpu.memref_slice %arg7[%dma_wait3A_529, %dma_wait3A_530] : memref<10112x128xf32, #tpu.memory_space<vmem_shared>> -> memref<10112x128xf32, #tpu.memory_space<vmem_shared>>
    tpu.wait_indirect_dma semaphore(%arg14 : memref<!tpu.dma_semaphore, #tpu.memory_space<semaphore_mem>>) src(%dma_wait3A_525 : memref<64x128xf32, #tpu.memory_space<vmem>>) dst(%dma_wait3A_531 : memref<10112x128xf32, #tpu.memory_space<vmem_shared>>)
    %dma_wait3A_532 = arith.constant 3 : i32
    %dma_wait3A_533 = arith.constant 0 : i32
    %dma_wait3A_534 = arith.constant 3 : i32
    %dma_wait3A_535 = arith.constant 0 : i32
    %dma_wait3A_536 = arith.constant 0 : i32
    %dma_wait3A_537 = tpu.memref_slice %arg6[%dma_wait3A_534, %dma_wait3A_535, %dma_wait3A_536] : memref<5x64x128xf32, #tpu.memory_space<vmem>> -> memref<1x64x128xf32, #tpu.memory_space<vmem>>
    %dma_wait3A_538 = tpu.memref_squeeze %dma_wait3A_537 : memref<1x64x128xf32, #tpu.memory_space<vmem>> -> memref<64x128xf32, #tpu.memory_space<vmem>>
    %dma_wait3A_539 = arith.constant 0 : i32
    %dma_wait3A_540 = tpu.memref_slice %arg5[%dma_wait3A_532, %dma_wait3A_533, %dma_wait3A_539] : memref<5x2x64xi32, #tpu.memory_space<vmem>> -> memref<1x1x64xi32, #tpu.memory_space<vmem>>
    %dma_wait3A_541 = tpu.memref_squeeze %dma_wait3A_540 : memref<1x1x64xi32, #tpu.memory_space<vmem>> -> memref<64xi32, #tpu.memory_space<vmem>>
    %dma_wait3A_542 = arith.constant 0 : i32
    %dma_wait3A_543 = arith.constant 0 : i32
    %dma_wait3A_544 = tpu.memref_slice %arg2[%dma_wait3A_542, %dma_wait3A_543] : memref<20224x128xf32, #tpu.memory_space<hbm>> -> memref<20224x128xf32, #tpu.memory_space<hbm>>
    tpu.wait_indirect_dma semaphore(%arg11 : memref<!tpu.dma_semaphore, #tpu.memory_space<semaphore_mem>>) src(%dma_wait3A_544 : memref<20224x128xf32, #tpu.memory_space<hbm>>) dst(%dma_wait3A_538 : memref<64x128xf32, #tpu.memory_space<vmem>>)
    %dma_start3A_545 = arith.constant 3 : i32
    %dma_start3A_546 = arith.constant 3 : i32
    %dma_start3A_547 = arith.constant 1 : i32
    %dma_start3A_548 = arith.constant 0 : i32
    %dma_start3A_549 = arith.constant 0 : i32
    %dma_start3A_550 = tpu.memref_slice %arg6[%dma_start3A_545, %dma_start3A_548, %dma_start3A_549] : memref<5x64x128xf32, #tpu.memory_space<vmem>> -> memref<1x64x128xf32, #tpu.memory_space<vmem>>
    %dma_start3A_551 = tpu.memref_squeeze %dma_start3A_550 : memref<1x64x128xf32, #tpu.memory_space<vmem>> -> memref<64x128xf32, #tpu.memory_space<vmem>>
    %dma_start3A_552 = arith.constant 0 : i32
    %dma_start3A_553 = tpu.memref_slice %arg5[%dma_start3A_546, %dma_start3A_547, %dma_start3A_552] : memref<5x2x64xi32, #tpu.memory_space<vmem>> -> memref<1x1x64xi32, #tpu.memory_space<vmem>>
    %dma_start3A_554 = tpu.memref_squeeze %dma_start3A_553 : memref<1x1x64xi32, #tpu.memory_space<vmem>> -> memref<64xi32, #tpu.memory_space<vmem>>
    %dma_start3A_555 = arith.constant 0 : i32
    %dma_start3A_556 = arith.constant 0 : i32
    %dma_start3A_557 = tpu.memref_slice %arg7[%dma_start3A_555, %dma_start3A_556] : memref<10112x128xf32, #tpu.memory_space<vmem_shared>> -> memref<10112x128xf32, #tpu.memory_space<vmem_shared>>
    tpu.enqueue_indirect_dma source(%dma_start3A_551 : memref<64x128xf32, #tpu.memory_space<vmem>>) target(%dma_start3A_557 : memref<10112x128xf32, #tpu.memory_space<vmem_shared>>) offsets(%dma_start3A_554 : memref<64xi32, #tpu.memory_space<vmem>>) semaphore(%arg16 : memref<!tpu.dma_semaphore, #tpu.memory_space<semaphore_mem>>) {add = true}
    %dma_wait3A_558 = arith.constant 2 : i32
    %dma_wait3A_559 = arith.constant 2 : i32
    %dma_wait3A_560 = arith.constant 1 : i32
    %dma_wait3A_561 = arith.constant 0 : i32
    %dma_wait3A_562 = arith.constant 0 : i32
    %dma_wait3A_563 = tpu.memref_slice %arg6[%dma_wait3A_558, %dma_wait3A_561, %dma_wait3A_562] : memref<5x64x128xf32, #tpu.memory_space<vmem>> -> memref<1x64x128xf32, #tpu.memory_space<vmem>>
    %dma_wait3A_564 = tpu.memref_squeeze %dma_wait3A_563 : memref<1x64x128xf32, #tpu.memory_space<vmem>> -> memref<64x128xf32, #tpu.memory_space<vmem>>
    %dma_wait3A_565 = arith.constant 0 : i32
    %dma_wait3A_566 = tpu.memref_slice %arg5[%dma_wait3A_559, %dma_wait3A_560, %dma_wait3A_565] : memref<5x2x64xi32, #tpu.memory_space<vmem>> -> memref<1x1x64xi32, #tpu.memory_space<vmem>>
    %dma_wait3A_567 = tpu.memref_squeeze %dma_wait3A_566 : memref<1x1x64xi32, #tpu.memory_space<vmem>> -> memref<64xi32, #tpu.memory_space<vmem>>
    %dma_wait3A_568 = arith.constant 0 : i32
    %dma_wait3A_569 = arith.constant 0 : i32
    %dma_wait3A_570 = tpu.memref_slice %arg7[%dma_wait3A_568, %dma_wait3A_569] : memref<10112x128xf32, #tpu.memory_space<vmem_shared>> -> memref<10112x128xf32, #tpu.memory_space<vmem_shared>>
    tpu.wait_indirect_dma semaphore(%arg15 : memref<!tpu.dma_semaphore, #tpu.memory_space<semaphore_mem>>) src(%dma_wait3A_564 : memref<64x128xf32, #tpu.memory_space<vmem>>) dst(%dma_wait3A_570 : memref<10112x128xf32, #tpu.memory_space<vmem_shared>>)
    %dma_wait3A_571 = arith.constant 4 : i32
    %dma_wait3A_572 = arith.constant 0 : i32
    %dma_wait3A_573 = arith.constant 4 : i32
    %dma_wait3A_574 = arith.constant 0 : i32
    %dma_wait3A_575 = arith.constant 0 : i32
    %dma_wait3A_576 = tpu.memref_slice %arg6[%dma_wait3A_573, %dma_wait3A_574, %dma_wait3A_575] : memref<5x64x128xf32, #tpu.memory_space<vmem>> -> memref<1x64x128xf32, #tpu.memory_space<vmem>>
    %dma_wait3A_577 = tpu.memref_squeeze %dma_wait3A_576 : memref<1x64x128xf32, #tpu.memory_space<vmem>> -> memref<64x128xf32, #tpu.memory_space<vmem>>
    %dma_wait3A_578 = arith.constant 0 : i32
    %dma_wait3A_579 = tpu.memref_slice %arg5[%dma_wait3A_571, %dma_wait3A_572, %dma_wait3A_578] : memref<5x2x64xi32, #tpu.memory_space<vmem>> -> memref<1x1x64xi32, #tpu.memory_space<vmem>>
    %dma_wait3A_580 = tpu.memref_squeeze %dma_wait3A_579 : memref<1x1x64xi32, #tpu.memory_space<vmem>> -> memref<64xi32, #tpu.memory_space<vmem>>
    %dma_wait3A_581 = arith.constant 0 : i32
    %dma_wait3A_582 = arith.constant 0 : i32
    %dma_wait3A_583 = tpu.memref_slice %arg2[%dma_wait3A_581, %dma_wait3A_582] : memref<20224x128xf32, #tpu.memory_space<hbm>> -> memref<20224x128xf32, #tpu.memory_space<hbm>>
    tpu.wait_indirect_dma semaphore(%arg12 : memref<!tpu.dma_semaphore, #tpu.memory_space<semaphore_mem>>) src(%dma_wait3A_583 : memref<20224x128xf32, #tpu.memory_space<hbm>>) dst(%dma_wait3A_577 : memref<64x128xf32, #tpu.memory_space<vmem>>)
    %dma_start3A_584 = arith.constant 4 : i32
    %dma_start3A_585 = arith.constant 4 : i32
    %dma_start3A_586 = arith.constant 1 : i32
    %dma_start3A_587 = arith.constant 0 : i32
    %dma_start3A_588 = arith.constant 0 : i32
    %dma_start3A_589 = tpu.memref_slice %arg6[%dma_start3A_584, %dma_start3A_587, %dma_start3A_588] : memref<5x64x128xf32, #tpu.memory_space<vmem>> -> memref<1x64x128xf32, #tpu.memory_space<vmem>>
    %dma_start3A_590 = tpu.memref_squeeze %dma_start3A_589 : memref<1x64x128xf32, #tpu.memory_space<vmem>> -> memref<64x128xf32, #tpu.memory_space<vmem>>
    %dma_start3A_591 = arith.constant 0 : i32
    %dma_start3A_592 = tpu.memref_slice %arg5[%dma_start3A_585, %dma_start3A_586, %dma_start3A_591] : memref<5x2x64xi32, #tpu.memory_space<vmem>> -> memref<1x1x64xi32, #tpu.memory_space<vmem>>
    %dma_start3A_593 = tpu.memref_squeeze %dma_start3A_592 : memref<1x1x64xi32, #tpu.memory_space<vmem>> -> memref<64xi32, #tpu.memory_space<vmem>>
    %dma_start3A_594 = arith.constant 0 : i32
    %dma_start3A_595 = arith.constant 0 : i32
    %dma_start3A_596 = tpu.memref_slice %arg7[%dma_start3A_594, %dma_start3A_595] : memref<10112x128xf32, #tpu.memory_space<vmem_shared>> -> memref<10112x128xf32, #tpu.memory_space<vmem_shared>>
    tpu.enqueue_indirect_dma source(%dma_start3A_590 : memref<64x128xf32, #tpu.memory_space<vmem>>) target(%dma_start3A_596 : memref<10112x128xf32, #tpu.memory_space<vmem_shared>>) offsets(%dma_start3A_593 : memref<64xi32, #tpu.memory_space<vmem>>) semaphore(%arg17 : memref<!tpu.dma_semaphore, #tpu.memory_space<semaphore_mem>>) {add = true}
    %dma_wait3A_597 = arith.constant 3 : i32
    %dma_wait3A_598 = arith.constant 3 : i32
    %dma_wait3A_599 = arith.constant 1 : i32
    %dma_wait3A_600 = arith.constant 0 : i32
    %dma_wait3A_601 = arith.constant 0 : i32
    %dma_wait3A_602 = tpu.memref_slice %arg6[%dma_wait3A_597, %dma_wait3A_600, %dma_wait3A_601] : memref<5x64x128xf32, #tpu.memory_space<vmem>> -> memref<1x64x128xf32, #tpu.memory_space<vmem>>
    %dma_wait3A_603 = tpu.memref_squeeze %dma_wait3A_602 : memref<1x64x128xf32, #tpu.memory_space<vmem>> -> memref<64x128xf32, #tpu.memory_space<vmem>>
    %dma_wait3A_604 = arith.constant 0 : i32
    %dma_wait3A_605 = tpu.memref_slice %arg5[%dma_wait3A_598, %dma_wait3A_599, %dma_wait3A_604] : memref<5x2x64xi32, #tpu.memory_space<vmem>> -> memref<1x1x64xi32, #tpu.memory_space<vmem>>
    %dma_wait3A_606 = tpu.memref_squeeze %dma_wait3A_605 : memref<1x1x64xi32, #tpu.memory_space<vmem>> -> memref<64xi32, #tpu.memory_space<vmem>>
    %dma_wait3A_607 = arith.constant 0 : i32
    %dma_wait3A_608 = arith.constant 0 : i32
    %dma_wait3A_609 = tpu.memref_slice %arg7[%dma_wait3A_607, %dma_wait3A_608] : memref<10112x128xf32, #tpu.memory_space<vmem_shared>> -> memref<10112x128xf32, #tpu.memory_space<vmem_shared>>
    tpu.wait_indirect_dma semaphore(%arg16 : memref<!tpu.dma_semaphore, #tpu.memory_space<semaphore_mem>>) src(%dma_wait3A_603 : memref<64x128xf32, #tpu.memory_space<vmem>>) dst(%dma_wait3A_609 : memref<10112x128xf32, #tpu.memory_space<vmem_shared>>)
    %dma_wait3A_610 = arith.constant 4 : i32
    %dma_wait3A_611 = arith.constant 4 : i32
    %dma_wait3A_612 = arith.constant 1 : i32
    %dma_wait3A_613 = arith.constant 0 : i32
    %dma_wait3A_614 = arith.constant 0 : i32
    %dma_wait3A_615 = tpu.memref_slice %arg6[%dma_wait3A_610, %dma_wait3A_613, %dma_wait3A_614] : memref<5x64x128xf32, #tpu.memory_space<vmem>> -> memref<1x64x128xf32, #tpu.memory_space<vmem>>
    %dma_wait3A_616 = tpu.memref_squeeze %dma_wait3A_615 : memref<1x64x128xf32, #tpu.memory_space<vmem>> -> memref<64x128xf32, #tpu.memory_space<vmem>>
    %dma_wait3A_617 = arith.constant 0 : i32
    %dma_wait3A_618 = tpu.memref_slice %arg5[%dma_wait3A_611, %dma_wait3A_612, %dma_wait3A_617] : memref<5x2x64xi32, #tpu.memory_space<vmem>> -> memref<1x1x64xi32, #tpu.memory_space<vmem>>
    %dma_wait3A_619 = tpu.memref_squeeze %dma_wait3A_618 : memref<1x1x64xi32, #tpu.memory_space<vmem>> -> memref<64xi32, #tpu.memory_space<vmem>>
    %dma_wait3A_620 = arith.constant 0 : i32
    %dma_wait3A_621 = arith.constant 0 : i32
    %dma_wait3A_622 = tpu.memref_slice %arg7[%dma_wait3A_620, %dma_wait3A_621] : memref<10112x128xf32, #tpu.memory_space<vmem_shared>> -> memref<10112x128xf32, #tpu.memory_space<vmem_shared>>
    tpu.wait_indirect_dma semaphore(%arg17 : memref<!tpu.dma_semaphore, #tpu.memory_space<semaphore_mem>>) src(%dma_wait3A_616 : memref<64x128xf32, #tpu.memory_space<vmem>>) dst(%dma_wait3A_622 : memref<10112x128xf32, #tpu.memory_space<vmem_shared>>)
    %barrier3A_623 = arith.constant 0 : index
    tpu.barrier barrier_id(%barrier3A_623)
    %mul3A_624 = arith.constant 632 : i32
    %mul3A_625 = arith.muli %arg1, %mul3A_624 : i32
    %mul3A_626 = arith.constant 632 : i32
    %mul3A_627 = arith.muli %arg1, %mul3A_626 : i32
    "tpu.region"() ({
      %run_scoped3A_628 = tpu.sem_alloc : memref<!tpu.dma_semaphore, #tpu.memory_space<semaphore_mem>>
      %dma_start3A_629 = arith.constant 0 : i32
      %dma_start3A_630 = tpu.memref_slice %arg4[%arg0, %mul3A_627, %dma_start3A_629] : memref<2x10112x128xf32, #tpu.memory_space<hbm>> -> memref<1x632x128xf32, #tpu.memory_space<hbm>>
      %dma_start3A_631 = tpu.memref_squeeze %dma_start3A_630 : memref<1x632x128xf32, #tpu.memory_space<hbm>> -> memref<632x128xf32, #tpu.memory_space<hbm>>
      %dma_start3A_632 = arith.constant 0 : i32
      %dma_start3A_633 = tpu.memref_slice %arg7[%mul3A_625, %dma_start3A_632] : memref<10112x128xf32, #tpu.memory_space<vmem_shared>> -> memref<632x128xf32, #tpu.memory_space<vmem_shared>>
      tpu.enqueue_dma source(%dma_start3A_633 : memref<632x128xf32, #tpu.memory_space<vmem_shared>>) target(%dma_start3A_631 : memref<632x128xf32, #tpu.memory_space<hbm>>) target_semaphore(%run_scoped3A_628 : memref<!tpu.dma_semaphore, #tpu.memory_space<semaphore_mem>>)
      %dma_wait3A_634 = arith.constant 0 : i32
      %dma_wait3A_635 = tpu.memref_slice %arg4[%arg0, %mul3A_627, %dma_wait3A_634] : memref<2x10112x128xf32, #tpu.memory_space<hbm>> -> memref<1x632x128xf32, #tpu.memory_space<hbm>>
      %dma_wait3A_636 = tpu.memref_squeeze %dma_wait3A_635 : memref<1x632x128xf32, #tpu.memory_space<hbm>> -> memref<632x128xf32, #tpu.memory_space<hbm>>
      %dma_wait3A_637 = arith.constant 0 : i32
      %dma_wait3A_638 = tpu.memref_slice %arg7[%mul3A_625, %dma_wait3A_637] : memref<10112x128xf32, #tpu.memory_space<vmem_shared>> -> memref<632x128xf32, #tpu.memory_space<vmem_shared>>
      tpu.wait_dma2 semaphore(%run_scoped3A_628 : memref<!tpu.dma_semaphore, #tpu.memory_space<semaphore_mem>>) src(%dma_wait3A_638 : memref<632x128xf32, #tpu.memory_space<vmem_shared>>) dst(%dma_wait3A_636 : memref<632x128xf32, #tpu.memory_space<hbm>>)
      tpu.yield
    }) : () -> ()
    return
  }
}

#map = affine_map<(d0, d1) -> (0, 0)>
#map1 = affine_map<(d0, d1) -> (0, 0, 0)>
module attributes {stable_mosaic.version = 14 : i64} {
  func.func @_a2_body(%arg0: i32, %arg1: i32, %arg2: memref<10112x64xf32, #tpu.memory_space<hbm>>, %arg3: memref<1280x2x128xi32, #tpu.memory_space<hbm>>, %arg4: memref<10112x64xf32, #tpu.memory_space<hbm>>, %arg5: memref<2x10112x64xf32, #tpu.memory_space<hbm>>, %arg6: memref<6x2x128xi32, #tpu.memory_space<vmem>>, %arg7: memref<6x128x64xf32, #tpu.memory_space<vmem>>, %arg8: memref<10112x64xf32, #tpu.memory_space<vmem_shared>>, %arg9: memref<!tpu.dma_semaphore, #tpu.memory_space<semaphore_mem>>, %arg10: memref<!tpu.dma_semaphore, #tpu.memory_space<semaphore_mem>>, %arg11: memref<!tpu.dma_semaphore, #tpu.memory_space<semaphore_mem>>, %arg12: memref<!tpu.dma_semaphore, #tpu.memory_space<semaphore_mem>>, %arg13: memref<!tpu.dma_semaphore, #tpu.memory_space<semaphore_mem>>, %arg14: memref<!tpu.dma_semaphore, #tpu.memory_space<semaphore_mem>>, %arg15: memref<!tpu.dma_semaphore, #tpu.memory_space<semaphore_mem>>, %arg16: memref<!tpu.dma_semaphore, #tpu.memory_space<semaphore_mem>>, %arg17: memref<!tpu.dma_semaphore, #tpu.memory_space<semaphore_mem>>, %arg18: memref<!tpu.dma_semaphore, #tpu.memory_space<semaphore_mem>>, %arg19: memref<!tpu.dma_semaphore, #tpu.memory_space<semaphore_mem>>, %arg20: memref<!tpu.dma_semaphore, #tpu.memory_space<semaphore_mem>>) attributes {dimension_semantics = [#tpu.dimension_semantics<core_parallel>, #tpu.dimension_semantics<subcore_parallel>], iteration_bounds = array<i64: 2, 16>, scalar_prefetch = 0 : i64, scratch_operands = 15 : i64, tpu.core_type = #tpu.core_type<sc_vector_subcore>, window_params = [{transform_indices = #map}, {transform_indices = #map1}, {transform_indices = #map}, {transform_indices = #map1}]} {
    %mul3A = arith.constant 16 : i32
    %mul3A_0 = arith.muli %arg0, %mul3A : i32
    %add3A = arith.addi %mul3A_0, %arg1 : i32
    %mul3A_1 = arith.constant 40 : i32
    %mul3A_2 = arith.muli %add3A, %mul3A_1 : i32
    %add3A_3 = arith.constant 0 : i32
    %add3A_4 = arith.addi %mul3A_2, %add3A_3 : i32
    %run_scoped3A = arith.constant 0 : i32
    "tpu.region"() ({
      %run_scoped3A_566 = tpu.sem_alloc : memref<!tpu.dma_semaphore, #tpu.memory_space<semaphore_mem>>
      %dma_start3A_567 = arith.constant 0 : i32
      %dma_start3A_568 = arith.constant 0 : i32
      %dma_start3A_569 = tpu.memref_slice %arg6[%run_scoped3A, %dma_start3A_567, %dma_start3A_568] : memref<6x2x128xi32, #tpu.memory_space<vmem>> -> memref<1x2x128xi32, #tpu.memory_space<vmem>>
      %dma_start3A_570 = tpu.memref_squeeze %dma_start3A_569 : memref<1x2x128xi32, #tpu.memory_space<vmem>> -> memref<2x128xi32, #tpu.memory_space<vmem>>
      %dma_start3A_571 = arith.constant 0 : i32
      %dma_start3A_572 = arith.constant 0 : i32
      %dma_start3A_573 = tpu.memref_slice %arg3[%add3A_4, %dma_start3A_571, %dma_start3A_572] : memref<1280x2x128xi32, #tpu.memory_space<hbm>> -> memref<1x2x128xi32, #tpu.memory_space<hbm>>
      %dma_start3A_574 = tpu.memref_squeeze %dma_start3A_573 : memref<1x2x128xi32, #tpu.memory_space<hbm>> -> memref<2x128xi32, #tpu.memory_space<hbm>>
      %dma_start3A_575 = arith.constant 0 : i32
      %dma_start3A_576 = arith.constant 0 : i32
      %dma_start3A_577 = tpu.memref_slice %arg6[%run_scoped3A, %dma_start3A_575, %dma_start3A_576] : memref<6x2x128xi32, #tpu.memory_space<vmem>> -> memref<1x2x128xi32, #tpu.memory_space<vmem>>
      %dma_start3A_578 = tpu.memref_squeeze %dma_start3A_577 : memref<1x2x128xi32, #tpu.memory_space<vmem>> -> memref<2x128xi32, #tpu.memory_space<vmem>>
      %dma_start3A_579 = arith.constant 0 : i32
      %dma_start3A_580 = arith.constant 0 : i32
      %dma_start3A_581 = tpu.memref_slice %arg3[%add3A_4, %dma_start3A_579, %dma_start3A_580] : memref<1280x2x128xi32, #tpu.memory_space<hbm>> -> memref<1x2x128xi32, #tpu.memory_space<hbm>>
      %dma_start3A_582 = tpu.memref_squeeze %dma_start3A_581 : memref<1x2x128xi32, #tpu.memory_space<hbm>> -> memref<2x128xi32, #tpu.memory_space<hbm>>
      tpu.enqueue_dma source(%dma_start3A_582 : memref<2x128xi32, #tpu.memory_space<hbm>>) target(%dma_start3A_578 : memref<2x128xi32, #tpu.memory_space<vmem>>) target_semaphore(%run_scoped3A_566 : memref<!tpu.dma_semaphore, #tpu.memory_space<semaphore_mem>>)
      %dma_wait3A_583 = arith.constant 0 : i32
      %dma_wait3A_584 = arith.constant 0 : i32
      %dma_wait3A_585 = tpu.memref_slice %arg6[%run_scoped3A, %dma_wait3A_583, %dma_wait3A_584] : memref<6x2x128xi32, #tpu.memory_space<vmem>> -> memref<1x2x128xi32, #tpu.memory_space<vmem>>
      %dma_wait3A_586 = tpu.memref_squeeze %dma_wait3A_585 : memref<1x2x128xi32, #tpu.memory_space<vmem>> -> memref<2x128xi32, #tpu.memory_space<vmem>>
      %dma_wait3A_587 = arith.constant 0 : i32
      %dma_wait3A_588 = arith.constant 0 : i32
      %dma_wait3A_589 = tpu.memref_slice %arg3[%add3A_4, %dma_wait3A_587, %dma_wait3A_588] : memref<1280x2x128xi32, #tpu.memory_space<hbm>> -> memref<1x2x128xi32, #tpu.memory_space<hbm>>
      %dma_wait3A_590 = tpu.memref_squeeze %dma_wait3A_589 : memref<1x2x128xi32, #tpu.memory_space<hbm>> -> memref<2x128xi32, #tpu.memory_space<hbm>>
      %dma_wait3A_591 = arith.constant 0 : i32
      %dma_wait3A_592 = arith.constant 0 : i32
      %dma_wait3A_593 = tpu.memref_slice %arg6[%run_scoped3A, %dma_wait3A_591, %dma_wait3A_592] : memref<6x2x128xi32, #tpu.memory_space<vmem>> -> memref<1x2x128xi32, #tpu.memory_space<vmem>>
      %dma_wait3A_594 = tpu.memref_squeeze %dma_wait3A_593 : memref<1x2x128xi32, #tpu.memory_space<vmem>> -> memref<2x128xi32, #tpu.memory_space<vmem>>
      %dma_wait3A_595 = arith.constant 0 : i32
      %dma_wait3A_596 = arith.constant 0 : i32
      %dma_wait3A_597 = tpu.memref_slice %arg3[%add3A_4, %dma_wait3A_595, %dma_wait3A_596] : memref<1280x2x128xi32, #tpu.memory_space<hbm>> -> memref<1x2x128xi32, #tpu.memory_space<hbm>>
      %dma_wait3A_598 = tpu.memref_squeeze %dma_wait3A_597 : memref<1x2x128xi32, #tpu.memory_space<hbm>> -> memref<2x128xi32, #tpu.memory_space<hbm>>
      tpu.wait_dma2 semaphore(%run_scoped3A_566 : memref<!tpu.dma_semaphore, #tpu.memory_space<semaphore_mem>>) src(%dma_wait3A_598 : memref<2x128xi32, #tpu.memory_space<hbm>>) dst(%dma_wait3A_594 : memref<2x128xi32, #tpu.memory_space<vmem>>)
      tpu.yield
    }) : () -> ()
    %dma_start3A = arith.constant 0 : i32
    %dma_start3A_5 = arith.constant 0 : i32
    %dma_start3A_6 = arith.constant 0 : i32
    %dma_start3A_7 = arith.constant 0 : i32
    %dma_start3A_8 = arith.constant 0 : i32
    %dma_start3A_9 = tpu.memref_slice %arg7[%dma_start3A_6, %dma_start3A_7, %dma_start3A_8] : memref<6x128x64xf32, #tpu.memory_space<vmem>> -> memref<1x128x64xf32, #tpu.memory_space<vmem>>
    %dma_start3A_10 = tpu.memref_squeeze %dma_start3A_9 : memref<1x128x64xf32, #tpu.memory_space<vmem>> -> memref<128x64xf32, #tpu.memory_space<vmem>>
    %dma_start3A_11 = arith.constant 0 : i32
    %dma_start3A_12 = tpu.memref_slice %arg6[%dma_start3A, %dma_start3A_5, %dma_start3A_11] : memref<6x2x128xi32, #tpu.memory_space<vmem>> -> memref<1x1x128xi32, #tpu.memory_space<vmem>>
    %dma_start3A_13 = tpu.memref_squeeze %dma_start3A_12 : memref<1x1x128xi32, #tpu.memory_space<vmem>> -> memref<128xi32, #tpu.memory_space<vmem>>
    %dma_start3A_14 = arith.constant 0 : i32
    %dma_start3A_15 = arith.constant 0 : i32
    %dma_start3A_16 = tpu.memref_slice %arg2[%dma_start3A_14, %dma_start3A_15] : memref<10112x64xf32, #tpu.memory_space<hbm>> -> memref<10112x64xf32, #tpu.memory_space<hbm>>
    tpu.enqueue_indirect_dma source(%dma_start3A_16 : memref<10112x64xf32, #tpu.memory_space<hbm>>) target(%dma_start3A_10 : memref<128x64xf32, #tpu.memory_space<vmem>>) offsets(%dma_start3A_13 : memref<128xi32, #tpu.memory_space<vmem>>) semaphore(%arg9 : memref<!tpu.dma_semaphore, #tpu.memory_space<semaphore_mem>>)
    %add3A_17 = arith.constant 1 : i32
    %add3A_18 = arith.addi %mul3A_2, %add3A_17 : i32
    %run_scoped3A_19 = arith.constant 1 : i32
    "tpu.region"() ({
      %run_scoped3A_566 = tpu.sem_alloc : memref<!tpu.dma_semaphore, #tpu.memory_space<semaphore_mem>>
      %dma_start3A_567 = arith.constant 0 : i32
      %dma_start3A_568 = arith.constant 0 : i32
      %dma_start3A_569 = tpu.memref_slice %arg6[%run_scoped3A_19, %dma_start3A_567, %dma_start3A_568] : memref<6x2x128xi32, #tpu.memory_space<vmem>> -> memref<1x2x128xi32, #tpu.memory_space<vmem>>
      %dma_start3A_570 = tpu.memref_squeeze %dma_start3A_569 : memref<1x2x128xi32, #tpu.memory_space<vmem>> -> memref<2x128xi32, #tpu.memory_space<vmem>>
      %dma_start3A_571 = arith.constant 0 : i32
      %dma_start3A_572 = arith.constant 0 : i32
      %dma_start3A_573 = tpu.memref_slice %arg3[%add3A_18, %dma_start3A_571, %dma_start3A_572] : memref<1280x2x128xi32, #tpu.memory_space<hbm>> -> memref<1x2x128xi32, #tpu.memory_space<hbm>>
      %dma_start3A_574 = tpu.memref_squeeze %dma_start3A_573 : memref<1x2x128xi32, #tpu.memory_space<hbm>> -> memref<2x128xi32, #tpu.memory_space<hbm>>
      %dma_start3A_575 = arith.constant 0 : i32
      %dma_start3A_576 = arith.constant 0 : i32
      %dma_start3A_577 = tpu.memref_slice %arg6[%run_scoped3A_19, %dma_start3A_575, %dma_start3A_576] : memref<6x2x128xi32, #tpu.memory_space<vmem>> -> memref<1x2x128xi32, #tpu.memory_space<vmem>>
      %dma_start3A_578 = tpu.memref_squeeze %dma_start3A_577 : memref<1x2x128xi32, #tpu.memory_space<vmem>> -> memref<2x128xi32, #tpu.memory_space<vmem>>
      %dma_start3A_579 = arith.constant 0 : i32
      %dma_start3A_580 = arith.constant 0 : i32
      %dma_start3A_581 = tpu.memref_slice %arg3[%add3A_18, %dma_start3A_579, %dma_start3A_580] : memref<1280x2x128xi32, #tpu.memory_space<hbm>> -> memref<1x2x128xi32, #tpu.memory_space<hbm>>
      %dma_start3A_582 = tpu.memref_squeeze %dma_start3A_581 : memref<1x2x128xi32, #tpu.memory_space<hbm>> -> memref<2x128xi32, #tpu.memory_space<hbm>>
      tpu.enqueue_dma source(%dma_start3A_582 : memref<2x128xi32, #tpu.memory_space<hbm>>) target(%dma_start3A_578 : memref<2x128xi32, #tpu.memory_space<vmem>>) target_semaphore(%run_scoped3A_566 : memref<!tpu.dma_semaphore, #tpu.memory_space<semaphore_mem>>)
      %dma_wait3A_583 = arith.constant 0 : i32
      %dma_wait3A_584 = arith.constant 0 : i32
      %dma_wait3A_585 = tpu.memref_slice %arg6[%run_scoped3A_19, %dma_wait3A_583, %dma_wait3A_584] : memref<6x2x128xi32, #tpu.memory_space<vmem>> -> memref<1x2x128xi32, #tpu.memory_space<vmem>>
      %dma_wait3A_586 = tpu.memref_squeeze %dma_wait3A_585 : memref<1x2x128xi32, #tpu.memory_space<vmem>> -> memref<2x128xi32, #tpu.memory_space<vmem>>
      %dma_wait3A_587 = arith.constant 0 : i32
      %dma_wait3A_588 = arith.constant 0 : i32
      %dma_wait3A_589 = tpu.memref_slice %arg3[%add3A_18, %dma_wait3A_587, %dma_wait3A_588] : memref<1280x2x128xi32, #tpu.memory_space<hbm>> -> memref<1x2x128xi32, #tpu.memory_space<hbm>>
      %dma_wait3A_590 = tpu.memref_squeeze %dma_wait3A_589 : memref<1x2x128xi32, #tpu.memory_space<hbm>> -> memref<2x128xi32, #tpu.memory_space<hbm>>
      %dma_wait3A_591 = arith.constant 0 : i32
      %dma_wait3A_592 = arith.constant 0 : i32
      %dma_wait3A_593 = tpu.memref_slice %arg6[%run_scoped3A_19, %dma_wait3A_591, %dma_wait3A_592] : memref<6x2x128xi32, #tpu.memory_space<vmem>> -> memref<1x2x128xi32, #tpu.memory_space<vmem>>
      %dma_wait3A_594 = tpu.memref_squeeze %dma_wait3A_593 : memref<1x2x128xi32, #tpu.memory_space<vmem>> -> memref<2x128xi32, #tpu.memory_space<vmem>>
      %dma_wait3A_595 = arith.constant 0 : i32
      %dma_wait3A_596 = arith.constant 0 : i32
      %dma_wait3A_597 = tpu.memref_slice %arg3[%add3A_18, %dma_wait3A_595, %dma_wait3A_596] : memref<1280x2x128xi32, #tpu.memory_space<hbm>> -> memref<1x2x128xi32, #tpu.memory_space<hbm>>
      %dma_wait3A_598 = tpu.memref_squeeze %dma_wait3A_597 : memref<1x2x128xi32, #tpu.memory_space<hbm>> -> memref<2x128xi32, #tpu.memory_space<hbm>>
      tpu.wait_dma2 semaphore(%run_scoped3A_566 : memref<!tpu.dma_semaphore, #tpu.memory_space<semaphore_mem>>) src(%dma_wait3A_598 : memref<2x128xi32, #tpu.memory_space<hbm>>) dst(%dma_wait3A_594 : memref<2x128xi32, #tpu.memory_space<vmem>>)
      tpu.yield
    }) : () -> ()
    %dma_start3A_20 = arith.constant 1 : i32
    %dma_start3A_21 = arith.constant 0 : i32
    %dma_start3A_22 = arith.constant 1 : i32
    %dma_start3A_23 = arith.constant 0 : i32
    %dma_start3A_24 = arith.constant 0 : i32
    %dma_start3A_25 = tpu.memref_slice %arg7[%dma_start3A_22, %dma_start3A_23, %dma_start3A_24] : memref<6x128x64xf32, #tpu.memory_space<vmem>> -> memref<1x128x64xf32, #tpu.memory_space<vmem>>
    %dma_start3A_26 = tpu.memref_squeeze %dma_start3A_25 : memref<1x128x64xf32, #tpu.memory_space<vmem>> -> memref<128x64xf32, #tpu.memory_space<vmem>>
    %dma_start3A_27 = arith.constant 0 : i32
    %dma_start3A_28 = tpu.memref_slice %arg6[%dma_start3A_20, %dma_start3A_21, %dma_start3A_27] : memref<6x2x128xi32, #tpu.memory_space<vmem>> -> memref<1x1x128xi32, #tpu.memory_space<vmem>>
    %dma_start3A_29 = tpu.memref_squeeze %dma_start3A_28 : memref<1x1x128xi32, #tpu.memory_space<vmem>> -> memref<128xi32, #tpu.memory_space<vmem>>
    %dma_start3A_30 = arith.constant 0 : i32
    %dma_start3A_31 = arith.constant 0 : i32
    %dma_start3A_32 = tpu.memref_slice %arg2[%dma_start3A_30, %dma_start3A_31] : memref<10112x64xf32, #tpu.memory_space<hbm>> -> memref<10112x64xf32, #tpu.memory_space<hbm>>
    tpu.enqueue_indirect_dma source(%dma_start3A_32 : memref<10112x64xf32, #tpu.memory_space<hbm>>) target(%dma_start3A_26 : memref<128x64xf32, #tpu.memory_space<vmem>>) offsets(%dma_start3A_29 : memref<128xi32, #tpu.memory_space<vmem>>) semaphore(%arg10 : memref<!tpu.dma_semaphore, #tpu.memory_space<semaphore_mem>>)
    %add3A_33 = arith.constant 2 : i32
    %add3A_34 = arith.addi %mul3A_2, %add3A_33 : i32
    %run_scoped3A_35 = arith.constant 2 : i32
    "tpu.region"() ({
      %run_scoped3A_566 = tpu.sem_alloc : memref<!tpu.dma_semaphore, #tpu.memory_space<semaphore_mem>>
      %dma_start3A_567 = arith.constant 0 : i32
      %dma_start3A_568 = arith.constant 0 : i32
      %dma_start3A_569 = tpu.memref_slice %arg6[%run_scoped3A_35, %dma_start3A_567, %dma_start3A_568] : memref<6x2x128xi32, #tpu.memory_space<vmem>> -> memref<1x2x128xi32, #tpu.memory_space<vmem>>
      %dma_start3A_570 = tpu.memref_squeeze %dma_start3A_569 : memref<1x2x128xi32, #tpu.memory_space<vmem>> -> memref<2x128xi32, #tpu.memory_space<vmem>>
      %dma_start3A_571 = arith.constant 0 : i32
      %dma_start3A_572 = arith.constant 0 : i32
      %dma_start3A_573 = tpu.memref_slice %arg3[%add3A_34, %dma_start3A_571, %dma_start3A_572] : memref<1280x2x128xi32, #tpu.memory_space<hbm>> -> memref<1x2x128xi32, #tpu.memory_space<hbm>>
      %dma_start3A_574 = tpu.memref_squeeze %dma_start3A_573 : memref<1x2x128xi32, #tpu.memory_space<hbm>> -> memref<2x128xi32, #tpu.memory_space<hbm>>
      %dma_start3A_575 = arith.constant 0 : i32
      %dma_start3A_576 = arith.constant 0 : i32
      %dma_start3A_577 = tpu.memref_slice %arg6[%run_scoped3A_35, %dma_start3A_575, %dma_start3A_576] : memref<6x2x128xi32, #tpu.memory_space<vmem>> -> memref<1x2x128xi32, #tpu.memory_space<vmem>>
      %dma_start3A_578 = tpu.memref_squeeze %dma_start3A_577 : memref<1x2x128xi32, #tpu.memory_space<vmem>> -> memref<2x128xi32, #tpu.memory_space<vmem>>
      %dma_start3A_579 = arith.constant 0 : i32
      %dma_start3A_580 = arith.constant 0 : i32
      %dma_start3A_581 = tpu.memref_slice %arg3[%add3A_34, %dma_start3A_579, %dma_start3A_580] : memref<1280x2x128xi32, #tpu.memory_space<hbm>> -> memref<1x2x128xi32, #tpu.memory_space<hbm>>
      %dma_start3A_582 = tpu.memref_squeeze %dma_start3A_581 : memref<1x2x128xi32, #tpu.memory_space<hbm>> -> memref<2x128xi32, #tpu.memory_space<hbm>>
      tpu.enqueue_dma source(%dma_start3A_582 : memref<2x128xi32, #tpu.memory_space<hbm>>) target(%dma_start3A_578 : memref<2x128xi32, #tpu.memory_space<vmem>>) target_semaphore(%run_scoped3A_566 : memref<!tpu.dma_semaphore, #tpu.memory_space<semaphore_mem>>)
      %dma_wait3A_583 = arith.constant 0 : i32
      %dma_wait3A_584 = arith.constant 0 : i32
      %dma_wait3A_585 = tpu.memref_slice %arg6[%run_scoped3A_35, %dma_wait3A_583, %dma_wait3A_584] : memref<6x2x128xi32, #tpu.memory_space<vmem>> -> memref<1x2x128xi32, #tpu.memory_space<vmem>>
      %dma_wait3A_586 = tpu.memref_squeeze %dma_wait3A_585 : memref<1x2x128xi32, #tpu.memory_space<vmem>> -> memref<2x128xi32, #tpu.memory_space<vmem>>
      %dma_wait3A_587 = arith.constant 0 : i32
      %dma_wait3A_588 = arith.constant 0 : i32
      %dma_wait3A_589 = tpu.memref_slice %arg3[%add3A_34, %dma_wait3A_587, %dma_wait3A_588] : memref<1280x2x128xi32, #tpu.memory_space<hbm>> -> memref<1x2x128xi32, #tpu.memory_space<hbm>>
      %dma_wait3A_590 = tpu.memref_squeeze %dma_wait3A_589 : memref<1x2x128xi32, #tpu.memory_space<hbm>> -> memref<2x128xi32, #tpu.memory_space<hbm>>
      %dma_wait3A_591 = arith.constant 0 : i32
      %dma_wait3A_592 = arith.constant 0 : i32
      %dma_wait3A_593 = tpu.memref_slice %arg6[%run_scoped3A_35, %dma_wait3A_591, %dma_wait3A_592] : memref<6x2x128xi32, #tpu.memory_space<vmem>> -> memref<1x2x128xi32, #tpu.memory_space<vmem>>
      %dma_wait3A_594 = tpu.memref_squeeze %dma_wait3A_593 : memref<1x2x128xi32, #tpu.memory_space<vmem>> -> memref<2x128xi32, #tpu.memory_space<vmem>>
      %dma_wait3A_595 = arith.constant 0 : i32
      %dma_wait3A_596 = arith.constant 0 : i32
      %dma_wait3A_597 = tpu.memref_slice %arg3[%add3A_34, %dma_wait3A_595, %dma_wait3A_596] : memref<1280x2x128xi32, #tpu.memory_space<hbm>> -> memref<1x2x128xi32, #tpu.memory_space<hbm>>
      %dma_wait3A_598 = tpu.memref_squeeze %dma_wait3A_597 : memref<1x2x128xi32, #tpu.memory_space<hbm>> -> memref<2x128xi32, #tpu.memory_space<hbm>>
      tpu.wait_dma2 semaphore(%run_scoped3A_566 : memref<!tpu.dma_semaphore, #tpu.memory_space<semaphore_mem>>) src(%dma_wait3A_598 : memref<2x128xi32, #tpu.memory_space<hbm>>) dst(%dma_wait3A_594 : memref<2x128xi32, #tpu.memory_space<vmem>>)
      tpu.yield
    }) : () -> ()
    %dma_start3A_36 = arith.constant 2 : i32
    %dma_start3A_37 = arith.constant 0 : i32
    %dma_start3A_38 = arith.constant 2 : i32
    %dma_start3A_39 = arith.constant 0 : i32
    %dma_start3A_40 = arith.constant 0 : i32
    %dma_start3A_41 = tpu.memref_slice %arg7[%dma_start3A_38, %dma_start3A_39, %dma_start3A_40] : memref<6x128x64xf32, #tpu.memory_space<vmem>> -> memref<1x128x64xf32, #tpu.memory_space<vmem>>
    %dma_start3A_42 = tpu.memref_squeeze %dma_start3A_41 : memref<1x128x64xf32, #tpu.memory_space<vmem>> -> memref<128x64xf32, #tpu.memory_space<vmem>>
    %dma_start3A_43 = arith.constant 0 : i32
    %dma_start3A_44 = tpu.memref_slice %arg6[%dma_start3A_36, %dma_start3A_37, %dma_start3A_43] : memref<6x2x128xi32, #tpu.memory_space<vmem>> -> memref<1x1x128xi32, #tpu.memory_space<vmem>>
    %dma_start3A_45 = tpu.memref_squeeze %dma_start3A_44 : memref<1x1x128xi32, #tpu.memory_space<vmem>> -> memref<128xi32, #tpu.memory_space<vmem>>
    %dma_start3A_46 = arith.constant 0 : i32
    %dma_start3A_47 = arith.constant 0 : i32
    %dma_start3A_48 = tpu.memref_slice %arg2[%dma_start3A_46, %dma_start3A_47] : memref<10112x64xf32, #tpu.memory_space<hbm>> -> memref<10112x64xf32, #tpu.memory_space<hbm>>
    tpu.enqueue_indirect_dma source(%dma_start3A_48 : memref<10112x64xf32, #tpu.memory_space<hbm>>) target(%dma_start3A_42 : memref<128x64xf32, #tpu.memory_space<vmem>>) offsets(%dma_start3A_45 : memref<128xi32, #tpu.memory_space<vmem>>) semaphore(%arg11 : memref<!tpu.dma_semaphore, #tpu.memory_space<semaphore_mem>>)
    %add3A_49 = arith.constant 3 : i32
    %add3A_50 = arith.addi %mul3A_2, %add3A_49 : i32
    %run_scoped3A_51 = arith.constant 3 : i32
    "tpu.region"() ({
      %run_scoped3A_566 = tpu.sem_alloc : memref<!tpu.dma_semaphore, #tpu.memory_space<semaphore_mem>>
      %dma_start3A_567 = arith.constant 0 : i32
      %dma_start3A_568 = arith.constant 0 : i32
      %dma_start3A_569 = tpu.memref_slice %arg6[%run_scoped3A_51, %dma_start3A_567, %dma_start3A_568] : memref<6x2x128xi32, #tpu.memory_space<vmem>> -> memref<1x2x128xi32, #tpu.memory_space<vmem>>
      %dma_start3A_570 = tpu.memref_squeeze %dma_start3A_569 : memref<1x2x128xi32, #tpu.memory_space<vmem>> -> memref<2x128xi32, #tpu.memory_space<vmem>>
      %dma_start3A_571 = arith.constant 0 : i32
      %dma_start3A_572 = arith.constant 0 : i32
      %dma_start3A_573 = tpu.memref_slice %arg3[%add3A_50, %dma_start3A_571, %dma_start3A_572] : memref<1280x2x128xi32, #tpu.memory_space<hbm>> -> memref<1x2x128xi32, #tpu.memory_space<hbm>>
      %dma_start3A_574 = tpu.memref_squeeze %dma_start3A_573 : memref<1x2x128xi32, #tpu.memory_space<hbm>> -> memref<2x128xi32, #tpu.memory_space<hbm>>
      %dma_start3A_575 = arith.constant 0 : i32
      %dma_start3A_576 = arith.constant 0 : i32
      %dma_start3A_577 = tpu.memref_slice %arg6[%run_scoped3A_51, %dma_start3A_575, %dma_start3A_576] : memref<6x2x128xi32, #tpu.memory_space<vmem>> -> memref<1x2x128xi32, #tpu.memory_space<vmem>>
      %dma_start3A_578 = tpu.memref_squeeze %dma_start3A_577 : memref<1x2x128xi32, #tpu.memory_space<vmem>> -> memref<2x128xi32, #tpu.memory_space<vmem>>
      %dma_start3A_579 = arith.constant 0 : i32
      %dma_start3A_580 = arith.constant 0 : i32
      %dma_start3A_581 = tpu.memref_slice %arg3[%add3A_50, %dma_start3A_579, %dma_start3A_580] : memref<1280x2x128xi32, #tpu.memory_space<hbm>> -> memref<1x2x128xi32, #tpu.memory_space<hbm>>
      %dma_start3A_582 = tpu.memref_squeeze %dma_start3A_581 : memref<1x2x128xi32, #tpu.memory_space<hbm>> -> memref<2x128xi32, #tpu.memory_space<hbm>>
      tpu.enqueue_dma source(%dma_start3A_582 : memref<2x128xi32, #tpu.memory_space<hbm>>) target(%dma_start3A_578 : memref<2x128xi32, #tpu.memory_space<vmem>>) target_semaphore(%run_scoped3A_566 : memref<!tpu.dma_semaphore, #tpu.memory_space<semaphore_mem>>)
      %dma_wait3A_583 = arith.constant 0 : i32
      %dma_wait3A_584 = arith.constant 0 : i32
      %dma_wait3A_585 = tpu.memref_slice %arg6[%run_scoped3A_51, %dma_wait3A_583, %dma_wait3A_584] : memref<6x2x128xi32, #tpu.memory_space<vmem>> -> memref<1x2x128xi32, #tpu.memory_space<vmem>>
      %dma_wait3A_586 = tpu.memref_squeeze %dma_wait3A_585 : memref<1x2x128xi32, #tpu.memory_space<vmem>> -> memref<2x128xi32, #tpu.memory_space<vmem>>
      %dma_wait3A_587 = arith.constant 0 : i32
      %dma_wait3A_588 = arith.constant 0 : i32
      %dma_wait3A_589 = tpu.memref_slice %arg3[%add3A_50, %dma_wait3A_587, %dma_wait3A_588] : memref<1280x2x128xi32, #tpu.memory_space<hbm>> -> memref<1x2x128xi32, #tpu.memory_space<hbm>>
      %dma_wait3A_590 = tpu.memref_squeeze %dma_wait3A_589 : memref<1x2x128xi32, #tpu.memory_space<hbm>> -> memref<2x128xi32, #tpu.memory_space<hbm>>
      %dma_wait3A_591 = arith.constant 0 : i32
      %dma_wait3A_592 = arith.constant 0 : i32
      %dma_wait3A_593 = tpu.memref_slice %arg6[%run_scoped3A_51, %dma_wait3A_591, %dma_wait3A_592] : memref<6x2x128xi32, #tpu.memory_space<vmem>> -> memref<1x2x128xi32, #tpu.memory_space<vmem>>
      %dma_wait3A_594 = tpu.memref_squeeze %dma_wait3A_593 : memref<1x2x128xi32, #tpu.memory_space<vmem>> -> memref<2x128xi32, #tpu.memory_space<vmem>>
      %dma_wait3A_595 = arith.constant 0 : i32
      %dma_wait3A_596 = arith.constant 0 : i32
      %dma_wait3A_597 = tpu.memref_slice %arg3[%add3A_50, %dma_wait3A_595, %dma_wait3A_596] : memref<1280x2x128xi32, #tpu.memory_space<hbm>> -> memref<1x2x128xi32, #tpu.memory_space<hbm>>
      %dma_wait3A_598 = tpu.memref_squeeze %dma_wait3A_597 : memref<1x2x128xi32, #tpu.memory_space<hbm>> -> memref<2x128xi32, #tpu.memory_space<hbm>>
      tpu.wait_dma2 semaphore(%run_scoped3A_566 : memref<!tpu.dma_semaphore, #tpu.memory_space<semaphore_mem>>) src(%dma_wait3A_598 : memref<2x128xi32, #tpu.memory_space<hbm>>) dst(%dma_wait3A_594 : memref<2x128xi32, #tpu.memory_space<vmem>>)
      tpu.yield
    }) : () -> ()
    %dma_start3A_52 = arith.constant 3 : i32
    %dma_start3A_53 = arith.constant 0 : i32
    %dma_start3A_54 = arith.constant 3 : i32
    %dma_start3A_55 = arith.constant 0 : i32
    %dma_start3A_56 = arith.constant 0 : i32
    %dma_start3A_57 = tpu.memref_slice %arg7[%dma_start3A_54, %dma_start3A_55, %dma_start3A_56] : memref<6x128x64xf32, #tpu.memory_space<vmem>> -> memref<1x128x64xf32, #tpu.memory_space<vmem>>
    %dma_start3A_58 = tpu.memref_squeeze %dma_start3A_57 : memref<1x128x64xf32, #tpu.memory_space<vmem>> -> memref<128x64xf32, #tpu.memory_space<vmem>>
    %dma_start3A_59 = arith.constant 0 : i32
    %dma_start3A_60 = tpu.memref_slice %arg6[%dma_start3A_52, %dma_start3A_53, %dma_start3A_59] : memref<6x2x128xi32, #tpu.memory_space<vmem>> -> memref<1x1x128xi32, #tpu.memory_space<vmem>>
    %dma_start3A_61 = tpu.memref_squeeze %dma_start3A_60 : memref<1x1x128xi32, #tpu.memory_space<vmem>> -> memref<128xi32, #tpu.memory_space<vmem>>
    %dma_start3A_62 = arith.constant 0 : i32
    %dma_start3A_63 = arith.constant 0 : i32
    %dma_start3A_64 = tpu.memref_slice %arg2[%dma_start3A_62, %dma_start3A_63] : memref<10112x64xf32, #tpu.memory_space<hbm>> -> memref<10112x64xf32, #tpu.memory_space<hbm>>
    tpu.enqueue_indirect_dma source(%dma_start3A_64 : memref<10112x64xf32, #tpu.memory_space<hbm>>) target(%dma_start3A_58 : memref<128x64xf32, #tpu.memory_space<vmem>>) offsets(%dma_start3A_61 : memref<128xi32, #tpu.memory_space<vmem>>) semaphore(%arg12 : memref<!tpu.dma_semaphore, #tpu.memory_space<semaphore_mem>>)
    %eq3A = arith.constant 0 : i32
    %eq3A_65 = arith.cmpi eq, %arg0, %eq3A : i32
    %convert_element_type3A = arith.extui %eq3A_65 : i1 to i32
    %cond3A = arith.constant 0 : i32
    %cond3A_66 = arith.cmpi ne, %convert_element_type3A, %cond3A : i32
    scf.if %cond3A_66 {
      %mul3A_566 = arith.constant 632 : i32
      %mul3A_567 = arith.muli %arg1, %mul3A_566 : i32
      %mul3A_568 = arith.constant 632 : i32
      %mul3A_569 = arith.muli %arg1, %mul3A_568 : i32
      "tpu.region"() ({
        %run_scoped3A_570 = tpu.sem_alloc : memref<!tpu.dma_semaphore, #tpu.memory_space<semaphore_mem>>
        %dma_start3A_571 = arith.constant 0 : i32
        %dma_start3A_572 = tpu.memref_slice %arg8[%mul3A_569, %dma_start3A_571] : memref<10112x64xf32, #tpu.memory_space<vmem_shared>> -> memref<632x64xf32, #tpu.memory_space<vmem_shared>>
        %dma_start3A_573 = arith.constant 0 : i32
        %dma_start3A_574 = tpu.memref_slice %arg2[%mul3A_567, %dma_start3A_573] : memref<10112x64xf32, #tpu.memory_space<hbm>> -> memref<632x64xf32, #tpu.memory_space<hbm>>
        tpu.enqueue_dma source(%dma_start3A_574 : memref<632x64xf32, #tpu.memory_space<hbm>>) target(%dma_start3A_572 : memref<632x64xf32, #tpu.memory_space<vmem_shared>>) target_semaphore(%run_scoped3A_570 : memref<!tpu.dma_semaphore, #tpu.memory_space<semaphore_mem>>)
        %dma_wait3A_575 = arith.constant 0 : i32
        %dma_wait3A_576 = tpu.memref_slice %arg8[%mul3A_569, %dma_wait3A_575] : memref<10112x64xf32, #tpu.memory_space<vmem_shared>> -> memref<632x64xf32, #tpu.memory_space<vmem_shared>>
        %dma_wait3A_577 = arith.constant 0 : i32
        %dma_wait3A_578 = tpu.memref_slice %arg2[%mul3A_567, %dma_wait3A_577] : memref<10112x64xf32, #tpu.memory_space<hbm>> -> memref<632x64xf32, #tpu.memory_space<hbm>>
        tpu.wait_dma2 semaphore(%run_scoped3A_570 : memref<!tpu.dma_semaphore, #tpu.memory_space<semaphore_mem>>) src(%dma_wait3A_578 : memref<632x64xf32, #tpu.memory_space<hbm>>) dst(%dma_wait3A_576 : memref<632x64xf32, #tpu.memory_space<vmem_shared>>)
        tpu.yield
      }) : () -> ()
    } else {
    }
    %eq3A_67 = arith.constant 1 : i32
    %eq3A_68 = arith.cmpi eq, %arg0, %eq3A_67 : i32
    %convert_element_type3A_69 = arith.extui %eq3A_68 : i1 to i32
    %cond3A_70 = arith.constant 0 : i32
    %cond3A_71 = arith.cmpi ne, %convert_element_type3A_69, %cond3A_70 : i32
    scf.if %cond3A_71 {
      %mul3A_566 = arith.constant 632 : i32
      %mul3A_567 = arith.muli %arg1, %mul3A_566 : i32
      %mul3A_568 = arith.constant 632 : i32
      %mul3A_569 = arith.muli %arg1, %mul3A_568 : i32
      "tpu.region"() ({
        %run_scoped3A_570 = tpu.sem_alloc : memref<!tpu.dma_semaphore, #tpu.memory_space<semaphore_mem>>
        %dma_start3A_571 = arith.constant 0 : i32
        %dma_start3A_572 = tpu.memref_slice %arg8[%mul3A_569, %dma_start3A_571] : memref<10112x64xf32, #tpu.memory_space<vmem_shared>> -> memref<632x64xf32, #tpu.memory_space<vmem_shared>>
        %dma_start3A_573 = arith.constant 0 : i32
        %dma_start3A_574 = tpu.memref_slice %arg4[%mul3A_567, %dma_start3A_573] : memref<10112x64xf32, #tpu.memory_space<hbm>> -> memref<632x64xf32, #tpu.memory_space<hbm>>
        tpu.enqueue_dma source(%dma_start3A_574 : memref<632x64xf32, #tpu.memory_space<hbm>>) target(%dma_start3A_572 : memref<632x64xf32, #tpu.memory_space<vmem_shared>>) target_semaphore(%run_scoped3A_570 : memref<!tpu.dma_semaphore, #tpu.memory_space<semaphore_mem>>)
        %dma_wait3A_575 = arith.constant 0 : i32
        %dma_wait3A_576 = tpu.memref_slice %arg8[%mul3A_569, %dma_wait3A_575] : memref<10112x64xf32, #tpu.memory_space<vmem_shared>> -> memref<632x64xf32, #tpu.memory_space<vmem_shared>>
        %dma_wait3A_577 = arith.constant 0 : i32
        %dma_wait3A_578 = tpu.memref_slice %arg4[%mul3A_567, %dma_wait3A_577] : memref<10112x64xf32, #tpu.memory_space<hbm>> -> memref<632x64xf32, #tpu.memory_space<hbm>>
        tpu.wait_dma2 semaphore(%run_scoped3A_570 : memref<!tpu.dma_semaphore, #tpu.memory_space<semaphore_mem>>) src(%dma_wait3A_578 : memref<632x64xf32, #tpu.memory_space<hbm>>) dst(%dma_wait3A_576 : memref<632x64xf32, #tpu.memory_space<vmem_shared>>)
        tpu.yield
      }) : () -> ()
    } else {
    }
    %barrier3A = arith.constant 0 : index
    tpu.barrier barrier_id(%barrier3A)
    %add3A_72 = arith.constant 4 : i32
    %add3A_73 = arith.addi %mul3A_2, %add3A_72 : i32
    %run_scoped3A_74 = arith.constant 4 : i32
    "tpu.region"() ({
      %run_scoped3A_566 = tpu.sem_alloc : memref<!tpu.dma_semaphore, #tpu.memory_space<semaphore_mem>>
      %dma_start3A_567 = arith.constant 0 : i32
      %dma_start3A_568 = arith.constant 0 : i32
      %dma_start3A_569 = tpu.memref_slice %arg6[%run_scoped3A_74, %dma_start3A_567, %dma_start3A_568] : memref<6x2x128xi32, #tpu.memory_space<vmem>> -> memref<1x2x128xi32, #tpu.memory_space<vmem>>
      %dma_start3A_570 = tpu.memref_squeeze %dma_start3A_569 : memref<1x2x128xi32, #tpu.memory_space<vmem>> -> memref<2x128xi32, #tpu.memory_space<vmem>>
      %dma_start3A_571 = arith.constant 0 : i32
      %dma_start3A_572 = arith.constant 0 : i32
      %dma_start3A_573 = tpu.memref_slice %arg3[%add3A_73, %dma_start3A_571, %dma_start3A_572] : memref<1280x2x128xi32, #tpu.memory_space<hbm>> -> memref<1x2x128xi32, #tpu.memory_space<hbm>>
      %dma_start3A_574 = tpu.memref_squeeze %dma_start3A_573 : memref<1x2x128xi32, #tpu.memory_space<hbm>> -> memref<2x128xi32, #tpu.memory_space<hbm>>
      %dma_start3A_575 = arith.constant 0 : i32
      %dma_start3A_576 = arith.constant 0 : i32
      %dma_start3A_577 = tpu.memref_slice %arg6[%run_scoped3A_74, %dma_start3A_575, %dma_start3A_576] : memref<6x2x128xi32, #tpu.memory_space<vmem>> -> memref<1x2x128xi32, #tpu.memory_space<vmem>>
      %dma_start3A_578 = tpu.memref_squeeze %dma_start3A_577 : memref<1x2x128xi32, #tpu.memory_space<vmem>> -> memref<2x128xi32, #tpu.memory_space<vmem>>
      %dma_start3A_579 = arith.constant 0 : i32
      %dma_start3A_580 = arith.constant 0 : i32
      %dma_start3A_581 = tpu.memref_slice %arg3[%add3A_73, %dma_start3A_579, %dma_start3A_580] : memref<1280x2x128xi32, #tpu.memory_space<hbm>> -> memref<1x2x128xi32, #tpu.memory_space<hbm>>
      %dma_start3A_582 = tpu.memref_squeeze %dma_start3A_581 : memref<1x2x128xi32, #tpu.memory_space<hbm>> -> memref<2x128xi32, #tpu.memory_space<hbm>>
      tpu.enqueue_dma source(%dma_start3A_582 : memref<2x128xi32, #tpu.memory_space<hbm>>) target(%dma_start3A_578 : memref<2x128xi32, #tpu.memory_space<vmem>>) target_semaphore(%run_scoped3A_566 : memref<!tpu.dma_semaphore, #tpu.memory_space<semaphore_mem>>)
      %dma_wait3A_583 = arith.constant 0 : i32
      %dma_wait3A_584 = arith.constant 0 : i32
      %dma_wait3A_585 = tpu.memref_slice %arg6[%run_scoped3A_74, %dma_wait3A_583, %dma_wait3A_584] : memref<6x2x128xi32, #tpu.memory_space<vmem>> -> memref<1x2x128xi32, #tpu.memory_space<vmem>>
      %dma_wait3A_586 = tpu.memref_squeeze %dma_wait3A_585 : memref<1x2x128xi32, #tpu.memory_space<vmem>> -> memref<2x128xi32, #tpu.memory_space<vmem>>
      %dma_wait3A_587 = arith.constant 0 : i32
      %dma_wait3A_588 = arith.constant 0 : i32
      %dma_wait3A_589 = tpu.memref_slice %arg3[%add3A_73, %dma_wait3A_587, %dma_wait3A_588] : memref<1280x2x128xi32, #tpu.memory_space<hbm>> -> memref<1x2x128xi32, #tpu.memory_space<hbm>>
      %dma_wait3A_590 = tpu.memref_squeeze %dma_wait3A_589 : memref<1x2x128xi32, #tpu.memory_space<hbm>> -> memref<2x128xi32, #tpu.memory_space<hbm>>
      %dma_wait3A_591 = arith.constant 0 : i32
      %dma_wait3A_592 = arith.constant 0 : i32
      %dma_wait3A_593 = tpu.memref_slice %arg6[%run_scoped3A_74, %dma_wait3A_591, %dma_wait3A_592] : memref<6x2x128xi32, #tpu.memory_space<vmem>> -> memref<1x2x128xi32, #tpu.memory_space<vmem>>
      %dma_wait3A_594 = tpu.memref_squeeze %dma_wait3A_593 : memref<1x2x128xi32, #tpu.memory_space<vmem>> -> memref<2x128xi32, #tpu.memory_space<vmem>>
      %dma_wait3A_595 = arith.constant 0 : i32
      %dma_wait3A_596 = arith.constant 0 : i32
      %dma_wait3A_597 = tpu.memref_slice %arg3[%add3A_73, %dma_wait3A_595, %dma_wait3A_596] : memref<1280x2x128xi32, #tpu.memory_space<hbm>> -> memref<1x2x128xi32, #tpu.memory_space<hbm>>
      %dma_wait3A_598 = tpu.memref_squeeze %dma_wait3A_597 : memref<1x2x128xi32, #tpu.memory_space<hbm>> -> memref<2x128xi32, #tpu.memory_space<hbm>>
      tpu.wait_dma2 semaphore(%run_scoped3A_566 : memref<!tpu.dma_semaphore, #tpu.memory_space<semaphore_mem>>) src(%dma_wait3A_598 : memref<2x128xi32, #tpu.memory_space<hbm>>) dst(%dma_wait3A_594 : memref<2x128xi32, #tpu.memory_space<vmem>>)
      tpu.yield
    }) : () -> ()
    %dma_start3A_75 = arith.constant 4 : i32
    %dma_start3A_76 = arith.constant 0 : i32
    %dma_start3A_77 = arith.constant 4 : i32
    %dma_start3A_78 = arith.constant 0 : i32
    %dma_start3A_79 = arith.constant 0 : i32
    %dma_start3A_80 = tpu.memref_slice %arg7[%dma_start3A_77, %dma_start3A_78, %dma_start3A_79] : memref<6x128x64xf32, #tpu.memory_space<vmem>> -> memref<1x128x64xf32, #tpu.memory_space<vmem>>
    %dma_start3A_81 = tpu.memref_squeeze %dma_start3A_80 : memref<1x128x64xf32, #tpu.memory_space<vmem>> -> memref<128x64xf32, #tpu.memory_space<vmem>>
    %dma_start3A_82 = arith.constant 0 : i32
    %dma_start3A_83 = tpu.memref_slice %arg6[%dma_start3A_75, %dma_start3A_76, %dma_start3A_82] : memref<6x2x128xi32, #tpu.memory_space<vmem>> -> memref<1x1x128xi32, #tpu.memory_space<vmem>>
    %dma_start3A_84 = tpu.memref_squeeze %dma_start3A_83 : memref<1x1x128xi32, #tpu.memory_space<vmem>> -> memref<128xi32, #tpu.memory_space<vmem>>
    %dma_start3A_85 = arith.constant 0 : i32
    %dma_start3A_86 = arith.constant 0 : i32
    %dma_start3A_87 = tpu.memref_slice %arg2[%dma_start3A_85, %dma_start3A_86] : memref<10112x64xf32, #tpu.memory_space<hbm>> -> memref<10112x64xf32, #tpu.memory_space<hbm>>
    tpu.enqueue_indirect_dma source(%dma_start3A_87 : memref<10112x64xf32, #tpu.memory_space<hbm>>) target(%dma_start3A_81 : memref<128x64xf32, #tpu.memory_space<vmem>>) offsets(%dma_start3A_84 : memref<128xi32, #tpu.memory_space<vmem>>) semaphore(%arg13 : memref<!tpu.dma_semaphore, #tpu.memory_space<semaphore_mem>>)
    %dma_wait3A = arith.constant 0 : i32
    %dma_wait3A_88 = arith.constant 0 : i32
    %dma_wait3A_89 = arith.constant 0 : i32
    %dma_wait3A_90 = arith.constant 0 : i32
    %dma_wait3A_91 = arith.constant 0 : i32
    %dma_wait3A_92 = tpu.memref_slice %arg7[%dma_wait3A_89, %dma_wait3A_90, %dma_wait3A_91] : memref<6x128x64xf32, #tpu.memory_space<vmem>> -> memref<1x128x64xf32, #tpu.memory_space<vmem>>
    %dma_wait3A_93 = tpu.memref_squeeze %dma_wait3A_92 : memref<1x128x64xf32, #tpu.memory_space<vmem>> -> memref<128x64xf32, #tpu.memory_space<vmem>>
    %dma_wait3A_94 = arith.constant 0 : i32
    %dma_wait3A_95 = tpu.memref_slice %arg6[%dma_wait3A, %dma_wait3A_88, %dma_wait3A_94] : memref<6x2x128xi32, #tpu.memory_space<vmem>> -> memref<1x1x128xi32, #tpu.memory_space<vmem>>
    %dma_wait3A_96 = tpu.memref_squeeze %dma_wait3A_95 : memref<1x1x128xi32, #tpu.memory_space<vmem>> -> memref<128xi32, #tpu.memory_space<vmem>>
    %dma_wait3A_97 = arith.constant 0 : i32
    %dma_wait3A_98 = arith.constant 0 : i32
    %dma_wait3A_99 = tpu.memref_slice %arg2[%dma_wait3A_97, %dma_wait3A_98] : memref<10112x64xf32, #tpu.memory_space<hbm>> -> memref<10112x64xf32, #tpu.memory_space<hbm>>
    tpu.wait_indirect_dma semaphore(%arg9 : memref<!tpu.dma_semaphore, #tpu.memory_space<semaphore_mem>>) src(%dma_wait3A_99 : memref<10112x64xf32, #tpu.memory_space<hbm>>) dst(%dma_wait3A_93 : memref<128x64xf32, #tpu.memory_space<vmem>>)
    %dma_start3A_100 = arith.constant 0 : i32
    %dma_start3A_101 = arith.constant 0 : i32
    %dma_start3A_102 = arith.constant 1 : i32
    %dma_start3A_103 = arith.constant 0 : i32
    %dma_start3A_104 = arith.constant 0 : i32
    %dma_start3A_105 = tpu.memref_slice %arg7[%dma_start3A_100, %dma_start3A_103, %dma_start3A_104] : memref<6x128x64xf32, #tpu.memory_space<vmem>> -> memref<1x128x64xf32, #tpu.memory_space<vmem>>
    %dma_start3A_106 = tpu.memref_squeeze %dma_start3A_105 : memref<1x128x64xf32, #tpu.memory_space<vmem>> -> memref<128x64xf32, #tpu.memory_space<vmem>>
    %dma_start3A_107 = arith.constant 0 : i32
    %dma_start3A_108 = tpu.memref_slice %arg6[%dma_start3A_101, %dma_start3A_102, %dma_start3A_107] : memref<6x2x128xi32, #tpu.memory_space<vmem>> -> memref<1x1x128xi32, #tpu.memory_space<vmem>>
    %dma_start3A_109 = tpu.memref_squeeze %dma_start3A_108 : memref<1x1x128xi32, #tpu.memory_space<vmem>> -> memref<128xi32, #tpu.memory_space<vmem>>
    %dma_start3A_110 = arith.constant 0 : i32
    %dma_start3A_111 = arith.constant 0 : i32
    %dma_start3A_112 = tpu.memref_slice %arg8[%dma_start3A_110, %dma_start3A_111] : memref<10112x64xf32, #tpu.memory_space<vmem_shared>> -> memref<10112x64xf32, #tpu.memory_space<vmem_shared>>
    tpu.enqueue_indirect_dma source(%dma_start3A_106 : memref<128x64xf32, #tpu.memory_space<vmem>>) target(%dma_start3A_112 : memref<10112x64xf32, #tpu.memory_space<vmem_shared>>) offsets(%dma_start3A_109 : memref<128xi32, #tpu.memory_space<vmem>>) semaphore(%arg15 : memref<!tpu.dma_semaphore, #tpu.memory_space<semaphore_mem>>) {add = true}
    %add3A_113 = arith.constant 5 : i32
    %add3A_114 = arith.addi %mul3A_2, %add3A_113 : i32
    %run_scoped3A_115 = arith.constant 5 : i32
    "tpu.region"() ({
      %run_scoped3A_566 = tpu.sem_alloc : memref<!tpu.dma_semaphore, #tpu.memory_space<semaphore_mem>>
      %dma_start3A_567 = arith.constant 0 : i32
      %dma_start3A_568 = arith.constant 0 : i32
      %dma_start3A_569 = tpu.memref_slice %arg6[%run_scoped3A_115, %dma_start3A_567, %dma_start3A_568] : memref<6x2x128xi32, #tpu.memory_space<vmem>> -> memref<1x2x128xi32, #tpu.memory_space<vmem>>
      %dma_start3A_570 = tpu.memref_squeeze %dma_start3A_569 : memref<1x2x128xi32, #tpu.memory_space<vmem>> -> memref<2x128xi32, #tpu.memory_space<vmem>>
      %dma_start3A_571 = arith.constant 0 : i32
      %dma_start3A_572 = arith.constant 0 : i32
      %dma_start3A_573 = tpu.memref_slice %arg3[%add3A_114, %dma_start3A_571, %dma_start3A_572] : memref<1280x2x128xi32, #tpu.memory_space<hbm>> -> memref<1x2x128xi32, #tpu.memory_space<hbm>>
      %dma_start3A_574 = tpu.memref_squeeze %dma_start3A_573 : memref<1x2x128xi32, #tpu.memory_space<hbm>> -> memref<2x128xi32, #tpu.memory_space<hbm>>
      %dma_start3A_575 = arith.constant 0 : i32
      %dma_start3A_576 = arith.constant 0 : i32
      %dma_start3A_577 = tpu.memref_slice %arg6[%run_scoped3A_115, %dma_start3A_575, %dma_start3A_576] : memref<6x2x128xi32, #tpu.memory_space<vmem>> -> memref<1x2x128xi32, #tpu.memory_space<vmem>>
      %dma_start3A_578 = tpu.memref_squeeze %dma_start3A_577 : memref<1x2x128xi32, #tpu.memory_space<vmem>> -> memref<2x128xi32, #tpu.memory_space<vmem>>
      %dma_start3A_579 = arith.constant 0 : i32
      %dma_start3A_580 = arith.constant 0 : i32
      %dma_start3A_581 = tpu.memref_slice %arg3[%add3A_114, %dma_start3A_579, %dma_start3A_580] : memref<1280x2x128xi32, #tpu.memory_space<hbm>> -> memref<1x2x128xi32, #tpu.memory_space<hbm>>
      %dma_start3A_582 = tpu.memref_squeeze %dma_start3A_581 : memref<1x2x128xi32, #tpu.memory_space<hbm>> -> memref<2x128xi32, #tpu.memory_space<hbm>>
      tpu.enqueue_dma source(%dma_start3A_582 : memref<2x128xi32, #tpu.memory_space<hbm>>) target(%dma_start3A_578 : memref<2x128xi32, #tpu.memory_space<vmem>>) target_semaphore(%run_scoped3A_566 : memref<!tpu.dma_semaphore, #tpu.memory_space<semaphore_mem>>)
      %dma_wait3A_583 = arith.constant 0 : i32
      %dma_wait3A_584 = arith.constant 0 : i32
      %dma_wait3A_585 = tpu.memref_slice %arg6[%run_scoped3A_115, %dma_wait3A_583, %dma_wait3A_584] : memref<6x2x128xi32, #tpu.memory_space<vmem>> -> memref<1x2x128xi32, #tpu.memory_space<vmem>>
      %dma_wait3A_586 = tpu.memref_squeeze %dma_wait3A_585 : memref<1x2x128xi32, #tpu.memory_space<vmem>> -> memref<2x128xi32, #tpu.memory_space<vmem>>
      %dma_wait3A_587 = arith.constant 0 : i32
      %dma_wait3A_588 = arith.constant 0 : i32
      %dma_wait3A_589 = tpu.memref_slice %arg3[%add3A_114, %dma_wait3A_587, %dma_wait3A_588] : memref<1280x2x128xi32, #tpu.memory_space<hbm>> -> memref<1x2x128xi32, #tpu.memory_space<hbm>>
      %dma_wait3A_590 = tpu.memref_squeeze %dma_wait3A_589 : memref<1x2x128xi32, #tpu.memory_space<hbm>> -> memref<2x128xi32, #tpu.memory_space<hbm>>
      %dma_wait3A_591 = arith.constant 0 : i32
      %dma_wait3A_592 = arith.constant 0 : i32
      %dma_wait3A_593 = tpu.memref_slice %arg6[%run_scoped3A_115, %dma_wait3A_591, %dma_wait3A_592] : memref<6x2x128xi32, #tpu.memory_space<vmem>> -> memref<1x2x128xi32, #tpu.memory_space<vmem>>
      %dma_wait3A_594 = tpu.memref_squeeze %dma_wait3A_593 : memref<1x2x128xi32, #tpu.memory_space<vmem>> -> memref<2x128xi32, #tpu.memory_space<vmem>>
      %dma_wait3A_595 = arith.constant 0 : i32
      %dma_wait3A_596 = arith.constant 0 : i32
      %dma_wait3A_597 = tpu.memref_slice %arg3[%add3A_114, %dma_wait3A_595, %dma_wait3A_596] : memref<1280x2x128xi32, #tpu.memory_space<hbm>> -> memref<1x2x128xi32, #tpu.memory_space<hbm>>
      %dma_wait3A_598 = tpu.memref_squeeze %dma_wait3A_597 : memref<1x2x128xi32, #tpu.memory_space<hbm>> -> memref<2x128xi32, #tpu.memory_space<hbm>>
      tpu.wait_dma2 semaphore(%run_scoped3A_566 : memref<!tpu.dma_semaphore, #tpu.memory_space<semaphore_mem>>) src(%dma_wait3A_598 : memref<2x128xi32, #tpu.memory_space<hbm>>) dst(%dma_wait3A_594 : memref<2x128xi32, #tpu.memory_space<vmem>>)
      tpu.yield
    }) : () -> ()
    %dma_start3A_116 = arith.constant 5 : i32
    %dma_start3A_117 = arith.constant 0 : i32
    %dma_start3A_118 = arith.constant 5 : i32
    %dma_start3A_119 = arith.constant 0 : i32
    %dma_start3A_120 = arith.constant 0 : i32
    %dma_start3A_121 = tpu.memref_slice %arg7[%dma_start3A_118, %dma_start3A_119, %dma_start3A_120] : memref<6x128x64xf32, #tpu.memory_space<vmem>> -> memref<1x128x64xf32, #tpu.memory_space<vmem>>
    %dma_start3A_122 = tpu.memref_squeeze %dma_start3A_121 : memref<1x128x64xf32, #tpu.memory_space<vmem>> -> memref<128x64xf32, #tpu.memory_space<vmem>>
    %dma_start3A_123 = arith.constant 0 : i32
    %dma_start3A_124 = tpu.memref_slice %arg6[%dma_start3A_116, %dma_start3A_117, %dma_start3A_123] : memref<6x2x128xi32, #tpu.memory_space<vmem>> -> memref<1x1x128xi32, #tpu.memory_space<vmem>>
    %dma_start3A_125 = tpu.memref_squeeze %dma_start3A_124 : memref<1x1x128xi32, #tpu.memory_space<vmem>> -> memref<128xi32, #tpu.memory_space<vmem>>
    %dma_start3A_126 = arith.constant 0 : i32
    %dma_start3A_127 = arith.constant 0 : i32
    %dma_start3A_128 = tpu.memref_slice %arg2[%dma_start3A_126, %dma_start3A_127] : memref<10112x64xf32, #tpu.memory_space<hbm>> -> memref<10112x64xf32, #tpu.memory_space<hbm>>
    tpu.enqueue_indirect_dma source(%dma_start3A_128 : memref<10112x64xf32, #tpu.memory_space<hbm>>) target(%dma_start3A_122 : memref<128x64xf32, #tpu.memory_space<vmem>>) offsets(%dma_start3A_125 : memref<128xi32, #tpu.memory_space<vmem>>) semaphore(%arg14 : memref<!tpu.dma_semaphore, #tpu.memory_space<semaphore_mem>>)
    %dma_wait3A_129 = arith.constant 1 : i32
    %dma_wait3A_130 = arith.constant 0 : i32
    %dma_wait3A_131 = arith.constant 1 : i32
    %dma_wait3A_132 = arith.constant 0 : i32
    %dma_wait3A_133 = arith.constant 0 : i32
    %dma_wait3A_134 = tpu.memref_slice %arg7[%dma_wait3A_131, %dma_wait3A_132, %dma_wait3A_133] : memref<6x128x64xf32, #tpu.memory_space<vmem>> -> memref<1x128x64xf32, #tpu.memory_space<vmem>>
    %dma_wait3A_135 = tpu.memref_squeeze %dma_wait3A_134 : memref<1x128x64xf32, #tpu.memory_space<vmem>> -> memref<128x64xf32, #tpu.memory_space<vmem>>
    %dma_wait3A_136 = arith.constant 0 : i32
    %dma_wait3A_137 = tpu.memref_slice %arg6[%dma_wait3A_129, %dma_wait3A_130, %dma_wait3A_136] : memref<6x2x128xi32, #tpu.memory_space<vmem>> -> memref<1x1x128xi32, #tpu.memory_space<vmem>>
    %dma_wait3A_138 = tpu.memref_squeeze %dma_wait3A_137 : memref<1x1x128xi32, #tpu.memory_space<vmem>> -> memref<128xi32, #tpu.memory_space<vmem>>
    %dma_wait3A_139 = arith.constant 0 : i32
    %dma_wait3A_140 = arith.constant 0 : i32
    %dma_wait3A_141 = tpu.memref_slice %arg2[%dma_wait3A_139, %dma_wait3A_140] : memref<10112x64xf32, #tpu.memory_space<hbm>> -> memref<10112x64xf32, #tpu.memory_space<hbm>>
    tpu.wait_indirect_dma semaphore(%arg10 : memref<!tpu.dma_semaphore, #tpu.memory_space<semaphore_mem>>) src(%dma_wait3A_141 : memref<10112x64xf32, #tpu.memory_space<hbm>>) dst(%dma_wait3A_135 : memref<128x64xf32, #tpu.memory_space<vmem>>)
    %dma_start3A_142 = arith.constant 1 : i32
    %dma_start3A_143 = arith.constant 1 : i32
    %dma_start3A_144 = arith.constant 1 : i32
    %dma_start3A_145 = arith.constant 0 : i32
    %dma_start3A_146 = arith.constant 0 : i32
    %dma_start3A_147 = tpu.memref_slice %arg7[%dma_start3A_142, %dma_start3A_145, %dma_start3A_146] : memref<6x128x64xf32, #tpu.memory_space<vmem>> -> memref<1x128x64xf32, #tpu.memory_space<vmem>>
    %dma_start3A_148 = tpu.memref_squeeze %dma_start3A_147 : memref<1x128x64xf32, #tpu.memory_space<vmem>> -> memref<128x64xf32, #tpu.memory_space<vmem>>
    %dma_start3A_149 = arith.constant 0 : i32
    %dma_start3A_150 = tpu.memref_slice %arg6[%dma_start3A_143, %dma_start3A_144, %dma_start3A_149] : memref<6x2x128xi32, #tpu.memory_space<vmem>> -> memref<1x1x128xi32, #tpu.memory_space<vmem>>
    %dma_start3A_151 = tpu.memref_squeeze %dma_start3A_150 : memref<1x1x128xi32, #tpu.memory_space<vmem>> -> memref<128xi32, #tpu.memory_space<vmem>>
    %dma_start3A_152 = arith.constant 0 : i32
    %dma_start3A_153 = arith.constant 0 : i32
    %dma_start3A_154 = tpu.memref_slice %arg8[%dma_start3A_152, %dma_start3A_153] : memref<10112x64xf32, #tpu.memory_space<vmem_shared>> -> memref<10112x64xf32, #tpu.memory_space<vmem_shared>>
    tpu.enqueue_indirect_dma source(%dma_start3A_148 : memref<128x64xf32, #tpu.memory_space<vmem>>) target(%dma_start3A_154 : memref<10112x64xf32, #tpu.memory_space<vmem_shared>>) offsets(%dma_start3A_151 : memref<128xi32, #tpu.memory_space<vmem>>) semaphore(%arg16 : memref<!tpu.dma_semaphore, #tpu.memory_space<semaphore_mem>>) {add = true}
    %scan3A = arith.constant 0 : i32
    %scan3A_155 = arith.constant 5 : i32
    %scan3A_156 = arith.addi %scan3A, %scan3A_155 : i32
    %scan3A_157 = arith.constant 1 : i32
    scf.for %scan3A_566 = %scan3A to %scan3A_156 step %scan3A_157  : i32 {
      %mul3A_567 = arith.constant 6 : i32
      %mul3A_568 = arith.muli %scan3A_566, %mul3A_567 : i32
      %add3A_569 = arith.constant 2 : i32
      %add3A_570 = arith.addi %add3A_569, %mul3A_568 : i32
      %dma_wait3A_571 = arith.constant 0 : i32
      %dma_wait3A_572 = arith.constant 0 : i32
      %dma_wait3A_573 = arith.constant 1 : i32
      %dma_wait3A_574 = arith.constant 0 : i32
      %dma_wait3A_575 = arith.constant 0 : i32
      %dma_wait3A_576 = tpu.memref_slice %arg7[%dma_wait3A_571, %dma_wait3A_574, %dma_wait3A_575] : memref<6x128x64xf32, #tpu.memory_space<vmem>> -> memref<1x128x64xf32, #tpu.memory_space<vmem>>
      %dma_wait3A_577 = tpu.memref_squeeze %dma_wait3A_576 : memref<1x128x64xf32, #tpu.memory_space<vmem>> -> memref<128x64xf32, #tpu.memory_space<vmem>>
      %dma_wait3A_578 = arith.constant 0 : i32
      %dma_wait3A_579 = tpu.memref_slice %arg6[%dma_wait3A_572, %dma_wait3A_573, %dma_wait3A_578] : memref<6x2x128xi32, #tpu.memory_space<vmem>> -> memref<1x1x128xi32, #tpu.memory_space<vmem>>
      %dma_wait3A_580 = tpu.memref_squeeze %dma_wait3A_579 : memref<1x1x128xi32, #tpu.memory_space<vmem>> -> memref<128xi32, #tpu.memory_space<vmem>>
      %dma_wait3A_581 = arith.constant 0 : i32
      %dma_wait3A_582 = arith.constant 0 : i32
      %dma_wait3A_583 = tpu.memref_slice %arg8[%dma_wait3A_581, %dma_wait3A_582] : memref<10112x64xf32, #tpu.memory_space<vmem_shared>> -> memref<10112x64xf32, #tpu.memory_space<vmem_shared>>
      tpu.wait_indirect_dma semaphore(%arg15 : memref<!tpu.dma_semaphore, #tpu.memory_space<semaphore_mem>>) src(%dma_wait3A_577 : memref<128x64xf32, #tpu.memory_space<vmem>>) dst(%dma_wait3A_583 : memref<10112x64xf32, #tpu.memory_space<vmem_shared>>)
      %add3A_584 = arith.constant 0 : i32
      %add3A_585 = arith.addi %add3A_570, %add3A_584 : i32
      %add3A_586 = arith.constant 6 : i32
      %add3A_587 = arith.addi %add3A_585, %add3A_586 : i32
      %sub3A = arith.constant 2 : i32
      %sub3A_588 = arith.subi %add3A_587, %sub3A : i32
      %add3A_589 = arith.addi %mul3A_2, %sub3A_588 : i32
      %run_scoped3A_590 = arith.constant 0 : i32
      "tpu.region"() ({
        %run_scoped3A_930 = tpu.sem_alloc : memref<!tpu.dma_semaphore, #tpu.memory_space<semaphore_mem>>
        %dma_start3A_931 = arith.constant 0 : i32
        %dma_start3A_932 = arith.constant 0 : i32
        %dma_start3A_933 = tpu.memref_slice %arg6[%run_scoped3A_590, %dma_start3A_931, %dma_start3A_932] : memref<6x2x128xi32, #tpu.memory_space<vmem>> -> memref<1x2x128xi32, #tpu.memory_space<vmem>>
        %dma_start3A_934 = tpu.memref_squeeze %dma_start3A_933 : memref<1x2x128xi32, #tpu.memory_space<vmem>> -> memref<2x128xi32, #tpu.memory_space<vmem>>
        %dma_start3A_935 = arith.constant 0 : i32
        %dma_start3A_936 = arith.constant 0 : i32
        %dma_start3A_937 = tpu.memref_slice %arg3[%add3A_589, %dma_start3A_935, %dma_start3A_936] : memref<1280x2x128xi32, #tpu.memory_space<hbm>> -> memref<1x2x128xi32, #tpu.memory_space<hbm>>
        %dma_start3A_938 = tpu.memref_squeeze %dma_start3A_937 : memref<1x2x128xi32, #tpu.memory_space<hbm>> -> memref<2x128xi32, #tpu.memory_space<hbm>>
        %dma_start3A_939 = arith.constant 0 : i32
        %dma_start3A_940 = arith.constant 0 : i32
        %dma_start3A_941 = tpu.memref_slice %arg6[%run_scoped3A_590, %dma_start3A_939, %dma_start3A_940] : memref<6x2x128xi32, #tpu.memory_space<vmem>> -> memref<1x2x128xi32, #tpu.memory_space<vmem>>
        %dma_start3A_942 = tpu.memref_squeeze %dma_start3A_941 : memref<1x2x128xi32, #tpu.memory_space<vmem>> -> memref<2x128xi32, #tpu.memory_space<vmem>>
        %dma_start3A_943 = arith.constant 0 : i32
        %dma_start3A_944 = arith.constant 0 : i32
        %dma_start3A_945 = tpu.memref_slice %arg3[%add3A_589, %dma_start3A_943, %dma_start3A_944] : memref<1280x2x128xi32, #tpu.memory_space<hbm>> -> memref<1x2x128xi32, #tpu.memory_space<hbm>>
        %dma_start3A_946 = tpu.memref_squeeze %dma_start3A_945 : memref<1x2x128xi32, #tpu.memory_space<hbm>> -> memref<2x128xi32, #tpu.memory_space<hbm>>
        tpu.enqueue_dma source(%dma_start3A_946 : memref<2x128xi32, #tpu.memory_space<hbm>>) target(%dma_start3A_942 : memref<2x128xi32, #tpu.memory_space<vmem>>) target_semaphore(%run_scoped3A_930 : memref<!tpu.dma_semaphore, #tpu.memory_space<semaphore_mem>>)
        %dma_wait3A_947 = arith.constant 0 : i32
        %dma_wait3A_948 = arith.constant 0 : i32
        %dma_wait3A_949 = tpu.memref_slice %arg6[%run_scoped3A_590, %dma_wait3A_947, %dma_wait3A_948] : memref<6x2x128xi32, #tpu.memory_space<vmem>> -> memref<1x2x128xi32, #tpu.memory_space<vmem>>
        %dma_wait3A_950 = tpu.memref_squeeze %dma_wait3A_949 : memref<1x2x128xi32, #tpu.memory_space<vmem>> -> memref<2x128xi32, #tpu.memory_space<vmem>>
        %dma_wait3A_951 = arith.constant 0 : i32
        %dma_wait3A_952 = arith.constant 0 : i32
        %dma_wait3A_953 = tpu.memref_slice %arg3[%add3A_589, %dma_wait3A_951, %dma_wait3A_952] : memref<1280x2x128xi32, #tpu.memory_space<hbm>> -> memref<1x2x128xi32, #tpu.memory_space<hbm>>
        %dma_wait3A_954 = tpu.memref_squeeze %dma_wait3A_953 : memref<1x2x128xi32, #tpu.memory_space<hbm>> -> memref<2x128xi32, #tpu.memory_space<hbm>>
        %dma_wait3A_955 = arith.constant 0 : i32
        %dma_wait3A_956 = arith.constant 0 : i32
        %dma_wait3A_957 = tpu.memref_slice %arg6[%run_scoped3A_590, %dma_wait3A_955, %dma_wait3A_956] : memref<6x2x128xi32, #tpu.memory_space<vmem>> -> memref<1x2x128xi32, #tpu.memory_space<vmem>>
        %dma_wait3A_958 = tpu.memref_squeeze %dma_wait3A_957 : memref<1x2x128xi32, #tpu.memory_space<vmem>> -> memref<2x128xi32, #tpu.memory_space<vmem>>
        %dma_wait3A_959 = arith.constant 0 : i32
        %dma_wait3A_960 = arith.constant 0 : i32
        %dma_wait3A_961 = tpu.memref_slice %arg3[%add3A_589, %dma_wait3A_959, %dma_wait3A_960] : memref<1280x2x128xi32, #tpu.memory_space<hbm>> -> memref<1x2x128xi32, #tpu.memory_space<hbm>>
        %dma_wait3A_962 = tpu.memref_squeeze %dma_wait3A_961 : memref<1x2x128xi32, #tpu.memory_space<hbm>> -> memref<2x128xi32, #tpu.memory_space<hbm>>
        tpu.wait_dma2 semaphore(%run_scoped3A_930 : memref<!tpu.dma_semaphore, #tpu.memory_space<semaphore_mem>>) src(%dma_wait3A_962 : memref<2x128xi32, #tpu.memory_space<hbm>>) dst(%dma_wait3A_958 : memref<2x128xi32, #tpu.memory_space<vmem>>)
        tpu.yield
      }) : () -> ()
      %dma_start3A_591 = arith.constant 0 : i32
      %dma_start3A_592 = arith.constant 0 : i32
      %dma_start3A_593 = arith.constant 0 : i32
      %dma_start3A_594 = arith.constant 0 : i32
      %dma_start3A_595 = arith.constant 0 : i32
      %dma_start3A_596 = tpu.memref_slice %arg7[%dma_start3A_593, %dma_start3A_594, %dma_start3A_595] : memref<6x128x64xf32, #tpu.memory_space<vmem>> -> memref<1x128x64xf32, #tpu.memory_space<vmem>>
      %dma_start3A_597 = tpu.memref_squeeze %dma_start3A_596 : memref<1x128x64xf32, #tpu.memory_space<vmem>> -> memref<128x64xf32, #tpu.memory_space<vmem>>
      %dma_start3A_598 = arith.constant 0 : i32
      %dma_start3A_599 = tpu.memref_slice %arg6[%dma_start3A_591, %dma_start3A_592, %dma_start3A_598] : memref<6x2x128xi32, #tpu.memory_space<vmem>> -> memref<1x1x128xi32, #tpu.memory_space<vmem>>
      %dma_start3A_600 = tpu.memref_squeeze %dma_start3A_599 : memref<1x1x128xi32, #tpu.memory_space<vmem>> -> memref<128xi32, #tpu.memory_space<vmem>>
      %dma_start3A_601 = arith.constant 0 : i32
      %dma_start3A_602 = arith.constant 0 : i32
      %dma_start3A_603 = tpu.memref_slice %arg2[%dma_start3A_601, %dma_start3A_602] : memref<10112x64xf32, #tpu.memory_space<hbm>> -> memref<10112x64xf32, #tpu.memory_space<hbm>>
      tpu.enqueue_indirect_dma source(%dma_start3A_603 : memref<10112x64xf32, #tpu.memory_space<hbm>>) target(%dma_start3A_597 : memref<128x64xf32, #tpu.memory_space<vmem>>) offsets(%dma_start3A_600 : memref<128xi32, #tpu.memory_space<vmem>>) semaphore(%arg9 : memref<!tpu.dma_semaphore, #tpu.memory_space<semaphore_mem>>)
      %dma_wait3A_604 = arith.constant 2 : i32
      %dma_wait3A_605 = arith.constant 0 : i32
      %dma_wait3A_606 = arith.constant 2 : i32
      %dma_wait3A_607 = arith.constant 0 : i32
      %dma_wait3A_608 = arith.constant 0 : i32
      %dma_wait3A_609 = tpu.memref_slice %arg7[%dma_wait3A_606, %dma_wait3A_607, %dma_wait3A_608] : memref<6x128x64xf32, #tpu.memory_space<vmem>> -> memref<1x128x64xf32, #tpu.memory_space<vmem>>
      %dma_wait3A_610 = tpu.memref_squeeze %dma_wait3A_609 : memref<1x128x64xf32, #tpu.memory_space<vmem>> -> memref<128x64xf32, #tpu.memory_space<vmem>>
      %dma_wait3A_611 = arith.constant 0 : i32
      %dma_wait3A_612 = tpu.memref_slice %arg6[%dma_wait3A_604, %dma_wait3A_605, %dma_wait3A_611] : memref<6x2x128xi32, #tpu.memory_space<vmem>> -> memref<1x1x128xi32, #tpu.memory_space<vmem>>
      %dma_wait3A_613 = tpu.memref_squeeze %dma_wait3A_612 : memref<1x1x128xi32, #tpu.memory_space<vmem>> -> memref<128xi32, #tpu.memory_space<vmem>>
      %dma_wait3A_614 = arith.constant 0 : i32
      %dma_wait3A_615 = arith.constant 0 : i32
      %dma_wait3A_616 = tpu.memref_slice %arg2[%dma_wait3A_614, %dma_wait3A_615] : memref<10112x64xf32, #tpu.memory_space<hbm>> -> memref<10112x64xf32, #tpu.memory_space<hbm>>
      tpu.wait_indirect_dma semaphore(%arg11 : memref<!tpu.dma_semaphore, #tpu.memory_space<semaphore_mem>>) src(%dma_wait3A_616 : memref<10112x64xf32, #tpu.memory_space<hbm>>) dst(%dma_wait3A_610 : memref<128x64xf32, #tpu.memory_space<vmem>>)
      %dma_start3A_617 = arith.constant 2 : i32
      %dma_start3A_618 = arith.constant 2 : i32
      %dma_start3A_619 = arith.constant 1 : i32
      %dma_start3A_620 = arith.constant 0 : i32
      %dma_start3A_621 = arith.constant 0 : i32
      %dma_start3A_622 = tpu.memref_slice %arg7[%dma_start3A_617, %dma_start3A_620, %dma_start3A_621] : memref<6x128x64xf32, #tpu.memory_space<vmem>> -> memref<1x128x64xf32, #tpu.memory_space<vmem>>
      %dma_start3A_623 = tpu.memref_squeeze %dma_start3A_622 : memref<1x128x64xf32, #tpu.memory_space<vmem>> -> memref<128x64xf32, #tpu.memory_space<vmem>>
      %dma_start3A_624 = arith.constant 0 : i32
      %dma_start3A_625 = tpu.memref_slice %arg6[%dma_start3A_618, %dma_start3A_619, %dma_start3A_624] : memref<6x2x128xi32, #tpu.memory_space<vmem>> -> memref<1x1x128xi32, #tpu.memory_space<vmem>>
      %dma_start3A_626 = tpu.memref_squeeze %dma_start3A_625 : memref<1x1x128xi32, #tpu.memory_space<vmem>> -> memref<128xi32, #tpu.memory_space<vmem>>
      %dma_start3A_627 = arith.constant 0 : i32
      %dma_start3A_628 = arith.constant 0 : i32
      %dma_start3A_629 = tpu.memref_slice %arg8[%dma_start3A_627, %dma_start3A_628] : memref<10112x64xf32, #tpu.memory_space<vmem_shared>> -> memref<10112x64xf32, #tpu.memory_space<vmem_shared>>
      tpu.enqueue_indirect_dma source(%dma_start3A_623 : memref<128x64xf32, #tpu.memory_space<vmem>>) target(%dma_start3A_629 : memref<10112x64xf32, #tpu.memory_space<vmem_shared>>) offsets(%dma_start3A_626 : memref<128xi32, #tpu.memory_space<vmem>>) semaphore(%arg17 : memref<!tpu.dma_semaphore, #tpu.memory_space<semaphore_mem>>) {add = true}
      %dma_wait3A_630 = arith.constant 1 : i32
      %dma_wait3A_631 = arith.constant 1 : i32
      %dma_wait3A_632 = arith.constant 1 : i32
      %dma_wait3A_633 = arith.constant 0 : i32
      %dma_wait3A_634 = arith.constant 0 : i32
      %dma_wait3A_635 = tpu.memref_slice %arg7[%dma_wait3A_630, %dma_wait3A_633, %dma_wait3A_634] : memref<6x128x64xf32, #tpu.memory_space<vmem>> -> memref<1x128x64xf32, #tpu.memory_space<vmem>>
      %dma_wait3A_636 = tpu.memref_squeeze %dma_wait3A_635 : memref<1x128x64xf32, #tpu.memory_space<vmem>> -> memref<128x64xf32, #tpu.memory_space<vmem>>
      %dma_wait3A_637 = arith.constant 0 : i32
      %dma_wait3A_638 = tpu.memref_slice %arg6[%dma_wait3A_631, %dma_wait3A_632, %dma_wait3A_637] : memref<6x2x128xi32, #tpu.memory_space<vmem>> -> memref<1x1x128xi32, #tpu.memory_space<vmem>>
      %dma_wait3A_639 = tpu.memref_squeeze %dma_wait3A_638 : memref<1x1x128xi32, #tpu.memory_space<vmem>> -> memref<128xi32, #tpu.memory_space<vmem>>
      %dma_wait3A_640 = arith.constant 0 : i32
      %dma_wait3A_641 = arith.constant 0 : i32
      %dma_wait3A_642 = tpu.memref_slice %arg8[%dma_wait3A_640, %dma_wait3A_641] : memref<10112x64xf32, #tpu.memory_space<vmem_shared>> -> memref<10112x64xf32, #tpu.memory_space<vmem_shared>>
      tpu.wait_indirect_dma semaphore(%arg16 : memref<!tpu.dma_semaphore, #tpu.memory_space<semaphore_mem>>) src(%dma_wait3A_636 : memref<128x64xf32, #tpu.memory_space<vmem>>) dst(%dma_wait3A_642 : memref<10112x64xf32, #tpu.memory_space<vmem_shared>>)
      %add3A_643 = arith.constant 1 : i32
      %add3A_644 = arith.addi %add3A_570, %add3A_643 : i32
      %add3A_645 = arith.constant 6 : i32
      %add3A_646 = arith.addi %add3A_644, %add3A_645 : i32
      %sub3A_647 = arith.constant 2 : i32
      %sub3A_648 = arith.subi %add3A_646, %sub3A_647 : i32
      %add3A_649 = arith.addi %mul3A_2, %sub3A_648 : i32
      %run_scoped3A_650 = arith.constant 1 : i32
      "tpu.region"() ({
        %run_scoped3A_930 = tpu.sem_alloc : memref<!tpu.dma_semaphore, #tpu.memory_space<semaphore_mem>>
        %dma_start3A_931 = arith.constant 0 : i32
        %dma_start3A_932 = arith.constant 0 : i32
        %dma_start3A_933 = tpu.memref_slice %arg6[%run_scoped3A_650, %dma_start3A_931, %dma_start3A_932] : memref<6x2x128xi32, #tpu.memory_space<vmem>> -> memref<1x2x128xi32, #tpu.memory_space<vmem>>
        %dma_start3A_934 = tpu.memref_squeeze %dma_start3A_933 : memref<1x2x128xi32, #tpu.memory_space<vmem>> -> memref<2x128xi32, #tpu.memory_space<vmem>>
        %dma_start3A_935 = arith.constant 0 : i32
        %dma_start3A_936 = arith.constant 0 : i32
        %dma_start3A_937 = tpu.memref_slice %arg3[%add3A_649, %dma_start3A_935, %dma_start3A_936] : memref<1280x2x128xi32, #tpu.memory_space<hbm>> -> memref<1x2x128xi32, #tpu.memory_space<hbm>>
        %dma_start3A_938 = tpu.memref_squeeze %dma_start3A_937 : memref<1x2x128xi32, #tpu.memory_space<hbm>> -> memref<2x128xi32, #tpu.memory_space<hbm>>
        %dma_start3A_939 = arith.constant 0 : i32
        %dma_start3A_940 = arith.constant 0 : i32
        %dma_start3A_941 = tpu.memref_slice %arg6[%run_scoped3A_650, %dma_start3A_939, %dma_start3A_940] : memref<6x2x128xi32, #tpu.memory_space<vmem>> -> memref<1x2x128xi32, #tpu.memory_space<vmem>>
        %dma_start3A_942 = tpu.memref_squeeze %dma_start3A_941 : memref<1x2x128xi32, #tpu.memory_space<vmem>> -> memref<2x128xi32, #tpu.memory_space<vmem>>
        %dma_start3A_943 = arith.constant 0 : i32
        %dma_start3A_944 = arith.constant 0 : i32
        %dma_start3A_945 = tpu.memref_slice %arg3[%add3A_649, %dma_start3A_943, %dma_start3A_944] : memref<1280x2x128xi32, #tpu.memory_space<hbm>> -> memref<1x2x128xi32, #tpu.memory_space<hbm>>
        %dma_start3A_946 = tpu.memref_squeeze %dma_start3A_945 : memref<1x2x128xi32, #tpu.memory_space<hbm>> -> memref<2x128xi32, #tpu.memory_space<hbm>>
        tpu.enqueue_dma source(%dma_start3A_946 : memref<2x128xi32, #tpu.memory_space<hbm>>) target(%dma_start3A_942 : memref<2x128xi32, #tpu.memory_space<vmem>>) target_semaphore(%run_scoped3A_930 : memref<!tpu.dma_semaphore, #tpu.memory_space<semaphore_mem>>)
        %dma_wait3A_947 = arith.constant 0 : i32
        %dma_wait3A_948 = arith.constant 0 : i32
        %dma_wait3A_949 = tpu.memref_slice %arg6[%run_scoped3A_650, %dma_wait3A_947, %dma_wait3A_948] : memref<6x2x128xi32, #tpu.memory_space<vmem>> -> memref<1x2x128xi32, #tpu.memory_space<vmem>>
        %dma_wait3A_950 = tpu.memref_squeeze %dma_wait3A_949 : memref<1x2x128xi32, #tpu.memory_space<vmem>> -> memref<2x128xi32, #tpu.memory_space<vmem>>
        %dma_wait3A_951 = arith.constant 0 : i32
        %dma_wait3A_952 = arith.constant 0 : i32
        %dma_wait3A_953 = tpu.memref_slice %arg3[%add3A_649, %dma_wait3A_951, %dma_wait3A_952] : memref<1280x2x128xi32, #tpu.memory_space<hbm>> -> memref<1x2x128xi32, #tpu.memory_space<hbm>>
        %dma_wait3A_954 = tpu.memref_squeeze %dma_wait3A_953 : memref<1x2x128xi32, #tpu.memory_space<hbm>> -> memref<2x128xi32, #tpu.memory_space<hbm>>
        %dma_wait3A_955 = arith.constant 0 : i32
        %dma_wait3A_956 = arith.constant 0 : i32
        %dma_wait3A_957 = tpu.memref_slice %arg6[%run_scoped3A_650, %dma_wait3A_955, %dma_wait3A_956] : memref<6x2x128xi32, #tpu.memory_space<vmem>> -> memref<1x2x128xi32, #tpu.memory_space<vmem>>
        %dma_wait3A_958 = tpu.memref_squeeze %dma_wait3A_957 : memref<1x2x128xi32, #tpu.memory_space<vmem>> -> memref<2x128xi32, #tpu.memory_space<vmem>>
        %dma_wait3A_959 = arith.constant 0 : i32
        %dma_wait3A_960 = arith.constant 0 : i32
        %dma_wait3A_961 = tpu.memref_slice %arg3[%add3A_649, %dma_wait3A_959, %dma_wait3A_960] : memref<1280x2x128xi32, #tpu.memory_space<hbm>> -> memref<1x2x128xi32, #tpu.memory_space<hbm>>
        %dma_wait3A_962 = tpu.memref_squeeze %dma_wait3A_961 : memref<1x2x128xi32, #tpu.memory_space<hbm>> -> memref<2x128xi32, #tpu.memory_space<hbm>>
        tpu.wait_dma2 semaphore(%run_scoped3A_930 : memref<!tpu.dma_semaphore, #tpu.memory_space<semaphore_mem>>) src(%dma_wait3A_962 : memref<2x128xi32, #tpu.memory_space<hbm>>) dst(%dma_wait3A_958 : memref<2x128xi32, #tpu.memory_space<vmem>>)
        tpu.yield
      }) : () -> ()
      %dma_start3A_651 = arith.constant 1 : i32
      %dma_start3A_652 = arith.constant 0 : i32
      %dma_start3A_653 = arith.constant 1 : i32
      %dma_start3A_654 = arith.constant 0 : i32
      %dma_start3A_655 = arith.constant 0 : i32
      %dma_start3A_656 = tpu.memref_slice %arg7[%dma_start3A_653, %dma_start3A_654, %dma_start3A_655] : memref<6x128x64xf32, #tpu.memory_space<vmem>> -> memref<1x128x64xf32, #tpu.memory_space<vmem>>
      %dma_start3A_657 = tpu.memref_squeeze %dma_start3A_656 : memref<1x128x64xf32, #tpu.memory_space<vmem>> -> memref<128x64xf32, #tpu.memory_space<vmem>>
      %dma_start3A_658 = arith.constant 0 : i32
      %dma_start3A_659 = tpu.memref_slice %arg6[%dma_start3A_651, %dma_start3A_652, %dma_start3A_658] : memref<6x2x128xi32, #tpu.memory_space<vmem>> -> memref<1x1x128xi32, #tpu.memory_space<vmem>>
      %dma_start3A_660 = tpu.memref_squeeze %dma_start3A_659 : memref<1x1x128xi32, #tpu.memory_space<vmem>> -> memref<128xi32, #tpu.memory_space<vmem>>
      %dma_start3A_661 = arith.constant 0 : i32
      %dma_start3A_662 = arith.constant 0 : i32
      %dma_start3A_663 = tpu.memref_slice %arg2[%dma_start3A_661, %dma_start3A_662] : memref<10112x64xf32, #tpu.memory_space<hbm>> -> memref<10112x64xf32, #tpu.memory_space<hbm>>
      tpu.enqueue_indirect_dma source(%dma_start3A_663 : memref<10112x64xf32, #tpu.memory_space<hbm>>) target(%dma_start3A_657 : memref<128x64xf32, #tpu.memory_space<vmem>>) offsets(%dma_start3A_660 : memref<128xi32, #tpu.memory_space<vmem>>) semaphore(%arg10 : memref<!tpu.dma_semaphore, #tpu.memory_space<semaphore_mem>>)
      %dma_wait3A_664 = arith.constant 3 : i32
      %dma_wait3A_665 = arith.constant 0 : i32
      %dma_wait3A_666 = arith.constant 3 : i32
      %dma_wait3A_667 = arith.constant 0 : i32
      %dma_wait3A_668 = arith.constant 0 : i32
      %dma_wait3A_669 = tpu.memref_slice %arg7[%dma_wait3A_666, %dma_wait3A_667, %dma_wait3A_668] : memref<6x128x64xf32, #tpu.memory_space<vmem>> -> memref<1x128x64xf32, #tpu.memory_space<vmem>>
      %dma_wait3A_670 = tpu.memref_squeeze %dma_wait3A_669 : memref<1x128x64xf32, #tpu.memory_space<vmem>> -> memref<128x64xf32, #tpu.memory_space<vmem>>
      %dma_wait3A_671 = arith.constant 0 : i32
      %dma_wait3A_672 = tpu.memref_slice %arg6[%dma_wait3A_664, %dma_wait3A_665, %dma_wait3A_671] : memref<6x2x128xi32, #tpu.memory_space<vmem>> -> memref<1x1x128xi32, #tpu.memory_space<vmem>>
      %dma_wait3A_673 = tpu.memref_squeeze %dma_wait3A_672 : memref<1x1x128xi32, #tpu.memory_space<vmem>> -> memref<128xi32, #tpu.memory_space<vmem>>
      %dma_wait3A_674 = arith.constant 0 : i32
      %dma_wait3A_675 = arith.constant 0 : i32
      %dma_wait3A_676 = tpu.memref_slice %arg2[%dma_wait3A_674, %dma_wait3A_675] : memref<10112x64xf32, #tpu.memory_space<hbm>> -> memref<10112x64xf32, #tpu.memory_space<hbm>>
      tpu.wait_indirect_dma semaphore(%arg12 : memref<!tpu.dma_semaphore, #tpu.memory_space<semaphore_mem>>) src(%dma_wait3A_676 : memref<10112x64xf32, #tpu.memory_space<hbm>>) dst(%dma_wait3A_670 : memref<128x64xf32, #tpu.memory_space<vmem>>)
      %dma_start3A_677 = arith.constant 3 : i32
      %dma_start3A_678 = arith.constant 3 : i32
      %dma_start3A_679 = arith.constant 1 : i32
      %dma_start3A_680 = arith.constant 0 : i32
      %dma_start3A_681 = arith.constant 0 : i32
      %dma_start3A_682 = tpu.memref_slice %arg7[%dma_start3A_677, %dma_start3A_680, %dma_start3A_681] : memref<6x128x64xf32, #tpu.memory_space<vmem>> -> memref<1x128x64xf32, #tpu.memory_space<vmem>>
      %dma_start3A_683 = tpu.memref_squeeze %dma_start3A_682 : memref<1x128x64xf32, #tpu.memory_space<vmem>> -> memref<128x64xf32, #tpu.memory_space<vmem>>
      %dma_start3A_684 = arith.constant 0 : i32
      %dma_start3A_685 = tpu.memref_slice %arg6[%dma_start3A_678, %dma_start3A_679, %dma_start3A_684] : memref<6x2x128xi32, #tpu.memory_space<vmem>> -> memref<1x1x128xi32, #tpu.memory_space<vmem>>
      %dma_start3A_686 = tpu.memref_squeeze %dma_start3A_685 : memref<1x1x128xi32, #tpu.memory_space<vmem>> -> memref<128xi32, #tpu.memory_space<vmem>>
      %dma_start3A_687 = arith.constant 0 : i32
      %dma_start3A_688 = arith.constant 0 : i32
      %dma_start3A_689 = tpu.memref_slice %arg8[%dma_start3A_687, %dma_start3A_688] : memref<10112x64xf32, #tpu.memory_space<vmem_shared>> -> memref<10112x64xf32, #tpu.memory_space<vmem_shared>>
      tpu.enqueue_indirect_dma source(%dma_start3A_683 : memref<128x64xf32, #tpu.memory_space<vmem>>) target(%dma_start3A_689 : memref<10112x64xf32, #tpu.memory_space<vmem_shared>>) offsets(%dma_start3A_686 : memref<128xi32, #tpu.memory_space<vmem>>) semaphore(%arg18 : memref<!tpu.dma_semaphore, #tpu.memory_space<semaphore_mem>>) {add = true}
      %dma_wait3A_690 = arith.constant 2 : i32
      %dma_wait3A_691 = arith.constant 2 : i32
      %dma_wait3A_692 = arith.constant 1 : i32
      %dma_wait3A_693 = arith.constant 0 : i32
      %dma_wait3A_694 = arith.constant 0 : i32
      %dma_wait3A_695 = tpu.memref_slice %arg7[%dma_wait3A_690, %dma_wait3A_693, %dma_wait3A_694] : memref<6x128x64xf32, #tpu.memory_space<vmem>> -> memref<1x128x64xf32, #tpu.memory_space<vmem>>
      %dma_wait3A_696 = tpu.memref_squeeze %dma_wait3A_695 : memref<1x128x64xf32, #tpu.memory_space<vmem>> -> memref<128x64xf32, #tpu.memory_space<vmem>>
      %dma_wait3A_697 = arith.constant 0 : i32
      %dma_wait3A_698 = tpu.memref_slice %arg6[%dma_wait3A_691, %dma_wait3A_692, %dma_wait3A_697] : memref<6x2x128xi32, #tpu.memory_space<vmem>> -> memref<1x1x128xi32, #tpu.memory_space<vmem>>
      %dma_wait3A_699 = tpu.memref_squeeze %dma_wait3A_698 : memref<1x1x128xi32, #tpu.memory_space<vmem>> -> memref<128xi32, #tpu.memory_space<vmem>>
      %dma_wait3A_700 = arith.constant 0 : i32
      %dma_wait3A_701 = arith.constant 0 : i32
      %dma_wait3A_702 = tpu.memref_slice %arg8[%dma_wait3A_700, %dma_wait3A_701] : memref<10112x64xf32, #tpu.memory_space<vmem_shared>> -> memref<10112x64xf32, #tpu.memory_space<vmem_shared>>
      tpu.wait_indirect_dma semaphore(%arg17 : memref<!tpu.dma_semaphore, #tpu.memory_space<semaphore_mem>>) src(%dma_wait3A_696 : memref<128x64xf32, #tpu.memory_space<vmem>>) dst(%dma_wait3A_702 : memref<10112x64xf32, #tpu.memory_space<vmem_shared>>)
      %add3A_703 = arith.constant 2 : i32
      %add3A_704 = arith.addi %add3A_570, %add3A_703 : i32
      %add3A_705 = arith.constant 6 : i32
      %add3A_706 = arith.addi %add3A_704, %add3A_705 : i32
      %sub3A_707 = arith.constant 2 : i32
      %sub3A_708 = arith.subi %add3A_706, %sub3A_707 : i32
      %add3A_709 = arith.addi %mul3A_2, %sub3A_708 : i32
      %run_scoped3A_710 = arith.constant 2 : i32
      "tpu.region"() ({
        %run_scoped3A_930 = tpu.sem_alloc : memref<!tpu.dma_semaphore, #tpu.memory_space<semaphore_mem>>
        %dma_start3A_931 = arith.constant 0 : i32
        %dma_start3A_932 = arith.constant 0 : i32
        %dma_start3A_933 = tpu.memref_slice %arg6[%run_scoped3A_710, %dma_start3A_931, %dma_start3A_932] : memref<6x2x128xi32, #tpu.memory_space<vmem>> -> memref<1x2x128xi32, #tpu.memory_space<vmem>>
        %dma_start3A_934 = tpu.memref_squeeze %dma_start3A_933 : memref<1x2x128xi32, #tpu.memory_space<vmem>> -> memref<2x128xi32, #tpu.memory_space<vmem>>
        %dma_start3A_935 = arith.constant 0 : i32
        %dma_start3A_936 = arith.constant 0 : i32
        %dma_start3A_937 = tpu.memref_slice %arg3[%add3A_709, %dma_start3A_935, %dma_start3A_936] : memref<1280x2x128xi32, #tpu.memory_space<hbm>> -> memref<1x2x128xi32, #tpu.memory_space<hbm>>
        %dma_start3A_938 = tpu.memref_squeeze %dma_start3A_937 : memref<1x2x128xi32, #tpu.memory_space<hbm>> -> memref<2x128xi32, #tpu.memory_space<hbm>>
        %dma_start3A_939 = arith.constant 0 : i32
        %dma_start3A_940 = arith.constant 0 : i32
        %dma_start3A_941 = tpu.memref_slice %arg6[%run_scoped3A_710, %dma_start3A_939, %dma_start3A_940] : memref<6x2x128xi32, #tpu.memory_space<vmem>> -> memref<1x2x128xi32, #tpu.memory_space<vmem>>
        %dma_start3A_942 = tpu.memref_squeeze %dma_start3A_941 : memref<1x2x128xi32, #tpu.memory_space<vmem>> -> memref<2x128xi32, #tpu.memory_space<vmem>>
        %dma_start3A_943 = arith.constant 0 : i32
        %dma_start3A_944 = arith.constant 0 : i32
        %dma_start3A_945 = tpu.memref_slice %arg3[%add3A_709, %dma_start3A_943, %dma_start3A_944] : memref<1280x2x128xi32, #tpu.memory_space<hbm>> -> memref<1x2x128xi32, #tpu.memory_space<hbm>>
        %dma_start3A_946 = tpu.memref_squeeze %dma_start3A_945 : memref<1x2x128xi32, #tpu.memory_space<hbm>> -> memref<2x128xi32, #tpu.memory_space<hbm>>
        tpu.enqueue_dma source(%dma_start3A_946 : memref<2x128xi32, #tpu.memory_space<hbm>>) target(%dma_start3A_942 : memref<2x128xi32, #tpu.memory_space<vmem>>) target_semaphore(%run_scoped3A_930 : memref<!tpu.dma_semaphore, #tpu.memory_space<semaphore_mem>>)
        %dma_wait3A_947 = arith.constant 0 : i32
        %dma_wait3A_948 = arith.constant 0 : i32
        %dma_wait3A_949 = tpu.memref_slice %arg6[%run_scoped3A_710, %dma_wait3A_947, %dma_wait3A_948] : memref<6x2x128xi32, #tpu.memory_space<vmem>> -> memref<1x2x128xi32, #tpu.memory_space<vmem>>
        %dma_wait3A_950 = tpu.memref_squeeze %dma_wait3A_949 : memref<1x2x128xi32, #tpu.memory_space<vmem>> -> memref<2x128xi32, #tpu.memory_space<vmem>>
        %dma_wait3A_951 = arith.constant 0 : i32
        %dma_wait3A_952 = arith.constant 0 : i32
        %dma_wait3A_953 = tpu.memref_slice %arg3[%add3A_709, %dma_wait3A_951, %dma_wait3A_952] : memref<1280x2x128xi32, #tpu.memory_space<hbm>> -> memref<1x2x128xi32, #tpu.memory_space<hbm>>
        %dma_wait3A_954 = tpu.memref_squeeze %dma_wait3A_953 : memref<1x2x128xi32, #tpu.memory_space<hbm>> -> memref<2x128xi32, #tpu.memory_space<hbm>>
        %dma_wait3A_955 = arith.constant 0 : i32
        %dma_wait3A_956 = arith.constant 0 : i32
        %dma_wait3A_957 = tpu.memref_slice %arg6[%run_scoped3A_710, %dma_wait3A_955, %dma_wait3A_956] : memref<6x2x128xi32, #tpu.memory_space<vmem>> -> memref<1x2x128xi32, #tpu.memory_space<vmem>>
        %dma_wait3A_958 = tpu.memref_squeeze %dma_wait3A_957 : memref<1x2x128xi32, #tpu.memory_space<vmem>> -> memref<2x128xi32, #tpu.memory_space<vmem>>
        %dma_wait3A_959 = arith.constant 0 : i32
        %dma_wait3A_960 = arith.constant 0 : i32
        %dma_wait3A_961 = tpu.memref_slice %arg3[%add3A_709, %dma_wait3A_959, %dma_wait3A_960] : memref<1280x2x128xi32, #tpu.memory_space<hbm>> -> memref<1x2x128xi32, #tpu.memory_space<hbm>>
        %dma_wait3A_962 = tpu.memref_squeeze %dma_wait3A_961 : memref<1x2x128xi32, #tpu.memory_space<hbm>> -> memref<2x128xi32, #tpu.memory_space<hbm>>
        tpu.wait_dma2 semaphore(%run_scoped3A_930 : memref<!tpu.dma_semaphore, #tpu.memory_space<semaphore_mem>>) src(%dma_wait3A_962 : memref<2x128xi32, #tpu.memory_space<hbm>>) dst(%dma_wait3A_958 : memref<2x128xi32, #tpu.memory_space<vmem>>)
        tpu.yield
      }) : () -> ()
      %dma_start3A_711 = arith.constant 2 : i32
      %dma_start3A_712 = arith.constant 0 : i32
      %dma_start3A_713 = arith.constant 2 : i32
      %dma_start3A_714 = arith.constant 0 : i32
      %dma_start3A_715 = arith.constant 0 : i32
      %dma_start3A_716 = tpu.memref_slice %arg7[%dma_start3A_713, %dma_start3A_714, %dma_start3A_715] : memref<6x128x64xf32, #tpu.memory_space<vmem>> -> memref<1x128x64xf32, #tpu.memory_space<vmem>>
      %dma_start3A_717 = tpu.memref_squeeze %dma_start3A_716 : memref<1x128x64xf32, #tpu.memory_space<vmem>> -> memref<128x64xf32, #tpu.memory_space<vmem>>
      %dma_start3A_718 = arith.constant 0 : i32
      %dma_start3A_719 = tpu.memref_slice %arg6[%dma_start3A_711, %dma_start3A_712, %dma_start3A_718] : memref<6x2x128xi32, #tpu.memory_space<vmem>> -> memref<1x1x128xi32, #tpu.memory_space<vmem>>
      %dma_start3A_720 = tpu.memref_squeeze %dma_start3A_719 : memref<1x1x128xi32, #tpu.memory_space<vmem>> -> memref<128xi32, #tpu.memory_space<vmem>>
      %dma_start3A_721 = arith.constant 0 : i32
      %dma_start3A_722 = arith.constant 0 : i32
      %dma_start3A_723 = tpu.memref_slice %arg2[%dma_start3A_721, %dma_start3A_722] : memref<10112x64xf32, #tpu.memory_space<hbm>> -> memref<10112x64xf32, #tpu.memory_space<hbm>>
      tpu.enqueue_indirect_dma source(%dma_start3A_723 : memref<10112x64xf32, #tpu.memory_space<hbm>>) target(%dma_start3A_717 : memref<128x64xf32, #tpu.memory_space<vmem>>) offsets(%dma_start3A_720 : memref<128xi32, #tpu.memory_space<vmem>>) semaphore(%arg11 : memref<!tpu.dma_semaphore, #tpu.memory_space<semaphore_mem>>)
      %dma_wait3A_724 = arith.constant 4 : i32
      %dma_wait3A_725 = arith.constant 0 : i32
      %dma_wait3A_726 = arith.constant 4 : i32
      %dma_wait3A_727 = arith.constant 0 : i32
      %dma_wait3A_728 = arith.constant 0 : i32
      %dma_wait3A_729 = tpu.memref_slice %arg7[%dma_wait3A_726, %dma_wait3A_727, %dma_wait3A_728] : memref<6x128x64xf32, #tpu.memory_space<vmem>> -> memref<1x128x64xf32, #tpu.memory_space<vmem>>
      %dma_wait3A_730 = tpu.memref_squeeze %dma_wait3A_729 : memref<1x128x64xf32, #tpu.memory_space<vmem>> -> memref<128x64xf32, #tpu.memory_space<vmem>>
      %dma_wait3A_731 = arith.constant 0 : i32
      %dma_wait3A_732 = tpu.memref_slice %arg6[%dma_wait3A_724, %dma_wait3A_725, %dma_wait3A_731] : memref<6x2x128xi32, #tpu.memory_space<vmem>> -> memref<1x1x128xi32, #tpu.memory_space<vmem>>
      %dma_wait3A_733 = tpu.memref_squeeze %dma_wait3A_732 : memref<1x1x128xi32, #tpu.memory_space<vmem>> -> memref<128xi32, #tpu.memory_space<vmem>>
      %dma_wait3A_734 = arith.constant 0 : i32
      %dma_wait3A_735 = arith.constant 0 : i32
      %dma_wait3A_736 = tpu.memref_slice %arg2[%dma_wait3A_734, %dma_wait3A_735] : memref<10112x64xf32, #tpu.memory_space<hbm>> -> memref<10112x64xf32, #tpu.memory_space<hbm>>
      tpu.wait_indirect_dma semaphore(%arg13 : memref<!tpu.dma_semaphore, #tpu.memory_space<semaphore_mem>>) src(%dma_wait3A_736 : memref<10112x64xf32, #tpu.memory_space<hbm>>) dst(%dma_wait3A_730 : memref<128x64xf32, #tpu.memory_space<vmem>>)
      %dma_start3A_737 = arith.constant 4 : i32
      %dma_start3A_738 = arith.constant 4 : i32
      %dma_start3A_739 = arith.constant 1 : i32
      %dma_start3A_740 = arith.constant 0 : i32
      %dma_start3A_741 = arith.constant 0 : i32
      %dma_start3A_742 = tpu.memref_slice %arg7[%dma_start3A_737, %dma_start3A_740, %dma_start3A_741] : memref<6x128x64xf32, #tpu.memory_space<vmem>> -> memref<1x128x64xf32, #tpu.memory_space<vmem>>
      %dma_start3A_743 = tpu.memref_squeeze %dma_start3A_742 : memref<1x128x64xf32, #tpu.memory_space<vmem>> -> memref<128x64xf32, #tpu.memory_space<vmem>>
      %dma_start3A_744 = arith.constant 0 : i32
      %dma_start3A_745 = tpu.memref_slice %arg6[%dma_start3A_738, %dma_start3A_739, %dma_start3A_744] : memref<6x2x128xi32, #tpu.memory_space<vmem>> -> memref<1x1x128xi32, #tpu.memory_space<vmem>>
      %dma_start3A_746 = tpu.memref_squeeze %dma_start3A_745 : memref<1x1x128xi32, #tpu.memory_space<vmem>> -> memref<128xi32, #tpu.memory_space<vmem>>
      %dma_start3A_747 = arith.constant 0 : i32
      %dma_start3A_748 = arith.constant 0 : i32
      %dma_start3A_749 = tpu.memref_slice %arg8[%dma_start3A_747, %dma_start3A_748] : memref<10112x64xf32, #tpu.memory_space<vmem_shared>> -> memref<10112x64xf32, #tpu.memory_space<vmem_shared>>
      tpu.enqueue_indirect_dma source(%dma_start3A_743 : memref<128x64xf32, #tpu.memory_space<vmem>>) target(%dma_start3A_749 : memref<10112x64xf32, #tpu.memory_space<vmem_shared>>) offsets(%dma_start3A_746 : memref<128xi32, #tpu.memory_space<vmem>>) semaphore(%arg19 : memref<!tpu.dma_semaphore, #tpu.memory_space<semaphore_mem>>) {add = true}
      %dma_wait3A_750 = arith.constant 3 : i32
      %dma_wait3A_751 = arith.constant 3 : i32
      %dma_wait3A_752 = arith.constant 1 : i32
      %dma_wait3A_753 = arith.constant 0 : i32
      %dma_wait3A_754 = arith.constant 0 : i32
      %dma_wait3A_755 = tpu.memref_slice %arg7[%dma_wait3A_750, %dma_wait3A_753, %dma_wait3A_754] : memref<6x128x64xf32, #tpu.memory_space<vmem>> -> memref<1x128x64xf32, #tpu.memory_space<vmem>>
      %dma_wait3A_756 = tpu.memref_squeeze %dma_wait3A_755 : memref<1x128x64xf32, #tpu.memory_space<vmem>> -> memref<128x64xf32, #tpu.memory_space<vmem>>
      %dma_wait3A_757 = arith.constant 0 : i32
      %dma_wait3A_758 = tpu.memref_slice %arg6[%dma_wait3A_751, %dma_wait3A_752, %dma_wait3A_757] : memref<6x2x128xi32, #tpu.memory_space<vmem>> -> memref<1x1x128xi32, #tpu.memory_space<vmem>>
      %dma_wait3A_759 = tpu.memref_squeeze %dma_wait3A_758 : memref<1x1x128xi32, #tpu.memory_space<vmem>> -> memref<128xi32, #tpu.memory_space<vmem>>
      %dma_wait3A_760 = arith.constant 0 : i32
      %dma_wait3A_761 = arith.constant 0 : i32
      %dma_wait3A_762 = tpu.memref_slice %arg8[%dma_wait3A_760, %dma_wait3A_761] : memref<10112x64xf32, #tpu.memory_space<vmem_shared>> -> memref<10112x64xf32, #tpu.memory_space<vmem_shared>>
      tpu.wait_indirect_dma semaphore(%arg18 : memref<!tpu.dma_semaphore, #tpu.memory_space<semaphore_mem>>) src(%dma_wait3A_756 : memref<128x64xf32, #tpu.memory_space<vmem>>) dst(%dma_wait3A_762 : memref<10112x64xf32, #tpu.memory_space<vmem_shared>>)
      %add3A_763 = arith.constant 3 : i32
      %add3A_764 = arith.addi %add3A_570, %add3A_763 : i32
      %add3A_765 = arith.constant 6 : i32
      %add3A_766 = arith.addi %add3A_764, %add3A_765 : i32
      %sub3A_767 = arith.constant 2 : i32
      %sub3A_768 = arith.subi %add3A_766, %sub3A_767 : i32
      %add3A_769 = arith.addi %mul3A_2, %sub3A_768 : i32
      %run_scoped3A_770 = arith.constant 3 : i32
      "tpu.region"() ({
        %run_scoped3A_930 = tpu.sem_alloc : memref<!tpu.dma_semaphore, #tpu.memory_space<semaphore_mem>>
        %dma_start3A_931 = arith.constant 0 : i32
        %dma_start3A_932 = arith.constant 0 : i32
        %dma_start3A_933 = tpu.memref_slice %arg6[%run_scoped3A_770, %dma_start3A_931, %dma_start3A_932] : memref<6x2x128xi32, #tpu.memory_space<vmem>> -> memref<1x2x128xi32, #tpu.memory_space<vmem>>
        %dma_start3A_934 = tpu.memref_squeeze %dma_start3A_933 : memref<1x2x128xi32, #tpu.memory_space<vmem>> -> memref<2x128xi32, #tpu.memory_space<vmem>>
        %dma_start3A_935 = arith.constant 0 : i32
        %dma_start3A_936 = arith.constant 0 : i32
        %dma_start3A_937 = tpu.memref_slice %arg3[%add3A_769, %dma_start3A_935, %dma_start3A_936] : memref<1280x2x128xi32, #tpu.memory_space<hbm>> -> memref<1x2x128xi32, #tpu.memory_space<hbm>>
        %dma_start3A_938 = tpu.memref_squeeze %dma_start3A_937 : memref<1x2x128xi32, #tpu.memory_space<hbm>> -> memref<2x128xi32, #tpu.memory_space<hbm>>
        %dma_start3A_939 = arith.constant 0 : i32
        %dma_start3A_940 = arith.constant 0 : i32
        %dma_start3A_941 = tpu.memref_slice %arg6[%run_scoped3A_770, %dma_start3A_939, %dma_start3A_940] : memref<6x2x128xi32, #tpu.memory_space<vmem>> -> memref<1x2x128xi32, #tpu.memory_space<vmem>>
        %dma_start3A_942 = tpu.memref_squeeze %dma_start3A_941 : memref<1x2x128xi32, #tpu.memory_space<vmem>> -> memref<2x128xi32, #tpu.memory_space<vmem>>
        %dma_start3A_943 = arith.constant 0 : i32
        %dma_start3A_944 = arith.constant 0 : i32
        %dma_start3A_945 = tpu.memref_slice %arg3[%add3A_769, %dma_start3A_943, %dma_start3A_944] : memref<1280x2x128xi32, #tpu.memory_space<hbm>> -> memref<1x2x128xi32, #tpu.memory_space<hbm>>
        %dma_start3A_946 = tpu.memref_squeeze %dma_start3A_945 : memref<1x2x128xi32, #tpu.memory_space<hbm>> -> memref<2x128xi32, #tpu.memory_space<hbm>>
        tpu.enqueue_dma source(%dma_start3A_946 : memref<2x128xi32, #tpu.memory_space<hbm>>) target(%dma_start3A_942 : memref<2x128xi32, #tpu.memory_space<vmem>>) target_semaphore(%run_scoped3A_930 : memref<!tpu.dma_semaphore, #tpu.memory_space<semaphore_mem>>)
        %dma_wait3A_947 = arith.constant 0 : i32
        %dma_wait3A_948 = arith.constant 0 : i32
        %dma_wait3A_949 = tpu.memref_slice %arg6[%run_scoped3A_770, %dma_wait3A_947, %dma_wait3A_948] : memref<6x2x128xi32, #tpu.memory_space<vmem>> -> memref<1x2x128xi32, #tpu.memory_space<vmem>>
        %dma_wait3A_950 = tpu.memref_squeeze %dma_wait3A_949 : memref<1x2x128xi32, #tpu.memory_space<vmem>> -> memref<2x128xi32, #tpu.memory_space<vmem>>
        %dma_wait3A_951 = arith.constant 0 : i32
        %dma_wait3A_952 = arith.constant 0 : i32
        %dma_wait3A_953 = tpu.memref_slice %arg3[%add3A_769, %dma_wait3A_951, %dma_wait3A_952] : memref<1280x2x128xi32, #tpu.memory_space<hbm>> -> memref<1x2x128xi32, #tpu.memory_space<hbm>>
        %dma_wait3A_954 = tpu.memref_squeeze %dma_wait3A_953 : memref<1x2x128xi32, #tpu.memory_space<hbm>> -> memref<2x128xi32, #tpu.memory_space<hbm>>
        %dma_wait3A_955 = arith.constant 0 : i32
        %dma_wait3A_956 = arith.constant 0 : i32
        %dma_wait3A_957 = tpu.memref_slice %arg6[%run_scoped3A_770, %dma_wait3A_955, %dma_wait3A_956] : memref<6x2x128xi32, #tpu.memory_space<vmem>> -> memref<1x2x128xi32, #tpu.memory_space<vmem>>
        %dma_wait3A_958 = tpu.memref_squeeze %dma_wait3A_957 : memref<1x2x128xi32, #tpu.memory_space<vmem>> -> memref<2x128xi32, #tpu.memory_space<vmem>>
        %dma_wait3A_959 = arith.constant 0 : i32
        %dma_wait3A_960 = arith.constant 0 : i32
        %dma_wait3A_961 = tpu.memref_slice %arg3[%add3A_769, %dma_wait3A_959, %dma_wait3A_960] : memref<1280x2x128xi32, #tpu.memory_space<hbm>> -> memref<1x2x128xi32, #tpu.memory_space<hbm>>
        %dma_wait3A_962 = tpu.memref_squeeze %dma_wait3A_961 : memref<1x2x128xi32, #tpu.memory_space<hbm>> -> memref<2x128xi32, #tpu.memory_space<hbm>>
        tpu.wait_dma2 semaphore(%run_scoped3A_930 : memref<!tpu.dma_semaphore, #tpu.memory_space<semaphore_mem>>) src(%dma_wait3A_962 : memref<2x128xi32, #tpu.memory_space<hbm>>) dst(%dma_wait3A_958 : memref<2x128xi32, #tpu.memory_space<vmem>>)
        tpu.yield
      }) : () -> ()
      %dma_start3A_771 = arith.constant 3 : i32
      %dma_start3A_772 = arith.constant 0 : i32
      %dma_start3A_773 = arith.constant 3 : i32
      %dma_start3A_774 = arith.constant 0 : i32
      %dma_start3A_775 = arith.constant 0 : i32
      %dma_start3A_776 = tpu.memref_slice %arg7[%dma_start3A_773, %dma_start3A_774, %dma_start3A_775] : memref<6x128x64xf32, #tpu.memory_space<vmem>> -> memref<1x128x64xf32, #tpu.memory_space<vmem>>
      %dma_start3A_777 = tpu.memref_squeeze %dma_start3A_776 : memref<1x128x64xf32, #tpu.memory_space<vmem>> -> memref<128x64xf32, #tpu.memory_space<vmem>>
      %dma_start3A_778 = arith.constant 0 : i32
      %dma_start3A_779 = tpu.memref_slice %arg6[%dma_start3A_771, %dma_start3A_772, %dma_start3A_778] : memref<6x2x128xi32, #tpu.memory_space<vmem>> -> memref<1x1x128xi32, #tpu.memory_space<vmem>>
      %dma_start3A_780 = tpu.memref_squeeze %dma_start3A_779 : memref<1x1x128xi32, #tpu.memory_space<vmem>> -> memref<128xi32, #tpu.memory_space<vmem>>
      %dma_start3A_781 = arith.constant 0 : i32
      %dma_start3A_782 = arith.constant 0 : i32
      %dma_start3A_783 = tpu.memref_slice %arg2[%dma_start3A_781, %dma_start3A_782] : memref<10112x64xf32, #tpu.memory_space<hbm>> -> memref<10112x64xf32, #tpu.memory_space<hbm>>
      tpu.enqueue_indirect_dma source(%dma_start3A_783 : memref<10112x64xf32, #tpu.memory_space<hbm>>) target(%dma_start3A_777 : memref<128x64xf32, #tpu.memory_space<vmem>>) offsets(%dma_start3A_780 : memref<128xi32, #tpu.memory_space<vmem>>) semaphore(%arg12 : memref<!tpu.dma_semaphore, #tpu.memory_space<semaphore_mem>>)
      %dma_wait3A_784 = arith.constant 5 : i32
      %dma_wait3A_785 = arith.constant 0 : i32
      %dma_wait3A_786 = arith.constant 5 : i32
      %dma_wait3A_787 = arith.constant 0 : i32
      %dma_wait3A_788 = arith.constant 0 : i32
      %dma_wait3A_789 = tpu.memref_slice %arg7[%dma_wait3A_786, %dma_wait3A_787, %dma_wait3A_788] : memref<6x128x64xf32, #tpu.memory_space<vmem>> -> memref<1x128x64xf32, #tpu.memory_space<vmem>>
      %dma_wait3A_790 = tpu.memref_squeeze %dma_wait3A_789 : memref<1x128x64xf32, #tpu.memory_space<vmem>> -> memref<128x64xf32, #tpu.memory_space<vmem>>
      %dma_wait3A_791 = arith.constant 0 : i32
      %dma_wait3A_792 = tpu.memref_slice %arg6[%dma_wait3A_784, %dma_wait3A_785, %dma_wait3A_791] : memref<6x2x128xi32, #tpu.memory_space<vmem>> -> memref<1x1x128xi32, #tpu.memory_space<vmem>>
      %dma_wait3A_793 = tpu.memref_squeeze %dma_wait3A_792 : memref<1x1x128xi32, #tpu.memory_space<vmem>> -> memref<128xi32, #tpu.memory_space<vmem>>
      %dma_wait3A_794 = arith.constant 0 : i32
      %dma_wait3A_795 = arith.constant 0 : i32
      %dma_wait3A_796 = tpu.memref_slice %arg2[%dma_wait3A_794, %dma_wait3A_795] : memref<10112x64xf32, #tpu.memory_space<hbm>> -> memref<10112x64xf32, #tpu.memory_space<hbm>>
      tpu.wait_indirect_dma semaphore(%arg14 : memref<!tpu.dma_semaphore, #tpu.memory_space<semaphore_mem>>) src(%dma_wait3A_796 : memref<10112x64xf32, #tpu.memory_space<hbm>>) dst(%dma_wait3A_790 : memref<128x64xf32, #tpu.memory_space<vmem>>)
      %dma_start3A_797 = arith.constant 5 : i32
      %dma_start3A_798 = arith.constant 5 : i32
      %dma_start3A_799 = arith.constant 1 : i32
      %dma_start3A_800 = arith.constant 0 : i32
      %dma_start3A_801 = arith.constant 0 : i32
      %dma_start3A_802 = tpu.memref_slice %arg7[%dma_start3A_797, %dma_start3A_800, %dma_start3A_801] : memref<6x128x64xf32, #tpu.memory_space<vmem>> -> memref<1x128x64xf32, #tpu.memory_space<vmem>>
      %dma_start3A_803 = tpu.memref_squeeze %dma_start3A_802 : memref<1x128x64xf32, #tpu.memory_space<vmem>> -> memref<128x64xf32, #tpu.memory_space<vmem>>
      %dma_start3A_804 = arith.constant 0 : i32
      %dma_start3A_805 = tpu.memref_slice %arg6[%dma_start3A_798, %dma_start3A_799, %dma_start3A_804] : memref<6x2x128xi32, #tpu.memory_space<vmem>> -> memref<1x1x128xi32, #tpu.memory_space<vmem>>
      %dma_start3A_806 = tpu.memref_squeeze %dma_start3A_805 : memref<1x1x128xi32, #tpu.memory_space<vmem>> -> memref<128xi32, #tpu.memory_space<vmem>>
      %dma_start3A_807 = arith.constant 0 : i32
      %dma_start3A_808 = arith.constant 0 : i32
      %dma_start3A_809 = tpu.memref_slice %arg8[%dma_start3A_807, %dma_start3A_808] : memref<10112x64xf32, #tpu.memory_space<vmem_shared>> -> memref<10112x64xf32, #tpu.memory_space<vmem_shared>>
      tpu.enqueue_indirect_dma source(%dma_start3A_803 : memref<128x64xf32, #tpu.memory_space<vmem>>) target(%dma_start3A_809 : memref<10112x64xf32, #tpu.memory_space<vmem_shared>>) offsets(%dma_start3A_806 : memref<128xi32, #tpu.memory_space<vmem>>) semaphore(%arg20 : memref<!tpu.dma_semaphore, #tpu.memory_space<semaphore_mem>>) {add = true}
      %dma_wait3A_810 = arith.constant 4 : i32
      %dma_wait3A_811 = arith.constant 4 : i32
      %dma_wait3A_812 = arith.constant 1 : i32
      %dma_wait3A_813 = arith.constant 0 : i32
      %dma_wait3A_814 = arith.constant 0 : i32
      %dma_wait3A_815 = tpu.memref_slice %arg7[%dma_wait3A_810, %dma_wait3A_813, %dma_wait3A_814] : memref<6x128x64xf32, #tpu.memory_space<vmem>> -> memref<1x128x64xf32, #tpu.memory_space<vmem>>
      %dma_wait3A_816 = tpu.memref_squeeze %dma_wait3A_815 : memref<1x128x64xf32, #tpu.memory_space<vmem>> -> memref<128x64xf32, #tpu.memory_space<vmem>>
      %dma_wait3A_817 = arith.constant 0 : i32
      %dma_wait3A_818 = tpu.memref_slice %arg6[%dma_wait3A_811, %dma_wait3A_812, %dma_wait3A_817] : memref<6x2x128xi32, #tpu.memory_space<vmem>> -> memref<1x1x128xi32, #tpu.memory_space<vmem>>
      %dma_wait3A_819 = tpu.memref_squeeze %dma_wait3A_818 : memref<1x1x128xi32, #tpu.memory_space<vmem>> -> memref<128xi32, #tpu.memory_space<vmem>>
      %dma_wait3A_820 = arith.constant 0 : i32
      %dma_wait3A_821 = arith.constant 0 : i32
      %dma_wait3A_822 = tpu.memref_slice %arg8[%dma_wait3A_820, %dma_wait3A_821] : memref<10112x64xf32, #tpu.memory_space<vmem_shared>> -> memref<10112x64xf32, #tpu.memory_space<vmem_shared>>
      tpu.wait_indirect_dma semaphore(%arg19 : memref<!tpu.dma_semaphore, #tpu.memory_space<semaphore_mem>>) src(%dma_wait3A_816 : memref<128x64xf32, #tpu.memory_space<vmem>>) dst(%dma_wait3A_822 : memref<10112x64xf32, #tpu.memory_space<vmem_shared>>)
      %add3A_823 = arith.constant 4 : i32
      %add3A_824 = arith.addi %add3A_570, %add3A_823 : i32
      %add3A_825 = arith.constant 6 : i32
      %add3A_826 = arith.addi %add3A_824, %add3A_825 : i32
      %sub3A_827 = arith.constant 2 : i32
      %sub3A_828 = arith.subi %add3A_826, %sub3A_827 : i32
      %add3A_829 = arith.addi %mul3A_2, %sub3A_828 : i32
      %run_scoped3A_830 = arith.constant 4 : i32
      "tpu.region"() ({
        %run_scoped3A_930 = tpu.sem_alloc : memref<!tpu.dma_semaphore, #tpu.memory_space<semaphore_mem>>
        %dma_start3A_931 = arith.constant 0 : i32
        %dma_start3A_932 = arith.constant 0 : i32
        %dma_start3A_933 = tpu.memref_slice %arg6[%run_scoped3A_830, %dma_start3A_931, %dma_start3A_932] : memref<6x2x128xi32, #tpu.memory_space<vmem>> -> memref<1x2x128xi32, #tpu.memory_space<vmem>>
        %dma_start3A_934 = tpu.memref_squeeze %dma_start3A_933 : memref<1x2x128xi32, #tpu.memory_space<vmem>> -> memref<2x128xi32, #tpu.memory_space<vmem>>
        %dma_start3A_935 = arith.constant 0 : i32
        %dma_start3A_936 = arith.constant 0 : i32
        %dma_start3A_937 = tpu.memref_slice %arg3[%add3A_829, %dma_start3A_935, %dma_start3A_936] : memref<1280x2x128xi32, #tpu.memory_space<hbm>> -> memref<1x2x128xi32, #tpu.memory_space<hbm>>
        %dma_start3A_938 = tpu.memref_squeeze %dma_start3A_937 : memref<1x2x128xi32, #tpu.memory_space<hbm>> -> memref<2x128xi32, #tpu.memory_space<hbm>>
        %dma_start3A_939 = arith.constant 0 : i32
        %dma_start3A_940 = arith.constant 0 : i32
        %dma_start3A_941 = tpu.memref_slice %arg6[%run_scoped3A_830, %dma_start3A_939, %dma_start3A_940] : memref<6x2x128xi32, #tpu.memory_space<vmem>> -> memref<1x2x128xi32, #tpu.memory_space<vmem>>
        %dma_start3A_942 = tpu.memref_squeeze %dma_start3A_941 : memref<1x2x128xi32, #tpu.memory_space<vmem>> -> memref<2x128xi32, #tpu.memory_space<vmem>>
        %dma_start3A_943 = arith.constant 0 : i32
        %dma_start3A_944 = arith.constant 0 : i32
        %dma_start3A_945 = tpu.memref_slice %arg3[%add3A_829, %dma_start3A_943, %dma_start3A_944] : memref<1280x2x128xi32, #tpu.memory_space<hbm>> -> memref<1x2x128xi32, #tpu.memory_space<hbm>>
        %dma_start3A_946 = tpu.memref_squeeze %dma_start3A_945 : memref<1x2x128xi32, #tpu.memory_space<hbm>> -> memref<2x128xi32, #tpu.memory_space<hbm>>
        tpu.enqueue_dma source(%dma_start3A_946 : memref<2x128xi32, #tpu.memory_space<hbm>>) target(%dma_start3A_942 : memref<2x128xi32, #tpu.memory_space<vmem>>) target_semaphore(%run_scoped3A_930 : memref<!tpu.dma_semaphore, #tpu.memory_space<semaphore_mem>>)
        %dma_wait3A_947 = arith.constant 0 : i32
        %dma_wait3A_948 = arith.constant 0 : i32
        %dma_wait3A_949 = tpu.memref_slice %arg6[%run_scoped3A_830, %dma_wait3A_947, %dma_wait3A_948] : memref<6x2x128xi32, #tpu.memory_space<vmem>> -> memref<1x2x128xi32, #tpu.memory_space<vmem>>
        %dma_wait3A_950 = tpu.memref_squeeze %dma_wait3A_949 : memref<1x2x128xi32, #tpu.memory_space<vmem>> -> memref<2x128xi32, #tpu.memory_space<vmem>>
        %dma_wait3A_951 = arith.constant 0 : i32
        %dma_wait3A_952 = arith.constant 0 : i32
        %dma_wait3A_953 = tpu.memref_slice %arg3[%add3A_829, %dma_wait3A_951, %dma_wait3A_952] : memref<1280x2x128xi32, #tpu.memory_space<hbm>> -> memref<1x2x128xi32, #tpu.memory_space<hbm>>
        %dma_wait3A_954 = tpu.memref_squeeze %dma_wait3A_953 : memref<1x2x128xi32, #tpu.memory_space<hbm>> -> memref<2x128xi32, #tpu.memory_space<hbm>>
        %dma_wait3A_955 = arith.constant 0 : i32
        %dma_wait3A_956 = arith.constant 0 : i32
        %dma_wait3A_957 = tpu.memref_slice %arg6[%run_scoped3A_830, %dma_wait3A_955, %dma_wait3A_956] : memref<6x2x128xi32, #tpu.memory_space<vmem>> -> memref<1x2x128xi32, #tpu.memory_space<vmem>>
        %dma_wait3A_958 = tpu.memref_squeeze %dma_wait3A_957 : memref<1x2x128xi32, #tpu.memory_space<vmem>> -> memref<2x128xi32, #tpu.memory_space<vmem>>
        %dma_wait3A_959 = arith.constant 0 : i32
        %dma_wait3A_960 = arith.constant 0 : i32
        %dma_wait3A_961 = tpu.memref_slice %arg3[%add3A_829, %dma_wait3A_959, %dma_wait3A_960] : memref<1280x2x128xi32, #tpu.memory_space<hbm>> -> memref<1x2x128xi32, #tpu.memory_space<hbm>>
        %dma_wait3A_962 = tpu.memref_squeeze %dma_wait3A_961 : memref<1x2x128xi32, #tpu.memory_space<hbm>> -> memref<2x128xi32, #tpu.memory_space<hbm>>
        tpu.wait_dma2 semaphore(%run_scoped3A_930 : memref<!tpu.dma_semaphore, #tpu.memory_space<semaphore_mem>>) src(%dma_wait3A_962 : memref<2x128xi32, #tpu.memory_space<hbm>>) dst(%dma_wait3A_958 : memref<2x128xi32, #tpu.memory_space<vmem>>)
        tpu.yield
      }) : () -> ()
      %dma_start3A_831 = arith.constant 4 : i32
      %dma_start3A_832 = arith.constant 0 : i32
      %dma_start3A_833 = arith.constant 4 : i32
      %dma_start3A_834 = arith.constant 0 : i32
      %dma_start3A_835 = arith.constant 0 : i32
      %dma_start3A_836 = tpu.memref_slice %arg7[%dma_start3A_833, %dma_start3A_834, %dma_start3A_835] : memref<6x128x64xf32, #tpu.memory_space<vmem>> -> memref<1x128x64xf32, #tpu.memory_space<vmem>>
      %dma_start3A_837 = tpu.memref_squeeze %dma_start3A_836 : memref<1x128x64xf32, #tpu.memory_space<vmem>> -> memref<128x64xf32, #tpu.memory_space<vmem>>
      %dma_start3A_838 = arith.constant 0 : i32
      %dma_start3A_839 = tpu.memref_slice %arg6[%dma_start3A_831, %dma_start3A_832, %dma_start3A_838] : memref<6x2x128xi32, #tpu.memory_space<vmem>> -> memref<1x1x128xi32, #tpu.memory_space<vmem>>
      %dma_start3A_840 = tpu.memref_squeeze %dma_start3A_839 : memref<1x1x128xi32, #tpu.memory_space<vmem>> -> memref<128xi32, #tpu.memory_space<vmem>>
      %dma_start3A_841 = arith.constant 0 : i32
      %dma_start3A_842 = arith.constant 0 : i32
      %dma_start3A_843 = tpu.memref_slice %arg2[%dma_start3A_841, %dma_start3A_842] : memref<10112x64xf32, #tpu.memory_space<hbm>> -> memref<10112x64xf32, #tpu.memory_space<hbm>>
      tpu.enqueue_indirect_dma source(%dma_start3A_843 : memref<10112x64xf32, #tpu.memory_space<hbm>>) target(%dma_start3A_837 : memref<128x64xf32, #tpu.memory_space<vmem>>) offsets(%dma_start3A_840 : memref<128xi32, #tpu.memory_space<vmem>>) semaphore(%arg13 : memref<!tpu.dma_semaphore, #tpu.memory_space<semaphore_mem>>)
      %dma_wait3A_844 = arith.constant 0 : i32
      %dma_wait3A_845 = arith.constant 0 : i32
      %dma_wait3A_846 = arith.constant 0 : i32
      %dma_wait3A_847 = arith.constant 0 : i32
      %dma_wait3A_848 = arith.constant 0 : i32
      %dma_wait3A_849 = tpu.memref_slice %arg7[%dma_wait3A_846, %dma_wait3A_847, %dma_wait3A_848] : memref<6x128x64xf32, #tpu.memory_space<vmem>> -> memref<1x128x64xf32, #tpu.memory_space<vmem>>
      %dma_wait3A_850 = tpu.memref_squeeze %dma_wait3A_849 : memref<1x128x64xf32, #tpu.memory_space<vmem>> -> memref<128x64xf32, #tpu.memory_space<vmem>>
      %dma_wait3A_851 = arith.constant 0 : i32
      %dma_wait3A_852 = tpu.memref_slice %arg6[%dma_wait3A_844, %dma_wait3A_845, %dma_wait3A_851] : memref<6x2x128xi32, #tpu.memory_space<vmem>> -> memref<1x1x128xi32, #tpu.memory_space<vmem>>
      %dma_wait3A_853 = tpu.memref_squeeze %dma_wait3A_852 : memref<1x1x128xi32, #tpu.memory_space<vmem>> -> memref<128xi32, #tpu.memory_space<vmem>>
      %dma_wait3A_854 = arith.constant 0 : i32
      %dma_wait3A_855 = arith.constant 0 : i32
      %dma_wait3A_856 = tpu.memref_slice %arg2[%dma_wait3A_854, %dma_wait3A_855] : memref<10112x64xf32, #tpu.memory_space<hbm>> -> memref<10112x64xf32, #tpu.memory_space<hbm>>
      tpu.wait_indirect_dma semaphore(%arg9 : memref<!tpu.dma_semaphore, #tpu.memory_space<semaphore_mem>>) src(%dma_wait3A_856 : memref<10112x64xf32, #tpu.memory_space<hbm>>) dst(%dma_wait3A_850 : memref<128x64xf32, #tpu.memory_space<vmem>>)
      %dma_start3A_857 = arith.constant 0 : i32
      %dma_start3A_858 = arith.constant 0 : i32
      %dma_start3A_859 = arith.constant 1 : i32
      %dma_start3A_860 = arith.constant 0 : i32
      %dma_start3A_861 = arith.constant 0 : i32
      %dma_start3A_862 = tpu.memref_slice %arg7[%dma_start3A_857, %dma_start3A_860, %dma_start3A_861] : memref<6x128x64xf32, #tpu.memory_space<vmem>> -> memref<1x128x64xf32, #tpu.memory_space<vmem>>
      %dma_start3A_863 = tpu.memref_squeeze %dma_start3A_862 : memref<1x128x64xf32, #tpu.memory_space<vmem>> -> memref<128x64xf32, #tpu.memory_space<vmem>>
      %dma_start3A_864 = arith.constant 0 : i32
      %dma_start3A_865 = tpu.memref_slice %arg6[%dma_start3A_858, %dma_start3A_859, %dma_start3A_864] : memref<6x2x128xi32, #tpu.memory_space<vmem>> -> memref<1x1x128xi32, #tpu.memory_space<vmem>>
      %dma_start3A_866 = tpu.memref_squeeze %dma_start3A_865 : memref<1x1x128xi32, #tpu.memory_space<vmem>> -> memref<128xi32, #tpu.memory_space<vmem>>
      %dma_start3A_867 = arith.constant 0 : i32
      %dma_start3A_868 = arith.constant 0 : i32
      %dma_start3A_869 = tpu.memref_slice %arg8[%dma_start3A_867, %dma_start3A_868] : memref<10112x64xf32, #tpu.memory_space<vmem_shared>> -> memref<10112x64xf32, #tpu.memory_space<vmem_shared>>
      tpu.enqueue_indirect_dma source(%dma_start3A_863 : memref<128x64xf32, #tpu.memory_space<vmem>>) target(%dma_start3A_869 : memref<10112x64xf32, #tpu.memory_space<vmem_shared>>) offsets(%dma_start3A_866 : memref<128xi32, #tpu.memory_space<vmem>>) semaphore(%arg15 : memref<!tpu.dma_semaphore, #tpu.memory_space<semaphore_mem>>) {add = true}
      %dma_wait3A_870 = arith.constant 5 : i32
      %dma_wait3A_871 = arith.constant 5 : i32
      %dma_wait3A_872 = arith.constant 1 : i32
      %dma_wait3A_873 = arith.constant 0 : i32
      %dma_wait3A_874 = arith.constant 0 : i32
      %dma_wait3A_875 = tpu.memref_slice %arg7[%dma_wait3A_870, %dma_wait3A_873, %dma_wait3A_874] : memref<6x128x64xf32, #tpu.memory_space<vmem>> -> memref<1x128x64xf32, #tpu.memory_space<vmem>>
      %dma_wait3A_876 = tpu.memref_squeeze %dma_wait3A_875 : memref<1x128x64xf32, #tpu.memory_space<vmem>> -> memref<128x64xf32, #tpu.memory_space<vmem>>
      %dma_wait3A_877 = arith.constant 0 : i32
      %dma_wait3A_878 = tpu.memref_slice %arg6[%dma_wait3A_871, %dma_wait3A_872, %dma_wait3A_877] : memref<6x2x128xi32, #tpu.memory_space<vmem>> -> memref<1x1x128xi32, #tpu.memory_space<vmem>>
      %dma_wait3A_879 = tpu.memref_squeeze %dma_wait3A_878 : memref<1x1x128xi32, #tpu.memory_space<vmem>> -> memref<128xi32, #tpu.memory_space<vmem>>
      %dma_wait3A_880 = arith.constant 0 : i32
      %dma_wait3A_881 = arith.constant 0 : i32
      %dma_wait3A_882 = tpu.memref_slice %arg8[%dma_wait3A_880, %dma_wait3A_881] : memref<10112x64xf32, #tpu.memory_space<vmem_shared>> -> memref<10112x64xf32, #tpu.memory_space<vmem_shared>>
      tpu.wait_indirect_dma semaphore(%arg20 : memref<!tpu.dma_semaphore, #tpu.memory_space<semaphore_mem>>) src(%dma_wait3A_876 : memref<128x64xf32, #tpu.memory_space<vmem>>) dst(%dma_wait3A_882 : memref<10112x64xf32, #tpu.memory_space<vmem_shared>>)
      %add3A_883 = arith.constant 5 : i32
      %add3A_884 = arith.addi %add3A_570, %add3A_883 : i32
      %add3A_885 = arith.constant 6 : i32
      %add3A_886 = arith.addi %add3A_884, %add3A_885 : i32
      %sub3A_887 = arith.constant 2 : i32
      %sub3A_888 = arith.subi %add3A_886, %sub3A_887 : i32
      %add3A_889 = arith.addi %mul3A_2, %sub3A_888 : i32
      %run_scoped3A_890 = arith.constant 5 : i32
      "tpu.region"() ({
        %run_scoped3A_930 = tpu.sem_alloc : memref<!tpu.dma_semaphore, #tpu.memory_space<semaphore_mem>>
        %dma_start3A_931 = arith.constant 0 : i32
        %dma_start3A_932 = arith.constant 0 : i32
        %dma_start3A_933 = tpu.memref_slice %arg6[%run_scoped3A_890, %dma_start3A_931, %dma_start3A_932] : memref<6x2x128xi32, #tpu.memory_space<vmem>> -> memref<1x2x128xi32, #tpu.memory_space<vmem>>
        %dma_start3A_934 = tpu.memref_squeeze %dma_start3A_933 : memref<1x2x128xi32, #tpu.memory_space<vmem>> -> memref<2x128xi32, #tpu.memory_space<vmem>>
        %dma_start3A_935 = arith.constant 0 : i32
        %dma_start3A_936 = arith.constant 0 : i32
        %dma_start3A_937 = tpu.memref_slice %arg3[%add3A_889, %dma_start3A_935, %dma_start3A_936] : memref<1280x2x128xi32, #tpu.memory_space<hbm>> -> memref<1x2x128xi32, #tpu.memory_space<hbm>>
        %dma_start3A_938 = tpu.memref_squeeze %dma_start3A_937 : memref<1x2x128xi32, #tpu.memory_space<hbm>> -> memref<2x128xi32, #tpu.memory_space<hbm>>
        %dma_start3A_939 = arith.constant 0 : i32
        %dma_start3A_940 = arith.constant 0 : i32
        %dma_start3A_941 = tpu.memref_slice %arg6[%run_scoped3A_890, %dma_start3A_939, %dma_start3A_940] : memref<6x2x128xi32, #tpu.memory_space<vmem>> -> memref<1x2x128xi32, #tpu.memory_space<vmem>>
        %dma_start3A_942 = tpu.memref_squeeze %dma_start3A_941 : memref<1x2x128xi32, #tpu.memory_space<vmem>> -> memref<2x128xi32, #tpu.memory_space<vmem>>
        %dma_start3A_943 = arith.constant 0 : i32
        %dma_start3A_944 = arith.constant 0 : i32
        %dma_start3A_945 = tpu.memref_slice %arg3[%add3A_889, %dma_start3A_943, %dma_start3A_944] : memref<1280x2x128xi32, #tpu.memory_space<hbm>> -> memref<1x2x128xi32, #tpu.memory_space<hbm>>
        %dma_start3A_946 = tpu.memref_squeeze %dma_start3A_945 : memref<1x2x128xi32, #tpu.memory_space<hbm>> -> memref<2x128xi32, #tpu.memory_space<hbm>>
        tpu.enqueue_dma source(%dma_start3A_946 : memref<2x128xi32, #tpu.memory_space<hbm>>) target(%dma_start3A_942 : memref<2x128xi32, #tpu.memory_space<vmem>>) target_semaphore(%run_scoped3A_930 : memref<!tpu.dma_semaphore, #tpu.memory_space<semaphore_mem>>)
        %dma_wait3A_947 = arith.constant 0 : i32
        %dma_wait3A_948 = arith.constant 0 : i32
        %dma_wait3A_949 = tpu.memref_slice %arg6[%run_scoped3A_890, %dma_wait3A_947, %dma_wait3A_948] : memref<6x2x128xi32, #tpu.memory_space<vmem>> -> memref<1x2x128xi32, #tpu.memory_space<vmem>>
        %dma_wait3A_950 = tpu.memref_squeeze %dma_wait3A_949 : memref<1x2x128xi32, #tpu.memory_space<vmem>> -> memref<2x128xi32, #tpu.memory_space<vmem>>
        %dma_wait3A_951 = arith.constant 0 : i32
        %dma_wait3A_952 = arith.constant 0 : i32
        %dma_wait3A_953 = tpu.memref_slice %arg3[%add3A_889, %dma_wait3A_951, %dma_wait3A_952] : memref<1280x2x128xi32, #tpu.memory_space<hbm>> -> memref<1x2x128xi32, #tpu.memory_space<hbm>>
        %dma_wait3A_954 = tpu.memref_squeeze %dma_wait3A_953 : memref<1x2x128xi32, #tpu.memory_space<hbm>> -> memref<2x128xi32, #tpu.memory_space<hbm>>
        %dma_wait3A_955 = arith.constant 0 : i32
        %dma_wait3A_956 = arith.constant 0 : i32
        %dma_wait3A_957 = tpu.memref_slice %arg6[%run_scoped3A_890, %dma_wait3A_955, %dma_wait3A_956] : memref<6x2x128xi32, #tpu.memory_space<vmem>> -> memref<1x2x128xi32, #tpu.memory_space<vmem>>
        %dma_wait3A_958 = tpu.memref_squeeze %dma_wait3A_957 : memref<1x2x128xi32, #tpu.memory_space<vmem>> -> memref<2x128xi32, #tpu.memory_space<vmem>>
        %dma_wait3A_959 = arith.constant 0 : i32
        %dma_wait3A_960 = arith.constant 0 : i32
        %dma_wait3A_961 = tpu.memref_slice %arg3[%add3A_889, %dma_wait3A_959, %dma_wait3A_960] : memref<1280x2x128xi32, #tpu.memory_space<hbm>> -> memref<1x2x128xi32, #tpu.memory_space<hbm>>
        %dma_wait3A_962 = tpu.memref_squeeze %dma_wait3A_961 : memref<1x2x128xi32, #tpu.memory_space<hbm>> -> memref<2x128xi32, #tpu.memory_space<hbm>>
        tpu.wait_dma2 semaphore(%run_scoped3A_930 : memref<!tpu.dma_semaphore, #tpu.memory_space<semaphore_mem>>) src(%dma_wait3A_962 : memref<2x128xi32, #tpu.memory_space<hbm>>) dst(%dma_wait3A_958 : memref<2x128xi32, #tpu.memory_space<vmem>>)
        tpu.yield
      }) : () -> ()
      %dma_start3A_891 = arith.constant 5 : i32
      %dma_start3A_892 = arith.constant 0 : i32
      %dma_start3A_893 = arith.constant 5 : i32
      %dma_start3A_894 = arith.constant 0 : i32
      %dma_start3A_895 = arith.constant 0 : i32
      %dma_start3A_896 = tpu.memref_slice %arg7[%dma_start3A_893, %dma_start3A_894, %dma_start3A_895] : memref<6x128x64xf32, #tpu.memory_space<vmem>> -> memref<1x128x64xf32, #tpu.memory_space<vmem>>
      %dma_start3A_897 = tpu.memref_squeeze %dma_start3A_896 : memref<1x128x64xf32, #tpu.memory_space<vmem>> -> memref<128x64xf32, #tpu.memory_space<vmem>>
      %dma_start3A_898 = arith.constant 0 : i32
      %dma_start3A_899 = tpu.memref_slice %arg6[%dma_start3A_891, %dma_start3A_892, %dma_start3A_898] : memref<6x2x128xi32, #tpu.memory_space<vmem>> -> memref<1x1x128xi32, #tpu.memory_space<vmem>>
      %dma_start3A_900 = tpu.memref_squeeze %dma_start3A_899 : memref<1x1x128xi32, #tpu.memory_space<vmem>> -> memref<128xi32, #tpu.memory_space<vmem>>
      %dma_start3A_901 = arith.constant 0 : i32
      %dma_start3A_902 = arith.constant 0 : i32
      %dma_start3A_903 = tpu.memref_slice %arg2[%dma_start3A_901, %dma_start3A_902] : memref<10112x64xf32, #tpu.memory_space<hbm>> -> memref<10112x64xf32, #tpu.memory_space<hbm>>
      tpu.enqueue_indirect_dma source(%dma_start3A_903 : memref<10112x64xf32, #tpu.memory_space<hbm>>) target(%dma_start3A_897 : memref<128x64xf32, #tpu.memory_space<vmem>>) offsets(%dma_start3A_900 : memref<128xi32, #tpu.memory_space<vmem>>) semaphore(%arg14 : memref<!tpu.dma_semaphore, #tpu.memory_space<semaphore_mem>>)
      %dma_wait3A_904 = arith.constant 1 : i32
      %dma_wait3A_905 = arith.constant 0 : i32
      %dma_wait3A_906 = arith.constant 1 : i32
      %dma_wait3A_907 = arith.constant 0 : i32
      %dma_wait3A_908 = arith.constant 0 : i32
      %dma_wait3A_909 = tpu.memref_slice %arg7[%dma_wait3A_906, %dma_wait3A_907, %dma_wait3A_908] : memref<6x128x64xf32, #tpu.memory_space<vmem>> -> memref<1x128x64xf32, #tpu.memory_space<vmem>>
      %dma_wait3A_910 = tpu.memref_squeeze %dma_wait3A_909 : memref<1x128x64xf32, #tpu.memory_space<vmem>> -> memref<128x64xf32, #tpu.memory_space<vmem>>
      %dma_wait3A_911 = arith.constant 0 : i32
      %dma_wait3A_912 = tpu.memref_slice %arg6[%dma_wait3A_904, %dma_wait3A_905, %dma_wait3A_911] : memref<6x2x128xi32, #tpu.memory_space<vmem>> -> memref<1x1x128xi32, #tpu.memory_space<vmem>>
      %dma_wait3A_913 = tpu.memref_squeeze %dma_wait3A_912 : memref<1x1x128xi32, #tpu.memory_space<vmem>> -> memref<128xi32, #tpu.memory_space<vmem>>
      %dma_wait3A_914 = arith.constant 0 : i32
      %dma_wait3A_915 = arith.constant 0 : i32
      %dma_wait3A_916 = tpu.memref_slice %arg2[%dma_wait3A_914, %dma_wait3A_915] : memref<10112x64xf32, #tpu.memory_space<hbm>> -> memref<10112x64xf32, #tpu.memory_space<hbm>>
      tpu.wait_indirect_dma semaphore(%arg10 : memref<!tpu.dma_semaphore, #tpu.memory_space<semaphore_mem>>) src(%dma_wait3A_916 : memref<10112x64xf32, #tpu.memory_space<hbm>>) dst(%dma_wait3A_910 : memref<128x64xf32, #tpu.memory_space<vmem>>)
      %dma_start3A_917 = arith.constant 1 : i32
      %dma_start3A_918 = arith.constant 1 : i32
      %dma_start3A_919 = arith.constant 1 : i32
      %dma_start3A_920 = arith.constant 0 : i32
      %dma_start3A_921 = arith.constant 0 : i32
      %dma_start3A_922 = tpu.memref_slice %arg7[%dma_start3A_917, %dma_start3A_920, %dma_start3A_921] : memref<6x128x64xf32, #tpu.memory_space<vmem>> -> memref<1x128x64xf32, #tpu.memory_space<vmem>>
      %dma_start3A_923 = tpu.memref_squeeze %dma_start3A_922 : memref<1x128x64xf32, #tpu.memory_space<vmem>> -> memref<128x64xf32, #tpu.memory_space<vmem>>
      %dma_start3A_924 = arith.constant 0 : i32
      %dma_start3A_925 = tpu.memref_slice %arg6[%dma_start3A_918, %dma_start3A_919, %dma_start3A_924] : memref<6x2x128xi32, #tpu.memory_space<vmem>> -> memref<1x1x128xi32, #tpu.memory_space<vmem>>
      %dma_start3A_926 = tpu.memref_squeeze %dma_start3A_925 : memref<1x1x128xi32, #tpu.memory_space<vmem>> -> memref<128xi32, #tpu.memory_space<vmem>>
      %dma_start3A_927 = arith.constant 0 : i32
      %dma_start3A_928 = arith.constant 0 : i32
      %dma_start3A_929 = tpu.memref_slice %arg8[%dma_start3A_927, %dma_start3A_928] : memref<10112x64xf32, #tpu.memory_space<vmem_shared>> -> memref<10112x64xf32, #tpu.memory_space<vmem_shared>>
      tpu.enqueue_indirect_dma source(%dma_start3A_923 : memref<128x64xf32, #tpu.memory_space<vmem>>) target(%dma_start3A_929 : memref<10112x64xf32, #tpu.memory_space<vmem_shared>>) offsets(%dma_start3A_926 : memref<128xi32, #tpu.memory_space<vmem>>) semaphore(%arg16 : memref<!tpu.dma_semaphore, #tpu.memory_space<semaphore_mem>>) {add = true}
    }
    %scan3A_158 = arith.constant 5 : i32
    %dma_wait3A_159 = arith.constant 0 : i32
    %dma_wait3A_160 = arith.constant 0 : i32
    %dma_wait3A_161 = arith.constant 1 : i32
    %dma_wait3A_162 = arith.constant 0 : i32
    %dma_wait3A_163 = arith.constant 0 : i32
    %dma_wait3A_164 = tpu.memref_slice %arg7[%dma_wait3A_159, %dma_wait3A_162, %dma_wait3A_163] : memref<6x128x64xf32, #tpu.memory_space<vmem>> -> memref<1x128x64xf32, #tpu.memory_space<vmem>>
    %dma_wait3A_165 = tpu.memref_squeeze %dma_wait3A_164 : memref<1x128x64xf32, #tpu.memory_space<vmem>> -> memref<128x64xf32, #tpu.memory_space<vmem>>
    %dma_wait3A_166 = arith.constant 0 : i32
    %dma_wait3A_167 = tpu.memref_slice %arg6[%dma_wait3A_160, %dma_wait3A_161, %dma_wait3A_166] : memref<6x2x128xi32, #tpu.memory_space<vmem>> -> memref<1x1x128xi32, #tpu.memory_space<vmem>>
    %dma_wait3A_168 = tpu.memref_squeeze %dma_wait3A_167 : memref<1x1x128xi32, #tpu.memory_space<vmem>> -> memref<128xi32, #tpu.memory_space<vmem>>
    %dma_wait3A_169 = arith.constant 0 : i32
    %dma_wait3A_170 = arith.constant 0 : i32
    %dma_wait3A_171 = tpu.memref_slice %arg8[%dma_wait3A_169, %dma_wait3A_170] : memref<10112x64xf32, #tpu.memory_space<vmem_shared>> -> memref<10112x64xf32, #tpu.memory_space<vmem_shared>>
    tpu.wait_indirect_dma semaphore(%arg15 : memref<!tpu.dma_semaphore, #tpu.memory_space<semaphore_mem>>) src(%dma_wait3A_165 : memref<128x64xf32, #tpu.memory_space<vmem>>) dst(%dma_wait3A_171 : memref<10112x64xf32, #tpu.memory_space<vmem_shared>>)
    %add3A_172 = arith.constant 36 : i32
    %add3A_173 = arith.addi %mul3A_2, %add3A_172 : i32
    %run_scoped3A_174 = arith.constant 0 : i32
    "tpu.region"() ({
      %run_scoped3A_566 = tpu.sem_alloc : memref<!tpu.dma_semaphore, #tpu.memory_space<semaphore_mem>>
      %dma_start3A_567 = arith.constant 0 : i32
      %dma_start3A_568 = arith.constant 0 : i32
      %dma_start3A_569 = tpu.memref_slice %arg6[%run_scoped3A_174, %dma_start3A_567, %dma_start3A_568] : memref<6x2x128xi32, #tpu.memory_space<vmem>> -> memref<1x2x128xi32, #tpu.memory_space<vmem>>
      %dma_start3A_570 = tpu.memref_squeeze %dma_start3A_569 : memref<1x2x128xi32, #tpu.memory_space<vmem>> -> memref<2x128xi32, #tpu.memory_space<vmem>>
      %dma_start3A_571 = arith.constant 0 : i32
      %dma_start3A_572 = arith.constant 0 : i32
      %dma_start3A_573 = tpu.memref_slice %arg3[%add3A_173, %dma_start3A_571, %dma_start3A_572] : memref<1280x2x128xi32, #tpu.memory_space<hbm>> -> memref<1x2x128xi32, #tpu.memory_space<hbm>>
      %dma_start3A_574 = tpu.memref_squeeze %dma_start3A_573 : memref<1x2x128xi32, #tpu.memory_space<hbm>> -> memref<2x128xi32, #tpu.memory_space<hbm>>
      %dma_start3A_575 = arith.constant 0 : i32
      %dma_start3A_576 = arith.constant 0 : i32
      %dma_start3A_577 = tpu.memref_slice %arg6[%run_scoped3A_174, %dma_start3A_575, %dma_start3A_576] : memref<6x2x128xi32, #tpu.memory_space<vmem>> -> memref<1x2x128xi32, #tpu.memory_space<vmem>>
      %dma_start3A_578 = tpu.memref_squeeze %dma_start3A_577 : memref<1x2x128xi32, #tpu.memory_space<vmem>> -> memref<2x128xi32, #tpu.memory_space<vmem>>
      %dma_start3A_579 = arith.constant 0 : i32
      %dma_start3A_580 = arith.constant 0 : i32
      %dma_start3A_581 = tpu.memref_slice %arg3[%add3A_173, %dma_start3A_579, %dma_start3A_580] : memref<1280x2x128xi32, #tpu.memory_space<hbm>> -> memref<1x2x128xi32, #tpu.memory_space<hbm>>
      %dma_start3A_582 = tpu.memref_squeeze %dma_start3A_581 : memref<1x2x128xi32, #tpu.memory_space<hbm>> -> memref<2x128xi32, #tpu.memory_space<hbm>>
      tpu.enqueue_dma source(%dma_start3A_582 : memref<2x128xi32, #tpu.memory_space<hbm>>) target(%dma_start3A_578 : memref<2x128xi32, #tpu.memory_space<vmem>>) target_semaphore(%run_scoped3A_566 : memref<!tpu.dma_semaphore, #tpu.memory_space<semaphore_mem>>)
      %dma_wait3A_583 = arith.constant 0 : i32
      %dma_wait3A_584 = arith.constant 0 : i32
      %dma_wait3A_585 = tpu.memref_slice %arg6[%run_scoped3A_174, %dma_wait3A_583, %dma_wait3A_584] : memref<6x2x128xi32, #tpu.memory_space<vmem>> -> memref<1x2x128xi32, #tpu.memory_space<vmem>>
      %dma_wait3A_586 = tpu.memref_squeeze %dma_wait3A_585 : memref<1x2x128xi32, #tpu.memory_space<vmem>> -> memref<2x128xi32, #tpu.memory_space<vmem>>
      %dma_wait3A_587 = arith.constant 0 : i32
      %dma_wait3A_588 = arith.constant 0 : i32
      %dma_wait3A_589 = tpu.memref_slice %arg3[%add3A_173, %dma_wait3A_587, %dma_wait3A_588] : memref<1280x2x128xi32, #tpu.memory_space<hbm>> -> memref<1x2x128xi32, #tpu.memory_space<hbm>>
      %dma_wait3A_590 = tpu.memref_squeeze %dma_wait3A_589 : memref<1x2x128xi32, #tpu.memory_space<hbm>> -> memref<2x128xi32, #tpu.memory_space<hbm>>
      %dma_wait3A_591 = arith.constant 0 : i32
      %dma_wait3A_592 = arith.constant 0 : i32
      %dma_wait3A_593 = tpu.memref_slice %arg6[%run_scoped3A_174, %dma_wait3A_591, %dma_wait3A_592] : memref<6x2x128xi32, #tpu.memory_space<vmem>> -> memref<1x2x128xi32, #tpu.memory_space<vmem>>
      %dma_wait3A_594 = tpu.memref_squeeze %dma_wait3A_593 : memref<1x2x128xi32, #tpu.memory_space<vmem>> -> memref<2x128xi32, #tpu.memory_space<vmem>>
      %dma_wait3A_595 = arith.constant 0 : i32
      %dma_wait3A_596 = arith.constant 0 : i32
      %dma_wait3A_597 = tpu.memref_slice %arg3[%add3A_173, %dma_wait3A_595, %dma_wait3A_596] : memref<1280x2x128xi32, #tpu.memory_space<hbm>> -> memref<1x2x128xi32, #tpu.memory_space<hbm>>
      %dma_wait3A_598 = tpu.memref_squeeze %dma_wait3A_597 : memref<1x2x128xi32, #tpu.memory_space<hbm>> -> memref<2x128xi32, #tpu.memory_space<hbm>>
      tpu.wait_dma2 semaphore(%run_scoped3A_566 : memref<!tpu.dma_semaphore, #tpu.memory_space<semaphore_mem>>) src(%dma_wait3A_598 : memref<2x128xi32, #tpu.memory_space<hbm>>) dst(%dma_wait3A_594 : memref<2x128xi32, #tpu.memory_space<vmem>>)
      tpu.yield
    }) : () -> ()
    %dma_start3A_175 = arith.constant 0 : i32
    %dma_start3A_176 = arith.constant 0 : i32
    %dma_start3A_177 = arith.constant 0 : i32
    %dma_start3A_178 = arith.constant 0 : i32
    %dma_start3A_179 = arith.constant 0 : i32
    %dma_start3A_180 = tpu.memref_slice %arg7[%dma_start3A_177, %dma_start3A_178, %dma_start3A_179] : memref<6x128x64xf32, #tpu.memory_space<vmem>> -> memref<1x128x64xf32, #tpu.memory_space<vmem>>
    %dma_start3A_181 = tpu.memref_squeeze %dma_start3A_180 : memref<1x128x64xf32, #tpu.memory_space<vmem>> -> memref<128x64xf32, #tpu.memory_space<vmem>>
    %dma_start3A_182 = arith.constant 0 : i32
    %dma_start3A_183 = tpu.memref_slice %arg6[%dma_start3A_175, %dma_start3A_176, %dma_start3A_182] : memref<6x2x128xi32, #tpu.memory_space<vmem>> -> memref<1x1x128xi32, #tpu.memory_space<vmem>>
    %dma_start3A_184 = tpu.memref_squeeze %dma_start3A_183 : memref<1x1x128xi32, #tpu.memory_space<vmem>> -> memref<128xi32, #tpu.memory_space<vmem>>
    %dma_start3A_185 = arith.constant 0 : i32
    %dma_start3A_186 = arith.constant 0 : i32
    %dma_start3A_187 = tpu.memref_slice %arg2[%dma_start3A_185, %dma_start3A_186] : memref<10112x64xf32, #tpu.memory_space<hbm>> -> memref<10112x64xf32, #tpu.memory_space<hbm>>
    tpu.enqueue_indirect_dma source(%dma_start3A_187 : memref<10112x64xf32, #tpu.memory_space<hbm>>) target(%dma_start3A_181 : memref<128x64xf32, #tpu.memory_space<vmem>>) offsets(%dma_start3A_184 : memref<128xi32, #tpu.memory_space<vmem>>) semaphore(%arg9 : memref<!tpu.dma_semaphore, #tpu.memory_space<semaphore_mem>>)
    %dma_wait3A_188 = arith.constant 2 : i32
    %dma_wait3A_189 = arith.constant 0 : i32
    %dma_wait3A_190 = arith.constant 2 : i32
    %dma_wait3A_191 = arith.constant 0 : i32
    %dma_wait3A_192 = arith.constant 0 : i32
    %dma_wait3A_193 = tpu.memref_slice %arg7[%dma_wait3A_190, %dma_wait3A_191, %dma_wait3A_192] : memref<6x128x64xf32, #tpu.memory_space<vmem>> -> memref<1x128x64xf32, #tpu.memory_space<vmem>>
    %dma_wait3A_194 = tpu.memref_squeeze %dma_wait3A_193 : memref<1x128x64xf32, #tpu.memory_space<vmem>> -> memref<128x64xf32, #tpu.memory_space<vmem>>
    %dma_wait3A_195 = arith.constant 0 : i32
    %dma_wait3A_196 = tpu.memref_slice %arg6[%dma_wait3A_188, %dma_wait3A_189, %dma_wait3A_195] : memref<6x2x128xi32, #tpu.memory_space<vmem>> -> memref<1x1x128xi32, #tpu.memory_space<vmem>>
    %dma_wait3A_197 = tpu.memref_squeeze %dma_wait3A_196 : memref<1x1x128xi32, #tpu.memory_space<vmem>> -> memref<128xi32, #tpu.memory_space<vmem>>
    %dma_wait3A_198 = arith.constant 0 : i32
    %dma_wait3A_199 = arith.constant 0 : i32
    %dma_wait3A_200 = tpu.memref_slice %arg2[%dma_wait3A_198, %dma_wait3A_199] : memref<10112x64xf32, #tpu.memory_space<hbm>> -> memref<10112x64xf32, #tpu.memory_space<hbm>>
    tpu.wait_indirect_dma semaphore(%arg11 : memref<!tpu.dma_semaphore, #tpu.memory_space<semaphore_mem>>) src(%dma_wait3A_200 : memref<10112x64xf32, #tpu.memory_space<hbm>>) dst(%dma_wait3A_194 : memref<128x64xf32, #tpu.memory_space<vmem>>)
    %dma_start3A_201 = arith.constant 2 : i32
    %dma_start3A_202 = arith.constant 2 : i32
    %dma_start3A_203 = arith.constant 1 : i32
    %dma_start3A_204 = arith.constant 0 : i32
    %dma_start3A_205 = arith.constant 0 : i32
    %dma_start3A_206 = tpu.memref_slice %arg7[%dma_start3A_201, %dma_start3A_204, %dma_start3A_205] : memref<6x128x64xf32, #tpu.memory_space<vmem>> -> memref<1x128x64xf32, #tpu.memory_space<vmem>>
    %dma_start3A_207 = tpu.memref_squeeze %dma_start3A_206 : memref<1x128x64xf32, #tpu.memory_space<vmem>> -> memref<128x64xf32, #tpu.memory_space<vmem>>
    %dma_start3A_208 = arith.constant 0 : i32
    %dma_start3A_209 = tpu.memref_slice %arg6[%dma_start3A_202, %dma_start3A_203, %dma_start3A_208] : memref<6x2x128xi32, #tpu.memory_space<vmem>> -> memref<1x1x128xi32, #tpu.memory_space<vmem>>
    %dma_start3A_210 = tpu.memref_squeeze %dma_start3A_209 : memref<1x1x128xi32, #tpu.memory_space<vmem>> -> memref<128xi32, #tpu.memory_space<vmem>>
    %dma_start3A_211 = arith.constant 0 : i32
    %dma_start3A_212 = arith.constant 0 : i32
    %dma_start3A_213 = tpu.memref_slice %arg8[%dma_start3A_211, %dma_start3A_212] : memref<10112x64xf32, #tpu.memory_space<vmem_shared>> -> memref<10112x64xf32, #tpu.memory_space<vmem_shared>>
    tpu.enqueue_indirect_dma source(%dma_start3A_207 : memref<128x64xf32, #tpu.memory_space<vmem>>) target(%dma_start3A_213 : memref<10112x64xf32, #tpu.memory_space<vmem_shared>>) offsets(%dma_start3A_210 : memref<128xi32, #tpu.memory_space<vmem>>) semaphore(%arg17 : memref<!tpu.dma_semaphore, #tpu.memory_space<semaphore_mem>>) {add = true}
    %dma_wait3A_214 = arith.constant 1 : i32
    %dma_wait3A_215 = arith.constant 1 : i32
    %dma_wait3A_216 = arith.constant 1 : i32
    %dma_wait3A_217 = arith.constant 0 : i32
    %dma_wait3A_218 = arith.constant 0 : i32
    %dma_wait3A_219 = tpu.memref_slice %arg7[%dma_wait3A_214, %dma_wait3A_217, %dma_wait3A_218] : memref<6x128x64xf32, #tpu.memory_space<vmem>> -> memref<1x128x64xf32, #tpu.memory_space<vmem>>
    %dma_wait3A_220 = tpu.memref_squeeze %dma_wait3A_219 : memref<1x128x64xf32, #tpu.memory_space<vmem>> -> memref<128x64xf32, #tpu.memory_space<vmem>>
    %dma_wait3A_221 = arith.constant 0 : i32
    %dma_wait3A_222 = tpu.memref_slice %arg6[%dma_wait3A_215, %dma_wait3A_216, %dma_wait3A_221] : memref<6x2x128xi32, #tpu.memory_space<vmem>> -> memref<1x1x128xi32, #tpu.memory_space<vmem>>
    %dma_wait3A_223 = tpu.memref_squeeze %dma_wait3A_222 : memref<1x1x128xi32, #tpu.memory_space<vmem>> -> memref<128xi32, #tpu.memory_space<vmem>>
    %dma_wait3A_224 = arith.constant 0 : i32
    %dma_wait3A_225 = arith.constant 0 : i32
    %dma_wait3A_226 = tpu.memref_slice %arg8[%dma_wait3A_224, %dma_wait3A_225] : memref<10112x64xf32, #tpu.memory_space<vmem_shared>> -> memref<10112x64xf32, #tpu.memory_space<vmem_shared>>
    tpu.wait_indirect_dma semaphore(%arg16 : memref<!tpu.dma_semaphore, #tpu.memory_space<semaphore_mem>>) src(%dma_wait3A_220 : memref<128x64xf32, #tpu.memory_space<vmem>>) dst(%dma_wait3A_226 : memref<10112x64xf32, #tpu.memory_space<vmem_shared>>)
    %add3A_227 = arith.constant 37 : i32
    %add3A_228 = arith.addi %mul3A_2, %add3A_227 : i32
    %run_scoped3A_229 = arith.constant 1 : i32
    "tpu.region"() ({
      %run_scoped3A_566 = tpu.sem_alloc : memref<!tpu.dma_semaphore, #tpu.memory_space<semaphore_mem>>
      %dma_start3A_567 = arith.constant 0 : i32
      %dma_start3A_568 = arith.constant 0 : i32
      %dma_start3A_569 = tpu.memref_slice %arg6[%run_scoped3A_229, %dma_start3A_567, %dma_start3A_568] : memref<6x2x128xi32, #tpu.memory_space<vmem>> -> memref<1x2x128xi32, #tpu.memory_space<vmem>>
      %dma_start3A_570 = tpu.memref_squeeze %dma_start3A_569 : memref<1x2x128xi32, #tpu.memory_space<vmem>> -> memref<2x128xi32, #tpu.memory_space<vmem>>
      %dma_start3A_571 = arith.constant 0 : i32
      %dma_start3A_572 = arith.constant 0 : i32
      %dma_start3A_573 = tpu.memref_slice %arg3[%add3A_228, %dma_start3A_571, %dma_start3A_572] : memref<1280x2x128xi32, #tpu.memory_space<hbm>> -> memref<1x2x128xi32, #tpu.memory_space<hbm>>
      %dma_start3A_574 = tpu.memref_squeeze %dma_start3A_573 : memref<1x2x128xi32, #tpu.memory_space<hbm>> -> memref<2x128xi32, #tpu.memory_space<hbm>>
      %dma_start3A_575 = arith.constant 0 : i32
      %dma_start3A_576 = arith.constant 0 : i32
      %dma_start3A_577 = tpu.memref_slice %arg6[%run_scoped3A_229, %dma_start3A_575, %dma_start3A_576] : memref<6x2x128xi32, #tpu.memory_space<vmem>> -> memref<1x2x128xi32, #tpu.memory_space<vmem>>
      %dma_start3A_578 = tpu.memref_squeeze %dma_start3A_577 : memref<1x2x128xi32, #tpu.memory_space<vmem>> -> memref<2x128xi32, #tpu.memory_space<vmem>>
      %dma_start3A_579 = arith.constant 0 : i32
      %dma_start3A_580 = arith.constant 0 : i32
      %dma_start3A_581 = tpu.memref_slice %arg3[%add3A_228, %dma_start3A_579, %dma_start3A_580] : memref<1280x2x128xi32, #tpu.memory_space<hbm>> -> memref<1x2x128xi32, #tpu.memory_space<hbm>>
      %dma_start3A_582 = tpu.memref_squeeze %dma_start3A_581 : memref<1x2x128xi32, #tpu.memory_space<hbm>> -> memref<2x128xi32, #tpu.memory_space<hbm>>
      tpu.enqueue_dma source(%dma_start3A_582 : memref<2x128xi32, #tpu.memory_space<hbm>>) target(%dma_start3A_578 : memref<2x128xi32, #tpu.memory_space<vmem>>) target_semaphore(%run_scoped3A_566 : memref<!tpu.dma_semaphore, #tpu.memory_space<semaphore_mem>>)
      %dma_wait3A_583 = arith.constant 0 : i32
      %dma_wait3A_584 = arith.constant 0 : i32
      %dma_wait3A_585 = tpu.memref_slice %arg6[%run_scoped3A_229, %dma_wait3A_583, %dma_wait3A_584] : memref<6x2x128xi32, #tpu.memory_space<vmem>> -> memref<1x2x128xi32, #tpu.memory_space<vmem>>
      %dma_wait3A_586 = tpu.memref_squeeze %dma_wait3A_585 : memref<1x2x128xi32, #tpu.memory_space<vmem>> -> memref<2x128xi32, #tpu.memory_space<vmem>>
      %dma_wait3A_587 = arith.constant 0 : i32
      %dma_wait3A_588 = arith.constant 0 : i32
      %dma_wait3A_589 = tpu.memref_slice %arg3[%add3A_228, %dma_wait3A_587, %dma_wait3A_588] : memref<1280x2x128xi32, #tpu.memory_space<hbm>> -> memref<1x2x128xi32, #tpu.memory_space<hbm>>
      %dma_wait3A_590 = tpu.memref_squeeze %dma_wait3A_589 : memref<1x2x128xi32, #tpu.memory_space<hbm>> -> memref<2x128xi32, #tpu.memory_space<hbm>>
      %dma_wait3A_591 = arith.constant 0 : i32
      %dma_wait3A_592 = arith.constant 0 : i32
      %dma_wait3A_593 = tpu.memref_slice %arg6[%run_scoped3A_229, %dma_wait3A_591, %dma_wait3A_592] : memref<6x2x128xi32, #tpu.memory_space<vmem>> -> memref<1x2x128xi32, #tpu.memory_space<vmem>>
      %dma_wait3A_594 = tpu.memref_squeeze %dma_wait3A_593 : memref<1x2x128xi32, #tpu.memory_space<vmem>> -> memref<2x128xi32, #tpu.memory_space<vmem>>
      %dma_wait3A_595 = arith.constant 0 : i32
      %dma_wait3A_596 = arith.constant 0 : i32
      %dma_wait3A_597 = tpu.memref_slice %arg3[%add3A_228, %dma_wait3A_595, %dma_wait3A_596] : memref<1280x2x128xi32, #tpu.memory_space<hbm>> -> memref<1x2x128xi32, #tpu.memory_space<hbm>>
      %dma_wait3A_598 = tpu.memref_squeeze %dma_wait3A_597 : memref<1x2x128xi32, #tpu.memory_space<hbm>> -> memref<2x128xi32, #tpu.memory_space<hbm>>
      tpu.wait_dma2 semaphore(%run_scoped3A_566 : memref<!tpu.dma_semaphore, #tpu.memory_space<semaphore_mem>>) src(%dma_wait3A_598 : memref<2x128xi32, #tpu.memory_space<hbm>>) dst(%dma_wait3A_594 : memref<2x128xi32, #tpu.memory_space<vmem>>)
      tpu.yield
    }) : () -> ()
    %dma_start3A_230 = arith.constant 1 : i32
    %dma_start3A_231 = arith.constant 0 : i32
    %dma_start3A_232 = arith.constant 1 : i32
    %dma_start3A_233 = arith.constant 0 : i32
    %dma_start3A_234 = arith.constant 0 : i32
    %dma_start3A_235 = tpu.memref_slice %arg7[%dma_start3A_232, %dma_start3A_233, %dma_start3A_234] : memref<6x128x64xf32, #tpu.memory_space<vmem>> -> memref<1x128x64xf32, #tpu.memory_space<vmem>>
    %dma_start3A_236 = tpu.memref_squeeze %dma_start3A_235 : memref<1x128x64xf32, #tpu.memory_space<vmem>> -> memref<128x64xf32, #tpu.memory_space<vmem>>
    %dma_start3A_237 = arith.constant 0 : i32
    %dma_start3A_238 = tpu.memref_slice %arg6[%dma_start3A_230, %dma_start3A_231, %dma_start3A_237] : memref<6x2x128xi32, #tpu.memory_space<vmem>> -> memref<1x1x128xi32, #tpu.memory_space<vmem>>
    %dma_start3A_239 = tpu.memref_squeeze %dma_start3A_238 : memref<1x1x128xi32, #tpu.memory_space<vmem>> -> memref<128xi32, #tpu.memory_space<vmem>>
    %dma_start3A_240 = arith.constant 0 : i32
    %dma_start3A_241 = arith.constant 0 : i32
    %dma_start3A_242 = tpu.memref_slice %arg2[%dma_start3A_240, %dma_start3A_241] : memref<10112x64xf32, #tpu.memory_space<hbm>> -> memref<10112x64xf32, #tpu.memory_space<hbm>>
    tpu.enqueue_indirect_dma source(%dma_start3A_242 : memref<10112x64xf32, #tpu.memory_space<hbm>>) target(%dma_start3A_236 : memref<128x64xf32, #tpu.memory_space<vmem>>) offsets(%dma_start3A_239 : memref<128xi32, #tpu.memory_space<vmem>>) semaphore(%arg10 : memref<!tpu.dma_semaphore, #tpu.memory_space<semaphore_mem>>)
    %dma_wait3A_243 = arith.constant 3 : i32
    %dma_wait3A_244 = arith.constant 0 : i32
    %dma_wait3A_245 = arith.constant 3 : i32
    %dma_wait3A_246 = arith.constant 0 : i32
    %dma_wait3A_247 = arith.constant 0 : i32
    %dma_wait3A_248 = tpu.memref_slice %arg7[%dma_wait3A_245, %dma_wait3A_246, %dma_wait3A_247] : memref<6x128x64xf32, #tpu.memory_space<vmem>> -> memref<1x128x64xf32, #tpu.memory_space<vmem>>
    %dma_wait3A_249 = tpu.memref_squeeze %dma_wait3A_248 : memref<1x128x64xf32, #tpu.memory_space<vmem>> -> memref<128x64xf32, #tpu.memory_space<vmem>>
    %dma_wait3A_250 = arith.constant 0 : i32
    %dma_wait3A_251 = tpu.memref_slice %arg6[%dma_wait3A_243, %dma_wait3A_244, %dma_wait3A_250] : memref<6x2x128xi32, #tpu.memory_space<vmem>> -> memref<1x1x128xi32, #tpu.memory_space<vmem>>
    %dma_wait3A_252 = tpu.memref_squeeze %dma_wait3A_251 : memref<1x1x128xi32, #tpu.memory_space<vmem>> -> memref<128xi32, #tpu.memory_space<vmem>>
    %dma_wait3A_253 = arith.constant 0 : i32
    %dma_wait3A_254 = arith.constant 0 : i32
    %dma_wait3A_255 = tpu.memref_slice %arg2[%dma_wait3A_253, %dma_wait3A_254] : memref<10112x64xf32, #tpu.memory_space<hbm>> -> memref<10112x64xf32, #tpu.memory_space<hbm>>
    tpu.wait_indirect_dma semaphore(%arg12 : memref<!tpu.dma_semaphore, #tpu.memory_space<semaphore_mem>>) src(%dma_wait3A_255 : memref<10112x64xf32, #tpu.memory_space<hbm>>) dst(%dma_wait3A_249 : memref<128x64xf32, #tpu.memory_space<vmem>>)
    %dma_start3A_256 = arith.constant 3 : i32
    %dma_start3A_257 = arith.constant 3 : i32
    %dma_start3A_258 = arith.constant 1 : i32
    %dma_start3A_259 = arith.constant 0 : i32
    %dma_start3A_260 = arith.constant 0 : i32
    %dma_start3A_261 = tpu.memref_slice %arg7[%dma_start3A_256, %dma_start3A_259, %dma_start3A_260] : memref<6x128x64xf32, #tpu.memory_space<vmem>> -> memref<1x128x64xf32, #tpu.memory_space<vmem>>
    %dma_start3A_262 = tpu.memref_squeeze %dma_start3A_261 : memref<1x128x64xf32, #tpu.memory_space<vmem>> -> memref<128x64xf32, #tpu.memory_space<vmem>>
    %dma_start3A_263 = arith.constant 0 : i32
    %dma_start3A_264 = tpu.memref_slice %arg6[%dma_start3A_257, %dma_start3A_258, %dma_start3A_263] : memref<6x2x128xi32, #tpu.memory_space<vmem>> -> memref<1x1x128xi32, #tpu.memory_space<vmem>>
    %dma_start3A_265 = tpu.memref_squeeze %dma_start3A_264 : memref<1x1x128xi32, #tpu.memory_space<vmem>> -> memref<128xi32, #tpu.memory_space<vmem>>
    %dma_start3A_266 = arith.constant 0 : i32
    %dma_start3A_267 = arith.constant 0 : i32
    %dma_start3A_268 = tpu.memref_slice %arg8[%dma_start3A_266, %dma_start3A_267] : memref<10112x64xf32, #tpu.memory_space<vmem_shared>> -> memref<10112x64xf32, #tpu.memory_space<vmem_shared>>
    tpu.enqueue_indirect_dma source(%dma_start3A_262 : memref<128x64xf32, #tpu.memory_space<vmem>>) target(%dma_start3A_268 : memref<10112x64xf32, #tpu.memory_space<vmem_shared>>) offsets(%dma_start3A_265 : memref<128xi32, #tpu.memory_space<vmem>>) semaphore(%arg18 : memref<!tpu.dma_semaphore, #tpu.memory_space<semaphore_mem>>) {add = true}
    %dma_wait3A_269 = arith.constant 2 : i32
    %dma_wait3A_270 = arith.constant 2 : i32
    %dma_wait3A_271 = arith.constant 1 : i32
    %dma_wait3A_272 = arith.constant 0 : i32
    %dma_wait3A_273 = arith.constant 0 : i32
    %dma_wait3A_274 = tpu.memref_slice %arg7[%dma_wait3A_269, %dma_wait3A_272, %dma_wait3A_273] : memref<6x128x64xf32, #tpu.memory_space<vmem>> -> memref<1x128x64xf32, #tpu.memory_space<vmem>>
    %dma_wait3A_275 = tpu.memref_squeeze %dma_wait3A_274 : memref<1x128x64xf32, #tpu.memory_space<vmem>> -> memref<128x64xf32, #tpu.memory_space<vmem>>
    %dma_wait3A_276 = arith.constant 0 : i32
    %dma_wait3A_277 = tpu.memref_slice %arg6[%dma_wait3A_270, %dma_wait3A_271, %dma_wait3A_276] : memref<6x2x128xi32, #tpu.memory_space<vmem>> -> memref<1x1x128xi32, #tpu.memory_space<vmem>>
    %dma_wait3A_278 = tpu.memref_squeeze %dma_wait3A_277 : memref<1x1x128xi32, #tpu.memory_space<vmem>> -> memref<128xi32, #tpu.memory_space<vmem>>
    %dma_wait3A_279 = arith.constant 0 : i32
    %dma_wait3A_280 = arith.constant 0 : i32
    %dma_wait3A_281 = tpu.memref_slice %arg8[%dma_wait3A_279, %dma_wait3A_280] : memref<10112x64xf32, #tpu.memory_space<vmem_shared>> -> memref<10112x64xf32, #tpu.memory_space<vmem_shared>>
    tpu.wait_indirect_dma semaphore(%arg17 : memref<!tpu.dma_semaphore, #tpu.memory_space<semaphore_mem>>) src(%dma_wait3A_275 : memref<128x64xf32, #tpu.memory_space<vmem>>) dst(%dma_wait3A_281 : memref<10112x64xf32, #tpu.memory_space<vmem_shared>>)
    %add3A_282 = arith.constant 38 : i32
    %add3A_283 = arith.addi %mul3A_2, %add3A_282 : i32
    %run_scoped3A_284 = arith.constant 2 : i32
    "tpu.region"() ({
      %run_scoped3A_566 = tpu.sem_alloc : memref<!tpu.dma_semaphore, #tpu.memory_space<semaphore_mem>>
      %dma_start3A_567 = arith.constant 0 : i32
      %dma_start3A_568 = arith.constant 0 : i32
      %dma_start3A_569 = tpu.memref_slice %arg6[%run_scoped3A_284, %dma_start3A_567, %dma_start3A_568] : memref<6x2x128xi32, #tpu.memory_space<vmem>> -> memref<1x2x128xi32, #tpu.memory_space<vmem>>
      %dma_start3A_570 = tpu.memref_squeeze %dma_start3A_569 : memref<1x2x128xi32, #tpu.memory_space<vmem>> -> memref<2x128xi32, #tpu.memory_space<vmem>>
      %dma_start3A_571 = arith.constant 0 : i32
      %dma_start3A_572 = arith.constant 0 : i32
      %dma_start3A_573 = tpu.memref_slice %arg3[%add3A_283, %dma_start3A_571, %dma_start3A_572] : memref<1280x2x128xi32, #tpu.memory_space<hbm>> -> memref<1x2x128xi32, #tpu.memory_space<hbm>>
      %dma_start3A_574 = tpu.memref_squeeze %dma_start3A_573 : memref<1x2x128xi32, #tpu.memory_space<hbm>> -> memref<2x128xi32, #tpu.memory_space<hbm>>
      %dma_start3A_575 = arith.constant 0 : i32
      %dma_start3A_576 = arith.constant 0 : i32
      %dma_start3A_577 = tpu.memref_slice %arg6[%run_scoped3A_284, %dma_start3A_575, %dma_start3A_576] : memref<6x2x128xi32, #tpu.memory_space<vmem>> -> memref<1x2x128xi32, #tpu.memory_space<vmem>>
      %dma_start3A_578 = tpu.memref_squeeze %dma_start3A_577 : memref<1x2x128xi32, #tpu.memory_space<vmem>> -> memref<2x128xi32, #tpu.memory_space<vmem>>
      %dma_start3A_579 = arith.constant 0 : i32
      %dma_start3A_580 = arith.constant 0 : i32
      %dma_start3A_581 = tpu.memref_slice %arg3[%add3A_283, %dma_start3A_579, %dma_start3A_580] : memref<1280x2x128xi32, #tpu.memory_space<hbm>> -> memref<1x2x128xi32, #tpu.memory_space<hbm>>
      %dma_start3A_582 = tpu.memref_squeeze %dma_start3A_581 : memref<1x2x128xi32, #tpu.memory_space<hbm>> -> memref<2x128xi32, #tpu.memory_space<hbm>>
      tpu.enqueue_dma source(%dma_start3A_582 : memref<2x128xi32, #tpu.memory_space<hbm>>) target(%dma_start3A_578 : memref<2x128xi32, #tpu.memory_space<vmem>>) target_semaphore(%run_scoped3A_566 : memref<!tpu.dma_semaphore, #tpu.memory_space<semaphore_mem>>)
      %dma_wait3A_583 = arith.constant 0 : i32
      %dma_wait3A_584 = arith.constant 0 : i32
      %dma_wait3A_585 = tpu.memref_slice %arg6[%run_scoped3A_284, %dma_wait3A_583, %dma_wait3A_584] : memref<6x2x128xi32, #tpu.memory_space<vmem>> -> memref<1x2x128xi32, #tpu.memory_space<vmem>>
      %dma_wait3A_586 = tpu.memref_squeeze %dma_wait3A_585 : memref<1x2x128xi32, #tpu.memory_space<vmem>> -> memref<2x128xi32, #tpu.memory_space<vmem>>
      %dma_wait3A_587 = arith.constant 0 : i32
      %dma_wait3A_588 = arith.constant 0 : i32
      %dma_wait3A_589 = tpu.memref_slice %arg3[%add3A_283, %dma_wait3A_587, %dma_wait3A_588] : memref<1280x2x128xi32, #tpu.memory_space<hbm>> -> memref<1x2x128xi32, #tpu.memory_space<hbm>>
      %dma_wait3A_590 = tpu.memref_squeeze %dma_wait3A_589 : memref<1x2x128xi32, #tpu.memory_space<hbm>> -> memref<2x128xi32, #tpu.memory_space<hbm>>
      %dma_wait3A_591 = arith.constant 0 : i32
      %dma_wait3A_592 = arith.constant 0 : i32
      %dma_wait3A_593 = tpu.memref_slice %arg6[%run_scoped3A_284, %dma_wait3A_591, %dma_wait3A_592] : memref<6x2x128xi32, #tpu.memory_space<vmem>> -> memref<1x2x128xi32, #tpu.memory_space<vmem>>
      %dma_wait3A_594 = tpu.memref_squeeze %dma_wait3A_593 : memref<1x2x128xi32, #tpu.memory_space<vmem>> -> memref<2x128xi32, #tpu.memory_space<vmem>>
      %dma_wait3A_595 = arith.constant 0 : i32
      %dma_wait3A_596 = arith.constant 0 : i32
      %dma_wait3A_597 = tpu.memref_slice %arg3[%add3A_283, %dma_wait3A_595, %dma_wait3A_596] : memref<1280x2x128xi32, #tpu.memory_space<hbm>> -> memref<1x2x128xi32, #tpu.memory_space<hbm>>
      %dma_wait3A_598 = tpu.memref_squeeze %dma_wait3A_597 : memref<1x2x128xi32, #tpu.memory_space<hbm>> -> memref<2x128xi32, #tpu.memory_space<hbm>>
      tpu.wait_dma2 semaphore(%run_scoped3A_566 : memref<!tpu.dma_semaphore, #tpu.memory_space<semaphore_mem>>) src(%dma_wait3A_598 : memref<2x128xi32, #tpu.memory_space<hbm>>) dst(%dma_wait3A_594 : memref<2x128xi32, #tpu.memory_space<vmem>>)
      tpu.yield
    }) : () -> ()
    %dma_start3A_285 = arith.constant 2 : i32
    %dma_start3A_286 = arith.constant 0 : i32
    %dma_start3A_287 = arith.constant 2 : i32
    %dma_start3A_288 = arith.constant 0 : i32
    %dma_start3A_289 = arith.constant 0 : i32
    %dma_start3A_290 = tpu.memref_slice %arg7[%dma_start3A_287, %dma_start3A_288, %dma_start3A_289] : memref<6x128x64xf32, #tpu.memory_space<vmem>> -> memref<1x128x64xf32, #tpu.memory_space<vmem>>
    %dma_start3A_291 = tpu.memref_squeeze %dma_start3A_290 : memref<1x128x64xf32, #tpu.memory_space<vmem>> -> memref<128x64xf32, #tpu.memory_space<vmem>>
    %dma_start3A_292 = arith.constant 0 : i32
    %dma_start3A_293 = tpu.memref_slice %arg6[%dma_start3A_285, %dma_start3A_286, %dma_start3A_292] : memref<6x2x128xi32, #tpu.memory_space<vmem>> -> memref<1x1x128xi32, #tpu.memory_space<vmem>>
    %dma_start3A_294 = tpu.memref_squeeze %dma_start3A_293 : memref<1x1x128xi32, #tpu.memory_space<vmem>> -> memref<128xi32, #tpu.memory_space<vmem>>
    %dma_start3A_295 = arith.constant 0 : i32
    %dma_start3A_296 = arith.constant 0 : i32
    %dma_start3A_297 = tpu.memref_slice %arg2[%dma_start3A_295, %dma_start3A_296] : memref<10112x64xf32, #tpu.memory_space<hbm>> -> memref<10112x64xf32, #tpu.memory_space<hbm>>
    tpu.enqueue_indirect_dma source(%dma_start3A_297 : memref<10112x64xf32, #tpu.memory_space<hbm>>) target(%dma_start3A_291 : memref<128x64xf32, #tpu.memory_space<vmem>>) offsets(%dma_start3A_294 : memref<128xi32, #tpu.memory_space<vmem>>) semaphore(%arg11 : memref<!tpu.dma_semaphore, #tpu.memory_space<semaphore_mem>>)
    %dma_wait3A_298 = arith.constant 4 : i32
    %dma_wait3A_299 = arith.constant 0 : i32
    %dma_wait3A_300 = arith.constant 4 : i32
    %dma_wait3A_301 = arith.constant 0 : i32
    %dma_wait3A_302 = arith.constant 0 : i32
    %dma_wait3A_303 = tpu.memref_slice %arg7[%dma_wait3A_300, %dma_wait3A_301, %dma_wait3A_302] : memref<6x128x64xf32, #tpu.memory_space<vmem>> -> memref<1x128x64xf32, #tpu.memory_space<vmem>>
    %dma_wait3A_304 = tpu.memref_squeeze %dma_wait3A_303 : memref<1x128x64xf32, #tpu.memory_space<vmem>> -> memref<128x64xf32, #tpu.memory_space<vmem>>
    %dma_wait3A_305 = arith.constant 0 : i32
    %dma_wait3A_306 = tpu.memref_slice %arg6[%dma_wait3A_298, %dma_wait3A_299, %dma_wait3A_305] : memref<6x2x128xi32, #tpu.memory_space<vmem>> -> memref<1x1x128xi32, #tpu.memory_space<vmem>>
    %dma_wait3A_307 = tpu.memref_squeeze %dma_wait3A_306 : memref<1x1x128xi32, #tpu.memory_space<vmem>> -> memref<128xi32, #tpu.memory_space<vmem>>
    %dma_wait3A_308 = arith.constant 0 : i32
    %dma_wait3A_309 = arith.constant 0 : i32
    %dma_wait3A_310 = tpu.memref_slice %arg2[%dma_wait3A_308, %dma_wait3A_309] : memref<10112x64xf32, #tpu.memory_space<hbm>> -> memref<10112x64xf32, #tpu.memory_space<hbm>>
    tpu.wait_indirect_dma semaphore(%arg13 : memref<!tpu.dma_semaphore, #tpu.memory_space<semaphore_mem>>) src(%dma_wait3A_310 : memref<10112x64xf32, #tpu.memory_space<hbm>>) dst(%dma_wait3A_304 : memref<128x64xf32, #tpu.memory_space<vmem>>)
    %dma_start3A_311 = arith.constant 4 : i32
    %dma_start3A_312 = arith.constant 4 : i32
    %dma_start3A_313 = arith.constant 1 : i32
    %dma_start3A_314 = arith.constant 0 : i32
    %dma_start3A_315 = arith.constant 0 : i32
    %dma_start3A_316 = tpu.memref_slice %arg7[%dma_start3A_311, %dma_start3A_314, %dma_start3A_315] : memref<6x128x64xf32, #tpu.memory_space<vmem>> -> memref<1x128x64xf32, #tpu.memory_space<vmem>>
    %dma_start3A_317 = tpu.memref_squeeze %dma_start3A_316 : memref<1x128x64xf32, #tpu.memory_space<vmem>> -> memref<128x64xf32, #tpu.memory_space<vmem>>
    %dma_start3A_318 = arith.constant 0 : i32
    %dma_start3A_319 = tpu.memref_slice %arg6[%dma_start3A_312, %dma_start3A_313, %dma_start3A_318] : memref<6x2x128xi32, #tpu.memory_space<vmem>> -> memref<1x1x128xi32, #tpu.memory_space<vmem>>
    %dma_start3A_320 = tpu.memref_squeeze %dma_start3A_319 : memref<1x1x128xi32, #tpu.memory_space<vmem>> -> memref<128xi32, #tpu.memory_space<vmem>>
    %dma_start3A_321 = arith.constant 0 : i32
    %dma_start3A_322 = arith.constant 0 : i32
    %dma_start3A_323 = tpu.memref_slice %arg8[%dma_start3A_321, %dma_start3A_322] : memref<10112x64xf32, #tpu.memory_space<vmem_shared>> -> memref<10112x64xf32, #tpu.memory_space<vmem_shared>>
    tpu.enqueue_indirect_dma source(%dma_start3A_317 : memref<128x64xf32, #tpu.memory_space<vmem>>) target(%dma_start3A_323 : memref<10112x64xf32, #tpu.memory_space<vmem_shared>>) offsets(%dma_start3A_320 : memref<128xi32, #tpu.memory_space<vmem>>) semaphore(%arg19 : memref<!tpu.dma_semaphore, #tpu.memory_space<semaphore_mem>>) {add = true}
    %dma_wait3A_324 = arith.constant 3 : i32
    %dma_wait3A_325 = arith.constant 3 : i32
    %dma_wait3A_326 = arith.constant 1 : i32
    %dma_wait3A_327 = arith.constant 0 : i32
    %dma_wait3A_328 = arith.constant 0 : i32
    %dma_wait3A_329 = tpu.memref_slice %arg7[%dma_wait3A_324, %dma_wait3A_327, %dma_wait3A_328] : memref<6x128x64xf32, #tpu.memory_space<vmem>> -> memref<1x128x64xf32, #tpu.memory_space<vmem>>
    %dma_wait3A_330 = tpu.memref_squeeze %dma_wait3A_329 : memref<1x128x64xf32, #tpu.memory_space<vmem>> -> memref<128x64xf32, #tpu.memory_space<vmem>>
    %dma_wait3A_331 = arith.constant 0 : i32
    %dma_wait3A_332 = tpu.memref_slice %arg6[%dma_wait3A_325, %dma_wait3A_326, %dma_wait3A_331] : memref<6x2x128xi32, #tpu.memory_space<vmem>> -> memref<1x1x128xi32, #tpu.memory_space<vmem>>
    %dma_wait3A_333 = tpu.memref_squeeze %dma_wait3A_332 : memref<1x1x128xi32, #tpu.memory_space<vmem>> -> memref<128xi32, #tpu.memory_space<vmem>>
    %dma_wait3A_334 = arith.constant 0 : i32
    %dma_wait3A_335 = arith.constant 0 : i32
    %dma_wait3A_336 = tpu.memref_slice %arg8[%dma_wait3A_334, %dma_wait3A_335] : memref<10112x64xf32, #tpu.memory_space<vmem_shared>> -> memref<10112x64xf32, #tpu.memory_space<vmem_shared>>
    tpu.wait_indirect_dma semaphore(%arg18 : memref<!tpu.dma_semaphore, #tpu.memory_space<semaphore_mem>>) src(%dma_wait3A_330 : memref<128x64xf32, #tpu.memory_space<vmem>>) dst(%dma_wait3A_336 : memref<10112x64xf32, #tpu.memory_space<vmem_shared>>)
    %add3A_337 = arith.constant 39 : i32
    %add3A_338 = arith.addi %mul3A_2, %add3A_337 : i32
    %run_scoped3A_339 = arith.constant 3 : i32
    "tpu.region"() ({
      %run_scoped3A_566 = tpu.sem_alloc : memref<!tpu.dma_semaphore, #tpu.memory_space<semaphore_mem>>
      %dma_start3A_567 = arith.constant 0 : i32
      %dma_start3A_568 = arith.constant 0 : i32
      %dma_start3A_569 = tpu.memref_slice %arg6[%run_scoped3A_339, %dma_start3A_567, %dma_start3A_568] : memref<6x2x128xi32, #tpu.memory_space<vmem>> -> memref<1x2x128xi32, #tpu.memory_space<vmem>>
      %dma_start3A_570 = tpu.memref_squeeze %dma_start3A_569 : memref<1x2x128xi32, #tpu.memory_space<vmem>> -> memref<2x128xi32, #tpu.memory_space<vmem>>
      %dma_start3A_571 = arith.constant 0 : i32
      %dma_start3A_572 = arith.constant 0 : i32
      %dma_start3A_573 = tpu.memref_slice %arg3[%add3A_338, %dma_start3A_571, %dma_start3A_572] : memref<1280x2x128xi32, #tpu.memory_space<hbm>> -> memref<1x2x128xi32, #tpu.memory_space<hbm>>
      %dma_start3A_574 = tpu.memref_squeeze %dma_start3A_573 : memref<1x2x128xi32, #tpu.memory_space<hbm>> -> memref<2x128xi32, #tpu.memory_space<hbm>>
      %dma_start3A_575 = arith.constant 0 : i32
      %dma_start3A_576 = arith.constant 0 : i32
      %dma_start3A_577 = tpu.memref_slice %arg6[%run_scoped3A_339, %dma_start3A_575, %dma_start3A_576] : memref<6x2x128xi32, #tpu.memory_space<vmem>> -> memref<1x2x128xi32, #tpu.memory_space<vmem>>
      %dma_start3A_578 = tpu.memref_squeeze %dma_start3A_577 : memref<1x2x128xi32, #tpu.memory_space<vmem>> -> memref<2x128xi32, #tpu.memory_space<vmem>>
      %dma_start3A_579 = arith.constant 0 : i32
      %dma_start3A_580 = arith.constant 0 : i32
      %dma_start3A_581 = tpu.memref_slice %arg3[%add3A_338, %dma_start3A_579, %dma_start3A_580] : memref<1280x2x128xi32, #tpu.memory_space<hbm>> -> memref<1x2x128xi32, #tpu.memory_space<hbm>>
      %dma_start3A_582 = tpu.memref_squeeze %dma_start3A_581 : memref<1x2x128xi32, #tpu.memory_space<hbm>> -> memref<2x128xi32, #tpu.memory_space<hbm>>
      tpu.enqueue_dma source(%dma_start3A_582 : memref<2x128xi32, #tpu.memory_space<hbm>>) target(%dma_start3A_578 : memref<2x128xi32, #tpu.memory_space<vmem>>) target_semaphore(%run_scoped3A_566 : memref<!tpu.dma_semaphore, #tpu.memory_space<semaphore_mem>>)
      %dma_wait3A_583 = arith.constant 0 : i32
      %dma_wait3A_584 = arith.constant 0 : i32
      %dma_wait3A_585 = tpu.memref_slice %arg6[%run_scoped3A_339, %dma_wait3A_583, %dma_wait3A_584] : memref<6x2x128xi32, #tpu.memory_space<vmem>> -> memref<1x2x128xi32, #tpu.memory_space<vmem>>
      %dma_wait3A_586 = tpu.memref_squeeze %dma_wait3A_585 : memref<1x2x128xi32, #tpu.memory_space<vmem>> -> memref<2x128xi32, #tpu.memory_space<vmem>>
      %dma_wait3A_587 = arith.constant 0 : i32
      %dma_wait3A_588 = arith.constant 0 : i32
      %dma_wait3A_589 = tpu.memref_slice %arg3[%add3A_338, %dma_wait3A_587, %dma_wait3A_588] : memref<1280x2x128xi32, #tpu.memory_space<hbm>> -> memref<1x2x128xi32, #tpu.memory_space<hbm>>
      %dma_wait3A_590 = tpu.memref_squeeze %dma_wait3A_589 : memref<1x2x128xi32, #tpu.memory_space<hbm>> -> memref<2x128xi32, #tpu.memory_space<hbm>>
      %dma_wait3A_591 = arith.constant 0 : i32
      %dma_wait3A_592 = arith.constant 0 : i32
      %dma_wait3A_593 = tpu.memref_slice %arg6[%run_scoped3A_339, %dma_wait3A_591, %dma_wait3A_592] : memref<6x2x128xi32, #tpu.memory_space<vmem>> -> memref<1x2x128xi32, #tpu.memory_space<vmem>>
      %dma_wait3A_594 = tpu.memref_squeeze %dma_wait3A_593 : memref<1x2x128xi32, #tpu.memory_space<vmem>> -> memref<2x128xi32, #tpu.memory_space<vmem>>
      %dma_wait3A_595 = arith.constant 0 : i32
      %dma_wait3A_596 = arith.constant 0 : i32
      %dma_wait3A_597 = tpu.memref_slice %arg3[%add3A_338, %dma_wait3A_595, %dma_wait3A_596] : memref<1280x2x128xi32, #tpu.memory_space<hbm>> -> memref<1x2x128xi32, #tpu.memory_space<hbm>>
      %dma_wait3A_598 = tpu.memref_squeeze %dma_wait3A_597 : memref<1x2x128xi32, #tpu.memory_space<hbm>> -> memref<2x128xi32, #tpu.memory_space<hbm>>
      tpu.wait_dma2 semaphore(%run_scoped3A_566 : memref<!tpu.dma_semaphore, #tpu.memory_space<semaphore_mem>>) src(%dma_wait3A_598 : memref<2x128xi32, #tpu.memory_space<hbm>>) dst(%dma_wait3A_594 : memref<2x128xi32, #tpu.memory_space<vmem>>)
      tpu.yield
    }) : () -> ()
    %dma_start3A_340 = arith.constant 3 : i32
    %dma_start3A_341 = arith.constant 0 : i32
    %dma_start3A_342 = arith.constant 3 : i32
    %dma_start3A_343 = arith.constant 0 : i32
    %dma_start3A_344 = arith.constant 0 : i32
    %dma_start3A_345 = tpu.memref_slice %arg7[%dma_start3A_342, %dma_start3A_343, %dma_start3A_344] : memref<6x128x64xf32, #tpu.memory_space<vmem>> -> memref<1x128x64xf32, #tpu.memory_space<vmem>>
    %dma_start3A_346 = tpu.memref_squeeze %dma_start3A_345 : memref<1x128x64xf32, #tpu.memory_space<vmem>> -> memref<128x64xf32, #tpu.memory_space<vmem>>
    %dma_start3A_347 = arith.constant 0 : i32
    %dma_start3A_348 = tpu.memref_slice %arg6[%dma_start3A_340, %dma_start3A_341, %dma_start3A_347] : memref<6x2x128xi32, #tpu.memory_space<vmem>> -> memref<1x1x128xi32, #tpu.memory_space<vmem>>
    %dma_start3A_349 = tpu.memref_squeeze %dma_start3A_348 : memref<1x1x128xi32, #tpu.memory_space<vmem>> -> memref<128xi32, #tpu.memory_space<vmem>>
    %dma_start3A_350 = arith.constant 0 : i32
    %dma_start3A_351 = arith.constant 0 : i32
    %dma_start3A_352 = tpu.memref_slice %arg2[%dma_start3A_350, %dma_start3A_351] : memref<10112x64xf32, #tpu.memory_space<hbm>> -> memref<10112x64xf32, #tpu.memory_space<hbm>>
    tpu.enqueue_indirect_dma source(%dma_start3A_352 : memref<10112x64xf32, #tpu.memory_space<hbm>>) target(%dma_start3A_346 : memref<128x64xf32, #tpu.memory_space<vmem>>) offsets(%dma_start3A_349 : memref<128xi32, #tpu.memory_space<vmem>>) semaphore(%arg12 : memref<!tpu.dma_semaphore, #tpu.memory_space<semaphore_mem>>)
    %dma_wait3A_353 = arith.constant 5 : i32
    %dma_wait3A_354 = arith.constant 0 : i32
    %dma_wait3A_355 = arith.constant 5 : i32
    %dma_wait3A_356 = arith.constant 0 : i32
    %dma_wait3A_357 = arith.constant 0 : i32
    %dma_wait3A_358 = tpu.memref_slice %arg7[%dma_wait3A_355, %dma_wait3A_356, %dma_wait3A_357] : memref<6x128x64xf32, #tpu.memory_space<vmem>> -> memref<1x128x64xf32, #tpu.memory_space<vmem>>
    %dma_wait3A_359 = tpu.memref_squeeze %dma_wait3A_358 : memref<1x128x64xf32, #tpu.memory_space<vmem>> -> memref<128x64xf32, #tpu.memory_space<vmem>>
    %dma_wait3A_360 = arith.constant 0 : i32
    %dma_wait3A_361 = tpu.memref_slice %arg6[%dma_wait3A_353, %dma_wait3A_354, %dma_wait3A_360] : memref<6x2x128xi32, #tpu.memory_space<vmem>> -> memref<1x1x128xi32, #tpu.memory_space<vmem>>
    %dma_wait3A_362 = tpu.memref_squeeze %dma_wait3A_361 : memref<1x1x128xi32, #tpu.memory_space<vmem>> -> memref<128xi32, #tpu.memory_space<vmem>>
    %dma_wait3A_363 = arith.constant 0 : i32
    %dma_wait3A_364 = arith.constant 0 : i32
    %dma_wait3A_365 = tpu.memref_slice %arg2[%dma_wait3A_363, %dma_wait3A_364] : memref<10112x64xf32, #tpu.memory_space<hbm>> -> memref<10112x64xf32, #tpu.memory_space<hbm>>
    tpu.wait_indirect_dma semaphore(%arg14 : memref<!tpu.dma_semaphore, #tpu.memory_space<semaphore_mem>>) src(%dma_wait3A_365 : memref<10112x64xf32, #tpu.memory_space<hbm>>) dst(%dma_wait3A_359 : memref<128x64xf32, #tpu.memory_space<vmem>>)
    %dma_start3A_366 = arith.constant 5 : i32
    %dma_start3A_367 = arith.constant 5 : i32
    %dma_start3A_368 = arith.constant 1 : i32
    %dma_start3A_369 = arith.constant 0 : i32
    %dma_start3A_370 = arith.constant 0 : i32
    %dma_start3A_371 = tpu.memref_slice %arg7[%dma_start3A_366, %dma_start3A_369, %dma_start3A_370] : memref<6x128x64xf32, #tpu.memory_space<vmem>> -> memref<1x128x64xf32, #tpu.memory_space<vmem>>
    %dma_start3A_372 = tpu.memref_squeeze %dma_start3A_371 : memref<1x128x64xf32, #tpu.memory_space<vmem>> -> memref<128x64xf32, #tpu.memory_space<vmem>>
    %dma_start3A_373 = arith.constant 0 : i32
    %dma_start3A_374 = tpu.memref_slice %arg6[%dma_start3A_367, %dma_start3A_368, %dma_start3A_373] : memref<6x2x128xi32, #tpu.memory_space<vmem>> -> memref<1x1x128xi32, #tpu.memory_space<vmem>>
    %dma_start3A_375 = tpu.memref_squeeze %dma_start3A_374 : memref<1x1x128xi32, #tpu.memory_space<vmem>> -> memref<128xi32, #tpu.memory_space<vmem>>
    %dma_start3A_376 = arith.constant 0 : i32
    %dma_start3A_377 = arith.constant 0 : i32
    %dma_start3A_378 = tpu.memref_slice %arg8[%dma_start3A_376, %dma_start3A_377] : memref<10112x64xf32, #tpu.memory_space<vmem_shared>> -> memref<10112x64xf32, #tpu.memory_space<vmem_shared>>
    tpu.enqueue_indirect_dma source(%dma_start3A_372 : memref<128x64xf32, #tpu.memory_space<vmem>>) target(%dma_start3A_378 : memref<10112x64xf32, #tpu.memory_space<vmem_shared>>) offsets(%dma_start3A_375 : memref<128xi32, #tpu.memory_space<vmem>>) semaphore(%arg20 : memref<!tpu.dma_semaphore, #tpu.memory_space<semaphore_mem>>) {add = true}
    %dma_wait3A_379 = arith.constant 4 : i32
    %dma_wait3A_380 = arith.constant 4 : i32
    %dma_wait3A_381 = arith.constant 1 : i32
    %dma_wait3A_382 = arith.constant 0 : i32
    %dma_wait3A_383 = arith.constant 0 : i32
    %dma_wait3A_384 = tpu.memref_slice %arg7[%dma_wait3A_379, %dma_wait3A_382, %dma_wait3A_383] : memref<6x128x64xf32, #tpu.memory_space<vmem>> -> memref<1x128x64xf32, #tpu.memory_space<vmem>>
    %dma_wait3A_385 = tpu.memref_squeeze %dma_wait3A_384 : memref<1x128x64xf32, #tpu.memory_space<vmem>> -> memref<128x64xf32, #tpu.memory_space<vmem>>
    %dma_wait3A_386 = arith.constant 0 : i32
    %dma_wait3A_387 = tpu.memref_slice %arg6[%dma_wait3A_380, %dma_wait3A_381, %dma_wait3A_386] : memref<6x2x128xi32, #tpu.memory_space<vmem>> -> memref<1x1x128xi32, #tpu.memory_space<vmem>>
    %dma_wait3A_388 = tpu.memref_squeeze %dma_wait3A_387 : memref<1x1x128xi32, #tpu.memory_space<vmem>> -> memref<128xi32, #tpu.memory_space<vmem>>
    %dma_wait3A_389 = arith.constant 0 : i32
    %dma_wait3A_390 = arith.constant 0 : i32
    %dma_wait3A_391 = tpu.memref_slice %arg8[%dma_wait3A_389, %dma_wait3A_390] : memref<10112x64xf32, #tpu.memory_space<vmem_shared>> -> memref<10112x64xf32, #tpu.memory_space<vmem_shared>>
    tpu.wait_indirect_dma semaphore(%arg19 : memref<!tpu.dma_semaphore, #tpu.memory_space<semaphore_mem>>) src(%dma_wait3A_385 : memref<128x64xf32, #tpu.memory_space<vmem>>) dst(%dma_wait3A_391 : memref<10112x64xf32, #tpu.memory_space<vmem_shared>>)
    %dma_wait3A_392 = arith.constant 0 : i32
    %dma_wait3A_393 = arith.constant 0 : i32
    %dma_wait3A_394 = arith.constant 0 : i32
    %dma_wait3A_395 = arith.constant 0 : i32
    %dma_wait3A_396 = arith.constant 0 : i32
    %dma_wait3A_397 = tpu.memref_slice %arg7[%dma_wait3A_394, %dma_wait3A_395, %dma_wait3A_396] : memref<6x128x64xf32, #tpu.memory_space<vmem>> -> memref<1x128x64xf32, #tpu.memory_space<vmem>>
    %dma_wait3A_398 = tpu.memref_squeeze %dma_wait3A_397 : memref<1x128x64xf32, #tpu.memory_space<vmem>> -> memref<128x64xf32, #tpu.memory_space<vmem>>
    %dma_wait3A_399 = arith.constant 0 : i32
    %dma_wait3A_400 = tpu.memref_slice %arg6[%dma_wait3A_392, %dma_wait3A_393, %dma_wait3A_399] : memref<6x2x128xi32, #tpu.memory_space<vmem>> -> memref<1x1x128xi32, #tpu.memory_space<vmem>>
    %dma_wait3A_401 = tpu.memref_squeeze %dma_wait3A_400 : memref<1x1x128xi32, #tpu.memory_space<vmem>> -> memref<128xi32, #tpu.memory_space<vmem>>
    %dma_wait3A_402 = arith.constant 0 : i32
    %dma_wait3A_403 = arith.constant 0 : i32
    %dma_wait3A_404 = tpu.memref_slice %arg2[%dma_wait3A_402, %dma_wait3A_403] : memref<10112x64xf32, #tpu.memory_space<hbm>> -> memref<10112x64xf32, #tpu.memory_space<hbm>>
    tpu.wait_indirect_dma semaphore(%arg9 : memref<!tpu.dma_semaphore, #tpu.memory_space<semaphore_mem>>) src(%dma_wait3A_404 : memref<10112x64xf32, #tpu.memory_space<hbm>>) dst(%dma_wait3A_398 : memref<128x64xf32, #tpu.memory_space<vmem>>)
    %dma_start3A_405 = arith.constant 0 : i32
    %dma_start3A_406 = arith.constant 0 : i32
    %dma_start3A_407 = arith.constant 1 : i32
    %dma_start3A_408 = arith.constant 0 : i32
    %dma_start3A_409 = arith.constant 0 : i32
    %dma_start3A_410 = tpu.memref_slice %arg7[%dma_start3A_405, %dma_start3A_408, %dma_start3A_409] : memref<6x128x64xf32, #tpu.memory_space<vmem>> -> memref<1x128x64xf32, #tpu.memory_space<vmem>>
    %dma_start3A_411 = tpu.memref_squeeze %dma_start3A_410 : memref<1x128x64xf32, #tpu.memory_space<vmem>> -> memref<128x64xf32, #tpu.memory_space<vmem>>
    %dma_start3A_412 = arith.constant 0 : i32
    %dma_start3A_413 = tpu.memref_slice %arg6[%dma_start3A_406, %dma_start3A_407, %dma_start3A_412] : memref<6x2x128xi32, #tpu.memory_space<vmem>> -> memref<1x1x128xi32, #tpu.memory_space<vmem>>
    %dma_start3A_414 = tpu.memref_squeeze %dma_start3A_413 : memref<1x1x128xi32, #tpu.memory_space<vmem>> -> memref<128xi32, #tpu.memory_space<vmem>>
    %dma_start3A_415 = arith.constant 0 : i32
    %dma_start3A_416 = arith.constant 0 : i32
    %dma_start3A_417 = tpu.memref_slice %arg8[%dma_start3A_415, %dma_start3A_416] : memref<10112x64xf32, #tpu.memory_space<vmem_shared>> -> memref<10112x64xf32, #tpu.memory_space<vmem_shared>>
    tpu.enqueue_indirect_dma source(%dma_start3A_411 : memref<128x64xf32, #tpu.memory_space<vmem>>) target(%dma_start3A_417 : memref<10112x64xf32, #tpu.memory_space<vmem_shared>>) offsets(%dma_start3A_414 : memref<128xi32, #tpu.memory_space<vmem>>) semaphore(%arg15 : memref<!tpu.dma_semaphore, #tpu.memory_space<semaphore_mem>>) {add = true}
    %dma_wait3A_418 = arith.constant 5 : i32
    %dma_wait3A_419 = arith.constant 5 : i32
    %dma_wait3A_420 = arith.constant 1 : i32
    %dma_wait3A_421 = arith.constant 0 : i32
    %dma_wait3A_422 = arith.constant 0 : i32
    %dma_wait3A_423 = tpu.memref_slice %arg7[%dma_wait3A_418, %dma_wait3A_421, %dma_wait3A_422] : memref<6x128x64xf32, #tpu.memory_space<vmem>> -> memref<1x128x64xf32, #tpu.memory_space<vmem>>
    %dma_wait3A_424 = tpu.memref_squeeze %dma_wait3A_423 : memref<1x128x64xf32, #tpu.memory_space<vmem>> -> memref<128x64xf32, #tpu.memory_space<vmem>>
    %dma_wait3A_425 = arith.constant 0 : i32
    %dma_wait3A_426 = tpu.memref_slice %arg6[%dma_wait3A_419, %dma_wait3A_420, %dma_wait3A_425] : memref<6x2x128xi32, #tpu.memory_space<vmem>> -> memref<1x1x128xi32, #tpu.memory_space<vmem>>
    %dma_wait3A_427 = tpu.memref_squeeze %dma_wait3A_426 : memref<1x1x128xi32, #tpu.memory_space<vmem>> -> memref<128xi32, #tpu.memory_space<vmem>>
    %dma_wait3A_428 = arith.constant 0 : i32
    %dma_wait3A_429 = arith.constant 0 : i32
    %dma_wait3A_430 = tpu.memref_slice %arg8[%dma_wait3A_428, %dma_wait3A_429] : memref<10112x64xf32, #tpu.memory_space<vmem_shared>> -> memref<10112x64xf32, #tpu.memory_space<vmem_shared>>
    tpu.wait_indirect_dma semaphore(%arg20 : memref<!tpu.dma_semaphore, #tpu.memory_space<semaphore_mem>>) src(%dma_wait3A_424 : memref<128x64xf32, #tpu.memory_space<vmem>>) dst(%dma_wait3A_430 : memref<10112x64xf32, #tpu.memory_space<vmem_shared>>)
    %dma_wait3A_431 = arith.constant 1 : i32
    %dma_wait3A_432 = arith.constant 0 : i32
    %dma_wait3A_433 = arith.constant 1 : i32
    %dma_wait3A_434 = arith.constant 0 : i32
    %dma_wait3A_435 = arith.constant 0 : i32
    %dma_wait3A_436 = tpu.memref_slice %arg7[%dma_wait3A_433, %dma_wait3A_434, %dma_wait3A_435] : memref<6x128x64xf32, #tpu.memory_space<vmem>> -> memref<1x128x64xf32, #tpu.memory_space<vmem>>
    %dma_wait3A_437 = tpu.memref_squeeze %dma_wait3A_436 : memref<1x128x64xf32, #tpu.memory_space<vmem>> -> memref<128x64xf32, #tpu.memory_space<vmem>>
    %dma_wait3A_438 = arith.constant 0 : i32
    %dma_wait3A_439 = tpu.memref_slice %arg6[%dma_wait3A_431, %dma_wait3A_432, %dma_wait3A_438] : memref<6x2x128xi32, #tpu.memory_space<vmem>> -> memref<1x1x128xi32, #tpu.memory_space<vmem>>
    %dma_wait3A_440 = tpu.memref_squeeze %dma_wait3A_439 : memref<1x1x128xi32, #tpu.memory_space<vmem>> -> memref<128xi32, #tpu.memory_space<vmem>>
    %dma_wait3A_441 = arith.constant 0 : i32
    %dma_wait3A_442 = arith.constant 0 : i32
    %dma_wait3A_443 = tpu.memref_slice %arg2[%dma_wait3A_441, %dma_wait3A_442] : memref<10112x64xf32, #tpu.memory_space<hbm>> -> memref<10112x64xf32, #tpu.memory_space<hbm>>
    tpu.wait_indirect_dma semaphore(%arg10 : memref<!tpu.dma_semaphore, #tpu.memory_space<semaphore_mem>>) src(%dma_wait3A_443 : memref<10112x64xf32, #tpu.memory_space<hbm>>) dst(%dma_wait3A_437 : memref<128x64xf32, #tpu.memory_space<vmem>>)
    %dma_start3A_444 = arith.constant 1 : i32
    %dma_start3A_445 = arith.constant 1 : i32
    %dma_start3A_446 = arith.constant 1 : i32
    %dma_start3A_447 = arith.constant 0 : i32
    %dma_start3A_448 = arith.constant 0 : i32
    %dma_start3A_449 = tpu.memref_slice %arg7[%dma_start3A_444, %dma_start3A_447, %dma_start3A_448] : memref<6x128x64xf32, #tpu.memory_space<vmem>> -> memref<1x128x64xf32, #tpu.memory_space<vmem>>
    %dma_start3A_450 = tpu.memref_squeeze %dma_start3A_449 : memref<1x128x64xf32, #tpu.memory_space<vmem>> -> memref<128x64xf32, #tpu.memory_space<vmem>>
    %dma_start3A_451 = arith.constant 0 : i32
    %dma_start3A_452 = tpu.memref_slice %arg6[%dma_start3A_445, %dma_start3A_446, %dma_start3A_451] : memref<6x2x128xi32, #tpu.memory_space<vmem>> -> memref<1x1x128xi32, #tpu.memory_space<vmem>>
    %dma_start3A_453 = tpu.memref_squeeze %dma_start3A_452 : memref<1x1x128xi32, #tpu.memory_space<vmem>> -> memref<128xi32, #tpu.memory_space<vmem>>
    %dma_start3A_454 = arith.constant 0 : i32
    %dma_start3A_455 = arith.constant 0 : i32
    %dma_start3A_456 = tpu.memref_slice %arg8[%dma_start3A_454, %dma_start3A_455] : memref<10112x64xf32, #tpu.memory_space<vmem_shared>> -> memref<10112x64xf32, #tpu.memory_space<vmem_shared>>
    tpu.enqueue_indirect_dma source(%dma_start3A_450 : memref<128x64xf32, #tpu.memory_space<vmem>>) target(%dma_start3A_456 : memref<10112x64xf32, #tpu.memory_space<vmem_shared>>) offsets(%dma_start3A_453 : memref<128xi32, #tpu.memory_space<vmem>>) semaphore(%arg16 : memref<!tpu.dma_semaphore, #tpu.memory_space<semaphore_mem>>) {add = true}
    %dma_wait3A_457 = arith.constant 0 : i32
    %dma_wait3A_458 = arith.constant 0 : i32
    %dma_wait3A_459 = arith.constant 1 : i32
    %dma_wait3A_460 = arith.constant 0 : i32
    %dma_wait3A_461 = arith.constant 0 : i32
    %dma_wait3A_462 = tpu.memref_slice %arg7[%dma_wait3A_457, %dma_wait3A_460, %dma_wait3A_461] : memref<6x128x64xf32, #tpu.memory_space<vmem>> -> memref<1x128x64xf32, #tpu.memory_space<vmem>>
    %dma_wait3A_463 = tpu.memref_squeeze %dma_wait3A_462 : memref<1x128x64xf32, #tpu.memory_space<vmem>> -> memref<128x64xf32, #tpu.memory_space<vmem>>
    %dma_wait3A_464 = arith.constant 0 : i32
    %dma_wait3A_465 = tpu.memref_slice %arg6[%dma_wait3A_458, %dma_wait3A_459, %dma_wait3A_464] : memref<6x2x128xi32, #tpu.memory_space<vmem>> -> memref<1x1x128xi32, #tpu.memory_space<vmem>>
    %dma_wait3A_466 = tpu.memref_squeeze %dma_wait3A_465 : memref<1x1x128xi32, #tpu.memory_space<vmem>> -> memref<128xi32, #tpu.memory_space<vmem>>
    %dma_wait3A_467 = arith.constant 0 : i32
    %dma_wait3A_468 = arith.constant 0 : i32
    %dma_wait3A_469 = tpu.memref_slice %arg8[%dma_wait3A_467, %dma_wait3A_468] : memref<10112x64xf32, #tpu.memory_space<vmem_shared>> -> memref<10112x64xf32, #tpu.memory_space<vmem_shared>>
    tpu.wait_indirect_dma semaphore(%arg15 : memref<!tpu.dma_semaphore, #tpu.memory_space<semaphore_mem>>) src(%dma_wait3A_463 : memref<128x64xf32, #tpu.memory_space<vmem>>) dst(%dma_wait3A_469 : memref<10112x64xf32, #tpu.memory_space<vmem_shared>>)
    %dma_wait3A_470 = arith.constant 2 : i32
    %dma_wait3A_471 = arith.constant 0 : i32
    %dma_wait3A_472 = arith.constant 2 : i32
    %dma_wait3A_473 = arith.constant 0 : i32
    %dma_wait3A_474 = arith.constant 0 : i32
    %dma_wait3A_475 = tpu.memref_slice %arg7[%dma_wait3A_472, %dma_wait3A_473, %dma_wait3A_474] : memref<6x128x64xf32, #tpu.memory_space<vmem>> -> memref<1x128x64xf32, #tpu.memory_space<vmem>>
    %dma_wait3A_476 = tpu.memref_squeeze %dma_wait3A_475 : memref<1x128x64xf32, #tpu.memory_space<vmem>> -> memref<128x64xf32, #tpu.memory_space<vmem>>
    %dma_wait3A_477 = arith.constant 0 : i32
    %dma_wait3A_478 = tpu.memref_slice %arg6[%dma_wait3A_470, %dma_wait3A_471, %dma_wait3A_477] : memref<6x2x128xi32, #tpu.memory_space<vmem>> -> memref<1x1x128xi32, #tpu.memory_space<vmem>>
    %dma_wait3A_479 = tpu.memref_squeeze %dma_wait3A_478 : memref<1x1x128xi32, #tpu.memory_space<vmem>> -> memref<128xi32, #tpu.memory_space<vmem>>
    %dma_wait3A_480 = arith.constant 0 : i32
    %dma_wait3A_481 = arith.constant 0 : i32
    %dma_wait3A_482 = tpu.memref_slice %arg2[%dma_wait3A_480, %dma_wait3A_481] : memref<10112x64xf32, #tpu.memory_space<hbm>> -> memref<10112x64xf32, #tpu.memory_space<hbm>>
    tpu.wait_indirect_dma semaphore(%arg11 : memref<!tpu.dma_semaphore, #tpu.memory_space<semaphore_mem>>) src(%dma_wait3A_482 : memref<10112x64xf32, #tpu.memory_space<hbm>>) dst(%dma_wait3A_476 : memref<128x64xf32, #tpu.memory_space<vmem>>)
    %dma_start3A_483 = arith.constant 2 : i32
    %dma_start3A_484 = arith.constant 2 : i32
    %dma_start3A_485 = arith.constant 1 : i32
    %dma_start3A_486 = arith.constant 0 : i32
    %dma_start3A_487 = arith.constant 0 : i32
    %dma_start3A_488 = tpu.memref_slice %arg7[%dma_start3A_483, %dma_start3A_486, %dma_start3A_487] : memref<6x128x64xf32, #tpu.memory_space<vmem>> -> memref<1x128x64xf32, #tpu.memory_space<vmem>>
    %dma_start3A_489 = tpu.memref_squeeze %dma_start3A_488 : memref<1x128x64xf32, #tpu.memory_space<vmem>> -> memref<128x64xf32, #tpu.memory_space<vmem>>
    %dma_start3A_490 = arith.constant 0 : i32
    %dma_start3A_491 = tpu.memref_slice %arg6[%dma_start3A_484, %dma_start3A_485, %dma_start3A_490] : memref<6x2x128xi32, #tpu.memory_space<vmem>> -> memref<1x1x128xi32, #tpu.memory_space<vmem>>
    %dma_start3A_492 = tpu.memref_squeeze %dma_start3A_491 : memref<1x1x128xi32, #tpu.memory_space<vmem>> -> memref<128xi32, #tpu.memory_space<vmem>>
    %dma_start3A_493 = arith.constant 0 : i32
    %dma_start3A_494 = arith.constant 0 : i32
    %dma_start3A_495 = tpu.memref_slice %arg8[%dma_start3A_493, %dma_start3A_494] : memref<10112x64xf32, #tpu.memory_space<vmem_shared>> -> memref<10112x64xf32, #tpu.memory_space<vmem_shared>>
    tpu.enqueue_indirect_dma source(%dma_start3A_489 : memref<128x64xf32, #tpu.memory_space<vmem>>) target(%dma_start3A_495 : memref<10112x64xf32, #tpu.memory_space<vmem_shared>>) offsets(%dma_start3A_492 : memref<128xi32, #tpu.memory_space<vmem>>) semaphore(%arg17 : memref<!tpu.dma_semaphore, #tpu.memory_space<semaphore_mem>>) {add = true}
    %dma_wait3A_496 = arith.constant 1 : i32
    %dma_wait3A_497 = arith.constant 1 : i32
    %dma_wait3A_498 = arith.constant 1 : i32
    %dma_wait3A_499 = arith.constant 0 : i32
    %dma_wait3A_500 = arith.constant 0 : i32
    %dma_wait3A_501 = tpu.memref_slice %arg7[%dma_wait3A_496, %dma_wait3A_499, %dma_wait3A_500] : memref<6x128x64xf32, #tpu.memory_space<vmem>> -> memref<1x128x64xf32, #tpu.memory_space<vmem>>
    %dma_wait3A_502 = tpu.memref_squeeze %dma_wait3A_501 : memref<1x128x64xf32, #tpu.memory_space<vmem>> -> memref<128x64xf32, #tpu.memory_space<vmem>>
    %dma_wait3A_503 = arith.constant 0 : i32
    %dma_wait3A_504 = tpu.memref_slice %arg6[%dma_wait3A_497, %dma_wait3A_498, %dma_wait3A_503] : memref<6x2x128xi32, #tpu.memory_space<vmem>> -> memref<1x1x128xi32, #tpu.memory_space<vmem>>
    %dma_wait3A_505 = tpu.memref_squeeze %dma_wait3A_504 : memref<1x1x128xi32, #tpu.memory_space<vmem>> -> memref<128xi32, #tpu.memory_space<vmem>>
    %dma_wait3A_506 = arith.constant 0 : i32
    %dma_wait3A_507 = arith.constant 0 : i32
    %dma_wait3A_508 = tpu.memref_slice %arg8[%dma_wait3A_506, %dma_wait3A_507] : memref<10112x64xf32, #tpu.memory_space<vmem_shared>> -> memref<10112x64xf32, #tpu.memory_space<vmem_shared>>
    tpu.wait_indirect_dma semaphore(%arg16 : memref<!tpu.dma_semaphore, #tpu.memory_space<semaphore_mem>>) src(%dma_wait3A_502 : memref<128x64xf32, #tpu.memory_space<vmem>>) dst(%dma_wait3A_508 : memref<10112x64xf32, #tpu.memory_space<vmem_shared>>)
    %dma_wait3A_509 = arith.constant 3 : i32
    %dma_wait3A_510 = arith.constant 0 : i32
    %dma_wait3A_511 = arith.constant 3 : i32
    %dma_wait3A_512 = arith.constant 0 : i32
    %dma_wait3A_513 = arith.constant 0 : i32
    %dma_wait3A_514 = tpu.memref_slice %arg7[%dma_wait3A_511, %dma_wait3A_512, %dma_wait3A_513] : memref<6x128x64xf32, #tpu.memory_space<vmem>> -> memref<1x128x64xf32, #tpu.memory_space<vmem>>
    %dma_wait3A_515 = tpu.memref_squeeze %dma_wait3A_514 : memref<1x128x64xf32, #tpu.memory_space<vmem>> -> memref<128x64xf32, #tpu.memory_space<vmem>>
    %dma_wait3A_516 = arith.constant 0 : i32
    %dma_wait3A_517 = tpu.memref_slice %arg6[%dma_wait3A_509, %dma_wait3A_510, %dma_wait3A_516] : memref<6x2x128xi32, #tpu.memory_space<vmem>> -> memref<1x1x128xi32, #tpu.memory_space<vmem>>
    %dma_wait3A_518 = tpu.memref_squeeze %dma_wait3A_517 : memref<1x1x128xi32, #tpu.memory_space<vmem>> -> memref<128xi32, #tpu.memory_space<vmem>>
    %dma_wait3A_519 = arith.constant 0 : i32
    %dma_wait3A_520 = arith.constant 0 : i32
    %dma_wait3A_521 = tpu.memref_slice %arg2[%dma_wait3A_519, %dma_wait3A_520] : memref<10112x64xf32, #tpu.memory_space<hbm>> -> memref<10112x64xf32, #tpu.memory_space<hbm>>
    tpu.wait_indirect_dma semaphore(%arg12 : memref<!tpu.dma_semaphore, #tpu.memory_space<semaphore_mem>>) src(%dma_wait3A_521 : memref<10112x64xf32, #tpu.memory_space<hbm>>) dst(%dma_wait3A_515 : memref<128x64xf32, #tpu.memory_space<vmem>>)
    %dma_start3A_522 = arith.constant 3 : i32
    %dma_start3A_523 = arith.constant 3 : i32
    %dma_start3A_524 = arith.constant 1 : i32
    %dma_start3A_525 = arith.constant 0 : i32
    %dma_start3A_526 = arith.constant 0 : i32
    %dma_start3A_527 = tpu.memref_slice %arg7[%dma_start3A_522, %dma_start3A_525, %dma_start3A_526] : memref<6x128x64xf32, #tpu.memory_space<vmem>> -> memref<1x128x64xf32, #tpu.memory_space<vmem>>
    %dma_start3A_528 = tpu.memref_squeeze %dma_start3A_527 : memref<1x128x64xf32, #tpu.memory_space<vmem>> -> memref<128x64xf32, #tpu.memory_space<vmem>>
    %dma_start3A_529 = arith.constant 0 : i32
    %dma_start3A_530 = tpu.memref_slice %arg6[%dma_start3A_523, %dma_start3A_524, %dma_start3A_529] : memref<6x2x128xi32, #tpu.memory_space<vmem>> -> memref<1x1x128xi32, #tpu.memory_space<vmem>>
    %dma_start3A_531 = tpu.memref_squeeze %dma_start3A_530 : memref<1x1x128xi32, #tpu.memory_space<vmem>> -> memref<128xi32, #tpu.memory_space<vmem>>
    %dma_start3A_532 = arith.constant 0 : i32
    %dma_start3A_533 = arith.constant 0 : i32
    %dma_start3A_534 = tpu.memref_slice %arg8[%dma_start3A_532, %dma_start3A_533] : memref<10112x64xf32, #tpu.memory_space<vmem_shared>> -> memref<10112x64xf32, #tpu.memory_space<vmem_shared>>
    tpu.enqueue_indirect_dma source(%dma_start3A_528 : memref<128x64xf32, #tpu.memory_space<vmem>>) target(%dma_start3A_534 : memref<10112x64xf32, #tpu.memory_space<vmem_shared>>) offsets(%dma_start3A_531 : memref<128xi32, #tpu.memory_space<vmem>>) semaphore(%arg18 : memref<!tpu.dma_semaphore, #tpu.memory_space<semaphore_mem>>) {add = true}
    %dma_wait3A_535 = arith.constant 2 : i32
    %dma_wait3A_536 = arith.constant 2 : i32
    %dma_wait3A_537 = arith.constant 1 : i32
    %dma_wait3A_538 = arith.constant 0 : i32
    %dma_wait3A_539 = arith.constant 0 : i32
    %dma_wait3A_540 = tpu.memref_slice %arg7[%dma_wait3A_535, %dma_wait3A_538, %dma_wait3A_539] : memref<6x128x64xf32, #tpu.memory_space<vmem>> -> memref<1x128x64xf32, #tpu.memory_space<vmem>>
    %dma_wait3A_541 = tpu.memref_squeeze %dma_wait3A_540 : memref<1x128x64xf32, #tpu.memory_space<vmem>> -> memref<128x64xf32, #tpu.memory_space<vmem>>
    %dma_wait3A_542 = arith.constant 0 : i32
    %dma_wait3A_543 = tpu.memref_slice %arg6[%dma_wait3A_536, %dma_wait3A_537, %dma_wait3A_542] : memref<6x2x128xi32, #tpu.memory_space<vmem>> -> memref<1x1x128xi32, #tpu.memory_space<vmem>>
    %dma_wait3A_544 = tpu.memref_squeeze %dma_wait3A_543 : memref<1x1x128xi32, #tpu.memory_space<vmem>> -> memref<128xi32, #tpu.memory_space<vmem>>
    %dma_wait3A_545 = arith.constant 0 : i32
    %dma_wait3A_546 = arith.constant 0 : i32
    %dma_wait3A_547 = tpu.memref_slice %arg8[%dma_wait3A_545, %dma_wait3A_546] : memref<10112x64xf32, #tpu.memory_space<vmem_shared>> -> memref<10112x64xf32, #tpu.memory_space<vmem_shared>>
    tpu.wait_indirect_dma semaphore(%arg17 : memref<!tpu.dma_semaphore, #tpu.memory_space<semaphore_mem>>) src(%dma_wait3A_541 : memref<128x64xf32, #tpu.memory_space<vmem>>) dst(%dma_wait3A_547 : memref<10112x64xf32, #tpu.memory_space<vmem_shared>>)
    %dma_wait3A_548 = arith.constant 3 : i32
    %dma_wait3A_549 = arith.constant 3 : i32
    %dma_wait3A_550 = arith.constant 1 : i32
    %dma_wait3A_551 = arith.constant 0 : i32
    %dma_wait3A_552 = arith.constant 0 : i32
    %dma_wait3A_553 = tpu.memref_slice %arg7[%dma_wait3A_548, %dma_wait3A_551, %dma_wait3A_552] : memref<6x128x64xf32, #tpu.memory_space<vmem>> -> memref<1x128x64xf32, #tpu.memory_space<vmem>>
    %dma_wait3A_554 = tpu.memref_squeeze %dma_wait3A_553 : memref<1x128x64xf32, #tpu.memory_space<vmem>> -> memref<128x64xf32, #tpu.memory_space<vmem>>
    %dma_wait3A_555 = arith.constant 0 : i32
    %dma_wait3A_556 = tpu.memref_slice %arg6[%dma_wait3A_549, %dma_wait3A_550, %dma_wait3A_555] : memref<6x2x128xi32, #tpu.memory_space<vmem>> -> memref<1x1x128xi32, #tpu.memory_space<vmem>>
    %dma_wait3A_557 = tpu.memref_squeeze %dma_wait3A_556 : memref<1x1x128xi32, #tpu.memory_space<vmem>> -> memref<128xi32, #tpu.memory_space<vmem>>
    %dma_wait3A_558 = arith.constant 0 : i32
    %dma_wait3A_559 = arith.constant 0 : i32
    %dma_wait3A_560 = tpu.memref_slice %arg8[%dma_wait3A_558, %dma_wait3A_559] : memref<10112x64xf32, #tpu.memory_space<vmem_shared>> -> memref<10112x64xf32, #tpu.memory_space<vmem_shared>>
    tpu.wait_indirect_dma semaphore(%arg18 : memref<!tpu.dma_semaphore, #tpu.memory_space<semaphore_mem>>) src(%dma_wait3A_554 : memref<128x64xf32, #tpu.memory_space<vmem>>) dst(%dma_wait3A_560 : memref<10112x64xf32, #tpu.memory_space<vmem_shared>>)
    %barrier3A_561 = arith.constant 0 : index
    tpu.barrier barrier_id(%barrier3A_561)
    %mul3A_562 = arith.constant 632 : i32
    %mul3A_563 = arith.muli %arg1, %mul3A_562 : i32
    %mul3A_564 = arith.constant 632 : i32
    %mul3A_565 = arith.muli %arg1, %mul3A_564 : i32
    "tpu.region"() ({
      %run_scoped3A_566 = tpu.sem_alloc : memref<!tpu.dma_semaphore, #tpu.memory_space<semaphore_mem>>
      %dma_start3A_567 = arith.constant 0 : i32
      %dma_start3A_568 = tpu.memref_slice %arg5[%arg0, %mul3A_565, %dma_start3A_567] : memref<2x10112x64xf32, #tpu.memory_space<hbm>> -> memref<1x632x64xf32, #tpu.memory_space<hbm>>
      %dma_start3A_569 = tpu.memref_squeeze %dma_start3A_568 : memref<1x632x64xf32, #tpu.memory_space<hbm>> -> memref<632x64xf32, #tpu.memory_space<hbm>>
      %dma_start3A_570 = arith.constant 0 : i32
      %dma_start3A_571 = tpu.memref_slice %arg8[%mul3A_563, %dma_start3A_570] : memref<10112x64xf32, #tpu.memory_space<vmem_shared>> -> memref<632x64xf32, #tpu.memory_space<vmem_shared>>
      tpu.enqueue_dma source(%dma_start3A_571 : memref<632x64xf32, #tpu.memory_space<vmem_shared>>) target(%dma_start3A_569 : memref<632x64xf32, #tpu.memory_space<hbm>>) target_semaphore(%run_scoped3A_566 : memref<!tpu.dma_semaphore, #tpu.memory_space<semaphore_mem>>)
      %dma_wait3A_572 = arith.constant 0 : i32
      %dma_wait3A_573 = tpu.memref_slice %arg5[%arg0, %mul3A_565, %dma_wait3A_572] : memref<2x10112x64xf32, #tpu.memory_space<hbm>> -> memref<1x632x64xf32, #tpu.memory_space<hbm>>
      %dma_wait3A_574 = tpu.memref_squeeze %dma_wait3A_573 : memref<1x632x64xf32, #tpu.memory_space<hbm>> -> memref<632x64xf32, #tpu.memory_space<hbm>>
      %dma_wait3A_575 = arith.constant 0 : i32
      %dma_wait3A_576 = tpu.memref_slice %arg8[%mul3A_563, %dma_wait3A_575] : memref<10112x64xf32, #tpu.memory_space<vmem_shared>> -> memref<632x64xf32, #tpu.memory_space<vmem_shared>>
      tpu.wait_dma2 semaphore(%run_scoped3A_566 : memref<!tpu.dma_semaphore, #tpu.memory_space<semaphore_mem>>) src(%dma_wait3A_576 : memref<632x64xf32, #tpu.memory_space<vmem_shared>>) dst(%dma_wait3A_574 : memref<632x64xf32, #tpu.memory_space<hbm>>)
      tpu.yield
    }) : () -> ()
    return
  }
}

module attributes {stable_mosaic.version = 14 : i64} {
  func.func @_m0_body(%arg0: i32, %arg1: memref<1264x256xf32, #tpu.memory_space<vmem>>, %arg2: memref<256x256xf32, #tpu.memory_space<vmem>>, %arg3: memref<1264x256xf32, #tpu.memory_space<vmem>>) attributes {dimension_semantics = [#tpu.dimension_semantics<arbitrary>], iteration_bounds = array<i64: 8>, scalar_prefetch = 0 : i64, scratch_operands = 0 : i64, tpu.core_type = #tpu.core_type<tc>, window_params = [{transform_indices = @transform_0, window_bounds = array<i64: 1264, 256>}, {pipeline_mode = #tpu.pipeline_mode<synchronous>, transform_indices = @transform_1, window_bounds = array<i64: 256, 256>}, {transform_indices = @transform_2, window_bounds = array<i64: 1264, 256>}]} {
    %get3A = arith.constant 0 : index
    %get3A_0 = arith.constant 0 : index
    %get3A_1 = vector.load %arg1[%get3A, %get3A_0] : memref<1264x256xf32, #tpu.memory_space<vmem>>, vector<1264x256xf32>
    %get3A_2 = arith.constant 0 : index
    %get3A_3 = arith.constant 0 : index
    %get3A_4 = vector.load %arg2[%get3A_2, %get3A_3] : memref<256x256xf32, #tpu.memory_space<vmem>>, vector<256x256xf32>
    %dot_general3A = arith.constant dense<0.000000e+00> : vector<1264x256xf32>
    %dot_general3A_5 = tpu.matmul %get3A_1, %get3A_4, %dot_general3A {dimension_numbers = #tpu.dot_dimension_numbers<[1], [0], [0], [1], [0, 0, 1, 1], [], []>, transpose_lhs_hint = false} : vector<1264x256xf32>, vector<256x256xf32>, vector<1264x256xf32> -> vector<1264x256xf32>
    %swap3A = arith.constant 0 : index
    %swap3A_6 = arith.constant 0 : index
    %swap3A_7 = vector.load %arg3[%swap3A, %swap3A_6] : memref<1264x256xf32, #tpu.memory_space<vmem>>, vector<1264x256xf32>
    tpu.vector_store %arg3[%swap3A, %swap3A_6], %dot_general3A_5 {strides = array<i32>} : memref<1264x256xf32, #tpu.memory_space<vmem>>, vector<1264x256xf32>,
    return
  }
  func.func @transform_0(%arg0: i32) -> (i32, i32) {
    %c0_i32 = arith.constant 0 : i32
    %c0_i32_0 = arith.constant 0 : i32
    return %arg0, %c0_i32 : i32, i32
  }
  func.func @transform_1(%arg0: i32) -> (i32, i32) {
    %c0_i32 = arith.constant 0 : i32
    %c0_i32_0 = arith.constant 0 : i32
    %c0_i32_1 = arith.constant 0 : i32
    return %c0_i32, %c0_i32_0 : i32, i32
  }
  func.func @transform_2(%arg0: i32) -> (i32, i32) {
    %c0_i32 = arith.constant 0 : i32
    %c0_i32_0 = arith.constant 0 : i32
    return %arg0, %c0_i32 : i32, i32
  }
}

module attributes {stable_mosaic.version = 14 : i64} {
  func.func @_m1_body(%arg0: i32, %arg1: memref<1264x256xf32, #tpu.memory_space<vmem>>, %arg2: memref<1264x2xf32, #tpu.memory_space<vmem>>, %arg3: memref<2x1264x128xf32, #tpu.memory_space<vmem>>, %arg4: memref<1264x1xf32, #tpu.memory_space<vmem>>) attributes {dimension_semantics = [#tpu.dimension_semantics<arbitrary>], iteration_bounds = array<i64: 8>, scalar_prefetch = 0 : i64, scratch_operands = 0 : i64, tpu.core_type = #tpu.core_type<tc>, window_params = [{transform_indices = @transform_0, window_bounds = array<i64: 1264, 256>}, {transform_indices = @transform_1, window_bounds = array<i64: 1264, 2>}, {transform_indices = @transform_2, window_bounds = array<i64: 2, 1264, 128>}, {transform_indices = @transform_3, window_bounds = array<i64: 1264, 1>}]} {
    %get3A = arith.constant 0 : index
    %get3A_0 = arith.constant 0 : index
    %get3A_1 = vector.load %arg2[%get3A, %get3A_0] : memref<1264x2xf32, #tpu.memory_space<vmem>>, vector<1264x1xf32>
    %get3A_2 = arith.constant 0 : index
    %get3A_3 = arith.constant 1 : index
    %get3A_4 = vector.load %arg2[%get3A_2, %get3A_3] : memref<1264x2xf32, #tpu.memory_space<vmem>>, vector<1264x1xf32>
    %add3A = arith.addf %get3A_1, %get3A_4 : vector<1264x1xf32>
    %add3A_5 = arith.constant 1.000000e+00 : f32
    %add3A_6 = vector.broadcast %add3A_5 : f32 to vector<1264x1xf32>
    %add3A_7 = arith.addf %add3A, %add3A_6 : vector<1264x1xf32>
    %rsqrt3A = math.rsqrt %add3A_7 : vector<1264x1xf32>
    %get3A_8 = arith.constant 0 : index
    %get3A_9 = arith.constant 0 : index
    %get3A_10 = vector.load %arg1[%get3A_8, %get3A_9] : memref<1264x256xf32, #tpu.memory_space<vmem>>, vector<1264x256xf32>
    %mul3A = vector.broadcast %rsqrt3A : vector<1264x1xf32> to vector<1264x256xf32>
    %mul3A_11 = arith.mulf %get3A_10, %mul3A : vector<1264x256xf32>
    %slice3A = vector.extract_strided_slice %mul3A_11 {offsets = [0, 0], sizes = [1264, 128], strides = [1, 1]} : vector<1264x256xf32> to vector<1264x128xf32>
    %swap3A = arith.constant 0 : index
    %swap3A_12 = arith.constant 0 : index
    %swap3A_13 = arith.constant 0 : index
    %swap3A_14 = vector.load %arg3[%swap3A, %swap3A_12, %swap3A_13] : memref<2x1264x128xf32, #tpu.memory_space<vmem>>, vector<1x1264x128xf32>
    %swap3A_15 = vector.shape_cast %swap3A_14 : vector<1x1264x128xf32> to vector<1264x128xf32>
    %swap3A_16 = vector.shape_cast %slice3A : vector<1264x128xf32> to vector<1x1264x128xf32>
    tpu.vector_store %arg3[%swap3A, %swap3A_12, %swap3A_13], %swap3A_16 {strides = array<i32>} : memref<2x1264x128xf32, #tpu.memory_space<vmem>>, vector<1x1264x128xf32>,
    %slice3A_17 = vector.extract_strided_slice %mul3A_11 {offsets = [0, 128], sizes = [1264, 128], strides = [1, 1]} : vector<1264x256xf32> to vector<1264x128xf32>
    %swap3A_18 = arith.constant 1 : index
    %swap3A_19 = arith.constant 0 : index
    %swap3A_20 = arith.constant 0 : index
    %swap3A_21 = vector.load %arg3[%swap3A_18, %swap3A_19, %swap3A_20] : memref<2x1264x128xf32, #tpu.memory_space<vmem>>, vector<1x1264x128xf32>
    %swap3A_22 = vector.shape_cast %swap3A_21 : vector<1x1264x128xf32> to vector<1264x128xf32>
    %swap3A_23 = vector.shape_cast %slice3A_17 : vector<1264x128xf32> to vector<1x1264x128xf32>
    tpu.vector_store %arg3[%swap3A_18, %swap3A_19, %swap3A_20], %swap3A_23 {strides = array<i32>} : memref<2x1264x128xf32, #tpu.memory_space<vmem>>, vector<1x1264x128xf32>,
    %swap3A_24 = arith.constant 0 : index
    %swap3A_25 = arith.constant 0 : index
    %swap3A_26 = vector.load %arg4[%swap3A_24, %swap3A_25] : memref<1264x1xf32, #tpu.memory_space<vmem>>, vector<1264x1xf32>
    tpu.vector_store %arg4[%swap3A_24, %swap3A_25], %rsqrt3A {strides = array<i32>} : memref<1264x1xf32, #tpu.memory_space<vmem>>, vector<1264x1xf32>,
    return
  }
  func.func @transform_0(%arg0: i32) -> (i32, i32) {
    %c0_i32 = arith.constant 0 : i32
    %c0_i32_0 = arith.constant 0 : i32
    return %arg0, %c0_i32 : i32, i32
  }
  func.func @transform_1(%arg0: i32) -> (i32, i32) {
    %c0_i32 = arith.constant 0 : i32
    %c0_i32_0 = arith.constant 0 : i32
    return %arg0, %c0_i32 : i32, i32
  }
  func.func @transform_2(%arg0: i32) -> (i32, i32, i32) {
    %c0_i32 = arith.constant 0 : i32
    %c0_i32_0 = arith.constant 0 : i32
    %c0_i32_1 = arith.constant 0 : i32
    return %c0_i32, %arg0, %c0_i32_0 : i32, i32, i32
  }
  func.func @transform_3(%arg0: i32) -> (i32, i32) {
    %c0_i32 = arith.constant 0 : i32
    %c0_i32_0 = arith.constant 0 : i32
    return %arg0, %c0_i32 : i32, i32
  }
}

module attributes {stable_mosaic.version = 14 : i64} {
  func.func @_m2_body(%arg0: i32, %arg1: memref<2x1264x128xf32, #tpu.memory_space<vmem>>, %arg2: memref<1264x1xf32, #tpu.memory_space<vmem>>, %arg3: memref<1x256xf32, #tpu.memory_space<vmem>>, %arg4: memref<256x64xf32, #tpu.memory_space<vmem>>, %arg5: memref<1264x64xf32, #tpu.memory_space<vmem>>) attributes {dimension_semantics = [#tpu.dimension_semantics<arbitrary>], iteration_bounds = array<i64: 8>, scalar_prefetch = 0 : i64, scratch_operands = 0 : i64, tpu.core_type = #tpu.core_type<tc>, window_params = [{transform_indices = @transform_0, window_bounds = array<i64: 2, 1264, 128>}, {transform_indices = @transform_1, window_bounds = array<i64: 1264, 1>}, {pipeline_mode = #tpu.pipeline_mode<synchronous>, transform_indices = @transform_2, window_bounds = array<i64: 1, 256>}, {pipeline_mode = #tpu.pipeline_mode<synchronous>, transform_indices = @transform_3, window_bounds = array<i64: 256, 64>}, {transform_indices = @transform_4, window_bounds = array<i64: 1264, 64>}]} {
    %get3A = arith.constant 0 : index
    %get3A_0 = arith.constant 0 : index
    %get3A_1 = arith.constant 0 : index
    %get3A_2 = vector.load %arg1[%get3A, %get3A_0, %get3A_1] : memref<2x1264x128xf32, #tpu.memory_space<vmem>>, vector<1x1264x128xf32>
    %get3A_3 = vector.shape_cast %get3A_2 : vector<1x1264x128xf32> to vector<1264x128xf32>
    %get3A_4 = arith.constant 1 : index
    %get3A_5 = arith.constant 0 : index
    %get3A_6 = arith.constant 0 : index
    %get3A_7 = vector.load %arg1[%get3A_4, %get3A_5, %get3A_6] : memref<2x1264x128xf32, #tpu.memory_space<vmem>>, vector<1x1264x128xf32>
    %get3A_8 = vector.shape_cast %get3A_7 : vector<1x1264x128xf32> to vector<1264x128xf32>
    %concatenate3A = tpu.concatenate %get3A_3, %get3A_8 in 1 : vector<1264x128xf32>, vector<1264x128xf32> -> vector<1264x256xf32>
    %get3A_9 = arith.constant 0 : index
    %get3A_10 = arith.constant 0 : index
    %get3A_11 = vector.load %arg2[%get3A_9, %get3A_10] : memref<1264x1xf32, #tpu.memory_space<vmem>>, vector<1264x1xf32>
    %mul3A = vector.broadcast %get3A_11 : vector<1264x1xf32> to vector<1264x256xf32>
    %mul3A_12 = arith.mulf %concatenate3A, %mul3A : vector<1264x256xf32>
    %get3A_13 = arith.constant 0 : index
    %get3A_14 = arith.constant 0 : index
    %get3A_15 = vector.load %arg3[%get3A_13, %get3A_14] : memref<1x256xf32, #tpu.memory_space<vmem>>, vector<1x256xf32>
    %add3A = vector.broadcast %get3A_15 : vector<1x256xf32> to vector<1264x256xf32>
    %add3A_16 = arith.addf %mul3A_12, %add3A : vector<1264x256xf32>
    %max3A = arith.constant 0.000000e+00 : f32
    %max3A_17 = vector.broadcast %max3A : f32 to vector<1264x256xf32>
    %max3A_18 = arith.maximumf %add3A_16, %max3A_17 : vector<1264x256xf32>
    %get3A_19 = arith.constant 0 : index
    %get3A_20 = arith.constant 0 : index
    %get3A_21 = vector.load %arg4[%get3A_19, %get3A_20] : memref<256x64xf32, #tpu.memory_space<vmem>>, vector<256x64xf32>
    %dot_general3A = arith.constant dense<0.000000e+00> : vector<1264x64xf32>
    %dot_general3A_22 = tpu.matmul %max3A_18, %get3A_21, %dot_general3A {dimension_numbers = #tpu.dot_dimension_numbers<[1], [0], [0], [1], [0, 0, 1, 1], [], []>, transpose_lhs_hint = false} : vector<1264x256xf32>, vector<256x64xf32>, vector<1264x64xf32> -> vector<1264x64xf32>
    %mul3A_23 = vector.broadcast %get3A_11 : vector<1264x1xf32> to vector<1264x64xf32>
    %mul3A_24 = arith.mulf %dot_general3A_22, %mul3A_23 : vector<1264x64xf32>
    %swap3A = arith.constant 0 : index
    %swap3A_25 = arith.constant 0 : index
    %swap3A_26 = vector.load %arg5[%swap3A, %swap3A_25] : memref<1264x64xf32, #tpu.memory_space<vmem>>, vector<1264x64xf32>
    tpu.vector_store %arg5[%swap3A, %swap3A_25], %mul3A_24 {strides = array<i32>} : memref<1264x64xf32, #tpu.memory_space<vmem>>, vector<1264x64xf32>,
    return
  }
  func.func @transform_0(%arg0: i32) -> (i32, i32, i32) {
    %c0_i32 = arith.constant 0 : i32
    %c0_i32_0 = arith.constant 0 : i32
    %c0_i32_1 = arith.constant 0 : i32
    return %c0_i32, %arg0, %c0_i32_0 : i32, i32, i32
  }
  func.func @transform_1(%arg0: i32) -> (i32, i32) {
    %c0_i32 = arith.constant 0 : i32
    %c0_i32_0 = arith.constant 0 : i32
    return %arg0, %c0_i32 : i32, i32
  }
  func.func @transform_2(%arg0: i32) -> (i32, i32) {
    %c0_i32 = arith.constant 0 : i32
    %c0_i32_0 = arith.constant 0 : i32
    %c0_i32_1 = arith.constant 0 : i32
    return %c0_i32, %c0_i32_0 : i32, i32
  }
  func.func @transform_3(%arg0: i32) -> (i32, i32) {
    %c0_i32 = arith.constant 0 : i32
    %c0_i32_0 = arith.constant 0 : i32
    %c0_i32_1 = arith.constant 0 : i32
    return %c0_i32, %c0_i32_0 : i32, i32
  }
  func.func @transform_4(%arg0: i32) -> (i32, i32) {
    %c0_i32 = arith.constant 0 : i32
    %c0_i32_0 = arith.constant 0 : i32
    return %arg0, %c0_i32 : i32, i32
  }
}

module attributes {stable_mosaic.version = 14 : i64} {
  func.func @_m3_body(%arg0: i32, %arg1: memref<2x1264x64xf32, #tpu.memory_space<vmem>>, %arg2: memref<1264x1xf32, #tpu.memory_space<vmem>>, %arg3: memref<1x64xf32, #tpu.memory_space<vmem>>, %arg4: memref<1264x64xf32, #tpu.memory_space<vmem>>) attributes {dimension_semantics = [#tpu.dimension_semantics<arbitrary>], iteration_bounds = array<i64: 8>, scalar_prefetch = 0 : i64, scratch_operands = 0 : i64, tpu.core_type = #tpu.core_type<tc>, window_params = [{transform_indices = @transform_0, window_bounds = array<i64: 2, 1264, 64>}, {transform_indices = @transform_1, window_bounds = array<i64: 1264, 1>}, {pipeline_mode = #tpu.pipeline_mode<synchronous>, transform_indices = @transform_2, window_bounds = array<i64: 1, 64>}, {transform_indices = @transform_3, window_bounds = array<i64: 1264, 64>}]} {
    %get3A = arith.constant 0 : index
    %get3A_0 = arith.constant 0 : index
    %get3A_1 = arith.constant 0 : index
    %get3A_2 = vector.load %arg1[%get3A, %get3A_0, %get3A_1] : memref<2x1264x64xf32, #tpu.memory_space<vmem>>, vector<1x1264x64xf32>
    %get3A_3 = vector.shape_cast %get3A_2 : vector<1x1264x64xf32> to vector<1264x64xf32>
    %get3A_4 = arith.constant 1 : index
    %get3A_5 = arith.constant 0 : index
    %get3A_6 = arith.constant 0 : index
    %get3A_7 = vector.load %arg1[%get3A_4, %get3A_5, %get3A_6] : memref<2x1264x64xf32, #tpu.memory_space<vmem>>, vector<1x1264x64xf32>
    %get3A_8 = vector.shape_cast %get3A_7 : vector<1x1264x64xf32> to vector<1264x64xf32>
    %add3A = arith.addf %get3A_3, %get3A_8 : vector<1264x64xf32>
    %get3A_9 = arith.constant 0 : index
    %get3A_10 = arith.constant 0 : index
    %get3A_11 = vector.load %arg2[%get3A_9, %get3A_10] : memref<1264x1xf32, #tpu.memory_space<vmem>>, vector<1264x1xf32>
    %mul3A = vector.broadcast %get3A_11 : vector<1264x1xf32> to vector<1264x64xf32>
    %mul3A_12 = arith.mulf %add3A, %mul3A : vector<1264x64xf32>
    %get3A_13 = arith.constant 0 : index
    %get3A_14 = arith.constant 0 : index
    %get3A_15 = vector.load %arg3[%get3A_13, %get3A_14] : memref<1x64xf32, #tpu.memory_space<vmem>>, vector<1x64xf32>
    %add3A_16 = vector.broadcast %get3A_15 : vector<1x64xf32> to vector<1264x64xf32>
    %add3A_17 = arith.addf %mul3A_12, %add3A_16 : vector<1264x64xf32>
    %reduce_max3A = arith.constant dense<0xFF800000> : vector<1264xf32>
    %reduce_max3A_18 = vector.multi_reduction <maximumf>, %add3A_17, %reduce_max3A [1] : vector<1264x64xf32> to vector<1264xf32>
    %broadcast_in_dim3A = vector.shape_cast %reduce_max3A_18 : vector<1264xf32> to vector<1264x1xf32>
    %sub3A = vector.broadcast %broadcast_in_dim3A : vector<1264x1xf32> to vector<1264x64xf32>
    %sub3A_19 = arith.subf %add3A_17, %sub3A : vector<1264x64xf32>
    %exp3A = math.exp %sub3A_19 : vector<1264x64xf32>
    %reduce_sum3A = arith.constant dense<0.000000e+00> : vector<1264xf32>
    %reduce_sum3A_20 = vector.multi_reduction <add>, %exp3A, %reduce_sum3A [1] : vector<1264x64xf32> to vector<1264xf32>
    %broadcast_in_dim3A_21 = vector.shape_cast %reduce_sum3A_20 : vector<1264xf32> to vector<1264x1xf32>
    %log3A = math.log %broadcast_in_dim3A_21 : vector<1264x1xf32>
    %add3A_22 = arith.addf %log3A, %broadcast_in_dim3A : vector<1264x1xf32>
    %sub3A_23 = vector.broadcast %add3A_22 : vector<1264x1xf32> to vector<1264x64xf32>
    %sub3A_24 = arith.subf %add3A_17, %sub3A_23 : vector<1264x64xf32>
    %swap3A = arith.constant 0 : index
    %swap3A_25 = arith.constant 0 : index
    %swap3A_26 = vector.load %arg4[%swap3A, %swap3A_25] : memref<1264x64xf32, #tpu.memory_space<vmem>>, vector<1264x64xf32>
    tpu.vector_store %arg4[%swap3A, %swap3A_25], %sub3A_24 {strides = array<i32>} : memref<1264x64xf32, #tpu.memory_space<vmem>>, vector<1264x64xf32>,
    return
  }
  func.func @transform_0(%arg0: i32) -> (i32, i32, i32) {
    %c0_i32 = arith.constant 0 : i32
    %c0_i32_0 = arith.constant 0 : i32
    %c0_i32_1 = arith.constant 0 : i32
    return %c0_i32, %arg0, %c0_i32_0 : i32, i32, i32
  }
  func.func @transform_1(%arg0: i32) -> (i32, i32) {
    %c0_i32 = arith.constant 0 : i32
    %c0_i32_0 = arith.constant 0 : i32
    return %arg0, %c0_i32 : i32, i32
  }
  func.func @transform_2(%arg0: i32) -> (i32, i32) {
    %c0_i32 = arith.constant 0 : i32
    %c0_i32_0 = arith.constant 0 : i32
    %c0_i32_1 = arith.constant 0 : i32
    return %c0_i32, %c0_i32_0 : i32, i32
  }
  func.func @transform_3(%arg0: i32) -> (i32, i32) {
    %c0_i32 = arith.constant 0 : i32
    %c0_i32_0 = arith.constant 0 : i32
    return %arg0, %c0_i32 : i32, i32
  }
}

</mosaic_0001>

<sc_bundles>
// kernel: kernel.12.cloned.1.call-start
scs
__scs_entry_jumppad:
0x0: {  	(pc) =	sbr.rel $0x88, $3  }
0x1: {  	(tag) =	ssettag $0x0;
	lr =	simm.s32 $0x1  }
0x2: {  	[smem:$0x3F9B] =	sst lr;
	_ =	strace $0xD0000000  }
0x3: {  	_ = 	snop  }
0x4: {  	_ = 	snop  }
0x5: {  	_ = 	snop  }
0x6: {  	_ = 	snop  }
0x7: {  	_ = 	snop  }
__scs_overlays_trampoline_lowered:
0x8: {  	[smem:$0x3FAA] =	sst s0  }
0x9: {  	[smem:$0x3FAB] =	sst s1  }
0xa: {  	[smem:$0x3FAC] =	sst s2  }
0xb: {  	[smem:$0x3FAD] =	sst s3  }
0xc: {  	[smem:$0x3FAE] =	sst s4  }
0xd: {  	[smem:$0x3FAF] =	sst s5  }
0xe: {  	[smem:$0x3FB0] =	sst s6  }
0xf: {  	[smem:$0x3FB1] =	sst s7  }
0x10: {  	[smem:$0x3FB2] =	sst s8  }
0x11: {  	[smem:$0x3FB3] =	sst s9;
	s0 =	simm.s32 @!p0 $0x0  }
0x12: {  	s1 =	sld [smem:$0x3F99];
	s0 =	simm.s32 @p0 $0x1  }
0x13: {  	[smem:$0x3FB4] =	sst s0;
	s0 =	simm.s32 @!p1 $0x0  }
0x14: {  	s2 =	sld [smem:$0x3F98];
	s0 =	simm.s32 @p1 $0x1  }
0x15: {  	[smem:$0x3FB5] =	sst s0;
	s0 =	simm.s32 @!p2 $0x0  }
0x16: {  	s3 =	sld [smem:$0x3FDB];
	s0 =	simm.s32 @p2 $0x1  }
0x17: {  	s4 =	simm.s32 $0x1BF5;
	[smem:$0x3FB7] =	sst s0  }
0x18: {  	s0 =	sld [smem:$0x3F9A];
	_ =	swait.ge [sflag:s4], $0x0  }
0x19: {  	s7 =	sld [smem:$0x3F9B]  }
0x1a: {  	s8 =	sadd.s32 $0xFFFFE003, lr  }
0x1b: {  	s9 =	sadd.s32 $0xFFFFFEF7, lr;
	s5 =	simm.s32 $0xFFFFFFFF;
	p2 =	slt.u32 s8, $0xFFFFF086  }
0x1c: {  	p1 =	slt.u32 s9, $0xF7A;
	s5 =	simm.s32 @!p2 $0x0  }
0x1d: {  	s5 =	simm.s32 @p1 $0x1;
	p0 =	seq.s32 s7, s2  }
0x1e: {  	s7 =	smul.u32 @!p0 $0xF7A, s2;
	p2 =	seq.s32 @!p0 s5, $0x0  }
0x1f: {  	s9 =	smul.u32 $0xF7A, s1;
	s8 =	simm.s32 @!p0 $0x1BF5;
	p2 =	por !p2, p0  }
0x20: {  	[sflag:s8] =	ssyncset.s32 @!p0 $0xFFFFF086;
	s6 =	sadd.s32 @!p0 s3, s7;
	s7 =	simm.s32 @!p0 $0x108  }
0x21: {  	s3 =	sadd.s32 s3, s9;
	s6 =	sadd.s32 @!p0 $0x88, s6;
	s7 =	simm.s32 @p2 $0x1082  }
0x22: {  	[simem:s7], [sflag:s8] =	dma.local @!p0 [hbm:s6], $0xF7A  }
0x23: {  	s9 =	sor.u32 $0xD0000000, s2;
	s6 =	simm.s32 $0x108;
	_ =	swait.ge @!p0 [sflag:s8], $0x0  }
0x24: {  	s3 =	sadd.s32 $0x88, s3;
	s6 =	simm.s32 @!p1 $0x1082;
	[sflag:s4] =	ssyncset.s32 $0xFFFFF086  }
0x25: {  	[simem:s6], [sflag:s4] =	dma.local [hbm:s3], $0xF7A  }
0x26: {  	[smem:$0x3F9B] =	sst s1;
	(tag) =	ssettag s2;
	_ =	strace s9  }
0x27: {  	s1 =	sld [smem:$0x3FAB]  }
0x28: {  	s2 =	sld [smem:$0x3FAC]  }
0x29: {  	s4 =	sld [smem:$0x3FAE]  }
0x2a: {  	p0 =	seq.s32 s5, $0x0;
	s5 =	sld [smem:$0x3FAF]  }
0x2b: {  	s6 =	sld [smem:$0x3FB0]  }
0x2c: {  	s7 =	sld [smem:$0x3FB1]  }
0x2d: {  	s3 =	simm.s32 $0x108;
	s8 =	sld [smem:$0x3FB2]  }
0x2e: {  	s3 =	simm.s32 @!p0 $0x1082;
	s9 =	sld [smem:$0x3FB3]  }
0x2f: {  	lr =	sadd.s32 s0, s3;
	s0 =	sld [smem:$0x3FAA]  }
0x30: {  	s3 =	sld [smem:$0x3FAD]  }
0x31: {  	[smem:$0x3FB6] =	sst s10  }
0x32: {  	s10 =	sld [smem:$0x3FB4];
	_ =	sdelay $0x3  }
0x33: {  	p0 =	seq.s32 s10, $0x1;
	s10 =	sld [smem:$0x3FB6];
	_ =	sdelay $0x3  }
0x34: {  	[smem:$0x3FB6] =	sst s10  }
0x35: {  	s10 =	sld [smem:$0x3FB5];
	_ =	sdelay $0x3  }
0x36: {  	p1 =	seq.s32 s10, $0x1;
	s10 =	sld [smem:$0x3FB6];
	_ =	sdelay $0x3  }
0x37: {  	[smem:$0x3FB6] =	sst s10  }
0x38: {  	s10 =	sld [smem:$0x3FB7]  }
0x39: {  	_ = 	snop;
	(pc) =	sbr.ind lr, $3  }
0x3a: {  	_ = 	snop  }
0x3b: {  	_ = 	snop  }
0x3c: {  	p2 =	seq.s32 s10, $0x1;
	s10 =	sld [smem:$0x3FB6]  }
0x3d: {  	_ =	shalt  }
0x3e: {  	_ =	shalt  }
0x3f: {  	_ =	shalt  }
0x40: {  	_ =	shalt  }
0x41: {  	_ =	shalt  }
0x42: {  	_ =	shalt  }
0x43: {  	_ =	shalt  }
0x44: {  	_ =	shalt  }
0x45: {  	_ =	shalt  }
0x46: {  	_ =	shalt  }
0x47: {  	_ =	shalt  }
0x48: {  	_ =	shalt  }
0x49: {  	_ =	shalt  }
0x4a: {  	_ =	shalt  }
0x4b: {  	_ =	shalt  }
0x4c: {  	_ =	shalt  }
0x4d: {  	_ =	shalt  }
0x4e: {  	_ =	shalt  }
0x4f: {  	_ =	shalt  }
0x50: {  	_ =	shalt  }
0x51: {  	_ =	shalt  }
0x52: {  	_ =	shalt  }
0x53: {  	_ =	shalt  }
0x54: {  	_ =	shalt  }
0x55: {  	_ =	shalt  }
0x56: {  	_ =	shalt  }
0x57: {  	_ =	shalt  }
0x58: {  	_ =	shalt  }
0x59: {  	_ =	shalt  }
0x5a: {  	_ =	shalt  }
0x5b: {  	_ =	shalt  }
0x5c: {  	_ =	shalt  }
0x5d: {  	_ =	shalt  }
0x5e: {  	_ =	shalt  }
0x5f: {  	_ =	shalt  }
0x60: {  	_ =	shalt  }
0x61: {  	_ =	shalt  }
0x62: {  	_ =	shalt  }
0x63: {  	_ =	shalt  }
0x64: {  	_ =	shalt  }
0x65: {  	_ =	shalt  }
0x66: {  	_ =	shalt  }
0x67: {  	_ =	shalt  }
0x68: {  	_ =	shalt  }
0x69: {  	_ =	shalt  }
0x6a: {  	_ =	shalt  }
0x6b: {  	_ =	shalt  }
0x6c: {  	_ =	shalt  }
0x6d: {  	_ =	shalt  }
0x6e: {  	_ =	shalt  }
0x6f: {  	_ =	shalt  }
0x70: {  	_ =	shalt  }
0x71: {  	_ =	shalt  }
0x72: {  	_ =	shalt  }
0x73: {  	_ =	shalt  }
0x74: {  	_ =	shalt  }
0x75: {  	_ =	shalt  }
0x76: {  	_ =	shalt  }
0x77: {  	_ =	shalt  }
0x78: {  	_ =	shalt  }
0x79: {  	_ =	shalt  }
0x7a: {  	_ =	shalt  }
0x7b: {  	_ =	shalt  }
0x7c: {  	_ =	shalt  }
0x7d: {  	_ =	shalt  }
0x7e: {  	_ =	shalt  }
0x7f: {  	_ =	shalt  }
0x80: {  	_ =	shalt  }
0x81: {  	_ =	shalt  }
0x82: {  	_ =	shalt  }
0x83: {  	_ =	shalt  }
0x84: {  	_ =	shalt  }
0x85: {  	_ =	shalt  }
0x86: {  	_ =	shalt  }
0x87: {  	_ =	shalt  }
.Lfunc_end0:
.L_simem_size_0:
called_computation.1_lowered:
.L_overlay_start_0:
0x88: {  	s2 =	sld [smem:$0x3FD9]  }
0x89: {  	s3 =	sld [smem:$0x3FFE];
	_ =	sdelay $0x1  }
0x8a: {  	s1 =	srdreg.scid  }
0x8b: {  	s0 =	sand.u32 $0x1, s1  }
0x8c: {  	s16 =	sshll.u32 s0, $0xA;
	s2 =	sadd.s32 s3, s2  }
0x8d: {  	s2 =	sadd.s32 s2, s16  }
0x8e: {  	[smem:$0x3FC2] =	sst s2  }
0x8f: {  	_ = 	snop  }
0x90: {  	(tm) =	ssettm $0x1  }
0x91: {  	s17 =	sld [smem:$0x3FFB];
	_ =	sdelay $0x3  }
0x92: {  	_ =	strace s17  }
0x93: {  	s2 =	sld [smem:$0x3FFC];
	_ =	sdelay $0x3  }
0x94: {  	_ =	strace s2  }
0x95: {  	s2 =	sld [smem:$0x3FFD];
	_ =	sdelay $0x3  }
0x96: {  	_ =	strace s2  }
0x97: {  	_ =	strace $0x8FFFFFFF  }
0x98: {  	s18 =	sld [smem:$0x3FDB];
	_ =	sdelay $0x1  }
0x99: {  	s19 =	simm.s32 $_scs_section_size  }
0x9a: {  	s4 =	simm.s32 $_size__tile_overlayer_lowered;
	s5 =	simm.s32 $_tile_overlayer_lowered  }
0x9b: {  	s22 =	simm.s32 $0x1BFF;
	s21 =	sshll.u32 s5, $0x1;
	s2 =	sadd.s32 s19, s18  }
0x9c: {  	s6 =	simm.s32 $0x0;
	s20 =	sshll.u32 s4, $0x1;
	s4 =	sadd.s32 s21, s2  }
0x9d: {  	[timem:s6], [sflag:s22] =	dma.local [hbm:s4], s20  }
0x9e: {  	_ =	swait.ge [sflag:s22], s20  }
0x9f: {  	s3 =	ssub.s32 $0x0, s20;
	[sflag:s22] =	ssyncset.done $0x0  }
0xa0: {  	[sflag:s22] =	ssyncadd.s32 s3;
	_ =	sdelay $0x1  }
0xa1: {  	s23 =	simm.s32 $0x1B8B  }
0xa2: {  	_ =	swait.ge [sflag:s23], $0x1  }
0xa3: {  	[sflag:s23] =	ssyncset.done $0x0  }
0xa4: {  	s25 =	simm.s32 $0x1B8E;
	s24 =	sld [smem:$0x3FFE];
	[sflag:s23] =	ssyncadd.s32 $0xFFFFFFFF  }
0xa5: {  	s26 =	simm.s32 $execute0_lowered;
	[smem:$0x3FD2] =	sst s25  }
0xa6: {  	s4 =	sshll.u32 s26, $0x1;
	_ =	strace $0x80000049;
	[dreg:$0x1] =	wrdreg $0xFFFFFFFF  }
0xa7: {  	s28 =	simm.s32 $_size_execute0_lowered;
	s2 =	sadd.s32 s2, s4;
	[dreg:$0x0] =	wrdreg $0x0  }
0xa8: {  	s4 =	sshll.u32 s28, $0x1;
	[dreg:$0x2] =	wrdreg s2  }
0xa9: {  	[dreg:$0x3] =	wrdreg s4  }
0xaa: {  	[dreg:$0x4] =	wrdreg $0xC0  }
0xab: {  	_ =	task [dreg:s6], $0x5FFFF  }
0xac: {  	[dreg:$0x1] =	wrdreg $0xFFFFFFFF  }
0xad: {  	[dreg:$0x0] =	wrdreg $0x60  }
0xae: {  	[dreg:$0x2] =	wrdreg s24  }
0xaf: {  	[dreg:$0x3] =	wrdreg $0xA5000  }
0xb0: {  	[dreg:$0x4] =	wrdreg $0x9  }
0xb1: {  	_ =	task.clear_ibuf [dreg:s6], $0x5FFFF;
	_ =	strace $0x90000049  }
0xb2: {  	s29 =	simm.s32 $0x9;
	_ =	strace $0x8000004B  }
0xb3: {  	_ =	swait.ge [sflag:s29], $0x1  }
0xb4: {  	[sflag:s29] =	ssyncadd.s32 $0xFFFFFFFF  }
0xb5: {  	_ =	strace $0x9000004B  }
0xb6: {  	_ =	sfence  }
0xb7: {  	s30 =	sld [smem:$0x0];
	_ =	sdelay $0x2  }
0xb8: {  	s31 =	sshll.u32 s1, $0xD;
	s1 =	sshrl.u32 s1, $0x2  }
0xb9: {  	s3 =	sand.u32 $0x4000, s31;
	s1 =	sadd.s32 s1, s30  }
0xba: {  	s0 =	sor.u32 s3, s0;
	s1 =	sshll.u32 s1, $0x11  }
0xbb: {  	s0 =	sor.u32 s1, s0  }
0xbc: {  	s0 =	sadd.s32 $0x8F2B, s0  }
0xbd: {  	[sflag:s0] =	ssyncadd.remote.s32 $0x1  }
0xbe: {  	_ =	sfence.sel $0xFFFF  }
0xbf: {  	[dreg:$0x0] =	wrdreg $0xFFFFFFFF;
	(pc) =	sbr.abs _section_cstart, $3  }
0xc0: {  	[dreg:$0x1] =	wrdreg $0xFFFFFFFF  }
0xc1: {  	_ =	task.clear_ibuf [dreg:s6], $0x2FFFF;
	_ =	strace $0x9FFFFFFF  }
0xc2: {  	(tm) =	ssettm $0x7FFFFFFF  }
0xc3: {  	_ =	shalt  }
tec
execute0_lowered:
.L_overlay_start_1:
0x0: {  	(tag) =	ssettag $0x1  }
0x1: {  	s0 =	rddreg [dreg:$0x0];
	s9 =	stileid.u32  }
0x2: {  	s1 =	srdreg.scid;
	s2 =	rddreg [dreg:$0x1]  }
0x3: {  	s3 =	simm.s32 $0x0;
	s13 =	simm.s32 $0xB;
	s14 =	simm.s32 $0x40  }
0x4: {  	s28 =	simm.s32 $0x8500;
	s29 =	simm.s32 $0x2;
	s5 =	smul.u32 $0x1400, s9  }
0x5: {  	s31 =	simm.s32 $0x6;
	s11 =	simm.s32 $0x480;
	s7 =	smul.u32 $0x13C00, s9  }
0x6: {  	s30 =	simm.s32 $0x0;
	s1 =	sand.u32 $0x1, s1;
	s19 =	smul.u32 $0x278, s9  }
0x7: {  	[smem:$0x7FF] =	sst s3;
	s4 =	sadd.s32 $0x1A00, s0;
	s21 =	smul.u32 $0x4F000, s9  }
0x8: {  	s26 =	sshll.u32 s9, $0x6;
	s9 =	simm.s32 $0x8;
	s6 =	smul.u32 $0x13C000, s1  }
0x9: {  	_ =	strace $0x8000004A;
	s16 =	ssub.s32 $0x2, s1;
	s12 =	smul.u32 $0x2780, s1  }
0xa: {  	s1 =	simm.s32 $0x3;
	s8 =	sadd.s32 s5, s0;
	s18 =	sshrl.u32 s16, $0x1  }
0xb: {  	s15 =	sadd.s32 s7, s6;
	s20 =	ssub.s32 s16, s18;
	s5 =	sadd.s32 $0x51400, s8  }
0xc: {  	s10 =	sadd.s32 $0x51420, s8;
	s7 =	sadd.s32 s19, s12;
	s22 =	sadd.s32 $0x51440, s8  }
0xd: {  	s6 =	sshrl.u32 s21, $0x2;
	s23 =	sadd.s32 $0x51460, s8;
	s24 =	sadd.s32 $0x51480, s8  }
0xe: {  	s16 =	simm.s32 $0x100;
	s18 =	simm.s32 $0x200;
	s19 =	simm.s32 $0x4500  }
0xf: {  	s21 =	sor.u32 $0x1C0B, s26;
	s26 =	simm.s32 $0x400;
	[dreg:$0x3] =	wrdreg s10  }
0x10: {  	s8 =	simm.s32 $0x380;
	v0 =	vmov s12;
	s12 =	simm.s32 $0x9;
	[dreg:$0x4] =	wrdreg s22  }
0x11: {  	s17 =	sshrl.u32 s15, $0x3;
	s7 =	sshll.u32 s7, $0x4;
	[dreg:$0x6] =	wrdreg s23  }
0x12: {  	s6 =	sadd.s32 s6, s2;
	[dreg:$0x7] =	wrdreg s24;
	s25 =	smax.u32 s20, $0x1  }
0x13: {  	s15 =	simm.s32 $0x500;
	s22 =	simm.s32 $0x300;
	s23 =	simm.s32 $0x6500  }
0x14: {  	s24 =	simm.s32 $0x1;
	s10 =	simm.s32 $0x5;
	[dreg:$0xa] =	wrdreg s21  }
0x15: {  	s20 =	simm.s32 $0xA;
	s7 =	sadd.s32 s4, s7;
	[dreg:$0x9] =	wrdreg s25  }
0x16: {  	s0 =	sadd.s32 s17, s0;
	s25 =	sshrl.u32 s6, $0x3;
	[dreg:$0x5] =	wrdreg s7  }
0x17: {  	s17 =	simm.s32 $0x2500;
	s0 =	sadd.s32 $0x65400, s0;
	[dreg:$0xb] =	wrdreg s25  }
0x18: {  	s6 =	simm.s32 $0x7;
	s7 =	simm.s32 $0x4;
	[dreg:$0x8] =	wrdreg s0  }
.LBB2_1:
0x19: {  	[dreg:$0xc] =	wrdreg s30  }
0x1a: {  	[tilespmem:s3], [sflag:$0xB] =	stream.linear.gather [hbm4b:s5+s3], $0x100, $0x38;
	[tilespmem:$0x1E100] =	vst v63  }
0x1b: {  	_ =	swait.ge [sflag:s13], $0x100  }
0x1c: {  	[sflag:s13] =	ssyncset.done $0x0  }
0x1d: {  	[sflag:s13] =	ssyncadd.s32 $0xFFFFFF00  }
0x1e: {  	v1 =	vld [tilespmem:$0x0]  }
0x1f: {  	v2 =	vld [tilespmem:$0x10]  }
0x20: {  	v3 =	vld [tilespmem:$0x20]  }
0x21: {  	v4 =	vld [tilespmem:$0x30];
	_ =	sdelay $0x1  }
0x22: {  	v1 =	vadd.s32 v0, v1  }
0x23: {  	[tilespmem:$0x0] =	vst v1;
	v1 =	vadd.s32 v0, v2  }
0x24: {  	[tilespmem:$0x10] =	vst v1;
	v1 =	vadd.s32 v0, v3  }
0x25: {  	[tilespmem:$0x20] =	vst v1;
	v1 =	vadd.s32 v0, v4  }
0x26: {  	[tilespmem:$0x30] =	vst v1  }
0x27: {  	[tilespmem:s15], [sflag:$0x1] =	stream.indirect.gather [hbm4b:s4+s14], $0x80, s3, s14, $0xb8;
	[tilespmem:$0x1E100] =	vst v63  }
0x28: {  	s0 =	rddreg [dreg:$0x3]  }
0x29: {  	[tilespmem:s16], [sflag:$0xB] =	stream.linear.gather [hbm4b:s0+s3], $0x100, $0x38;
	[tilespmem:$0x1E100] =	vst v63  }
0x2a: {  	_ =	swait.ge [sflag:s13], $0x100  }
0x2b: {  	[sflag:s13] =	ssyncset.done $0x0  }
0x2c: {  	[sflag:s13] =	ssyncadd.s32 $0xFFFFFF00  }
0x2d: {  	v1 =	vld [tilespmem:$0x100]  }
0x2e: {  	v2 =	vld [tilespmem:$0x110]  }
0x2f: {  	v3 =	vld [tilespmem:$0x120]  }
0x30: {  	v58 =	vld [tilespmem:$0x130];
	_ =	sdelay $0x1  }
0x31: {  	v1 =	vadd.s32 v0, v1  }
0x32: {  	[tilespmem:$0x100] =	vst v1;
	v1 =	vadd.s32 v0, v2  }
0x33: {  	[tilespmem:$0x110] =	vst v1;
	v1 =	vadd.s32 v0, v3  }
0x34: {  	[tilespmem:$0x120] =	vst v1;
	v1 =	vadd.s32 v0, v58  }
0x35: {  	[tilespmem:$0x130] =	vst v1  }
0x36: {  	[tilespmem:s17], [sflag:$0x2] =	stream.indirect.gather [hbm4b:s4+s14], $0x80, s16, s14, $0xb8;
	[tilespmem:$0x1E100] =	vst v63  }
0x37: {  	s30 =	rddreg [dreg:$0x4]  }
0x38: {  	[tilespmem:s18], [sflag:$0xB] =	stream.linear.gather [hbm4b:s30+s3], $0x100, $0x38;
	[tilespmem:$0x1E100] =	vst v63  }
0x39: {  	_ =	swait.ge [sflag:s13], $0x100  }
0x3a: {  	[sflag:s13] =	ssyncset.done $0x0  }
0x3b: {  	[sflag:s13] =	ssyncadd.s32 $0xFFFFFF00  }
0x3c: {  	v1 =	vld [tilespmem:$0x200]  }
0x3d: {  	v2 =	vld [tilespmem:$0x210]  }
0x3e: {  	v3 =	vld [tilespmem:$0x220]  }
0x3f: {  	v59 =	vld [tilespmem:$0x230];
	_ =	sdelay $0x1  }
0x40: {  	v1 =	vadd.s32 v0, v1  }
0x41: {  	[tilespmem:$0x200] =	vst v1;
	v1 =	vadd.s32 v0, v2  }
0x42: {  	[tilespmem:$0x210] =	vst v1;
	v1 =	vadd.s32 v0, v3  }
0x43: {  	[tilespmem:$0x220] =	vst v1;
	v1 =	vadd.s32 v0, v59  }
0x44: {  	s30 =	rddreg [dreg:$0x5];
	[tilespmem:$0x230] =	vst v1  }
0x45: {  	[tilespmem:s19], [sflag:$0x3] =	stream.indirect.gather [hbm4b:s4+s14], $0x80, s18, s14, $0xb8;
	[tilespmem:$0x1E100] =	vst v63  }
0x46: {  	[spmem:s25], [sflag:s21] =	dma.local [hbm:s30], $0x2780  }
0x47: {  	_ =	swait.ge [sflag:s13], $0x2780  }
0x48: {  	[sflag:s13] =	ssyncset.done $0x0  }
0x49: {  	[sflag:s13] =	ssyncadd.s32 $0xFFFFD880  }
0x4a: {  	[bflag:$0x0] =	sbarrier.arrive $0xFFFF  }
0x4b: {  	s30 =	rddreg [dreg:$0x6]  }
0x4c: {  	[tilespmem:s22], [sflag:$0xB] =	stream.linear.gather [hbm4b:s30+s3], $0x100, $0x38;
	[tilespmem:$0x1E100] =	vst v63  }
0x4d: {  	_ =	swait.ge [sflag:s13], $0x100  }
0x4e: {  	[sflag:s13] =	ssyncset.done $0x0  }
0x4f: {  	[sflag:s13] =	ssyncadd.s32 $0xFFFFFF00  }
0x50: {  	v1 =	vld [tilespmem:$0x300]  }
0x51: {  	v2 =	vld [tilespmem:$0x310]  }
0x52: {  	v3 =	vld [tilespmem:$0x320]  }
0x53: {  	v60 =	vld [tilespmem:$0x330];
	_ =	sdelay $0x1  }
0x54: {  	v1 =	vadd.s32 v0, v1  }
0x55: {  	[tilespmem:$0x300] =	vst v1;
	v1 =	vadd.s32 v0, v2  }
0x56: {  	[tilespmem:$0x310] =	vst v1;
	v1 =	vadd.s32 v0, v3  }
0x57: {  	[tilespmem:$0x320] =	vst v1;
	v1 =	vadd.s32 v0, v60  }
0x58: {  	[tilespmem:$0x330] =	vst v1  }
0x59: {  	[tilespmem:s23], [sflag:$0x4] =	stream.indirect.gather [hbm4b:s4+s14], $0x80, s22, s14, $0xb8;
	[tilespmem:$0x1E100] =	vst v63  }
0x5a: {  	_ =	swait.ge [sflag:s24], $0x2000  }
0x5b: {  	[sflag:s24] =	ssyncset.done $0x0  }
0x5c: {  	s21 =	simm.s32 $0x80;
	[sflag:s24] =	ssyncadd.s32 $0xFFFFE000  }
0x5d: {  	[spmem:s2] =	stream.indirect.scatter.add.f32 [tilespmem:s15], [sflag:$0x6], $0x80, s21, s14, $0xb8;
	[tilespmem:$0x1E100] =	vst v63  }
0x5e: {  	s25 =	rddreg [dreg:$0x7]  }
0x5f: {  	[tilespmem:s26], [sflag:$0xB] =	stream.linear.gather [hbm4b:s25+s3], $0x100, $0x38;
	[tilespmem:$0x1E100] =	vst v63  }
0x60: {  	_ =	swait.ge [sflag:s13], $0x100  }
0x61: {  	[sflag:s13] =	ssyncset.done $0x0  }
0x62: {  	[sflag:s13] =	ssyncadd.s32 $0xFFFFFF00  }
0x63: {  	v1 =	vld [tilespmem:$0x400]  }
0x64: {  	v2 =	vld [tilespmem:$0x410]  }
0x65: {  	v3 =	vld [tilespmem:$0x420]  }
0x66: {  	v61 =	vld [tilespmem:$0x430];
	_ =	sdelay $0x1  }
0x67: {  	v1 =	vadd.s32 v0, v1  }
0x68: {  	[tilespmem:$0x400] =	vst v1;
	v1 =	vadd.s32 v0, v2  }
0x69: {  	[tilespmem:$0x410] =	vst v1;
	v1 =	vadd.s32 v0, v3  }
0x6a: {  	[tilespmem:$0x420] =	vst v1;
	v1 =	vadd.s32 v0, v61  }
0x6b: {  	[tilespmem:$0x430] =	vst v1  }
0x6c: {  	[tilespmem:s28], [sflag:$0x5] =	stream.indirect.gather [hbm4b:s4+s14], $0x80, s26, s14, $0xb8;
	[tilespmem:$0x1E100] =	vst v63  }
0x6d: {  	_ =	swait.ge [sflag:s29], $0x2000  }
0x6e: {  	[sflag:s29] =	ssyncset.done $0x0  }
0x6f: {  	s30 =	simm.s32 $0x180;
	[sflag:s29] =	ssyncadd.s32 $0xFFFFE000  }
0x70: {  	[spmem:s2] =	stream.indirect.scatter.add.f32 [tilespmem:s17], [sflag:$0x7], $0x80, s30, s14, $0xb8;
	[tilespmem:$0x1E100] =	vst v63  }
0x71: {  	_ =	swait.ge [sflag:s31], $0x2000  }
0x72: {  	s21 =	sadd.s32 $0x0, s5;
	[sflag:s31] =	ssyncset.done $0x0  }
0x73: {  	s0 =	sadd.s32 $0xA0, s21;
	[sflag:s31] =	ssyncadd.s32 $0xFFFFE000  }
0x74: {  	[tilespmem:s3], [sflag:$0xB] =	stream.linear.gather [hbm4b:s0+s3], $0x100, $0x38;
	[tilespmem:$0x1E100] =	vst v63  }
0x75: {  	_ =	swait.ge [sflag:s13], $0x100  }
0x76: {  	[sflag:s13] =	ssyncset.done $0x0  }
0x77: {  	[sflag:s13] =	ssyncadd.s32 $0xFFFFFF00  }
0x78: {  	v1 =	vld [tilespmem:$0x30]  }
0x79: {  	v2 =	vld [tilespmem:$0x20]  }
0x7a: {  	v3 =	vld [tilespmem:$0x0]  }
0x7b: {  	v62 =	vld [tilespmem:$0x10];
	_ =	sdelay $0x1  }
0x7c: {  	v1 =	vadd.s32 v0, v1  }
0x7d: {  	v2 =	vadd.s32 v0, v2;
	[tilespmem:$0x30] =	vst v1  }
0x7e: {  	v1 =	vadd.s32 v0, v3;
	[tilespmem:$0x20] =	vst v2  }
0x7f: {  	[tilespmem:$0x0] =	vst v1;
	v1 =	vadd.s32 v0, v62  }
0x80: {  	[tilespmem:$0x10] =	vst v1  }
0x81: {  	[tilespmem:s15], [sflag:$0x1] =	stream.indirect.gather [hbm4b:s4+s14], $0x80, s3, s14, $0xb8;
	[tilespmem:$0x1E100] =	vst v63  }
0x82: {  	_ =	swait.ge [sflag:s1], $0x2000  }
0x83: {  	[sflag:s1] =	ssyncset.done $0x0  }
0x84: {  	s30 =	simm.s32 $0x280;
	[sflag:s1] =	ssyncadd.s32 $0xFFFFE000  }
0x85: {  	[spmem:s2] =	stream.indirect.scatter.add.f32 [tilespmem:s19], [sflag:$0x8], $0x80, s30, s14, $0xb8;
	[tilespmem:$0x1E100] =	vst v63  }
0x86: {  	_ =	swait.ge [sflag:s6], $0x2000  }
0x87: {  	[sflag:s6] =	ssyncset.done $0x0  }
0x88: {  	s0 =	sadd.s32 $0xC0, s21;
	[sflag:s6] =	ssyncadd.s32 $0xFFFFE000  }
0x89: {  	[tilespmem:s16], [sflag:$0xB] =	stream.linear.gather [hbm4b:s0+s3], $0x100, $0x38;
	[tilespmem:$0x1E100] =	vst v63  }
0x8a: {  	_ =	swait.ge [sflag:s13], $0x100  }
0x8b: {  	[sflag:s13] =	ssyncset.done $0x0  }
0x8c: {  	[sflag:s13] =	ssyncadd.s32 $0xFFFFFF00  }
0x8d: {  	v1 =	vld [tilespmem:$0x100]  }
0x8e: {  	v2 =	vld [tilespmem:$0x110]  }
0x8f: {  	v3 =	vld [tilespmem:$0x120]  }
0x90: {  	v63 =	vld [tilespmem:$0x130];
	_ =	sdelay $0x1  }
0x91: {  	v1 =	vadd.s32 v0, v1  }
0x92: {  	[tilespmem:$0x100] =	vst v1;
	v1 =	vadd.s32 v0, v2  }
0x93: {  	[tilespmem:$0x110] =	vst v1;
	v1 =	vadd.s32 v0, v3  }
0x94: {  	[tilespmem:$0x120] =	vst v1;
	v1 =	vadd.s32 v0, v63  }
0x95: {  	[tilespmem:$0x130] =	vst v1  }
0x96: {  	[tilespmem:s17], [sflag:$0x2] =	stream.indirect.gather [hbm4b:s4+s14], $0x80, s16, s14, $0xb8;
	[tilespmem:$0x1E100] =	vst v63  }
0x97: {  	_ =	swait.ge [sflag:s7], $0x2000  }
0x98: {  	[sflag:s7] =	ssyncset.done $0x0  }
0x99: {  	[sflag:s7] =	ssyncadd.s32 $0xFFFFE000  }
0x9a: {  	[spmem:s2] =	stream.indirect.scatter.add.f32 [tilespmem:s23], [sflag:$0x9], $0x80, s8, s14, $0xb8;
	[tilespmem:$0x1E100] =	vst v63  }
0x9b: {  	_ =	swait.ge [sflag:s9], $0x2000  }
0x9c: {  	[sflag:s9] =	ssyncset.done $0x0  }
0x9d: {  	s30 =	sadd.s32 $0xE0, s21;
	[sflag:s9] =	ssyncadd.s32 $0xFFFFE000  }
0x9e: {  	[tilespmem:s18], [sflag:$0xB] =	stream.linear.gather [hbm4b:s30+s3], $0x100, $0x38;
	[tilespmem:$0x1E100] =	vst v63  }
0x9f: {  	_ =	swait.ge [sflag:s13], $0x100  }
0xa0: {  	[sflag:s13] =	ssyncset.done $0x0  }
0xa1: {  	[sflag:s13] =	ssyncadd.s32 $0xFFFFFF00  }
0xa2: {  	v2 =	vld [tilespmem:$0x200]  }
0xa3: {  	s25 =	simm.s32 $0xA0;
	v1 =	vld [tilespmem:$0x210]  }
.LBB2_2:
0xa4: {  	p0 =	sne.s32 s25, $0x12C0;
	v3 =	vld [tilespmem:$0x220];
	s30 =	smov.u32 s25;
	s25 =	sadd.s32 $0xA0, s25  }
0xa5: {  	v4 =	vld [tilespmem:$0x230];
	_ =	sdelay $0x1  }
0xa6: {  	v2 =	vadd.s32 v0, v2  }
0xa7: {  	[tilespmem:$0x200] =	vst v2;
	v1 =	vadd.s32 v0, v1  }
0xa8: {  	[tilespmem:$0x210] =	vst v1;
	v1 =	vadd.s32 v0, v3  }
0xa9: {  	[tilespmem:$0x220] =	vst v1;
	v1 =	vadd.s32 v0, v4  }
0xaa: {  	[tilespmem:$0x230] =	vst v1  }
0xab: {  	[tilespmem:s19], [sflag:$0x3] =	stream.indirect.gather [hbm4b:s4+s14], $0x80, s18, s14, $0xb8;
	[tilespmem:$0x1E100] =	vst v63  }
0xac: {  	_ =	swait.ge [sflag:s10], $0x2000  }
0xad: {  	[sflag:s10] =	ssyncset.done $0x0  }
0xae: {  	[sflag:s10] =	ssyncadd.s32 $0xFFFFE000  }
0xaf: {  	[spmem:s2] =	stream.indirect.scatter.add.f32 [tilespmem:s28], [sflag:$0xA], $0x80, s11, s14, $0xb8;
	[tilespmem:$0x1E100] =	vst v63  }
0xb0: {  	_ =	swait.ge [sflag:s12], $0x2000  }
0xb1: {  	[sflag:s12] =	ssyncset.done $0x0  }
0xb2: {  	s0 =	sadd.s32 $0x100, s21;
	[sflag:s12] =	ssyncadd.s32 $0xFFFFE000  }
0xb3: {  	[tilespmem:s22], [sflag:$0xB] =	stream.linear.gather [hbm4b:s0+s3], $0x100, $0x38;
	[tilespmem:$0x1E100] =	vst v63  }
0xb4: {  	_ =	swait.ge [sflag:s13], $0x100  }
0xb5: {  	[sflag:s13] =	ssyncset.done $0x0  }
0xb6: {  	[sflag:s13] =	ssyncadd.s32 $0xFFFFFF00  }
0xb7: {  	v1 =	vld [tilespmem:$0x300]  }
0xb8: {  	v2 =	vld [tilespmem:$0x310]  }
0xb9: {  	v3 =	vld [tilespmem:$0x320]  }
0xba: {  	v4 =	vld [tilespmem:$0x330];
	_ =	sdelay $0x1  }
0xbb: {  	v1 =	vadd.s32 v0, v1  }
0xbc: {  	[tilespmem:$0x300] =	vst v1;
	v1 =	vadd.s32 v0, v2  }
0xbd: {  	[tilespmem:$0x310] =	vst v1;
	v1 =	vadd.s32 v0, v3  }
0xbe: {  	[tilespmem:$0x320] =	vst v1;
	v1 =	vadd.s32 v0, v4  }
0xbf: {  	[tilespmem:$0x330] =	vst v1  }
0xc0: {  	[tilespmem:s23], [sflag:$0x4] =	stream.indirect.gather [hbm4b:s4+s14], $0x80, s22, s14, $0xb8;
	[tilespmem:$0x1E100] =	vst v63  }
0xc1: {  	_ =	swait.ge [sflag:s24], $0x2000  }
0xc2: {  	[sflag:s24] =	ssyncset.done $0x0  }
0xc3: {  	s0 =	simm.s32 $0x80;
	[sflag:s24] =	ssyncadd.s32 $0xFFFFE000  }
0xc4: {  	[spmem:s2] =	stream.indirect.scatter.add.f32 [tilespmem:s15], [sflag:$0x6], $0x80, s0, s14, $0xb8;
	[tilespmem:$0x1E100] =	vst v63  }
0xc5: {  	_ =	swait.ge [sflag:s20], $0x2000  }
0xc6: {  	[sflag:s20] =	ssyncset.done $0x0  }
0xc7: {  	s0 =	sadd.s32 $0x120, s21;
	[sflag:s20] =	ssyncadd.s32 $0xFFFFE000  }
0xc8: {  	[tilespmem:s26], [sflag:$0xB] =	stream.linear.gather [hbm4b:s0+s3], $0x100, $0x38;
	[tilespmem:$0x1E100] =	vst v63  }
0xc9: {  	_ =	swait.ge [sflag:s13], $0x100  }
0xca: {  	[sflag:s13] =	ssyncset.done $0x0  }
0xcb: {  	[sflag:s13] =	ssyncadd.s32 $0xFFFFFF00  }
0xcc: {  	v1 =	vld [tilespmem:$0x400]  }
0xcd: {  	v2 =	vld [tilespmem:$0x420]  }
0xce: {  	v3 =	vld [tilespmem:$0x430]  }
0xcf: {  	v4 =	vld [tilespmem:$0x410];
	_ =	sdelay $0x1  }
0xd0: {  	v1 =	vadd.s32 v0, v1  }
0xd1: {  	[tilespmem:$0x400] =	vst v1;
	v1 =	vadd.s32 v0, v2  }
0xd2: {  	[tilespmem:$0x420] =	vst v1;
	v1 =	vadd.s32 v0, v3  }
0xd3: {  	v2 =	vadd.s32 v0, v4;
	[tilespmem:$0x430] =	vst v1  }
0xd4: {  	[tilespmem:$0x410] =	vst v2  }
0xd5: {  	[tilespmem:s28], [sflag:$0x5] =	stream.indirect.gather [hbm4b:s4+s14], $0x80, s26, s14, $0xb8;
	[tilespmem:$0x1E100] =	vst v63  }
0xd6: {  	_ =	swait.ge [sflag:s29], $0x2000  }
0xd7: {  	[sflag:s29] =	ssyncset.done $0x0  }
0xd8: {  	s0 =	simm.s32 $0x180;
	[sflag:s29] =	ssyncadd.s32 $0xFFFFE000  }
0xd9: {  	[spmem:s2] =	stream.indirect.scatter.add.f32 [tilespmem:s17], [sflag:$0x7], $0x80, s0, s14, $0xb8;
	[tilespmem:$0x1E100] =	vst v63  }
0xda: {  	_ =	swait.ge [sflag:s31], $0x2000  }
0xdb: {  	s21 =	sadd.s32 s30, s5;
	[sflag:s31] =	ssyncset.done $0x0  }
0xdc: {  	s0 =	sadd.s32 $0xA0, s21;
	[sflag:s31] =	ssyncadd.s32 $0xFFFFE000  }
0xdd: {  	[tilespmem:s3], [sflag:$0xB] =	stream.linear.gather [hbm4b:s0+s3], $0x100, $0x38;
	[tilespmem:$0x1E100] =	vst v63  }
0xde: {  	_ =	swait.ge [sflag:s13], $0x100  }
0xdf: {  	[sflag:s13] =	ssyncset.done $0x0  }
0xe0: {  	[sflag:s13] =	ssyncadd.s32 $0xFFFFFF00  }
0xe1: {  	v1 =	vld [tilespmem:$0x30]  }
0xe2: {  	v2 =	vld [tilespmem:$0x20]  }
0xe3: {  	v3 =	vld [tilespmem:$0x0]  }
0xe4: {  	v4 =	vld [tilespmem:$0x10];
	_ =	sdelay $0x1  }
0xe5: {  	v1 =	vadd.s32 v0, v1  }
0xe6: {  	v2 =	vadd.s32 v0, v2;
	[tilespmem:$0x30] =	vst v1  }
0xe7: {  	v1 =	vadd.s32 v0, v3;
	[tilespmem:$0x20] =	vst v2  }
0xe8: {  	[tilespmem:$0x0] =	vst v1;
	v1 =	vadd.s32 v0, v4  }
0xe9: {  	[tilespmem:$0x10] =	vst v1  }
0xea: {  	[tilespmem:s15], [sflag:$0x1] =	stream.indirect.gather [hbm4b:s4+s14], $0x80, s3, s14, $0xb8;
	[tilespmem:$0x1E100] =	vst v63  }
0xeb: {  	_ =	swait.ge [sflag:s1], $0x2000  }
0xec: {  	[sflag:s1] =	ssyncset.done $0x0  }
0xed: {  	s0 =	simm.s32 $0x280;
	[sflag:s1] =	ssyncadd.s32 $0xFFFFE000  }
0xee: {  	[spmem:s2] =	stream.indirect.scatter.add.f32 [tilespmem:s19], [sflag:$0x8], $0x80, s0, s14, $0xb8;
	[tilespmem:$0x1E100] =	vst v63  }
0xef: {  	_ =	swait.ge [sflag:s6], $0x2000  }
0xf0: {  	[sflag:s6] =	ssyncset.done $0x0  }
0xf1: {  	s0 =	sadd.s32 $0xC0, s21;
	[sflag:s6] =	ssyncadd.s32 $0xFFFFE000  }
0xf2: {  	[tilespmem:s16], [sflag:$0xB] =	stream.linear.gather [hbm4b:s0+s3], $0x100, $0x38;
	[tilespmem:$0x1E100] =	vst v63  }
0xf3: {  	_ =	swait.ge [sflag:s13], $0x100  }
0xf4: {  	[sflag:s13] =	ssyncset.done $0x0  }
0xf5: {  	[sflag:s13] =	ssyncadd.s32 $0xFFFFFF00  }
0xf6: {  	v1 =	vld [tilespmem:$0x100]  }
0xf7: {  	v2 =	vld [tilespmem:$0x110]  }
0xf8: {  	v3 =	vld [tilespmem:$0x120]  }
0xf9: {  	v4 =	vld [tilespmem:$0x130];
	_ =	sdelay $0x1  }
0xfa: {  	v1 =	vadd.s32 v0, v1  }
0xfb: {  	[tilespmem:$0x100] =	vst v1;
	v1 =	vadd.s32 v0, v2  }
0xfc: {  	[tilespmem:$0x110] =	vst v1;
	v1 =	vadd.s32 v0, v3  }
0xfd: {  	[tilespmem:$0x120] =	vst v1;
	v1 =	vadd.s32 v0, v4  }
0xfe: {  	[tilespmem:$0x130] =	vst v1  }
0xff: {  	[tilespmem:s17], [sflag:$0x2] =	stream.indirect.gather [hbm4b:s4+s14], $0x80, s16, s14, $0xb8;
	[tilespmem:$0x1E100] =	vst v63  }
0x100: {  	_ =	swait.ge [sflag:s7], $0x2000  }
0x101: {  	[sflag:s7] =	ssyncset.done $0x0  }
0x102: {  	[sflag:s7] =	ssyncadd.s32 $0xFFFFE000  }
0x103: {  	[spmem:s2] =	stream.indirect.scatter.add.f32 [tilespmem:s23], [sflag:$0x9], $0x80, s8, s14, $0xb8;
	[tilespmem:$0x1E100] =	vst v63  }
0x104: {  	_ =	swait.ge [sflag:s9], $0x2000  }
0x105: {  	[sflag:s9] =	ssyncset.done $0x0  }
0x106: {  	s0 =	sadd.s32 $0xE0, s21;
	[sflag:s9] =	ssyncadd.s32 $0xFFFFE000  }
0x107: {  	[tilespmem:s18], [sflag:$0xB] =	stream.linear.gather [hbm4b:s0+s3], $0x100, $0x38;
	[tilespmem:$0x1E100] =	vst v63  }
.Ltmp0:
0x108: {  	_ =	swait.ge [sflag:s13], $0x100;
	(pc) =	sbr.rel @p0 .LBB2_2-.Ltmp0, $4  }
0x109: {  	[sflag:s13] =	ssyncset.done $0x0  }
0x10a: {  	[sflag:s13] =	ssyncadd.s32 $0xFFFFFF00  }
0x10b: {  	v2 =	vld [tilespmem:$0x200]  }
0x10c: {  	v1 =	vld [tilespmem:$0x210]  }
0x10d: {  	v3 =	vld [tilespmem:$0x220]  }
0x10e: {  	v4 =	vld [tilespmem:$0x230];
	_ =	sdelay $0x1  }
0x10f: {  	v2 =	vadd.s32 v0, v2  }
0x110: {  	[tilespmem:$0x200] =	vst v2;
	v1 =	vadd.s32 v0, v1  }
0x111: {  	[tilespmem:$0x210] =	vst v1;
	v1 =	vadd.s32 v0, v3  }
0x112: {  	[tilespmem:$0x220] =	vst v1;
	v1 =	vadd.s32 v0, v4  }
0x113: {  	[tilespmem:$0x230] =	vst v1  }
0x114: {  	[tilespmem:s19], [sflag:$0x3] =	stream.indirect.gather [hbm4b:s4+s14], $0x80, s18, s14, $0xb8;
	[tilespmem:$0x1E100] =	vst v63  }
0x115: {  	_ =	swait.ge [sflag:s10], $0x2000  }
0x116: {  	[sflag:s10] =	ssyncset.done $0x0  }
0x117: {  	[sflag:s10] =	ssyncadd.s32 $0xFFFFE000  }
0x118: {  	[spmem:s2] =	stream.indirect.scatter.add.f32 [tilespmem:s28], [sflag:$0xA], $0x80, s11, s14, $0xb8;
	[tilespmem:$0x1E100] =	vst v63  }
0x119: {  	_ =	swait.ge [sflag:s12], $0x2000  }
0x11a: {  	[sflag:s12] =	ssyncset.done $0x0  }
0x11b: {  	s0 =	sadd.s32 $0x100, s21;
	[sflag:s12] =	ssyncadd.s32 $0xFFFFE000  }
0x11c: {  	[tilespmem:s22], [sflag:$0xB] =	stream.linear.gather [hbm4b:s0+s3], $0x100, $0x38;
	[tilespmem:$0x1E100] =	vst v63  }
0x11d: {  	_ =	swait.ge [sflag:s13], $0x100  }
0x11e: {  	[sflag:s13] =	ssyncset.done $0x0  }
0x11f: {  	[sflag:s13] =	ssyncadd.s32 $0xFFFFFF00  }
0x120: {  	v1 =	vld [tilespmem:$0x300]  }
0x121: {  	v2 =	vld [tilespmem:$0x310]  }
0x122: {  	v3 =	vld [tilespmem:$0x320]  }
0x123: {  	v62 =	vld [tilespmem:$0x330];
	_ =	sdelay $0x1  }
0x124: {  	v1 =	vadd.s32 v0, v1  }
0x125: {  	[tilespmem:$0x300] =	vst v1;
	v1 =	vadd.s32 v0, v2  }
0x126: {  	[tilespmem:$0x310] =	vst v1;
	v1 =	vadd.s32 v0, v3  }
0x127: {  	[tilespmem:$0x320] =	vst v1;
	v1 =	vadd.s32 v0, v62  }
0x128: {  	[tilespmem:$0x330] =	vst v1  }
0x129: {  	[tilespmem:s23], [sflag:$0x4] =	stream.indirect.gather [hbm4b:s4+s14], $0x80, s22, s14, $0xb8;
	[tilespmem:$0x1E100] =	vst v63  }
0x12a: {  	_ =	swait.ge [sflag:s24], $0x2000  }
0x12b: {  	[sflag:s24] =	ssyncset.done $0x0  }
0x12c: {  	s25 =	simm.s32 $0x80;
	[sflag:s24] =	ssyncadd.s32 $0xFFFFE000  }
0x12d: {  	[spmem:s2] =	stream.indirect.scatter.add.f32 [tilespmem:s15], [sflag:$0x6], $0x80, s25, s14, $0xb8;
	[tilespmem:$0x1E100] =	vst v63  }
0x12e: {  	_ =	swait.ge [sflag:s20], $0x2000  }
0x12f: {  	[sflag:s20] =	ssyncset.done $0x0  }
0x130: {  	s25 =	sadd.s32 $0x120, s21;
	[sflag:s20] =	ssyncadd.s32 $0xFFFFE000  }
0x131: {  	[tilespmem:s26], [sflag:$0xB] =	stream.linear.gather [hbm4b:s25+s3], $0x100, $0x38;
	[tilespmem:$0x1E100] =	vst v63  }
0x132: {  	_ =	swait.ge [sflag:s13], $0x100  }
0x133: {  	[sflag:s13] =	ssyncset.done $0x0  }
0x134: {  	[sflag:s13] =	ssyncadd.s32 $0xFFFFFF00  }
0x135: {  	v1 =	vld [tilespmem:$0x400]  }
0x136: {  	v2 =	vld [tilespmem:$0x420]  }
0x137: {  	v63 =	vld [tilespmem:$0x410]  }
0x138: {  	v3 =	vld [tilespmem:$0x430];
	_ =	sdelay $0x1  }
0x139: {  	v1 =	vadd.s32 v0, v1  }
0x13a: {  	[tilespmem:$0x400] =	vst v1;
	v1 =	vadd.s32 v0, v2  }
0x13b: {  	v2 =	vadd.s32 v0, v63;
	[tilespmem:$0x420] =	vst v1  }
0x13c: {  	v1 =	vadd.s32 v0, v3;
	[tilespmem:$0x410] =	vst v2  }
0x13d: {  	[tilespmem:$0x430] =	vst v1  }
0x13e: {  	[tilespmem:s28], [sflag:$0x5] =	stream.indirect.gather [hbm4b:s4+s14], $0x80, s26, s14, $0xb8;
	[tilespmem:$0x1E100] =	vst v63  }
0x13f: {  	_ =	swait.ge [sflag:s29], $0x2000  }
0x140: {  	[sflag:s29] =	ssyncset.done $0x0  }
0x141: {  	s21 =	simm.s32 $0x180;
	[sflag:s29] =	ssyncadd.s32 $0xFFFFE000  }
0x142: {  	[spmem:s2] =	stream.indirect.scatter.add.f32 [tilespmem:s17], [sflag:$0x7], $0x80, s21, s14, $0xb8;
	[tilespmem:$0x1E100] =	vst v63  }
0x143: {  	_ =	swait.ge [sflag:s31], $0x2000  }
0x144: {  	[sflag:s31] =	ssyncset.done $0x0  }
0x145: {  	[sflag:s31] =	ssyncadd.s32 $0xFFFFE000  }
0x146: {  	_ =	swait.ge [sflag:s1], $0x2000  }
0x147: {  	[sflag:s1] =	ssyncset.done $0x0  }
0x148: {  	s25 =	simm.s32 $0x280;
	[sflag:s1] =	ssyncadd.s32 $0xFFFFE000  }
0x149: {  	[spmem:s2] =	stream.indirect.scatter.add.f32 [tilespmem:s19], [sflag:$0x8], $0x80, s25, s14, $0xb8;
	[tilespmem:$0x1E100] =	vst v63  }
0x14a: {  	_ =	swait.ge [sflag:s6], $0x2000  }
0x14b: {  	[sflag:s6] =	ssyncset.done $0x0  }
0x14c: {  	[sflag:s6] =	ssyncadd.s32 $0xFFFFE000  }
0x14d: {  	_ =	swait.ge [sflag:s7], $0x2000  }
0x14e: {  	[sflag:s7] =	ssyncset.done $0x0  }
0x14f: {  	[sflag:s7] =	ssyncadd.s32 $0xFFFFE000  }
0x150: {  	[spmem:s2] =	stream.indirect.scatter.add.f32 [tilespmem:s23], [sflag:$0x9], $0x80, s8, s14, $0xb8;
	[tilespmem:$0x1E100] =	vst v63  }
0x151: {  	_ =	swait.ge [sflag:s9], $0x2000  }
0x152: {  	[sflag:s9] =	ssyncset.done $0x0  }
0x153: {  	[sflag:s9] =	ssyncadd.s32 $0xFFFFE000  }
0x154: {  	_ =	swait.ge [sflag:s10], $0x2000  }
0x155: {  	[sflag:s10] =	ssyncset.done $0x0  }
0x156: {  	[sflag:s10] =	ssyncadd.s32 $0xFFFFE000  }
0x157: {  	[spmem:s2] =	stream.indirect.scatter.add.f32 [tilespmem:s28], [sflag:$0xA], $0x80, s11, s14, $0xb8;
	[tilespmem:$0x1E100] =	vst v63  }
0x158: {  	_ =	swait.ge [sflag:s12], $0x2000  }
0x159: {  	[sflag:s12] =	ssyncset.done $0x0  }
0x15a: {  	[sflag:s12] =	ssyncadd.s32 $0xFFFFE000  }
0x15b: {  	_ =	swait.ge [sflag:s20], $0x2000  }
0x15c: {  	[sflag:s20] =	ssyncset.done $0x0  }
0x15d: {  	[sflag:s20] =	ssyncadd.s32 $0xFFFFE000  }
0x15e: {  	[bflag:$0x0] =	sbarrier.arrive $0xFFFF  }
0x15f: {  	s0 =	rddreg [dreg:$0x8]  }
0x160: {  	s21 =	rddreg [dreg:$0xa]  }
0x161: {  	s25 =	rddreg [dreg:$0xb]  }
0x162: {  	[hbm:s0], [sflag:s21] =	dma.local [spmem:s25], $0x2780  }
0x163: {  	_ =	swait.ge [sflag:s13], $0x2780  }
0x164: {  	s30 =	rddreg [dreg:$0xc]  }
0x165: {  	s0 =	rddreg [dreg:$0x9];
	s30 =	sadd.s32 $0x1, s30  }
0x166: {  	p0 =	sne.s32 s30, s0  }
.Ltmp1:
0x167: {  	_ = 	snop;
	(pc) =	sbr.rel @p0 .LBB2_1-.Ltmp1, $3  }
0x168: {  	_ =	sdelay $0x1  }
0x169: {  	[sflag:s13] =	ssyncset.done $0x0  }
0x16a: {  	[sflag:s13] =	ssyncadd.s32 $0xFFFFD880  }
0x16b: {  	_ =	sfence.sel $0x180000  }
0x16c: {  	[bflag:$0x0] =	sbarrier.arrive $0xFFFF  }
0x16d: {  	_ =	strace $0x9000004A  }
0x16e: {  	s0 =	stileid.u32;
	[bflag:$0x2] =	sbarrier.arrive $0xFFFF  }
0x16f: {  	p0 =	sne.s32 s0, $0x0;
	s0 =	rddreg [dreg:$0x2]  }
0x170: {  	s0 =	sadd.s32 @!p0 $0x100000, s0  }
0x171: {  	[sflag:s0] =	ssyncadd.tile.s32 @!p0 $0x1;
	_ =	shalt  }
.Lfunc_end2:
_tile_overlayer_lowered:
.L_overlay_start_2:
0x172: {  	(tag) =	ssettag $0x2  }
0x173: {  	s0 =	rddreg [dreg:$0x0];
	s2 =	stileid.u32  }
0x174: {  	s1 =	rddreg [dreg:$0x1];
	p0 =	sne.s32 s2, $0x0  }
0x175: {  	s3 =	rddreg [dreg:$0x2];
	[bflag:$0x3] =	sbarrier.arrive $0xFFFF;
	s2 =	simm.s32 @!p0 $0x1C0B  }
0x176: {  	[timem:s3], [sflag:s2] =	dma.local @!p0 [hbm:s0], s1  }
0x177: {  	s0 =	simm.s32 @!p0 $0xB  }
0x178: {  	_ =	swait.ge @!p0 [sflag:s0], s1  }
0x179: {  	s1 =	ssub.s32 @!p0 $0x0, s1;
	[sflag:s0] =	ssyncset.done @!p0 $0x0  }
0x17a: {  	[sflag:s0] =	ssyncadd.s32 @!p0 s1  }
0x17b: {  	[bflag:$0x3] =	sbarrier.arrive $0xFFFF  }
0x17c: {  	_ =	shalt  }

// kernel: kernel.15.cloned.1.call-start
scs
__scs_entry_jumppad:
0x0: {  	(pc) =	sbr.rel $0x88, $3  }
0x1: {  	(tag) =	ssettag $0x0;
	lr =	simm.s32 $0x1  }
0x2: {  	[smem:$0x3F9B] =	sst lr;
	_ =	strace $0xD0000000  }
0x3: {  	_ = 	snop  }
0x4: {  	_ = 	snop  }
0x5: {  	_ = 	snop  }
0x6: {  	_ = 	snop  }
0x7: {  	_ = 	snop  }
__scs_overlays_trampoline_lowered:
0x8: {  	[smem:$0x3FAA] =	sst s0  }
0x9: {  	[smem:$0x3FAB] =	sst s1  }
0xa: {  	[smem:$0x3FAC] =	sst s2  }
0xb: {  	[smem:$0x3FAD] =	sst s3  }
0xc: {  	[smem:$0x3FAE] =	sst s4  }
0xd: {  	[smem:$0x3FAF] =	sst s5  }
0xe: {  	[smem:$0x3FB0] =	sst s6  }
0xf: {  	[smem:$0x3FB1] =	sst s7  }
0x10: {  	[smem:$0x3FB2] =	sst s8  }
0x11: {  	[smem:$0x3FB3] =	sst s9;
	s0 =	simm.s32 @!p0 $0x0  }
0x12: {  	s1 =	sld [smem:$0x3F99];
	s0 =	simm.s32 @p0 $0x1  }
0x13: {  	[smem:$0x3FB4] =	sst s0;
	s0 =	simm.s32 @!p1 $0x0  }
0x14: {  	s2 =	sld [smem:$0x3F98];
	s0 =	simm.s32 @p1 $0x1  }
0x15: {  	[smem:$0x3FB5] =	sst s0;
	s0 =	simm.s32 @!p2 $0x0  }
0x16: {  	s3 =	sld [smem:$0x3FDB];
	s0 =	simm.s32 @p2 $0x1  }
0x17: {  	s4 =	simm.s32 $0x1BF5;
	[smem:$0x3FB7] =	sst s0  }
0x18: {  	s0 =	sld [smem:$0x3F9A];
	_ =	swait.ge [sflag:s4], $0x0  }
0x19: {  	s7 =	sld [smem:$0x3F9B]  }
0x1a: {  	s8 =	sadd.s32 $0xFFFFE003, lr  }
0x1b: {  	s9 =	sadd.s32 $0xFFFFFEF7, lr;
	s5 =	simm.s32 $0xFFFFFFFF;
	p2 =	slt.u32 s8, $0xFFFFF086  }
0x1c: {  	p1 =	slt.u32 s9, $0xF7A;
	s5 =	simm.s32 @!p2 $0x0  }
0x1d: {  	s5 =	simm.s32 @p1 $0x1;
	p0 =	seq.s32 s7, s2  }
0x1e: {  	s7 =	smul.u32 @!p0 $0xF7A, s2;
	p2 =	seq.s32 @!p0 s5, $0x0  }
0x1f: {  	s9 =	smul.u32 $0xF7A, s1;
	s8 =	simm.s32 @!p0 $0x1BF5;
	p2 =	por !p2, p0  }
0x20: {  	[sflag:s8] =	ssyncset.s32 @!p0 $0xFFFFF086;
	s6 =	sadd.s32 @!p0 s3, s7;
	s7 =	simm.s32 @!p0 $0x108  }
0x21: {  	s3 =	sadd.s32 s3, s9;
	s6 =	sadd.s32 @!p0 $0x88, s6;
	s7 =	simm.s32 @p2 $0x1082  }
0x22: {  	[simem:s7], [sflag:s8] =	dma.local @!p0 [hbm:s6], $0xF7A  }
0x23: {  	s9 =	sor.u32 $0xD0000000, s2;
	s6 =	simm.s32 $0x108;
	_ =	swait.ge @!p0 [sflag:s8], $0x0  }
0x24: {  	s3 =	sadd.s32 $0x88, s3;
	s6 =	simm.s32 @!p1 $0x1082;
	[sflag:s4] =	ssyncset.s32 $0xFFFFF086  }
0x25: {  	[simem:s6], [sflag:s4] =	dma.local [hbm:s3], $0xF7A  }
0x26: {  	[smem:$0x3F9B] =	sst s1;
	(tag) =	ssettag s2;
	_ =	strace s9  }
0x27: {  	s1 =	sld [smem:$0x3FAB]  }
0x28: {  	s2 =	sld [smem:$0x3FAC]  }
0x29: {  	s4 =	sld [smem:$0x3FAE]  }
0x2a: {  	p0 =	seq.s32 s5, $0x0;
	s5 =	sld [smem:$0x3FAF]  }
0x2b: {  	s6 =	sld [smem:$0x3FB0]  }
0x2c: {  	s7 =	sld [smem:$0x3FB1]  }
0x2d: {  	s3 =	simm.s32 $0x108;
	s8 =	sld [smem:$0x3FB2]  }
0x2e: {  	s3 =	simm.s32 @!p0 $0x1082;
	s9 =	sld [smem:$0x3FB3]  }
0x2f: {  	lr =	sadd.s32 s0, s3;
	s0 =	sld [smem:$0x3FAA]  }
0x30: {  	s3 =	sld [smem:$0x3FAD]  }
0x31: {  	[smem:$0x3FB6] =	sst s10  }
0x32: {  	s10 =	sld [smem:$0x3FB4];
	_ =	sdelay $0x3  }
0x33: {  	p0 =	seq.s32 s10, $0x1;
	s10 =	sld [smem:$0x3FB6];
	_ =	sdelay $0x3  }
0x34: {  	[smem:$0x3FB6] =	sst s10  }
0x35: {  	s10 =	sld [smem:$0x3FB5];
	_ =	sdelay $0x3  }
0x36: {  	p1 =	seq.s32 s10, $0x1;
	s10 =	sld [smem:$0x3FB6];
	_ =	sdelay $0x3  }
0x37: {  	[smem:$0x3FB6] =	sst s10  }
0x38: {  	s10 =	sld [smem:$0x3FB7]  }
0x39: {  	_ = 	snop;
	(pc) =	sbr.ind lr, $3  }
0x3a: {  	_ = 	snop  }
0x3b: {  	_ = 	snop  }
0x3c: {  	p2 =	seq.s32 s10, $0x1;
	s10 =	sld [smem:$0x3FB6]  }
0x3d: {  	_ =	shalt  }
0x3e: {  	_ =	shalt  }
0x3f: {  	_ =	shalt  }
0x40: {  	_ =	shalt  }
0x41: {  	_ =	shalt  }
0x42: {  	_ =	shalt  }
0x43: {  	_ =	shalt  }
0x44: {  	_ =	shalt  }
0x45: {  	_ =	shalt  }
0x46: {  	_ =	shalt  }
0x47: {  	_ =	shalt  }
0x48: {  	_ =	shalt  }
0x49: {  	_ =	shalt  }
0x4a: {  	_ =	shalt  }
0x4b: {  	_ =	shalt  }
0x4c: {  	_ =	shalt  }
0x4d: {  	_ =	shalt  }
0x4e: {  	_ =	shalt  }
0x4f: {  	_ =	shalt  }
0x50: {  	_ =	shalt  }
0x51: {  	_ =	shalt  }
0x52: {  	_ =	shalt  }
0x53: {  	_ =	shalt  }
0x54: {  	_ =	shalt  }
0x55: {  	_ =	shalt  }
0x56: {  	_ =	shalt  }
0x57: {  	_ =	shalt  }
0x58: {  	_ =	shalt  }
0x59: {  	_ =	shalt  }
0x5a: {  	_ =	shalt  }
0x5b: {  	_ =	shalt  }
0x5c: {  	_ =	shalt  }
0x5d: {  	_ =	shalt  }
0x5e: {  	_ =	shalt  }
0x5f: {  	_ =	shalt  }
0x60: {  	_ =	shalt  }
0x61: {  	_ =	shalt  }
0x62: {  	_ =	shalt  }
0x63: {  	_ =	shalt  }
0x64: {  	_ =	shalt  }
0x65: {  	_ =	shalt  }
0x66: {  	_ =	shalt  }
0x67: {  	_ =	shalt  }
0x68: {  	_ =	shalt  }
0x69: {  	_ =	shalt  }
0x6a: {  	_ =	shalt  }
0x6b: {  	_ =	shalt  }
0x6c: {  	_ =	shalt  }
0x6d: {  	_ =	shalt  }
0x6e: {  	_ =	shalt  }
0x6f: {  	_ =	shalt  }
0x70: {  	_ =	shalt  }
0x71: {  	_ =	shalt  }
0x72: {  	_ =	shalt  }
0x73: {  	_ =	shalt  }
0x74: {  	_ =	shalt  }
0x75: {  	_ =	shalt  }
0x76: {  	_ =	shalt  }
0x77: {  	_ =	shalt  }
0x78: {  	_ =	shalt  }
0x79: {  	_ =	shalt  }
0x7a: {  	_ =	shalt  }
0x7b: {  	_ =	shalt  }
0x7c: {  	_ =	shalt  }
0x7d: {  	_ =	shalt  }
0x7e: {  	_ =	shalt  }
0x7f: {  	_ =	shalt  }
0x80: {  	_ =	shalt  }
0x81: {  	_ =	shalt  }
0x82: {  	_ =	shalt  }
0x83: {  	_ =	shalt  }
0x84: {  	_ =	shalt  }
0x85: {  	_ =	shalt  }
0x86: {  	_ =	shalt  }
0x87: {  	_ =	shalt  }
.Lfunc_end0:
.L_simem_size_0:
called_computation.2_lowered:
.L_overlay_start_0:
0x88: {  	s2 =	sld [smem:$0x3FD9]  }
0x89: {  	s3 =	sld [smem:$0x3FFE];
	_ =	sdelay $0x1  }
0x8a: {  	s1 =	srdreg.scid  }
0x8b: {  	s0 =	sand.u32 $0x1, s1  }
0x8c: {  	s17 =	sshll.u32 s0, $0xA;
	s2 =	sadd.s32 s3, s2  }
0x8d: {  	s2 =	sadd.s32 s2, s17  }
0x8e: {  	[smem:$0x3FC2] =	sst s2  }
0x8f: {  	_ = 	snop  }
0x90: {  	s2 =	sld [smem:$0x3FD0];
	(tm) =	ssettm $0x1  }
0x91: {  	s18 =	sld [smem:$0x3FFB];
	_ =	sdelay $0x3  }
0x92: {  	_ =	strace s18  }
0x93: {  	s3 =	sld [smem:$0x3FFC];
	_ =	sdelay $0x3  }
0x94: {  	_ =	strace s3  }
0x95: {  	s3 =	sld [smem:$0x3FFD];
	_ =	sdelay $0x3  }
0x96: {  	_ =	strace s3  }
0x97: {  	_ =	strace $0x8FFFFFFF  }
0x98: {  	s19 =	sld [smem:$0x3FDB];
	_ =	sdelay $0x1  }
0x99: {  	s4 =	simm.s32 $_scs_section_size  }
0x9a: {  	s5 =	simm.s32 $_size__tile_overlayer_lowered;
	s6 =	simm.s32 $_tile_overlayer_lowered  }
0x9b: {  	s22 =	simm.s32 $0x1BFF;
	s21 =	sshll.u32 s6, $0x1;
	s3 =	sadd.s32 s4, s19  }
0x9c: {  	s7 =	simm.s32 $0x0;
	s20 =	sshll.u32 s5, $0x1;
	s5 =	sadd.s32 s21, s3  }
0x9d: {  	[timem:s7], [sflag:s22] =	dma.local [hbm:s5], s20  }
0x9e: {  	_ =	swait.ge [sflag:s22], s20  }
0x9f: {  	s4 =	ssub.s32 $0x0, s20;
	[sflag:s22] =	ssyncset.done $0x0  }
0xa0: {  	[sflag:s22] =	ssyncadd.s32 s4;
	_ =	sdelay $0x1  }
0xa1: {  	s23 =	simm.s32 $0x1B8B  }
0xa2: {  	_ =	swait.ge [sflag:s23], $0x1  }
0xa3: {  	[sflag:s23] =	ssyncset.done $0x0  }
0xa4: {  	s25 =	simm.s32 $0x1B8E;
	s24 =	sld [smem:$0x3FFE];
	[sflag:s23] =	ssyncadd.s32 $0xFFFFFFFF  }
0xa5: {  	s26 =	simm.s32 $execute0_lowered;
	[smem:$0x3FD2] =	sst s25  }
0xa6: {  	s5 =	sshll.u32 s26, $0x1;
	_ =	strace $0x8000004C;
	[dreg:$0x1] =	wrdreg $0xFFFFFFFF  }
0xa7: {  	s28 =	simm.s32 $_size_execute0_lowered;
	s3 =	sadd.s32 s3, s5;
	[dreg:$0x0] =	wrdreg $0x0  }
0xa8: {  	s5 =	sshll.u32 s28, $0x1;
	[dreg:$0x2] =	wrdreg s3  }
0xa9: {  	[dreg:$0x3] =	wrdreg s5  }
0xaa: {  	[dreg:$0x4] =	wrdreg $0xC0  }
0xab: {  	_ =	task [dreg:s7], $0x5FFFF  }
0xac: {  	[dreg:$0x1] =	wrdreg $0xFFFFFFFF  }
0xad: {  	[dreg:$0x0] =	wrdreg $0x60  }
0xae: {  	[dreg:$0x2] =	wrdreg s2  }
0xaf: {  	[dreg:$0x3] =	wrdreg s24  }
0xb0: {  	[dreg:$0x4] =	wrdreg $0xC6000  }
0xb1: {  	[dreg:$0x5] =	wrdreg $0x9  }
0xb2: {  	_ =	task.clear_ibuf [dreg:s7], $0x6FFFF;
	_ =	strace $0x9000004C  }
0xb3: {  	s29 =	simm.s32 $0x9;
	_ =	strace $0x8000004E  }
0xb4: {  	_ =	swait.ge [sflag:s29], $0x1  }
0xb5: {  	[sflag:s29] =	ssyncadd.s32 $0xFFFFFFFF  }
0xb6: {  	_ =	strace $0x9000004E  }
0xb7: {  	_ =	sfence  }
0xb8: {  	s30 =	sld [smem:$0x0];
	_ =	sdelay $0x2  }
0xb9: {  	s31 =	sshll.u32 s1, $0xD;
	s1 =	sshrl.u32 s1, $0x2  }
0xba: {  	s3 =	sand.u32 $0x4000, s31;
	s1 =	sadd.s32 s1, s30  }
0xbb: {  	s0 =	sor.u32 s3, s0;
	s1 =	sshll.u32 s1, $0x11  }
0xbc: {  	s0 =	sor.u32 s1, s0  }
0xbd: {  	s0 =	sadd.s32 $0x8F2B, s0  }
0xbe: {  	[sflag:s0] =	ssyncadd.remote.s32 $0x1  }
0xbf: {  	_ =	sfence.sel $0xFFFF  }
0xc0: {  	[dreg:$0x0] =	wrdreg $0xFFFFFFFF;
	(pc) =	sbr.abs _section_cstart, $3  }
0xc1: {  	[dreg:$0x1] =	wrdreg $0xFFFFFFFF  }
0xc2: {  	_ =	task.clear_ibuf [dreg:s7], $0x2FFFF;
	_ =	strace $0x9FFFFFFF  }
0xc3: {  	(tm) =	ssettm $0x7FFFFFFF  }
tec
execute0_lowered:
.L_overlay_start_1:
0x0: {  	(tag) =	ssettag $0x1  }
0x1: {  	s1 =	rddreg [dreg:$0x0]  }
0x2: {  	s0 =	rddreg [dreg:$0x1]  }
0x3: {  	s2 =	srdreg.scid;
	s12 =	stileid.u32  }
0x4: {  	s3 =	rddreg [dreg:$0x2];
	s4 =	simm.s32 $0x0;
	s29 =	simm.s32 $0x400  }
0x5: {  	s31 =	simm.s32 $0x1;
	s28 =	simm.s32 $0x380;
	s2 =	sand.u32 $0x1, s2  }
0x6: {  	s5 =	smul.u32 $0x9E00, s12;
	[smem:$0x7FF] =	sst s4;
	s8 =	sadd.s32 $0xB4400, s0  }
0x7: {  	s10 =	sadd.s32 $0x1A00, s0;
	s6 =	smul.u32 $0x9E000, s2;
	s7 =	sshll.u32 s2, $0x4  }
0x8: {  	_ =	strace $0x8000004D;
	s24 =	ssub.s32 $0x2, s2;
	s25 =	smul.u32 $0x280, s2  }
0x9: {  	p0 =	seq.s32 s2, $0x1;
	s7 =	sor.u32 s12, s7;
	s12 =	smul.u32 $0x28, s12  }
0xa: {  	s11 =	sshrl.u32 s24, $0x1;
	s14 =	sadd.s32 s5, s3;
	s9 =	smul.u32 $0x500, s7  }
0xb: {  	s15 =	sshrl.u32 s5, $0x3;
	s6 =	sadd.s32 s5, s6;
	s7 =	smul.u32 $0x2800, s7  }
0xc: {  	[dreg:$0xc] =	wrdreg s14;
	s14 =	simm.s32 $0x9;
	s6 =	sshrl.u32 s6, $0x3  }
0xd: {  	s18 =	sadd.s32 s12, s25;
	s12 =	simm.s32 $0x4;
	s0 =	sadd.s32 s6, s0  }
0xe: {  	s13 =	sadd.s32 s8, s9;
	s6 =	ssub.s32 s24, s11;
	s17 =	sshrl.u32 s7, $0x3  }
0xf: {  	s7 =	sshll.u32 s18, $0x5;
	s9 =	sadd.s32 $0x20, s13;
	[dreg:$0x8] =	wrdreg s13  }
0x10: {  	s11 =	simm.s32 $0x8;
	s26 =	sadd.s32 $0x40, s13;
	[dreg:$0x9] =	wrdreg s9  }
0x11: {  	s18 =	simm.s32 $0x6;
	s30 =	sadd.s32 $0x60, s13;
	[dreg:$0xa] =	wrdreg s26  }
0x12: {  	s16 =	sadd.s32 $0x80, s13;
	s19 =	sadd.s32 $0xA0, s13;
	[dreg:$0xb] =	wrdreg s30  }
0x13: {  	s5 =	sadd.s32 s8, s17;
	s7 =	sadd.s32 s7, s8;
	[dreg:$0xd] =	wrdreg s16  }
0x14: {  	s0 =	sadd.s32 $0x15600, s0;
	s25 =	smax.u32 s6, $0x1;
	[dreg:$0xe] =	wrdreg s19  }
0x15: {  	s6 =	simm.s32 $0x2;
	s8 =	simm.s32 $0x7;
	[dreg:$0x13] =	wrdreg s0  }
0x16: {  	s17 =	simm.s32 $0xA;
	s20 =	sadd.s32 $0x480, s5;
	[dreg:$0x14] =	wrdreg s25  }
0x17: {  	s13 =	simm.s32 $0x0;
	s21 =	sadd.s32 $0x4A0, s5;
	[dreg:$0xf] =	wrdreg s20  }
0x18: {  	s22 =	sadd.s32 $0x4C0, s5;
	s5 =	sadd.s32 $0x4E0, s5;
	[dreg:$0x10] =	wrdreg s21  }
0x19: {  	s23 =	sadd.s32 $0x100, s7;
	s24 =	sadd.s32 $0x140, s7;
	[dreg:$0x11] =	wrdreg s22  }
0x1a: {  	s26 =	sadd.s32 $0xE0, s7;
	s30 =	sadd.s32 $0xC0, s7;
	[dreg:$0x12] =	wrdreg s5  }
0x1b: {  	s19 =	simm.s32 $0xD;
	s0 =	simm.s32 $0xA600;
	[dreg:$0x4] =	wrdreg s23  }
0x1c: {  	s9 =	simm.s32 $0x3;
	s25 =	simm.s32 $0x280;
	[dreg:$0x5] =	wrdreg s24  }
0x1d: {  	s7 =	simm.s32 $0xB;
	s5 =	smov.u32 s1;
	[dreg:$0x6] =	wrdreg s26  }
0x1e: {  	[dreg:$0x7] =	wrdreg s30;
	s20 =	simm.s32 $0x80;
	s5 =	smov.u32 @p0 s10  }
0x1f: {  	s23 =	simm.s32 $0x180;
	s10 =	simm.s32 $0xC;
	s2 =	sadd.s32 s5, s15  }
0x20: {  	s15 =	simm.s32 $0x5;
	[dreg:$0x15] =	wrdreg s2;
	s2 =	simm.s32 $0x500  }
.LBB2_1:
0x21: {  	[dreg:$0x16] =	wrdreg s13  }
0x22: {  	s5 =	rddreg [dreg:$0x8]  }
0x23: {  	[tilespmem:s4], [sflag:$0xD] =	stream.linear.gather [hbm4b:s5+s4], $0x100, $0x38;
	[tilespmem:$0x16400] =	vst v63  }
0x24: {  	_ =	swait.ge [sflag:s19], $0x100  }
0x25: {  	[sflag:s19] =	ssyncset.done $0x0  }
0x26: {  	s22 =	simm.s32 $0x600;
	[sflag:s19] =	ssyncadd.s32 $0xFFFFFF00  }
0x27: {  	[tilespmem:s22], [sflag:$0x1] =	stream.indirect.gather [hbm4b:s1+s20], $0x40, s4, s20, $0xb8;
	[tilespmem:$0x16400] =	vst v63  }
0x28: {  	s16 =	simm.s32 $0x100;
	s24 =	rddreg [dreg:$0x9]  }
0x29: {  	[tilespmem:s16], [sflag:$0xD] =	stream.linear.gather [hbm4b:s24+s4], $0x100, $0x38;
	[tilespmem:$0x16400] =	vst v63  }
0x2a: {  	_ =	swait.ge [sflag:s19], $0x100  }
0x2b: {  	[sflag:s19] =	ssyncset.done $0x0  }
0x2c: {  	s21 =	simm.s32 $0x2600;
	[sflag:s19] =	ssyncadd.s32 $0xFFFFFF00  }
0x2d: {  	[tilespmem:s21], [sflag:$0x2] =	stream.indirect.gather [hbm4b:s1+s20], $0x40, s16, s20, $0xb8;
	[tilespmem:$0x16400] =	vst v63  }
0x2e: {  	s22 =	simm.s32 $0x200;
	s26 =	rddreg [dreg:$0xa]  }
0x2f: {  	[tilespmem:s22], [sflag:$0xD] =	stream.linear.gather [hbm4b:s26+s4], $0x100, $0x38;
	[tilespmem:$0x16400] =	vst v63  }
0x30: {  	_ =	swait.ge [sflag:s19], $0x100  }
0x31: {  	[sflag:s19] =	ssyncset.done $0x0  }
0x32: {  	s24 =	simm.s32 $0x4600;
	[sflag:s19] =	ssyncadd.s32 $0xFFFFFF00  }
0x33: {  	[tilespmem:s24], [sflag:$0x3] =	stream.indirect.gather [hbm4b:s1+s20], $0x40, s22, s20, $0xb8;
	[tilespmem:$0x16400] =	vst v63  }
0x34: {  	s26 =	simm.s32 $0x300;
	s13 =	rddreg [dreg:$0xb]  }
0x35: {  	[tilespmem:s26], [sflag:$0xD] =	stream.linear.gather [hbm4b:s13+s4], $0x100, $0x38;
	[tilespmem:$0x16400] =	vst v63  }
0x36: {  	_ =	swait.ge [sflag:s19], $0x100  }
0x37: {  	[sflag:s19] =	ssyncset.done $0x0  }
0x38: {  	s13 =	simm.s32 $0x6600;
	[sflag:s19] =	ssyncadd.s32 $0xFFFFFF00  }
0x39: {  	[tilespmem:s13], [sflag:$0x4] =	stream.indirect.gather [hbm4b:s1+s20], $0x40, s26, s20, $0xb8;
	[tilespmem:$0x16400] =	vst v63  }
0x3a: {  	s13 =	stileid.u32  }
0x3b: {  	s5 =	sshll.u32 s13, $0x6;
	s13 =	rddreg [dreg:$0xc]  }
0x3c: {  	s30 =	sor.u32 $0x1C0D, s5;
	s5 =	rddreg [dreg:$0x15]  }
0x3d: {  	s13 =	sshrl.u32 s13, $0x3;
	[dreg:$0x17] =	wrdreg s30  }
0x3e: {  	[dreg:$0x18] =	wrdreg s13  }
0x3f: {  	[spmem:s13], [sflag:s30] =	dma.local [hbm:s5], $0x13C0  }
0x40: {  	_ =	swait.ge [sflag:s19], $0x13C0  }
0x41: {  	[sflag:s19] =	ssyncset.done $0x0  }
0x42: {  	[sflag:s19] =	ssyncadd.s32 $0xFFFFEC40  }
0x43: {  	[bflag:$0x0] =	sbarrier.arrive $0xFFFF  }
0x44: {  	s13 =	rddreg [dreg:$0xd]  }
0x45: {  	[tilespmem:s29], [sflag:$0xD] =	stream.linear.gather [hbm4b:s13+s4], $0x100, $0x38;
	[tilespmem:$0x16400] =	vst v63  }
0x46: {  	_ =	swait.ge [sflag:s19], $0x100  }
0x47: {  	[sflag:s19] =	ssyncset.done $0x0  }
0x48: {  	s30 =	simm.s32 $0x8600;
	[sflag:s19] =	ssyncadd.s32 $0xFFFFFF00  }
0x49: {  	[tilespmem:s30], [sflag:$0x5] =	stream.indirect.gather [hbm4b:s1+s20], $0x40, s29, s20, $0xb8;
	[tilespmem:$0x16400] =	vst v63  }
0x4a: {  	_ =	swait.ge [sflag:s31], $0x2000  }
0x4b: {  	[sflag:s31] =	ssyncset.done $0x0  }
0x4c: {  	s13 =	simm.s32 $0x600;
	[sflag:s31] =	ssyncadd.s32 $0xFFFFE000  }
0x4d: {  	[spmem:s3] =	stream.indirect.scatter.add.f32 [tilespmem:s13], [sflag:$0x7], $0x40, s20, s20, $0xb8;
	[tilespmem:$0x16400] =	vst v63  }
0x4e: {  	s5 =	rddreg [dreg:$0xe]  }
0x4f: {  	[tilespmem:s2], [sflag:$0xD] =	stream.linear.gather [hbm4b:s5+s4], $0x100, $0x38;
	[tilespmem:$0x16400] =	vst v63  }
0x50: {  	_ =	swait.ge [sflag:s19], $0x100  }
0x51: {  	[sflag:s19] =	ssyncset.done $0x0  }
0x52: {  	[sflag:s19] =	ssyncadd.s32 $0xFFFFFF00  }
0x53: {  	[tilespmem:s0], [sflag:$0x6] =	stream.indirect.gather [hbm4b:s1+s20], $0x40, s2, s20, $0xb8;
	[tilespmem:$0x16400] =	vst v63  }
0x54: {  	_ =	swait.ge [sflag:s6], $0x2000  }
0x55: {  	[sflag:s6] =	ssyncset.done $0x0  }
0x56: {  	[sflag:s6] =	ssyncadd.s32 $0xFFFFE000  }
0x57: {  	[spmem:s3] =	stream.indirect.scatter.add.f32 [tilespmem:s21], [sflag:$0x8], $0x40, s23, s20, $0xb8;
	[tilespmem:$0x16400] =	vst v63  }
0x58: {  	_ =	swait.ge [sflag:s8], $0x2000  }
0x59: {  	s5 =	rddreg [dreg:$0x7];
	[sflag:s8] =	ssyncset.done $0x0  }
0x5a: {  	[sflag:s8] =	ssyncadd.s32 $0xFFFFE000;
	s5 =	sadd.s32 $0x0, s5  }
0x5b: {  	[tilespmem:s4], [sflag:$0xD] =	stream.linear.gather [hbm4b:s5+s4], $0x100, $0x38;
	[tilespmem:$0x16400] =	vst v63  }
0x5c: {  	_ =	swait.ge [sflag:s19], $0x100  }
0x5d: {  	[sflag:s19] =	ssyncset.done $0x0  }
0x5e: {  	[sflag:s19] =	ssyncadd.s32 $0xFFFFFF00  }
0x5f: {  	[tilespmem:s13], [sflag:$0x1] =	stream.indirect.gather [hbm4b:s1+s20], $0x40, s4, s20, $0xb8;
	[tilespmem:$0x16400] =	vst v63  }
0x60: {  	_ =	swait.ge [sflag:s9], $0x2000  }
0x61: {  	[sflag:s9] =	ssyncset.done $0x0  }
0x62: {  	[sflag:s9] =	ssyncadd.s32 $0xFFFFE000  }
0x63: {  	[spmem:s3] =	stream.indirect.scatter.add.f32 [tilespmem:s24], [sflag:$0x9], $0x40, s25, s20, $0xb8;
	[tilespmem:$0x16400] =	vst v63  }
0x64: {  	_ =	swait.ge [sflag:s11], $0x2000  }
0x65: {  	s13 =	rddreg [dreg:$0x6];
	[sflag:s11] =	ssyncset.done $0x0  }
0x66: {  	[sflag:s11] =	ssyncadd.s32 $0xFFFFE000;
	s5 =	sadd.s32 $0x0, s13  }
0x67: {  	[tilespmem:s16], [sflag:$0xD] =	stream.linear.gather [hbm4b:s5+s4], $0x100, $0x38;
	[tilespmem:$0x16400] =	vst v63  }
0x68: {  	_ =	swait.ge [sflag:s19], $0x100  }
0x69: {  	[sflag:s19] =	ssyncset.done $0x0  }
0x6a: {  	[sflag:s19] =	ssyncadd.s32 $0xFFFFFF00  }
0x6b: {  	[tilespmem:s21], [sflag:$0x2] =	stream.indirect.gather [hbm4b:s1+s20], $0x40, s16, s20, $0xb8;
	[tilespmem:$0x16400] =	vst v63  }
0x6c: {  	_ =	swait.ge [sflag:s12], $0x2000  }
0x6d: {  	[sflag:s12] =	ssyncset.done $0x0  }
0x6e: {  	s16 =	simm.s32 $0x6600;
	[sflag:s12] =	ssyncadd.s32 $0xFFFFE000  }
0x6f: {  	[spmem:s3] =	stream.indirect.scatter.add.f32 [tilespmem:s16], [sflag:$0xA], $0x40, s28, s20, $0xb8;
	[tilespmem:$0x16400] =	vst v63  }
0x70: {  	_ =	swait.ge [sflag:s14], $0x2000  }
0x71: {  	s13 =	rddreg [dreg:$0x4];
	[sflag:s14] =	ssyncset.done $0x0  }
0x72: {  	[sflag:s14] =	ssyncadd.s32 $0xFFFFE000;
	s5 =	sadd.s32 $0x0, s13  }
0x73: {  	[tilespmem:s22], [sflag:$0xD] =	stream.linear.gather [hbm4b:s5+s4], $0x100, $0x38;
	[tilespmem:$0x16400] =	vst v63  }
0x74: {  	_ =	swait.ge [sflag:s19], $0x100  }
0x75: {  	[sflag:s19] =	ssyncset.done $0x0  }
0x76: {  	[sflag:s19] =	ssyncadd.s32 $0xFFFFFF00  }
0x77: {  	[tilespmem:s24], [sflag:$0x3] =	stream.indirect.gather [hbm4b:s1+s20], $0x40, s22, s20, $0xb8;
	[tilespmem:$0x16400] =	vst v63  }
0x78: {  	_ =	swait.ge [sflag:s15], $0x2000  }
0x79: {  	[sflag:s15] =	ssyncset.done $0x0  }
0x7a: {  	s21 =	simm.s32 $0x480;
	[sflag:s15] =	ssyncadd.s32 $0xFFFFE000  }
0x7b: {  	[spmem:s3] =	stream.indirect.scatter.add.f32 [tilespmem:s30], [sflag:$0xB], $0x40, s21, s20, $0xb8;
	[tilespmem:$0x16400] =	vst v63  }
0x7c: {  	_ =	swait.ge [sflag:s17], $0x2000  }
0x7d: {  	[sflag:s17] =	ssyncset.done $0x0  }
0x7e: {  	s22 =	sadd.s32 $0x20, s5;
	[sflag:s17] =	ssyncadd.s32 $0xFFFFE000  }
0x7f: {  	[tilespmem:s26], [sflag:$0xD] =	stream.linear.gather [hbm4b:s22+s4], $0x100, $0x38;
	[tilespmem:$0x16400] =	vst v63  }
0x80: {  	_ =	swait.ge [sflag:s19], $0x100  }
0x81: {  	[sflag:s19] =	ssyncset.done $0x0  }
0x82: {  	[sflag:s19] =	ssyncadd.s32 $0xFFFFFF00  }
0x83: {  	[tilespmem:s16], [sflag:$0x4] =	stream.indirect.gather [hbm4b:s1+s20], $0x40, s26, s20, $0xb8;
	[tilespmem:$0x16400] =	vst v63  }
0x84: {  	_ =	swait.ge [sflag:s18], $0x2000  }
0x85: {  	[sflag:s18] =	ssyncset.done $0x0  }
0x86: {  	s24 =	simm.s32 $0x580;
	[sflag:s18] =	ssyncadd.s32 $0xFFFFE000  }
0x87: {  	[spmem:s3] =	stream.indirect.scatter.add.f32 [tilespmem:s0], [sflag:$0xC], $0x40, s24, s20, $0xb8;
	[tilespmem:$0x16400] =	vst v63  }
0x88: {  	_ =	swait.ge [sflag:s7], $0x2000  }
0x89: {  	s26 =	rddreg [dreg:$0x5];
	[sflag:s7] =	ssyncset.done $0x0  }
0x8a: {  	[sflag:s7] =	ssyncadd.s32 $0xFFFFE000;
	s13 =	sadd.s32 $0x0, s26  }
0x8b: {  	[tilespmem:s29], [sflag:$0xD] =	stream.linear.gather [hbm4b:s13+s4], $0x100, $0x38;
	[tilespmem:$0x16400] =	vst v63  }
0x8c: {  	_ =	swait.ge [sflag:s19], $0x100  }
0x8d: {  	[sflag:s19] =	ssyncset.done $0x0  }
0x8e: {  	[sflag:s19] =	ssyncadd.s32 $0xFFFFFF00  }
0x8f: {  	[tilespmem:s30], [sflag:$0x5] =	stream.indirect.gather [hbm4b:s1+s20], $0x40, s29, s20, $0xb8;
	[tilespmem:$0x16400] =	vst v63  }
0x90: {  	_ =	swait.ge [sflag:s31], $0x2000  }
0x91: {  	[sflag:s31] =	ssyncset.done $0x0  }
0x92: {  	s29 =	simm.s32 $0x600;
	[sflag:s31] =	ssyncadd.s32 $0xFFFFE000  }
0x93: {  	[spmem:s3] =	stream.indirect.scatter.add.f32 [tilespmem:s29], [sflag:$0x7], $0x40, s20, s20, $0xb8;
	[tilespmem:$0x16400] =	vst v63  }
0x94: {  	_ =	swait.ge [sflag:s10], $0x2000  }
0x95: {  	[sflag:s10] =	ssyncset.done $0x0  }
0x96: {  	s5 =	sadd.s32 $0x60, s5;
	[sflag:s10] =	ssyncadd.s32 $0xFFFFE000  }
0x97: {  	[tilespmem:s2], [sflag:$0xD] =	stream.linear.gather [hbm4b:s5+s4], $0x100, $0x38;
	[tilespmem:$0x16400] =	vst v63  }
0x98: {  	_ =	swait.ge [sflag:s19], $0x100  }
0x99: {  	[sflag:s19] =	ssyncset.done $0x0  }
0x9a: {  	[sflag:s19] =	ssyncadd.s32 $0xFFFFFF00  }
0x9b: {  	[tilespmem:s0], [sflag:$0x6] =	stream.indirect.gather [hbm4b:s1+s20], $0x40, s2, s20, $0xb8;
	[tilespmem:$0x16400] =	vst v63  }
0x9c: {  	_ =	swait.ge [sflag:s6], $0x2000  }
0x9d: {  	[sflag:s6] =	ssyncset.done $0x0  }
0x9e: {  	s13 =	simm.s32 $0xC0;
	s30 =	simm.s32 $0x400;
	[sflag:s6] =	ssyncadd.s32 $0xFFFFE000  }
.LBB2_2:
0x9f: {  	s24 =	simm.s32 $0x2600  }
0xa0: {  	[spmem:s3] =	stream.indirect.scatter.add.f32 [tilespmem:s24], [sflag:$0x8], $0x40, s23, s20, $0xb8;
	[tilespmem:$0x16400] =	vst v63  }
0xa1: {  	_ =	swait.ge [sflag:s8], $0x2000  }
0xa2: {  	s16 =	smov.u32 s13;
	s5 =	rddreg [dreg:$0x7];
	[sflag:s8] =	ssyncset.done $0x0  }
0xa3: {  	[sflag:s8] =	ssyncadd.s32 $0xFFFFE000;
	s5 =	sadd.s32 s16, s5  }
0xa4: {  	[tilespmem:s4], [sflag:$0xD] =	stream.linear.gather [hbm4b:s5+s4], $0x100, $0x38;
	[tilespmem:$0x16400] =	vst v63  }
0xa5: {  	_ =	swait.ge [sflag:s19], $0x100  }
0xa6: {  	[sflag:s19] =	ssyncset.done $0x0  }
0xa7: {  	s22 =	simm.s32 $0x600;
	[sflag:s19] =	ssyncadd.s32 $0xFFFFFF00  }
0xa8: {  	[tilespmem:s22], [sflag:$0x1] =	stream.indirect.gather [hbm4b:s1+s20], $0x40, s4, s20, $0xb8;
	[tilespmem:$0x16400] =	vst v63  }
0xa9: {  	_ =	swait.ge [sflag:s9], $0x2000  }
0xaa: {  	[sflag:s9] =	ssyncset.done $0x0  }
0xab: {  	s26 =	simm.s32 $0x4600;
	[sflag:s9] =	ssyncadd.s32 $0xFFFFE000  }
0xac: {  	[spmem:s3] =	stream.indirect.scatter.add.f32 [tilespmem:s26], [sflag:$0x9], $0x40, s25, s20, $0xb8;
	[tilespmem:$0x16400] =	vst v63  }
0xad: {  	_ =	swait.ge [sflag:s11], $0x2000  }
0xae: {  	s29 =	rddreg [dreg:$0x6];
	[sflag:s11] =	ssyncset.done $0x0  }
0xaf: {  	s21 =	simm.s32 $0x100;
	[sflag:s11] =	ssyncadd.s32 $0xFFFFE000;
	s5 =	sadd.s32 s16, s29  }
0xb0: {  	[tilespmem:s21], [sflag:$0xD] =	stream.linear.gather [hbm4b:s5+s4], $0x100, $0x38;
	[tilespmem:$0x16400] =	vst v63  }
0xb1: {  	_ =	swait.ge [sflag:s19], $0x100  }
0xb2: {  	[sflag:s19] =	ssyncset.done $0x0  }
0xb3: {  	[sflag:s19] =	ssyncadd.s32 $0xFFFFFF00  }
0xb4: {  	[tilespmem:s24], [sflag:$0x2] =	stream.indirect.gather [hbm4b:s1+s20], $0x40, s21, s20, $0xb8;
	[tilespmem:$0x16400] =	vst v63  }
0xb5: {  	_ =	swait.ge [sflag:s12], $0x2000  }
0xb6: {  	[sflag:s12] =	ssyncset.done $0x0  }
0xb7: {  	s29 =	simm.s32 $0x6600;
	[sflag:s12] =	ssyncadd.s32 $0xFFFFE000  }
0xb8: {  	[spmem:s3] =	stream.indirect.scatter.add.f32 [tilespmem:s29], [sflag:$0xA], $0x40, s28, s20, $0xb8;
	[tilespmem:$0x16400] =	vst v63  }
0xb9: {  	_ =	swait.ge [sflag:s14], $0x2000  }
0xba: {  	s21 =	rddreg [dreg:$0x4];
	[sflag:s14] =	ssyncset.done $0x0  }
0xbb: {  	s24 =	simm.s32 $0x200;
	[sflag:s14] =	ssyncadd.s32 $0xFFFFE000;
	s5 =	sadd.s32 s16, s21  }
0xbc: {  	[tilespmem:s24], [sflag:$0xD] =	stream.linear.gather [hbm4b:s5+s4], $0x100, $0x38;
	[tilespmem:$0x16400] =	vst v63  }
0xbd: {  	_ =	swait.ge [sflag:s19], $0x100  }
0xbe: {  	[sflag:s19] =	ssyncset.done $0x0  }
0xbf: {  	[sflag:s19] =	ssyncadd.s32 $0xFFFFFF00  }
0xc0: {  	[tilespmem:s26], [sflag:$0x3] =	stream.indirect.gather [hbm4b:s1+s20], $0x40, s24, s20, $0xb8;
	[tilespmem:$0x16400] =	vst v63  }
0xc1: {  	_ =	swait.ge [sflag:s15], $0x2000  }
0xc2: {  	[sflag:s15] =	ssyncset.done $0x0  }
0xc3: {  	s26 =	simm.s32 $0x8600;
	s24 =	simm.s32 $0x480;
	[sflag:s15] =	ssyncadd.s32 $0xFFFFE000  }
0xc4: {  	[spmem:s3] =	stream.indirect.scatter.add.f32 [tilespmem:s26], [sflag:$0xB], $0x40, s24, s20, $0xb8;
	[tilespmem:$0x16400] =	vst v63  }
0xc5: {  	_ =	swait.ge [sflag:s17], $0x2000  }
0xc6: {  	[sflag:s17] =	ssyncset.done $0x0  }
0xc7: {  	s21 =	sadd.s32 $0x20, s5;
	s24 =	simm.s32 $0x300;
	[sflag:s17] =	ssyncadd.s32 $0xFFFFE000  }
0xc8: {  	[tilespmem:s24], [sflag:$0xD] =	stream.linear.gather [hbm4b:s21+s4], $0x100, $0x38;
	[tilespmem:$0x16400] =	vst v63  }
0xc9: {  	_ =	swait.ge [sflag:s19], $0x100  }
0xca: {  	[sflag:s19] =	ssyncset.done $0x0  }
0xcb: {  	[sflag:s19] =	ssyncadd.s32 $0xFFFFFF00  }
0xcc: {  	[tilespmem:s29], [sflag:$0x4] =	stream.indirect.gather [hbm4b:s1+s20], $0x40, s24, s20, $0xb8;
	[tilespmem:$0x16400] =	vst v63  }
0xcd: {  	_ =	swait.ge [sflag:s18], $0x2000  }
0xce: {  	[sflag:s18] =	ssyncset.done $0x0  }
0xcf: {  	s24 =	simm.s32 $0x580;
	[sflag:s18] =	ssyncadd.s32 $0xFFFFE000  }
0xd0: {  	[spmem:s3] =	stream.indirect.scatter.add.f32 [tilespmem:s0], [sflag:$0xC], $0x40, s24, s20, $0xb8;
	[tilespmem:$0x16400] =	vst v63  }
0xd1: {  	_ =	swait.ge [sflag:s7], $0x2000  }
0xd2: {  	s29 =	rddreg [dreg:$0x5];
	[sflag:s7] =	ssyncset.done $0x0  }
0xd3: {  	[sflag:s7] =	ssyncadd.s32 $0xFFFFE000;
	s16 =	sadd.s32 s16, s29  }
0xd4: {  	[tilespmem:s30], [sflag:$0xD] =	stream.linear.gather [hbm4b:s16+s4], $0x100, $0x38;
	[tilespmem:$0x16400] =	vst v63  }
0xd5: {  	_ =	swait.ge [sflag:s19], $0x100  }
0xd6: {  	[sflag:s19] =	ssyncset.done $0x0  }
0xd7: {  	[sflag:s19] =	ssyncadd.s32 $0xFFFFFF00  }
0xd8: {  	[tilespmem:s26], [sflag:$0x5] =	stream.indirect.gather [hbm4b:s1+s20], $0x40, s30, s20, $0xb8;
	[tilespmem:$0x16400] =	vst v63  }
0xd9: {  	_ =	swait.ge [sflag:s31], $0x2000  }
0xda: {  	[sflag:s31] =	ssyncset.done $0x0  }
0xdb: {  	[sflag:s31] =	ssyncadd.s32 $0xFFFFE000  }
0xdc: {  	[spmem:s3] =	stream.indirect.scatter.add.f32 [tilespmem:s22], [sflag:$0x7], $0x40, s20, s20, $0xb8;
	[tilespmem:$0x16400] =	vst v63  }
0xdd: {  	_ =	swait.ge [sflag:s10], $0x2000  }
0xde: {  	[sflag:s10] =	ssyncset.done $0x0  }
0xdf: {  	s5 =	sadd.s32 $0x60, s5;
	[sflag:s10] =	ssyncadd.s32 $0xFFFFE000  }
0xe0: {  	[tilespmem:s2], [sflag:$0xD] =	stream.linear.gather [hbm4b:s5+s4], $0x100, $0x38;
	[tilespmem:$0x16400] =	vst v63  }
0xe1: {  	_ =	swait.ge [sflag:s19], $0x100  }
0xe2: {  	p0 =	sne.s32 s13, $0x300;
	[sflag:s19] =	ssyncset.done $0x0  }
.Ltmp0:
0xe3: {  	[sflag:s19] =	ssyncadd.s32 $0xFFFFFF00;
	(pc) =	sbr.rel @p0 .LBB2_2-.Ltmp0, $4  }
0xe4: {  	[tilespmem:s0], [sflag:$0x6] =	stream.indirect.gather [hbm4b:s1+s20], $0x40, s2, s20, $0xb8;
	[tilespmem:$0x16400] =	vst v63  }
0xe5: {  	_ =	swait.ge [sflag:s6], $0x2000  }
0xe6: {  	[sflag:s6] =	ssyncset.done $0x0  }
0xe7: {  	s13 =	sadd.s32 $0xC0, s13;
	s24 =	simm.s32 $0x8600;
	[sflag:s6] =	ssyncadd.s32 $0xFFFFE000  }
0xe8: {  	s25 =	simm.s32 $0x180;
	s22 =	simm.s32 $0x2600  }
0xe9: {  	[spmem:s3] =	stream.indirect.scatter.add.f32 [tilespmem:s22], [sflag:$0x8], $0x40, s25, s20, $0xb8;
	[tilespmem:$0x16400] =	vst v63  }
0xea: {  	_ =	swait.ge [sflag:s8], $0x2000  }
0xeb: {  	[sflag:s8] =	ssyncset.done $0x0  }
0xec: {  	s5 =	rddreg [dreg:$0xf];
	[sflag:s8] =	ssyncadd.s32 $0xFFFFE000  }
0xed: {  	[tilespmem:s4], [sflag:$0xD] =	stream.linear.gather [hbm4b:s5+s4], $0x100, $0x38;
	[tilespmem:$0x16400] =	vst v63  }
0xee: {  	_ =	swait.ge [sflag:s19], $0x100  }
0xef: {  	[sflag:s19] =	ssyncset.done $0x0  }
0xf0: {  	s13 =	simm.s32 $0x600;
	[sflag:s19] =	ssyncadd.s32 $0xFFFFFF00  }
0xf1: {  	[tilespmem:s13], [sflag:$0x1] =	stream.indirect.gather [hbm4b:s1+s20], $0x40, s4, s20, $0xb8;
	[tilespmem:$0x16400] =	vst v63  }
0xf2: {  	_ =	swait.ge [sflag:s9], $0x2000  }
0xf3: {  	[sflag:s9] =	ssyncset.done $0x0  }
0xf4: {  	s28 =	simm.s32 $0x280;
	s26 =	simm.s32 $0x4600;
	[sflag:s9] =	ssyncadd.s32 $0xFFFFE000  }
0xf5: {  	[spmem:s3] =	stream.indirect.scatter.add.f32 [tilespmem:s26], [sflag:$0x9], $0x40, s28, s20, $0xb8;
	[tilespmem:$0x16400] =	vst v63  }
0xf6: {  	_ =	swait.ge [sflag:s11], $0x2000  }
0xf7: {  	[sflag:s11] =	ssyncset.done $0x0  }
0xf8: {  	s16 =	simm.s32 $0x100;
	s21 =	rddreg [dreg:$0x10];
	[sflag:s11] =	ssyncadd.s32 $0xFFFFE000  }
0xf9: {  	[tilespmem:s16], [sflag:$0xD] =	stream.linear.gather [hbm4b:s21+s4], $0x100, $0x38;
	[tilespmem:$0x16400] =	vst v63  }
0xfa: {  	_ =	swait.ge [sflag:s19], $0x100  }
0xfb: {  	[sflag:s19] =	ssyncset.done $0x0  }
0xfc: {  	[sflag:s19] =	ssyncadd.s32 $0xFFFFFF00  }
0xfd: {  	[tilespmem:s22], [sflag:$0x2] =	stream.indirect.gather [hbm4b:s1+s20], $0x40, s16, s20, $0xb8;
	[tilespmem:$0x16400] =	vst v63  }
0xfe: {  	_ =	swait.ge [sflag:s12], $0x2000  }
0xff: {  	[sflag:s12] =	ssyncset.done $0x0  }
0x100: {  	s29 =	simm.s32 $0x6600;
	s21 =	simm.s32 $0x380;
	[sflag:s12] =	ssyncadd.s32 $0xFFFFE000  }
0x101: {  	[spmem:s3] =	stream.indirect.scatter.add.f32 [tilespmem:s29], [sflag:$0xA], $0x40, s21, s20, $0xb8;
	[tilespmem:$0x16400] =	vst v63  }
0x102: {  	_ =	swait.ge [sflag:s14], $0x2000  }
0x103: {  	[sflag:s14] =	ssyncset.done $0x0  }
0x104: {  	s30 =	simm.s32 $0x200;
	s23 =	rddreg [dreg:$0x11];
	[sflag:s14] =	ssyncadd.s32 $0xFFFFE000  }
0x105: {  	[tilespmem:s30], [sflag:$0xD] =	stream.linear.gather [hbm4b:s23+s4], $0x100, $0x38;
	[tilespmem:$0x16400] =	vst v63  }
0x106: {  	_ =	swait.ge [sflag:s19], $0x100  }
0x107: {  	[sflag:s19] =	ssyncset.done $0x0  }
0x108: {  	[sflag:s19] =	ssyncadd.s32 $0xFFFFFF00  }
0x109: {  	[tilespmem:s26], [sflag:$0x3] =	stream.indirect.gather [hbm4b:s1+s20], $0x40, s30, s20, $0xb8;
	[tilespmem:$0x16400] =	vst v63  }
0x10a: {  	_ =	swait.ge [sflag:s15], $0x2000  }
0x10b: {  	[sflag:s15] =	ssyncset.done $0x0  }
0x10c: {  	s23 =	simm.s32 $0x480;
	[sflag:s15] =	ssyncadd.s32 $0xFFFFE000  }
0x10d: {  	[spmem:s3] =	stream.indirect.scatter.add.f32 [tilespmem:s24], [sflag:$0xB], $0x40, s23, s20, $0xb8;
	[tilespmem:$0x16400] =	vst v63  }
0x10e: {  	_ =	swait.ge [sflag:s17], $0x2000  }
0x10f: {  	[sflag:s17] =	ssyncset.done $0x0  }
0x110: {  	s30 =	simm.s32 $0x300;
	s24 =	rddreg [dreg:$0x12];
	[sflag:s17] =	ssyncadd.s32 $0xFFFFE000  }
0x111: {  	[tilespmem:s30], [sflag:$0xD] =	stream.linear.gather [hbm4b:s24+s4], $0x100, $0x38;
	[tilespmem:$0x16400] =	vst v63  }
0x112: {  	_ =	swait.ge [sflag:s19], $0x100  }
0x113: {  	[sflag:s19] =	ssyncset.done $0x0  }
0x114: {  	[sflag:s19] =	ssyncadd.s32 $0xFFFFFF00  }
0x115: {  	[tilespmem:s29], [sflag:$0x4] =	stream.indirect.gather [hbm4b:s1+s20], $0x40, s30, s20, $0xb8;
	[tilespmem:$0x16400] =	vst v63  }
0x116: {  	_ =	swait.ge [sflag:s18], $0x2000  }
0x117: {  	[sflag:s18] =	ssyncset.done $0x0  }
0x118: {  	s16 =	simm.s32 $0x580;
	[sflag:s18] =	ssyncadd.s32 $0xFFFFE000  }
0x119: {  	[spmem:s3] =	stream.indirect.scatter.add.f32 [tilespmem:s0], [sflag:$0xC], $0x40, s16, s20, $0xb8;
	[tilespmem:$0x16400] =	vst v63  }
0x11a: {  	_ =	swait.ge [sflag:s7], $0x2000  }
0x11b: {  	[sflag:s7] =	ssyncset.done $0x0  }
0x11c: {  	[sflag:s7] =	ssyncadd.s32 $0xFFFFE000  }
0x11d: {  	_ =	swait.ge [sflag:s31], $0x2000  }
0x11e: {  	[sflag:s31] =	ssyncset.done $0x0  }
0x11f: {  	[sflag:s31] =	ssyncadd.s32 $0xFFFFE000  }
0x120: {  	[spmem:s3] =	stream.indirect.scatter.add.f32 [tilespmem:s13], [sflag:$0x7], $0x40, s20, s20, $0xb8;
	[tilespmem:$0x16400] =	vst v63  }
0x121: {  	_ =	swait.ge [sflag:s10], $0x2000  }
0x122: {  	[sflag:s10] =	ssyncset.done $0x0  }
0x123: {  	[sflag:s10] =	ssyncadd.s32 $0xFFFFE000  }
0x124: {  	_ =	swait.ge [sflag:s6], $0x2000  }
0x125: {  	[sflag:s6] =	ssyncset.done $0x0  }
0x126: {  	[sflag:s6] =	ssyncadd.s32 $0xFFFFE000  }
0x127: {  	[spmem:s3] =	stream.indirect.scatter.add.f32 [tilespmem:s22], [sflag:$0x8], $0x40, s25, s20, $0xb8;
	[tilespmem:$0x16400] =	vst v63  }
0x128: {  	_ =	swait.ge [sflag:s8], $0x2000  }
0x129: {  	[sflag:s8] =	ssyncset.done $0x0  }
0x12a: {  	[sflag:s8] =	ssyncadd.s32 $0xFFFFE000  }
0x12b: {  	_ =	swait.ge [sflag:s9], $0x2000  }
0x12c: {  	[sflag:s9] =	ssyncset.done $0x0  }
0x12d: {  	[sflag:s9] =	ssyncadd.s32 $0xFFFFE000  }
0x12e: {  	[spmem:s3] =	stream.indirect.scatter.add.f32 [tilespmem:s26], [sflag:$0x9], $0x40, s28, s20, $0xb8;
	[tilespmem:$0x16400] =	vst v63  }
0x12f: {  	_ =	swait.ge [sflag:s11], $0x2000  }
0x130: {  	[sflag:s11] =	ssyncset.done $0x0  }
0x131: {  	[sflag:s11] =	ssyncadd.s32 $0xFFFFE000  }
0x132: {  	_ =	swait.ge [sflag:s12], $0x2000  }
0x133: {  	[sflag:s12] =	ssyncset.done $0x0  }
0x134: {  	[sflag:s12] =	ssyncadd.s32 $0xFFFFE000  }
0x135: {  	[spmem:s3] =	stream.indirect.scatter.add.f32 [tilespmem:s29], [sflag:$0xA], $0x40, s21, s20, $0xb8;
	[tilespmem:$0x16400] =	vst v63  }
0x136: {  	_ =	swait.ge [sflag:s14], $0x2000  }
0x137: {  	[sflag:s14] =	ssyncset.done $0x0  }
0x138: {  	[sflag:s14] =	ssyncadd.s32 $0xFFFFE000  }
0x139: {  	_ =	swait.ge [sflag:s17], $0x2000  }
0x13a: {  	[sflag:s17] =	ssyncset.done $0x0  }
0x13b: {  	[sflag:s17] =	ssyncadd.s32 $0xFFFFE000  }
0x13c: {  	[bflag:$0x0] =	sbarrier.arrive $0xFFFF  }
0x13d: {  	s21 =	rddreg [dreg:$0x13]  }
0x13e: {  	s22 =	rddreg [dreg:$0x17]  }
0x13f: {  	s24 =	rddreg [dreg:$0x18]  }
0x140: {  	[hbm:s21], [sflag:s22] =	dma.local [spmem:s24], $0x13C0  }
0x141: {  	_ =	swait.ge [sflag:s19], $0x13C0  }
0x142: {  	s26 =	rddreg [dreg:$0x16]  }
0x143: {  	s30 =	rddreg [dreg:$0x14];
	s13 =	sadd.s32 $0x1, s26  }
0x144: {  	p0 =	sne.s32 s13, s30  }
.Ltmp1:
0x145: {  	_ = 	snop;
	(pc) =	sbr.rel @p0 .LBB2_1-.Ltmp1, $3  }
0x146: {  	_ =	sdelay $0x1  }
0x147: {  	s23 =	simm.s32 $0x180;
	s25 =	simm.s32 $0x280;
	[sflag:s19] =	ssyncset.done $0x0  }
0x148: {  	s28 =	simm.s32 $0x380;
	s29 =	simm.s32 $0x400;
	[sflag:s19] =	ssyncadd.s32 $0xFFFFEC40  }
0x149: {  	_ =	sfence.sel $0x180000  }
0x14a: {  	[bflag:$0x0] =	sbarrier.arrive $0xFFFF  }
0x14b: {  	_ =	strace $0x9000004D  }
0x14c: {  	s0 =	stileid.u32;
	[bflag:$0x2] =	sbarrier.arrive $0xFFFF  }
0x14d: {  	p0 =	sne.s32 s0, $0x0;
	s0 =	rddreg [dreg:$0x3]  }
0x14e: {  	s0 =	sadd.s32 @!p0 $0x100000, s0  }
0x14f: {  	[sflag:s0] =	ssyncadd.tile.s32 @!p0 $0x1;
	_ =	shalt  }
.Lfunc_end2:
_tile_overlayer_lowered:
.L_overlay_start_2:
0x150: {  	(tag) =	ssettag $0x2  }
0x151: {  	s0 =	rddreg [dreg:$0x0];
	s2 =	stileid.u32  }
0x152: {  	s1 =	rddreg [dreg:$0x1];
	p0 =	sne.s32 s2, $0x0  }
0x153: {  	s3 =	rddreg [dreg:$0x2];
	[bflag:$0x3] =	sbarrier.arrive $0xFFFF;
	s2 =	simm.s32 @!p0 $0x1C0D  }
0x154: {  	[timem:s3], [sflag:s2] =	dma.local @!p0 [hbm:s0], s1  }
0x155: {  	s0 =	simm.s32 @!p0 $0xD  }
0x156: {  	_ =	swait.ge @!p0 [sflag:s0], s1  }
0x157: {  	s1 =	ssub.s32 @!p0 $0x0, s1;
	[sflag:s0] =	ssyncset.done @!p0 $0x0  }
0x158: {  	[sflag:s0] =	ssyncadd.s32 @!p0 s1  }
0x159: {  	[bflag:$0x3] =	sbarrier.arrive $0xFFFF  }
0x15a: {  	_ =	shalt  }

// kernel: kernel.9.cloned.1.call-start
scs
__scs_entry_jumppad:
0x0: {  	(pc) =	sbr.rel $0x88, $3  }
0x1: {  	(tag) =	ssettag $0x0;
	lr =	simm.s32 $0x1  }
0x2: {  	[smem:$0x3F9B] =	sst lr;
	_ =	strace $0xD0000000  }
0x3: {  	_ = 	snop  }
0x4: {  	_ = 	snop  }
0x5: {  	_ = 	snop  }
0x6: {  	_ = 	snop  }
0x7: {  	_ = 	snop  }
__scs_overlays_trampoline_lowered:
0x8: {  	[smem:$0x3FAA] =	sst s0  }
0x9: {  	[smem:$0x3FAB] =	sst s1  }
0xa: {  	[smem:$0x3FAC] =	sst s2  }
0xb: {  	[smem:$0x3FAD] =	sst s3  }
0xc: {  	[smem:$0x3FAE] =	sst s4  }
0xd: {  	[smem:$0x3FAF] =	sst s5  }
0xe: {  	[smem:$0x3FB0] =	sst s6  }
0xf: {  	[smem:$0x3FB1] =	sst s7  }
0x10: {  	[smem:$0x3FB2] =	sst s8  }
0x11: {  	[smem:$0x3FB3] =	sst s9;
	s0 =	simm.s32 @!p0 $0x0  }
0x12: {  	s1 =	sld [smem:$0x3F99];
	s0 =	simm.s32 @p0 $0x1  }
0x13: {  	[smem:$0x3FB4] =	sst s0;
	s0 =	simm.s32 @!p1 $0x0  }
0x14: {  	s2 =	sld [smem:$0x3F98];
	s0 =	simm.s32 @p1 $0x1  }
0x15: {  	[smem:$0x3FB5] =	sst s0;
	s0 =	simm.s32 @!p2 $0x0  }
0x16: {  	s3 =	sld [smem:$0x3FDB];
	s0 =	simm.s32 @p2 $0x1  }
0x17: {  	s4 =	simm.s32 $0x1BF5;
	[smem:$0x3FB7] =	sst s0  }
0x18: {  	s0 =	sld [smem:$0x3F9A];
	_ =	swait.ge [sflag:s4], $0x0  }
0x19: {  	s7 =	sld [smem:$0x3F9B]  }
0x1a: {  	s8 =	sadd.s32 $0xFFFFE003, lr  }
0x1b: {  	s9 =	sadd.s32 $0xFFFFFEF7, lr;
	s5 =	simm.s32 $0xFFFFFFFF;
	p2 =	slt.u32 s8, $0xFFFFF086  }
0x1c: {  	p1 =	slt.u32 s9, $0xF7A;
	s5 =	simm.s32 @!p2 $0x0  }
0x1d: {  	s5 =	simm.s32 @p1 $0x1;
	p0 =	seq.s32 s7, s2  }
0x1e: {  	s7 =	smul.u32 @!p0 $0xF7A, s2;
	p2 =	seq.s32 @!p0 s5, $0x0  }
0x1f: {  	s9 =	smul.u32 $0xF7A, s1;
	s8 =	simm.s32 @!p0 $0x1BF5;
	p2 =	por !p2, p0  }
0x20: {  	[sflag:s8] =	ssyncset.s32 @!p0 $0xFFFFF086;
	s6 =	sadd.s32 @!p0 s3, s7;
	s7 =	simm.s32 @!p0 $0x108  }
0x21: {  	s3 =	sadd.s32 s3, s9;
	s6 =	sadd.s32 @!p0 $0x88, s6;
	s7 =	simm.s32 @p2 $0x1082  }
0x22: {  	[simem:s7], [sflag:s8] =	dma.local @!p0 [hbm:s6], $0xF7A  }
0x23: {  	s9 =	sor.u32 $0xD0000000, s2;
	s6 =	simm.s32 $0x108;
	_ =	swait.ge @!p0 [sflag:s8], $0x0  }
0x24: {  	s3 =	sadd.s32 $0x88, s3;
	s6 =	simm.s32 @!p1 $0x1082;
	[sflag:s4] =	ssyncset.s32 $0xFFFFF086  }
0x25: {  	[simem:s6], [sflag:s4] =	dma.local [hbm:s3], $0xF7A  }
0x26: {  	[smem:$0x3F9B] =	sst s1;
	(tag) =	ssettag s2;
	_ =	strace s9  }
0x27: {  	s1 =	sld [smem:$0x3FAB]  }
0x28: {  	s2 =	sld [smem:$0x3FAC]  }
0x29: {  	s4 =	sld [smem:$0x3FAE]  }
0x2a: {  	p0 =	seq.s32 s5, $0x0;
	s5 =	sld [smem:$0x3FAF]  }
0x2b: {  	s6 =	sld [smem:$0x3FB0]  }
0x2c: {  	s7 =	sld [smem:$0x3FB1]  }
0x2d: {  	s3 =	simm.s32 $0x108;
	s8 =	sld [smem:$0x3FB2]  }
0x2e: {  	s3 =	simm.s32 @!p0 $0x1082;
	s9 =	sld [smem:$0x3FB3]  }
0x2f: {  	lr =	sadd.s32 s0, s3;
	s0 =	sld [smem:$0x3FAA]  }
0x30: {  	s3 =	sld [smem:$0x3FAD]  }
0x31: {  	[smem:$0x3FB6] =	sst s10  }
0x32: {  	s10 =	sld [smem:$0x3FB4];
	_ =	sdelay $0x3  }
0x33: {  	p0 =	seq.s32 s10, $0x1;
	s10 =	sld [smem:$0x3FB6];
	_ =	sdelay $0x3  }
0x34: {  	[smem:$0x3FB6] =	sst s10  }
0x35: {  	s10 =	sld [smem:$0x3FB5];
	_ =	sdelay $0x3  }
0x36: {  	p1 =	seq.s32 s10, $0x1;
	s10 =	sld [smem:$0x3FB6];
	_ =	sdelay $0x3  }
0x37: {  	[smem:$0x3FB6] =	sst s10  }
0x38: {  	s10 =	sld [smem:$0x3FB7]  }
0x39: {  	_ = 	snop;
	(pc) =	sbr.ind lr, $3  }
0x3a: {  	_ = 	snop  }
0x3b: {  	_ = 	snop  }
0x3c: {  	p2 =	seq.s32 s10, $0x1;
	s10 =	sld [smem:$0x3FB6]  }
0x3d: {  	_ =	shalt  }
0x3e: {  	_ =	shalt  }
0x3f: {  	_ =	shalt  }
0x40: {  	_ =	shalt  }
0x41: {  	_ =	shalt  }
0x42: {  	_ =	shalt  }
0x43: {  	_ =	shalt  }
0x44: {  	_ =	shalt  }
0x45: {  	_ =	shalt  }
0x46: {  	_ =	shalt  }
0x47: {  	_ =	shalt  }
0x48: {  	_ =	shalt  }
0x49: {  	_ =	shalt  }
0x4a: {  	_ =	shalt  }
0x4b: {  	_ =	shalt  }
0x4c: {  	_ =	shalt  }
0x4d: {  	_ =	shalt  }
0x4e: {  	_ =	shalt  }
0x4f: {  	_ =	shalt  }
0x50: {  	_ =	shalt  }
0x51: {  	_ =	shalt  }
0x52: {  	_ =	shalt  }
0x53: {  	_ =	shalt  }
0x54: {  	_ =	shalt  }
0x55: {  	_ =	shalt  }
0x56: {  	_ =	shalt  }
0x57: {  	_ =	shalt  }
0x58: {  	_ =	shalt  }
0x59: {  	_ =	shalt  }
0x5a: {  	_ =	shalt  }
0x5b: {  	_ =	shalt  }
0x5c: {  	_ =	shalt  }
0x5d: {  	_ =	shalt  }
0x5e: {  	_ =	shalt  }
0x5f: {  	_ =	shalt  }
0x60: {  	_ =	shalt  }
0x61: {  	_ =	shalt  }
0x62: {  	_ =	shalt  }
0x63: {  	_ =	shalt  }
0x64: {  	_ =	shalt  }
0x65: {  	_ =	shalt  }
0x66: {  	_ =	shalt  }
0x67: {  	_ =	shalt  }
0x68: {  	_ =	shalt  }
0x69: {  	_ =	shalt  }
0x6a: {  	_ =	shalt  }
0x6b: {  	_ =	shalt  }
0x6c: {  	_ =	shalt  }
0x6d: {  	_ =	shalt  }
0x6e: {  	_ =	shalt  }
0x6f: {  	_ =	shalt  }
0x70: {  	_ =	shalt  }
0x71: {  	_ =	shalt  }
0x72: {  	_ =	shalt  }
0x73: {  	_ =	shalt  }
0x74: {  	_ =	shalt  }
0x75: {  	_ =	shalt  }
0x76: {  	_ =	shalt  }
0x77: {  	_ =	shalt  }
0x78: {  	_ =	shalt  }
0x79: {  	_ =	shalt  }
0x7a: {  	_ =	shalt  }
0x7b: {  	_ =	shalt  }
0x7c: {  	_ =	shalt  }
0x7d: {  	_ =	shalt  }
0x7e: {  	_ =	shalt  }
0x7f: {  	_ =	shalt  }
0x80: {  	_ =	shalt  }
0x81: {  	_ =	shalt  }
0x82: {  	_ =	shalt  }
0x83: {  	_ =	shalt  }
0x84: {  	_ =	shalt  }
0x85: {  	_ =	shalt  }
0x86: {  	_ =	shalt  }
0x87: {  	_ =	shalt  }
.Lfunc_end0:
.L_simem_size_0:
called_computation_lowered:
.L_overlay_start_0:
0x88: {  	s2 =	sld [smem:$0x3FD9]  }
0x89: {  	s3 =	sld [smem:$0x3FFE];
	_ =	sdelay $0x1  }
0x8a: {  	s1 =	srdreg.scid  }
0x8b: {  	s0 =	sand.u32 $0x1, s1  }
0x8c: {  	s17 =	sshll.u32 s0, $0xA;
	s2 =	sadd.s32 s3, s2  }
0x8d: {  	s2 =	sadd.s32 s2, s17  }
0x8e: {  	[smem:$0x3FC2] =	sst s2  }
0x8f: {  	_ = 	snop  }
0x90: {  	s2 =	sld [smem:$0x3FD0];
	(tm) =	ssettm $0x1  }
0x91: {  	s18 =	sld [smem:$0x3FFB];
	_ =	sdelay $0x3  }
0x92: {  	_ =	strace s18  }
0x93: {  	s3 =	sld [smem:$0x3FFC];
	_ =	sdelay $0x3  }
0x94: {  	_ =	strace s3  }
0x95: {  	s3 =	sld [smem:$0x3FFD];
	_ =	sdelay $0x3  }
0x96: {  	_ =	strace s3  }
0x97: {  	_ =	strace $0x8FFFFFFF  }
0x98: {  	s19 =	sld [smem:$0x3FDB];
	_ =	sdelay $0x1  }
0x99: {  	s4 =	simm.s32 $_scs_section_size  }
0x9a: {  	s5 =	simm.s32 $_size__tile_overlayer_lowered;
	s6 =	simm.s32 $_tile_overlayer_lowered  }
0x9b: {  	s22 =	simm.s32 $0x1BFF;
	s21 =	sshll.u32 s6, $0x1;
	s3 =	sadd.s32 s4, s19  }
0x9c: {  	s7 =	simm.s32 $0x0;
	s20 =	sshll.u32 s5, $0x1;
	s5 =	sadd.s32 s21, s3  }
0x9d: {  	[timem:s7], [sflag:s22] =	dma.local [hbm:s5], s20  }
0x9e: {  	_ =	swait.ge [sflag:s22], s20  }
0x9f: {  	s4 =	ssub.s32 $0x0, s20;
	[sflag:s22] =	ssyncset.done $0x0  }
0xa0: {  	[sflag:s22] =	ssyncadd.s32 s4;
	_ =	sdelay $0x1  }
0xa1: {  	s23 =	simm.s32 $0x1B8B  }
0xa2: {  	_ =	swait.ge [sflag:s23], $0x1  }
0xa3: {  	[sflag:s23] =	ssyncset.done $0x0  }
0xa4: {  	s25 =	simm.s32 $0x1B8E;
	s24 =	sld [smem:$0x3FFE];
	[sflag:s23] =	ssyncadd.s32 $0xFFFFFFFF  }
0xa5: {  	s26 =	simm.s32 $execute0_lowered;
	[smem:$0x3FD2] =	sst s25  }
0xa6: {  	s5 =	sshll.u32 s26, $0x1;
	_ =	strace $0x80000046;
	[dreg:$0x1] =	wrdreg $0xFFFFFFFF  }
0xa7: {  	s28 =	simm.s32 $_size_execute0_lowered;
	s3 =	sadd.s32 s3, s5;
	[dreg:$0x0] =	wrdreg $0x0  }
0xa8: {  	s5 =	sshll.u32 s28, $0x1;
	[dreg:$0x2] =	wrdreg s3  }
0xa9: {  	[dreg:$0x3] =	wrdreg s5  }
0xaa: {  	[dreg:$0x4] =	wrdreg $0xC0  }
0xab: {  	_ =	task [dreg:s7], $0x5FFFF  }
0xac: {  	[dreg:$0x1] =	wrdreg $0xFFFFFFFF  }
0xad: {  	[dreg:$0x0] =	wrdreg $0x60  }
0xae: {  	[dreg:$0x2] =	wrdreg s2  }
0xaf: {  	[dreg:$0x3] =	wrdreg s24  }
0xb0: {  	[dreg:$0x4] =	wrdreg $0x4000  }
0xb1: {  	[dreg:$0x5] =	wrdreg $0x9  }
0xb2: {  	_ =	task.clear_ibuf [dreg:s7], $0x6FFFF;
	_ =	strace $0x90000046  }
0xb3: {  	s29 =	simm.s32 $0x9;
	_ =	strace $0x80000048  }
0xb4: {  	_ =	swait.ge [sflag:s29], $0x1  }
0xb5: {  	[sflag:s29] =	ssyncadd.s32 $0xFFFFFFFF  }
0xb6: {  	_ =	strace $0x90000048  }
0xb7: {  	_ =	sfence  }
0xb8: {  	s30 =	sld [smem:$0x0];
	_ =	sdelay $0x2  }
0xb9: {  	s31 =	sshll.u32 s1, $0xD;
	s1 =	sshrl.u32 s1, $0x2  }
0xba: {  	s3 =	sand.u32 $0x4000, s31;
	s1 =	sadd.s32 s1, s30  }
0xbb: {  	s0 =	sor.u32 s3, s0;
	s1 =	sshll.u32 s1, $0x11  }
0xbc: {  	s0 =	sor.u32 s1, s0  }
0xbd: {  	s0 =	sadd.s32 $0x8F2B, s0  }
0xbe: {  	[sflag:s0] =	ssyncadd.remote.s32 $0x1  }
0xbf: {  	_ =	sfence.sel $0xFFFF  }
0xc0: {  	[dreg:$0x0] =	wrdreg $0xFFFFFFFF;
	(pc) =	sbr.abs _section_cstart, $3  }
0xc1: {  	[dreg:$0x1] =	wrdreg $0xFFFFFFFF  }
0xc2: {  	_ =	task.clear_ibuf [dreg:s7], $0x2FFFF;
	_ =	strace $0x9FFFFFFF  }
0xc3: {  	(tm) =	ssettm $0x7FFFFFFF  }
tec
execute0_lowered:
.L_overlay_start_1:
0x0: {  	(tag) =	ssettag $0x1  }
0x1: {  	s1 =	rddreg [dreg:$0x0]  }
0x2: {  	s5 =	rddreg [dreg:$0x1];
	s2 =	srdreg.scid  }
0x3: {  	s0 =	stileid.u32;
	s3 =	rddreg [dreg:$0x2];
	s4 =	simm.s32 $0x0  }
0x4: {  	s16 =	simm.s32 $0x80;
	s17 =	simm.s32 $0x180;
	s10 =	smul.u32 $0x278, s0  }
0x5: {  	s8 =	sand.u32 $0x1, s2;
	s2 =	rddreg [dreg:$0x3];
	s7 =	smul.u32 $0xA00, s0  }
0x6: {  	s18 =	simm.s32 $0x0;
	[smem:$0x7FF] =	sst s4;
	s6 =	smul.u32 $0x2780, s8  }
0x7: {  	s15 =	smul.u32 $0x280, s0;
	_ =	strace $0x80000047;
	s9 =	ssub.s32 $0x2, s8  }
0x8: {  	s14 =	smul.u32 $0x2800, s8;
	s11 =	sshrl.u32 s9, $0x1;
	s6 =	sadd.s32 s10, s6  }
0x9: {  	s7 =	sshrl.u32 s7, $0x2;
	s13 =	ssub.s32 s9, s11;
	s6 =	sshrl.u32 s6, $0x3  }
0xa: {  	s10 =	sadd.s32 s10, s3;
	s12 =	sadd.s32 s6, s5;
	s5 =	sadd.s32 s7, s3  }
0xb: {  	s6 =	sadd.s32 $0x80, s5;
	s7 =	sadd.s32 $0x100, s5;
	s8 =	sadd.s32 $0x180, s5  }
0xc: {  	s9 =	sadd.s32 $0x200, s5;
	s11 =	sadd.s32 $0x1A00, s12;
	s12 =	smax.u32 s13, $0x1  }
0xd: {  	v0 =	vimm.f32 $1.000000000e+00;
	v1 =	vimm.f32 $0.0e+00;
	s13 =	sadd.s32 s15, s14;
	s14 =	simm.s32 $0x100;
	s15 =	simm.s32 $0x1  }
.LBB2_1:
0xe: {  	[tilespmem:$0x80] =	vst v0  }
0xf: {  	[tilespmem:$0x100] =	vst v1  }
0x10: {  	[tilespmem:$0x90] =	vst v0  }
0x11: {  	[tilespmem:$0x110] =	vst v1  }
0x12: {  	[tilespmem:$0xA0] =	vst v0  }
0x13: {  	[tilespmem:$0x120] =	vst v1  }
0x14: {  	[tilespmem:$0xB0] =	vst v0  }
0x15: {  	[tilespmem:$0x130] =	vst v1  }
0x16: {  	[tilespmem:$0xC0] =	vst v0  }
0x17: {  	[tilespmem:$0x140] =	vst v1  }
0x18: {  	[tilespmem:$0xD0] =	vst v0  }
0x19: {  	[tilespmem:$0x150] =	vst v1  }
0x1a: {  	[tilespmem:$0xE0] =	vst v0  }
0x1b: {  	[tilespmem:$0x160] =	vst v1  }
0x1c: {  	[tilespmem:$0xF0] =	vst v0  }
0x1d: {  	[tilespmem:$0x170] =	vst v1  }
0x1e: {  	[spmem:s5] =	stream.linear.scatter [tilespmem:s14], [sflag:$0x1], $0x80, $0x38;
	[tilespmem:$0x680] =	vst v63  }
0x1f: {  	_ =	swait.ge [sflag:s15], $0x80  }
0x20: {  	[sflag:s15] =	ssyncset.done $0x0  }
0x21: {  	[sflag:s15] =	ssyncadd.s32 $0xFFFFFF80  }
0x22: {  	[spmem:s6] =	stream.linear.scatter [tilespmem:s14], [sflag:$0x1], $0x80, $0x38;
	[tilespmem:$0x680] =	vst v63  }
0x23: {  	_ =	swait.ge [sflag:s15], $0x80  }
0x24: {  	[sflag:s15] =	ssyncset.done $0x0  }
0x25: {  	[sflag:s15] =	ssyncadd.s32 $0xFFFFFF80  }
0x26: {  	[spmem:s7] =	stream.linear.scatter [tilespmem:s14], [sflag:$0x1], $0x80, $0x38;
	[tilespmem:$0x680] =	vst v63  }
0x27: {  	_ =	swait.ge [sflag:s15], $0x80  }
0x28: {  	[sflag:s15] =	ssyncset.done $0x0  }
0x29: {  	[sflag:s15] =	ssyncadd.s32 $0xFFFFFF80  }
0x2a: {  	[spmem:s8] =	stream.linear.scatter [tilespmem:s14], [sflag:$0x1], $0x80, $0x38;
	[tilespmem:$0x680] =	vst v63  }
0x2b: {  	_ =	swait.ge [sflag:s15], $0x80  }
0x2c: {  	[sflag:s15] =	ssyncset.done $0x0  }
0x2d: {  	[sflag:s15] =	ssyncadd.s32 $0xFFFFFF80  }
0x2e: {  	[spmem:s9] =	stream.linear.scatter [tilespmem:s14], [sflag:$0x1], $0x80, $0x38;
	[tilespmem:$0x680] =	vst v63  }
0x2f: {  	_ =	swait.ge [sflag:s15], $0x80  }
0x30: {  	s19 =	sadd.s32 $0x0, s13;
	s20 =	sand.u32 $0x70, s4;
	[sflag:s15] =	ssyncset.done $0x0  }
0x31: {  	s19 =	sand.u32 $0xFFFFF80, s19;
	s20 =	sadd.s32 s1, s20;
	[sflag:s15] =	ssyncadd.s32 $0xFFFFFF80  }
0x32: {  	s19 =	sadd.s32 s19, s20;
	[bflag:$0x0] =	sbarrier.arrive $0xFFFF  }
0x33: {  	[tilespmem:s4], [sflag:$0x1] =	stream.linear.gather [hbm4b:s19+s4], $0x80, $0x38;
	[tilespmem:$0x680] =	vst v63  }
0x34: {  	_ =	swait.ge [sflag:s15], $0x80  }
0x35: {  	[sflag:s15] =	ssyncset.done $0x0  }
0x36: {  	s31 =	simm.s32 $0x10;
	s21 =	sadd.s32 $0x10, s13;
	[sflag:s15] =	ssyncadd.s32 $0xFFFFFF80  }
0x37: {  	[spmem:s3] =	stream.indirect.scatter.add.f32 [tilespmem:s16], [sflag:$0x1], $0x1, s4, s16, $0xb8;
	[tilespmem:$0x680] =	vst v63  }
0x38: {  	s22 =	sand.u32 $0x70, s31;
	s20 =	sand.u32 $0xFFFFF80, s21;
	_ =	swait.ge [sflag:s15], $0x80  }
0x39: {  	s21 =	sadd.s32 s1, s22;
	s19 =	simm.s32 $0x20;
	[sflag:s15] =	ssyncset.done $0x0  }
.LBB2_2:
0x3a: {  	s20 =	sadd.s32 s20, s21  }
0x3b: {  	[sflag:s15] =	ssyncadd.s32 $0xFFFFFF80;
	s21 =	smov.u32 s19;
	s22 =	sadd.s32 $0x10, s19  }
0x3c: {  	[tilespmem:s4], [sflag:$0x1] =	stream.linear.gather [hbm4b:s20+s4], $0x80, $0x38;
	[tilespmem:$0x680] =	vst v63  }
0x3d: {  	p0 =	sne.s32 s19, $0x270;
	_ =	swait.ge [sflag:s15], $0x80  }
.Ltmp0:
0x3e: {  	[sflag:s15] =	ssyncset.done $0x0;
	(pc) =	sbr.rel @p0 .LBB2_2-.Ltmp0, $4  }
0x3f: {  	s19 =	sadd.s32 s21, s13;
	[sflag:s15] =	ssyncadd.s32 $0xFFFFFF80  }
0x40: {  	[spmem:s3] =	stream.indirect.scatter.add.f32 [tilespmem:s16], [sflag:$0x1], $0x1, s4, s16, $0xb8;
	[tilespmem:$0x680] =	vst v63  }
0x41: {  	s21 =	sand.u32 $0x70, s21;
	s20 =	sand.u32 $0xFFFFF80, s19;
	_ =	swait.ge [sflag:s15], $0x80  }
0x42: {  	s21 =	sadd.s32 s1, s21;
	s19 =	smov.u32 s22;
	[sflag:s15] =	ssyncset.done $0x0  }
0x43: {  	s19 =	sadd.s32 s20, s21;
	[sflag:s15] =	ssyncadd.s32 $0xFFFFFF80  }
0x44: {  	[tilespmem:s4], [sflag:$0x1] =	stream.linear.gather [hbm4b:s19+s4], $0x80, $0x38;
	[tilespmem:$0x680] =	vst v63  }
0x45: {  	_ =	swait.ge [sflag:s15], $0x80  }
0x46: {  	[sflag:s15] =	ssyncset.done $0x0  }
0x47: {  	[sflag:s15] =	ssyncadd.s32 $0xFFFFFF80  }
0x48: {  	[spmem:s3] =	stream.indirect.scatter.add.f32 [tilespmem:s16], [sflag:$0x1], $0x1, s4, s16, $0xb8;
	[tilespmem:$0x680] =	vst v63  }
0x49: {  	_ =	swait.ge [sflag:s15], $0x80  }
0x4a: {  	[sflag:s15] =	ssyncset.done $0x0  }
0x4b: {  	[sflag:s15] =	ssyncadd.s32 $0xFFFFFF80  }
0x4c: {  	[bflag:$0x0] =	sbarrier.arrive $0xFFFF  }
0x4d: {  	[tilespmem:s17], [sflag:$0x1] =	stream.linear.gather [spmem:s10], $0x278, $0x38;
	[tilespmem:$0x680] =	vst v63  }
0x4e: {  	s18 =	sadd.s32 $0x1, s18;
	_ =	swait.ge [sflag:s15], $0x278  }
0x4f: {  	p0 =	sne.s32 s18, s12;
	[sflag:s15] =	ssyncset.done $0x0  }
.Ltmp1:
0x50: {  	[sflag:s15] =	ssyncadd.s32 $0xFFFFFD88;
	(pc) =	sbr.rel @p0 .LBB2_1-.Ltmp1, $4  }
0x51: {  	[hbm4b:s11+s4] =	stream.linear.scatter [tilespmem:s17], [sflag:$0x1], $0x278, $0x38;
	[tilespmem:$0x680] =	vst v63  }
0x52: {  	_ =	swait.ge [sflag:s15], $0x278  }
0x53: {  	[sflag:s15] =	ssyncset.done $0x0  }
0x54: {  	[sflag:s15] =	ssyncadd.s32 $0xFFFFFD88  }
0x55: {  	_ =	sfence.sel $0x180000  }
0x56: {  	[bflag:$0x0] =	sbarrier.arrive $0xFFFF  }
0x57: {  	p0 =	sne.s32 s0, $0x0;
	_ =	strace $0x90000047  }
0x58: {  	s0 =	sadd.s32 @!p0 $0x100000, s2;
	[bflag:$0x2] =	sbarrier.arrive $0xFFFF  }
0x59: {  	[sflag:s0] =	ssyncadd.tile.s32 @!p0 $0x1;
	_ =	shalt  }
.Lfunc_end2:
_tile_overlayer_lowered:
.L_overlay_start_2:
0x5a: {  	(tag) =	ssettag $0x2  }
0x5b: {  	s0 =	rddreg [dreg:$0x0];
	s2 =	stileid.u32  }
0x5c: {  	s1 =	rddreg [dreg:$0x1];
	p0 =	sne.s32 s2, $0x0  }
0x5d: {  	s3 =	rddreg [dreg:$0x2];
	[bflag:$0x3] =	sbarrier.arrive $0xFFFF;
	s2 =	simm.s32 @!p0 $0x1C01  }
0x5e: {  	[timem:s3], [sflag:s2] =	dma.local @!p0 [hbm:s0], s1  }
0x5f: {  	s0 =	simm.s32 @!p0 $0x1  }
0x60: {  	_ =	swait.ge @!p0 [sflag:s0], s1  }
0x61: {  	s1 =	ssub.s32 @!p0 $0x0, s1;
	[sflag:s0] =	ssyncset.done @!p0 $0x0  }
0x62: {  	[sflag:s0] =	ssyncadd.s32 @!p0 s1  }
0x63: {  	[bflag:$0x3] =	sbarrier.arrive $0xFFFF  }
0x64: {  	_ =	shalt  }

</sc_bundles>
